<compile_context>
chip_gen: v7x
topology: tpu7x:2x2x1
jax: 0.10.2.dev20260603
libtpu: 0.0.44.dev20260713+nightly
codegen_flags: <defaults>
</compile_context>

<pallas_src>
import functools

import jax
import jax.numpy as jnp
from jax import lax
from jax.experimental import pallas as pl
from jax.experimental.pallas import tpu as pltpu
from jax.experimental.pallas import tpu_sc as plsc

N = 10000
E = 320000
H = 66
HP = 128
QP = 128

NC = 2
NS = 16
NW = NC * NS
EPT = E // NW
C = 80
NCHUNK = EPT // C
TR = 632
N2 = NS * TR

NBUF_M = 2
NGRP_M = NCHUNK // NBUF_M
NBUF_G = 5
NGRP_G = NCHUNK // NBUF_G

_SC_MESH = dict(core_axis_name="c", subcore_axis_name="s",
                num_cores=NC, num_subcores=NS)


def _pad2(w, r, c):
    return jnp.pad(w, ((0, r - w.shape[0]), (0, c - w.shape[1])))


def _pad1(b, c):
    return jnp.pad(b, (0, c - b.shape[0])).reshape(1, c)



def _t_h_body(x_ref, w_ref, b_ref, o_ref):
    o_ref[...] = jnp.dot(x_ref[...], w_ref[...],
                         preferred_element_type=jnp.float32) + b_ref[...]


def _t_ea_body(a_ref, w_ref, b_ref, o_ref):
    o_ref[...] = jnp.dot(a_ref[...], w_ref[...],
                         preferred_element_type=jnp.float32) + b_ref[...]


def _t_node_body(h_ref, ag_ref, w1_ref, b1_ref, w2_ref, b2_ref, g_ref, be_ref,
                 wa_ref, wb_ref, hn_ref, hs_ref, hd_ref):
    h = h_ref[...]
    ag = ag_ref[...]
    u = h + (ag[0] + ag[1])[:N]
    z = jnp.dot(jax.nn.relu(jnp.dot(u, w1_ref[...],
                                    preferred_element_type=jnp.float32)
                            + b1_ref[...]),
                w2_ref[...], preferred_element_type=jnp.float32) + b2_ref[...]
    m = jnp.mean(z, axis=0, keepdims=True)
    v = jnp.mean((z - m) ** 2, axis=0, keepdims=True)
    zn = (z - m) * lax.rsqrt(v + 1e-5) * g_ref[...] + be_ref[...]
    hn = (h + jax.nn.relu(zn)) * 0.5
    hn_ref[...] = hn
    hs_ref[...] = jnp.dot(hn, wa_ref[...], preferred_element_type=jnp.float32)
    hd_ref[...] = jnp.dot(hn, wb_ref[...], preferred_element_type=jnp.float32)


def _t_edge_body(g_ref, ea_ref, w1_ref, b1_ref, w2_ref, b2_ref, o_ref):
    ea = ea_ref[...]
    t = jax.nn.relu(g_ref[...]
                    + jnp.dot(ea, w1_ref[...],
                              preferred_element_type=jnp.float32)
                    + b1_ref[...])
    o_ref[...] = ea + (jnp.dot(t, w2_ref[...],
                               preferred_element_type=jnp.float32)
                       + b2_ref[...]) * 0.5


def _t_q_body(h_ref, wa_ref, wb_ref, q1_ref, q2_ref):
    hr = jax.nn.relu(h_ref[...])
    q1_ref[...] = jnp.dot(hr, wa_ref[...], preferred_element_type=jnp.float32)
    q2_ref[...] = jnp.dot(hr, wb_ref[...], preferred_element_type=jnp.float32)


def _t_final_body(gq_ref, ea_ref, w1_ref, b1_ref, w2_ref, b2_ref,
                  w3_ref, b3_ref, o_ref):
    o = jax.nn.relu(gq_ref[...]
                    + jnp.dot(ea_ref[...], w1_ref[...],
                              preferred_element_type=jnp.float32)
                    + b1_ref[...])
    o = jax.nn.relu(jnp.dot(o, w2_ref[...],
                            preferred_element_type=jnp.float32) + b2_ref[...])
    o_ref[...] = jnp.dot(o, w3_ref[...],
                         preferred_element_type=jnp.float32) + b3_ref[...]


BL = 2560


def _edge_spec(d):
    return pl.BlockSpec((BL, d), lambda i: (i, 0))


def _w_spec(r, c):
    return pl.BlockSpec((r, c), lambda i: (0, 0))



def _sc_msg_body(h_h, ea_h, src_h, dst_h, out_h,
                 srcb, dstb, rows0, rows1, ea0, ea1, zbuf_v, aggr_sh,
                 semI, semG, semE, semS, semZ):
    c = lax.axis_index("c")
    s = lax.axis_index("s")
    wid = c * NS + s
    base0 = wid * EPT
    rows = [rows0, rows1]
    eab = [ea0, ea1]

    def _zf(r, _):
        for j in range(HP // 16):
            zbuf_v[r, pl.ds(j * 16, 16)] = jnp.zeros((16,), jnp.float32)
        return 0
    lax.fori_loop(0, 8, _zf, 0)

    def _zc(k, _):
        pltpu.async_copy(zbuf_v, aggr_sh.at[pl.ds(s * TR + k * 8, 8)], semZ)
        return 0
    lax.fori_loop(0, TR // 8, _zc, 0)

    def _zw(k, _):
        pltpu.make_async_copy(zbuf_v, aggr_sh.at[pl.ds(s * TR + k * 8, 8)],
                              semZ).wait()
        return 0
    lax.fori_loop(0, TR // 8, _zw, 0)
    plsc.subcore_barrier()

    def _do_chunks(k0, nb):
        di, de = [], []
        for b in range(nb):
            base = base0 + (k0 + b) * C
            di.append(pltpu.async_copy(src_h.at[pl.ds(base, C)],
                                       srcb.at[b], semI))
            di.append(pltpu.async_copy(dst_h.at[pl.ds(base, C)],
                                       dstb.at[b], semI))
            de.append(pltpu.async_copy(ea_h.at[pl.ds(base, C)],
                                       eab[b], semE))
        dg = []
        for b in range(nb):
            di[2 * b].wait()
            di[2 * b + 1].wait()
            dg.append(pltpu.async_copy(h_h.at[srcb.at[b]], rows[b], semG))
        ds_ = []
        for b in range(nb):
            dg[b].wait()
            de[b].wait()

            def _relu_add(r, _, b=b):
                for j in range(80 // 16):
                    sl = pl.ds(j * 16, 16)
                    rows[b][r, sl] = jnp.maximum(
                        rows[b][r, sl] + eab[b][r, sl], 0.0)
                return 0
            lax.fori_loop(0, C, _relu_add, 0)
            ds_.append(pltpu.async_copy(rows[b], aggr_sh.at[dstb.at[b]],
                                        semS, add=True))
        for d_ in ds_:
            d_.wait()

    def _group(g, _):
        _do_chunks(g * NBUF_M, NBUF_M)
        return 0
    lax.fori_loop(0, NGRP_M, _group, 0)
    _do_chunks(NGRP_M * NBUF_M, NCHUNK - NGRP_M * NBUF_M)

    plsc.subcore_barrier()
    pltpu.sync_copy(aggr_sh.at[pl.ds(s * TR, TR)],
                    out_h.at[c, pl.ds(s * TR, TR)])


@functools.lru_cache(maxsize=None)
def _make_sc_msg():
    return functools.partial(
        pl.kernel,
        out_type=jax.ShapeDtypeStruct((NC, N2, HP), jnp.float32),
        mesh=plsc.VectorSubcoreMesh(**_SC_MESH),
        scratch_types=[
            pltpu.VMEM((NBUF_M, C), jnp.int32),
            pltpu.VMEM((NBUF_M, C), jnp.int32),
            pltpu.VMEM((C, HP), jnp.float32),
            pltpu.VMEM((C, HP), jnp.float32),
            pltpu.VMEM((C, HP), jnp.float32),
            pltpu.VMEM((C, HP), jnp.float32),
            pltpu.VMEM((8, HP), jnp.float32),
            pltpu.VMEM_SHARED((N2, HP), jnp.float32),
            pltpu.SemaphoreType.DMA,
            pltpu.SemaphoreType.DMA,
            pltpu.SemaphoreType.DMA,
            pltpu.SemaphoreType.DMA,
            pltpu.SemaphoreType.DMA,
        ],
    )(_sc_msg_body)


def _sc_gather_sum_body(d, ta_h, tb_h, src2_h, dst2_h, out_h,
                        srcA, dstA, big, semG, semO):
    c = lax.axis_index("c")
    s = lax.axis_index("s")
    wid = c * NS + s
    base0 = wid * EPT
    bufs = [big.at[pl.ds(b * C, C)] for b in range(NBUF_G)]

    pltpu.sync_copy(src2_h.at[wid], srcA)
    pltpu.sync_copy(dst2_h.at[wid], dstA)

    def _group(g, _):
        k0 = g * NBUF_G
        d1 = [pltpu.async_copy(ta_h.at[srcA.at[k0 + b]], bufs[b], semG)
              for b in range(NBUF_G)]
        d2 = []
        for b in range(NBUF_G):
            d1[b].wait()
            d2.append(pltpu.async_copy(tb_h.at[dstA.at[k0 + b]], bufs[b],
                                       semG, add=True))
        for d_ in d2:
            d_.wait()
        pltpu.async_copy(big, out_h.at[pl.ds(base0 + k0 * C, NBUF_G * C)],
                         semO).wait()
        return 0
    lax.fori_loop(0, NGRP_G, _group, 0)


@functools.lru_cache(maxsize=None)
def _make_sc_gather_sum(d):
    return functools.partial(
        pl.kernel,
        out_type=jax.ShapeDtypeStruct((E, d), jnp.float32),
        mesh=plsc.VectorSubcoreMesh(**_SC_MESH),
        scratch_types=[
            pltpu.VMEM((NCHUNK, C), jnp.int32),
            pltpu.VMEM((NCHUNK, C), jnp.int32),
            pltpu.VMEM((NBUF_G * C, d), jnp.float32),
            pltpu.SemaphoreType.DMA,
            pltpu.SemaphoreType.DMA,
        ],
    )(functools.partial(_sc_gather_sum_body, d))



def kernel(x, edge_index, edge_attr, edge_label_index, target_edge_attr, params):
    del edge_label_index, target_edge_attr
    P = params
    src = edge_index[0]
    dst = edge_index[1]
    src2 = src.reshape(NW, NCHUNK, C)
    dst2 = dst.reshape(NW, NCHUNK, C)

    node_W = _pad2(P["node_W"], 128, HP)
    node_b = _pad1(P["node_b"], HP)
    edge_W = _pad2(P["edge_W"], 16, HP)
    edge_b = _pad1(P["edge_b"], HP)

    h = pl.pallas_call(
        _t_h_body,
        out_shape=jax.ShapeDtypeStruct((N, HP), jnp.float32),
    )(x, node_W, node_b)

    ea = pl.pallas_call(
        _t_ea_body,
        grid=(E // BL,),
        in_specs=[_edge_spec(16), _w_spec(16, HP), _w_spec(1, HP)],
        out_specs=_edge_spec(HP),
        out_shape=jax.ShapeDtypeStruct((E, HP), jnp.float32),
    )(edge_attr, edge_W, edge_b)

    for lp in P["layers"]:
        cW1 = _pad2(lp["cW1"], HP, HP)
        cb1 = _pad1(lp["cb1"], HP)
        cW2 = _pad2(lp["cW2"], HP, HP)
        cb2 = _pad1(lp["cb2"], HP)
        gam = _pad1(lp["gamma"], HP)
        bet = _pad1(lp["beta"], HP)
        eW1a = _pad2(lp["eW1"][:H], HP, HP)
        eW1b = _pad2(lp["eW1"][H:2 * H], HP, HP)
        eW1c = _pad2(lp["eW1"][2 * H:], HP, HP)
        eb1 = _pad1(lp["eb1"], HP)
        eW2 = _pad2(lp["eW2"], HP, HP)
        eb2 = _pad1(lp["eb2"], HP)

        aggr2 = _make_sc_msg()(h, ea, src, dst)

        h, hs1, hd1 = pl.pallas_call(
            _t_node_body,
            out_shape=[jax.ShapeDtypeStruct((N, HP), jnp.float32)] * 3,
        )(h, aggr2, cW1, cb1, cW2, cb2, gam, bet, eW1a, eW1b)

        g = _make_sc_gather_sum(HP)(hs1, hd1, src2, dst2)

        ea = pl.pallas_call(
            _t_edge_body,
            grid=(E // BL,),
            in_specs=[_edge_spec(HP), _edge_spec(HP), _w_spec(HP, HP),
                      _w_spec(1, HP), _w_spec(HP, HP), _w_spec(1, HP)],
            out_specs=_edge_spec(HP),
            out_shape=jax.ShapeDtypeStruct((E, HP), jnp.float32),
        )(g, ea, eW1c, eb1, eW2, eb2)

    mW1a = _pad2(P["mW1"][:H], HP, QP)
    mW1b = _pad2(P["mW1"][H:2 * H], HP, QP)
    mW1c = _pad2(P["mW1"][2 * H:], HP, QP)
    mb1 = _pad1(P["mb1"], QP)
    mW2 = _pad2(P["mW2"], QP, 32)
    mb2 = _pad1(P["mb2"], 32)
    mW3 = _pad2(P["mW3"], 32, 2)
    mb3 = P["mb3"].reshape(1, 2)

    q1, q2 = pl.pallas_call(
        _t_q_body,
        out_shape=[jax.ShapeDtypeStruct((N, QP), jnp.float32)] * 2,
    )(h, mW1a, mW1b)

    gq = _make_sc_gather_sum(QP)(q1, q2, src2, dst2)

    out = pl.pallas_call(
        _t_final_body,
        grid=(E // BL,),
        in_specs=[_edge_spec(QP), _edge_spec(HP), _w_spec(HP, QP),
                  _w_spec(1, QP), _w_spec(QP, 32), _w_spec(1, 32),
                  _w_spec(32, 2), _w_spec(1, 2)],
        out_specs=_edge_spec(2),
        out_shape=jax.ShapeDtypeStruct((E, 2), jnp.float32),
    )(gq, ea, mW1c, mb1, mW2, mb2, mW3, mb3)

    return out

# --- scband reference (transcript-rebuilt; emitter-appended) ---
"""Pipeline reference for scband-gine-75763223101521 (READ-ONLY COPY).

The authoritative reference and input builder live on the scoring server;
editing this copy changes nothing except your own understanding.
"""

import jax, jax.numpy as jnp
import numpy as np

N_NODES = 10000
N_EDGES = 320000
N_TGT = 32000
D_FEAT = 128
D_EDGE = 16
H = 66
L = 2

def _lin(key, fin, fout):
    k1, k2 = jax.random.split(key)
    s = 1.0 / np.sqrt(fin)
    W = jax.random.uniform(k1, (fin, fout), jnp.float32, -s, s)
    b = jax.random.uniform(k2, (fout,), jnp.float32, -s, s)
    return W, b

def setup_inputs(seed: int = 0) -> dict:
    key = jax.random.key(seed)
    ks = jax.random.split(key, 40)
    x = jax.random.normal(ks[0], (N_NODES, D_FEAT), jnp.float32)
    edge_index = jax.random.randint(ks[1], (2, N_EDGES), 0, N_NODES, dtype=jnp.int32)
    edge_attr = jax.random.normal(ks[2], (N_EDGES, D_EDGE), jnp.float32)
    edge_label_index = jax.random.randint(ks[3], (2, N_TGT), 0, N_NODES, dtype=jnp.int32)
    target_edge_attr = jax.random.normal(ks[4], (N_TGT, D_EDGE), jnp.float32)
    node_W, node_b = _lin(ks[5], D_FEAT, H)
    edge_W, edge_b = _lin(ks[6], D_EDGE, H)
    layers = []
    for i in range(L):
        base = 7 + i * 5
        cW1, cb1 = _lin(ks[base], H, H)
        cW2, cb2 = _lin(ks[base + 1], H, H)
        eW1, eb1 = _lin(ks[base + 2], 3 * H, H)
        eW2, eb2 = _lin(ks[base + 3], H, H)
        layers.append({"cW1": cW1, "cb1": cb1, "cW2": cW2, "cb2": cb2,
                       "eW1": eW1, "eb1": eb1, "eW2": eW2, "eb2": eb2,
                       "gamma": jnp.ones((H,), jnp.float32),
                       "beta": jnp.zeros((H,), jnp.float32)})
    mW1, mb1 = _lin(ks[20], 3 * H, 50)
    mW2, mb2 = _lin(ks[21], 50, 25)
    mW3, mb3 = _lin(ks[22], 25, 2)
    params = {"node_W": node_W, "node_b": node_b, "edge_W": edge_W, "edge_b": edge_b,
              "layers": layers, "mW1": mW1, "mb1": mb1, "mW2": mW2, "mb2": mb2,
              "mW3": mW3, "mb3": mb3}
    return {"x": x, "edge_index": edge_index, "edge_attr": edge_attr,
            "edge_label_index": edge_label_index, "target_edge_attr": target_edge_attr,
            "params": params}

def _forward(x, edge_attr, target_edge_attr, params, edge_index):
    src, dst = edge_index[0], edge_index[1]
    h = x @ params["node_W"] + params["node_b"]
    ea = edge_attr @ params["edge_W"] + params["edge_b"]
    tea = target_edge_attr @ params["edge_W"] + params["edge_b"]  # computed, unused when index_mask=True
    for lp in params["layers"]:
        # GINEConv: aggr[dst] += relu(h[src] + ea); out = nn((1+eps)*h + aggr), eps=0
        msg = jax.nn.relu(h[src] + ea)
        aggr = jnp.zeros_like(h).at[dst].add(msg)
        z = jax.nn.relu((h + aggr) @ lp["cW1"] + lp["cb1"]) @ lp["cW2"] + lp["cb2"]
        mean = jnp.mean(z, axis=0)
        var = jnp.var(z, axis=0)
        z = (z - mean) * jax.lax.rsqrt(var + 1e-5) * lp["gamma"] + lp["beta"]
        h = (h + jax.nn.relu(z)) / 2.0
        ecat = jnp.concatenate([h[src], h[dst], ea], axis=-1)
        ea = ea + (jax.nn.relu(ecat @ lp["eW1"] + lp["eb1"]) @ lp["eW2"] + lp["eb2"]) / 2.0
    pair = jax.nn.relu(jnp.concatenate([h[src], h[dst]], axis=-1))
    out = jnp.concatenate([pair, ea], axis=1)
    out = jax.nn.relu(out @ params["mW1"] + params["mb1"])
    out = jax.nn.relu(out @ params["mW2"] + params["mb2"])
    return out @ params["mW3"] + params["mb3"]

def reference(x, edge_index, edge_attr, edge_label_index, target_edge_attr, params):
    return _forward(x, edge_attr, target_edge_attr, params, edge_index)

if __name__ == "__main__":
    import jax
    _d = setup_inputs()
    print(jax.jit(kernel)(*tuple(_d.values())))

</pallas_src>

<mosaic_0001>
#map = affine_map<(d0, d1) -> (0, 0)>
#map1 = affine_map<(d0, d1) -> (0, 0, 0)>
module attributes {stable_mosaic.version = 14 : i64} {
  func.func @_sc_gather_sum_body(%arg0: i32, %arg1: i32, %arg2: memref<10000x128xf32, #tpu.memory_space<hbm>>, %arg3: memref<10000x128xf32, #tpu.memory_space<hbm>>, %arg4: memref<32x125x80xi32, #tpu.memory_space<hbm>>, %arg5: memref<32x125x80xi32, #tpu.memory_space<hbm>>, %arg6: memref<320000x128xf32, #tpu.memory_space<hbm>>, %arg7: memref<125x80xi32, #tpu.memory_space<vmem>>, %arg8: memref<125x80xi32, #tpu.memory_space<vmem>>, %arg9: memref<400x128xf32, #tpu.memory_space<vmem>>, %arg10: memref<!tpu.dma_semaphore, #tpu.memory_space<semaphore_mem>>, %arg11: memref<!tpu.dma_semaphore, #tpu.memory_space<semaphore_mem>>) attributes {dimension_semantics = [#tpu.dimension_semantics<core_parallel>, #tpu.dimension_semantics<subcore_parallel>], iteration_bounds = array<i64: 2, 16>, scalar_prefetch = 0 : i64, scratch_operands = 5 : i64, tpu.core_type = #tpu.core_type<sc_vector_subcore>, window_params = [{transform_indices = #map}, {transform_indices = #map}, {transform_indices = #map1}, {transform_indices = #map1}, {transform_indices = #map}]} {
    %mul3A = arith.constant 16 : i32
    %mul3A_0 = arith.muli %arg0, %mul3A : i32
    %add3A = arith.addi %mul3A_0, %arg1 : i32
    %mul3A_1 = arith.constant 10000 : i32
    %mul3A_2 = arith.muli %add3A, %mul3A_1 : i32
    "tpu.region"() ({
      %run_scoped3A = tpu.sem_alloc : memref<!tpu.dma_semaphore, #tpu.memory_space<semaphore_mem>>
      %dma_start3A = arith.constant 0 : i32
      %dma_start3A_9 = arith.constant 0 : i32
      %dma_start3A_10 = tpu.memref_slice %arg4[%add3A, %dma_start3A, %dma_start3A_9] : memref<32x125x80xi32, #tpu.memory_space<hbm>> -> memref<1x125x80xi32, #tpu.memory_space<hbm>>
      %dma_start3A_11 = tpu.memref_squeeze %dma_start3A_10 : memref<1x125x80xi32, #tpu.memory_space<hbm>> -> memref<125x80xi32, #tpu.memory_space<hbm>>
      %dma_start3A_12 = arith.constant 0 : i32
      %dma_start3A_13 = arith.constant 0 : i32
      %dma_start3A_14 = tpu.memref_slice %arg4[%add3A, %dma_start3A_12, %dma_start3A_13] : memref<32x125x80xi32, #tpu.memory_space<hbm>> -> memref<1x125x80xi32, #tpu.memory_space<hbm>>
      %dma_start3A_15 = tpu.memref_squeeze %dma_start3A_14 : memref<1x125x80xi32, #tpu.memory_space<hbm>> -> memref<125x80xi32, #tpu.memory_space<hbm>>
      tpu.enqueue_dma source(%dma_start3A_15 : memref<125x80xi32, #tpu.memory_space<hbm>>) target(%arg7 : memref<125x80xi32, #tpu.memory_space<vmem>>) target_semaphore(%run_scoped3A : memref<!tpu.dma_semaphore, #tpu.memory_space<semaphore_mem>>)
      %dma_wait3A = arith.constant 0 : i32
      %dma_wait3A_16 = arith.constant 0 : i32
      %dma_wait3A_17 = tpu.memref_slice %arg4[%add3A, %dma_wait3A, %dma_wait3A_16] : memref<32x125x80xi32, #tpu.memory_space<hbm>> -> memref<1x125x80xi32, #tpu.memory_space<hbm>>
      %dma_wait3A_18 = tpu.memref_squeeze %dma_wait3A_17 : memref<1x125x80xi32, #tpu.memory_space<hbm>> -> memref<125x80xi32, #tpu.memory_space<hbm>>
      %dma_wait3A_19 = arith.constant 0 : i32
      %dma_wait3A_20 = arith.constant 0 : i32
      %dma_wait3A_21 = tpu.memref_slice %arg4[%add3A, %dma_wait3A_19, %dma_wait3A_20] : memref<32x125x80xi32, #tpu.memory_space<hbm>> -> memref<1x125x80xi32, #tpu.memory_space<hbm>>
      %dma_wait3A_22 = tpu.memref_squeeze %dma_wait3A_21 : memref<1x125x80xi32, #tpu.memory_space<hbm>> -> memref<125x80xi32, #tpu.memory_space<hbm>>
      tpu.wait_dma2 semaphore(%run_scoped3A : memref<!tpu.dma_semaphore, #tpu.memory_space<semaphore_mem>>) src(%dma_wait3A_22 : memref<125x80xi32, #tpu.memory_space<hbm>>) dst(%arg7 : memref<125x80xi32, #tpu.memory_space<vmem>>)
      tpu.yield
    }) : () -> ()
    "tpu.region"() ({
      %run_scoped3A = tpu.sem_alloc : memref<!tpu.dma_semaphore, #tpu.memory_space<semaphore_mem>>
      %dma_start3A = arith.constant 0 : i32
      %dma_start3A_9 = arith.constant 0 : i32
      %dma_start3A_10 = tpu.memref_slice %arg5[%add3A, %dma_start3A, %dma_start3A_9] : memref<32x125x80xi32, #tpu.memory_space<hbm>> -> memref<1x125x80xi32, #tpu.memory_space<hbm>>
      %dma_start3A_11 = tpu.memref_squeeze %dma_start3A_10 : memref<1x125x80xi32, #tpu.memory_space<hbm>> -> memref<125x80xi32, #tpu.memory_space<hbm>>
      %dma_start3A_12 = arith.constant 0 : i32
      %dma_start3A_13 = arith.constant 0 : i32
      %dma_start3A_14 = tpu.memref_slice %arg5[%add3A, %dma_start3A_12, %dma_start3A_13] : memref<32x125x80xi32, #tpu.memory_space<hbm>> -> memref<1x125x80xi32, #tpu.memory_space<hbm>>
      %dma_start3A_15 = tpu.memref_squeeze %dma_start3A_14 : memref<1x125x80xi32, #tpu.memory_space<hbm>> -> memref<125x80xi32, #tpu.memory_space<hbm>>
      tpu.enqueue_dma source(%dma_start3A_15 : memref<125x80xi32, #tpu.memory_space<hbm>>) target(%arg8 : memref<125x80xi32, #tpu.memory_space<vmem>>) target_semaphore(%run_scoped3A : memref<!tpu.dma_semaphore, #tpu.memory_space<semaphore_mem>>)
      %dma_wait3A = arith.constant 0 : i32
      %dma_wait3A_16 = arith.constant 0 : i32
      %dma_wait3A_17 = tpu.memref_slice %arg5[%add3A, %dma_wait3A, %dma_wait3A_16] : memref<32x125x80xi32, #tpu.memory_space<hbm>> -> memref<1x125x80xi32, #tpu.memory_space<hbm>>
      %dma_wait3A_18 = tpu.memref_squeeze %dma_wait3A_17 : memref<1x125x80xi32, #tpu.memory_space<hbm>> -> memref<125x80xi32, #tpu.memory_space<hbm>>
      %dma_wait3A_19 = arith.constant 0 : i32
      %dma_wait3A_20 = arith.constant 0 : i32
      %dma_wait3A_21 = tpu.memref_slice %arg5[%add3A, %dma_wait3A_19, %dma_wait3A_20] : memref<32x125x80xi32, #tpu.memory_space<hbm>> -> memref<1x125x80xi32, #tpu.memory_space<hbm>>
      %dma_wait3A_22 = tpu.memref_squeeze %dma_wait3A_21 : memref<1x125x80xi32, #tpu.memory_space<hbm>> -> memref<125x80xi32, #tpu.memory_space<hbm>>
      tpu.wait_dma2 semaphore(%run_scoped3A : memref<!tpu.dma_semaphore, #tpu.memory_space<semaphore_mem>>) src(%dma_wait3A_22 : memref<125x80xi32, #tpu.memory_space<hbm>>) dst(%arg8 : memref<125x80xi32, #tpu.memory_space<vmem>>)
      tpu.yield
    }) : () -> ()
    %scan3A = arith.constant 0 : i32
    %scan3A_3 = arith.constant 0 : i32
    %scan3A_4 = arith.constant 25 : i32
    %scan3A_5 = arith.addi %scan3A_3, %scan3A_4 : i32
    %scan3A_6 = arith.constant 1 : i32
    %scan3A_7 = scf.for %scan3A_9 = %scan3A_3 to %scan3A_5 step %scan3A_6 iter_args(%scan3A_10 = %scan3A) -> (i32)  : i32 {
      %mul3A_11 = arith.constant 5 : i32
      %mul3A_12 = arith.muli %scan3A_9, %mul3A_11 : i32
      %add3A_13 = arith.constant 0 : i32
      %add3A_14 = arith.addi %mul3A_12, %add3A_13 : i32
      %dma_start3A = arith.constant 0 : i32
      %dma_start3A_15 = arith.constant 0 : i32
      %dma_start3A_16 = tpu.memref_slice %arg9[%dma_start3A, %dma_start3A_15] : memref<400x128xf32, #tpu.memory_space<vmem>> -> memref<80x128xf32, #tpu.memory_space<vmem>>
      %dma_start3A_17 = arith.constant 0 : i32
      %dma_start3A_18 = tpu.memref_slice %arg7[%add3A_14, %dma_start3A_17] : memref<125x80xi32, #tpu.memory_space<vmem>> -> memref<1x80xi32, #tpu.memory_space<vmem>>
      %dma_start3A_19 = tpu.memref_squeeze %dma_start3A_18 : memref<1x80xi32, #tpu.memory_space<vmem>> -> memref<80xi32, #tpu.memory_space<vmem>>
      %dma_start3A_20 = arith.constant 0 : i32
      %dma_start3A_21 = arith.constant 0 : i32
      %dma_start3A_22 = tpu.memref_slice %arg2[%dma_start3A_20, %dma_start3A_21] : memref<10000x128xf32, #tpu.memory_space<hbm>> -> memref<10000x128xf32, #tpu.memory_space<hbm>>
      tpu.enqueue_indirect_dma source(%dma_start3A_22 : memref<10000x128xf32, #tpu.memory_space<hbm>>) target(%dma_start3A_16 : memref<80x128xf32, #tpu.memory_space<vmem>>) offsets(%dma_start3A_19 : memref<80xi32, #tpu.memory_space<vmem>>) semaphore(%arg10 : memref<!tpu.dma_semaphore, #tpu.memory_space<semaphore_mem>>)
      %add3A_23 = arith.constant 1 : i32
      %add3A_24 = arith.addi %mul3A_12, %add3A_23 : i32
      %dma_start3A_25 = arith.constant 80 : i32
      %dma_start3A_26 = arith.constant 0 : i32
      %dma_start3A_27 = tpu.memref_slice %arg9[%dma_start3A_25, %dma_start3A_26] : memref<400x128xf32, #tpu.memory_space<vmem>> -> memref<80x128xf32, #tpu.memory_space<vmem>>
      %dma_start3A_28 = arith.constant 0 : i32
      %dma_start3A_29 = tpu.memref_slice %arg7[%add3A_24, %dma_start3A_28] : memref<125x80xi32, #tpu.memory_space<vmem>> -> memref<1x80xi32, #tpu.memory_space<vmem>>
      %dma_start3A_30 = tpu.memref_squeeze %dma_start3A_29 : memref<1x80xi32, #tpu.memory_space<vmem>> -> memref<80xi32, #tpu.memory_space<vmem>>
      %dma_start3A_31 = arith.constant 0 : i32
      %dma_start3A_32 = arith.constant 0 : i32
      %dma_start3A_33 = tpu.memref_slice %arg2[%dma_start3A_31, %dma_start3A_32] : memref<10000x128xf32, #tpu.memory_space<hbm>> -> memref<10000x128xf32, #tpu.memory_space<hbm>>
      tpu.enqueue_indirect_dma source(%dma_start3A_33 : memref<10000x128xf32, #tpu.memory_space<hbm>>) target(%dma_start3A_27 : memref<80x128xf32, #tpu.memory_space<vmem>>) offsets(%dma_start3A_30 : memref<80xi32, #tpu.memory_space<vmem>>) semaphore(%arg10 : memref<!tpu.dma_semaphore, #tpu.memory_space<semaphore_mem>>)
      %add3A_34 = arith.constant 2 : i32
      %add3A_35 = arith.addi %mul3A_12, %add3A_34 : i32
      %dma_start3A_36 = arith.constant 160 : i32
      %dma_start3A_37 = arith.constant 0 : i32
      %dma_start3A_38 = tpu.memref_slice %arg9[%dma_start3A_36, %dma_start3A_37] : memref<400x128xf32, #tpu.memory_space<vmem>> -> memref<80x128xf32, #tpu.memory_space<vmem>>
      %dma_start3A_39 = arith.constant 0 : i32
      %dma_start3A_40 = tpu.memref_slice %arg7[%add3A_35, %dma_start3A_39] : memref<125x80xi32, #tpu.memory_space<vmem>> -> memref<1x80xi32, #tpu.memory_space<vmem>>
      %dma_start3A_41 = tpu.memref_squeeze %dma_start3A_40 : memref<1x80xi32, #tpu.memory_space<vmem>> -> memref<80xi32, #tpu.memory_space<vmem>>
      %dma_start3A_42 = arith.constant 0 : i32
      %dma_start3A_43 = arith.constant 0 : i32
      %dma_start3A_44 = tpu.memref_slice %arg2[%dma_start3A_42, %dma_start3A_43] : memref<10000x128xf32, #tpu.memory_space<hbm>> -> memref<10000x128xf32, #tpu.memory_space<hbm>>
      tpu.enqueue_indirect_dma source(%dma_start3A_44 : memref<10000x128xf32, #tpu.memory_space<hbm>>) target(%dma_start3A_38 : memref<80x128xf32, #tpu.memory_space<vmem>>) offsets(%dma_start3A_41 : memref<80xi32, #tpu.memory_space<vmem>>) semaphore(%arg10 : memref<!tpu.dma_semaphore, #tpu.memory_space<semaphore_mem>>)
      %add3A_45 = arith.constant 3 : i32
      %add3A_46 = arith.addi %mul3A_12, %add3A_45 : i32
      %dma_start3A_47 = arith.constant 240 : i32
      %dma_start3A_48 = arith.constant 0 : i32
      %dma_start3A_49 = tpu.memref_slice %arg9[%dma_start3A_47, %dma_start3A_48] : memref<400x128xf32, #tpu.memory_space<vmem>> -> memref<80x128xf32, #tpu.memory_space<vmem>>
      %dma_start3A_50 = arith.constant 0 : i32
      %dma_start3A_51 = tpu.memref_slice %arg7[%add3A_46, %dma_start3A_50] : memref<125x80xi32, #tpu.memory_space<vmem>> -> memref<1x80xi32, #tpu.memory_space<vmem>>
      %dma_start3A_52 = tpu.memref_squeeze %dma_start3A_51 : memref<1x80xi32, #tpu.memory_space<vmem>> -> memref<80xi32, #tpu.memory_space<vmem>>
      %dma_start3A_53 = arith.constant 0 : i32
      %dma_start3A_54 = arith.constant 0 : i32
      %dma_start3A_55 = tpu.memref_slice %arg2[%dma_start3A_53, %dma_start3A_54] : memref<10000x128xf32, #tpu.memory_space<hbm>> -> memref<10000x128xf32, #tpu.memory_space<hbm>>
      tpu.enqueue_indirect_dma source(%dma_start3A_55 : memref<10000x128xf32, #tpu.memory_space<hbm>>) target(%dma_start3A_49 : memref<80x128xf32, #tpu.memory_space<vmem>>) offsets(%dma_start3A_52 : memref<80xi32, #tpu.memory_space<vmem>>) semaphore(%arg10 : memref<!tpu.dma_semaphore, #tpu.memory_space<semaphore_mem>>)
      %add3A_56 = arith.constant 4 : i32
      %add3A_57 = arith.addi %mul3A_12, %add3A_56 : i32
      %dma_start3A_58 = arith.constant 320 : i32
      %dma_start3A_59 = arith.constant 0 : i32
      %dma_start3A_60 = tpu.memref_slice %arg9[%dma_start3A_58, %dma_start3A_59] : memref<400x128xf32, #tpu.memory_space<vmem>> -> memref<80x128xf32, #tpu.memory_space<vmem>>
      %dma_start3A_61 = arith.constant 0 : i32
      %dma_start3A_62 = tpu.memref_slice %arg7[%add3A_57, %dma_start3A_61] : memref<125x80xi32, #tpu.memory_space<vmem>> -> memref<1x80xi32, #tpu.memory_space<vmem>>
      %dma_start3A_63 = tpu.memref_squeeze %dma_start3A_62 : memref<1x80xi32, #tpu.memory_space<vmem>> -> memref<80xi32, #tpu.memory_space<vmem>>
      %dma_start3A_64 = arith.constant 0 : i32
      %dma_start3A_65 = arith.constant 0 : i32
      %dma_start3A_66 = tpu.memref_slice %arg2[%dma_start3A_64, %dma_start3A_65] : memref<10000x128xf32, #tpu.memory_space<hbm>> -> memref<10000x128xf32, #tpu.memory_space<hbm>>
      tpu.enqueue_indirect_dma source(%dma_start3A_66 : memref<10000x128xf32, #tpu.memory_space<hbm>>) target(%dma_start3A_60 : memref<80x128xf32, #tpu.memory_space<vmem>>) offsets(%dma_start3A_63 : memref<80xi32, #tpu.memory_space<vmem>>) semaphore(%arg10 : memref<!tpu.dma_semaphore, #tpu.memory_space<semaphore_mem>>)
      %dma_wait3A = arith.constant 0 : i32
      %dma_wait3A_67 = arith.constant 0 : i32
      %dma_wait3A_68 = tpu.memref_slice %arg9[%dma_wait3A, %dma_wait3A_67] : memref<400x128xf32, #tpu.memory_space<vmem>> -> memref<80x128xf32, #tpu.memory_space<vmem>>
      %dma_wait3A_69 = arith.constant 0 : i32
      %dma_wait3A_70 = tpu.memref_slice %arg7[%add3A_14, %dma_wait3A_69] : memref<125x80xi32, #tpu.memory_space<vmem>> -> memref<1x80xi32, #tpu.memory_space<vmem>>
      %dma_wait3A_71 = tpu.memref_squeeze %dma_wait3A_70 : memref<1x80xi32, #tpu.memory_space<vmem>> -> memref<80xi32, #tpu.memory_space<vmem>>
      %dma_wait3A_72 = arith.constant 0 : i32
      %dma_wait3A_73 = arith.constant 0 : i32
      %dma_wait3A_74 = tpu.memref_slice %arg2[%dma_wait3A_72, %dma_wait3A_73] : memref<10000x128xf32, #tpu.memory_space<hbm>> -> memref<10000x128xf32, #tpu.memory_space<hbm>>
      tpu.wait_indirect_dma semaphore(%arg10 : memref<!tpu.dma_semaphore, #tpu.memory_space<semaphore_mem>>) src(%dma_wait3A_74 : memref<10000x128xf32, #tpu.memory_space<hbm>>) dst(%dma_wait3A_68 : memref<80x128xf32, #tpu.memory_space<vmem>>)
      %add3A_75 = arith.constant 0 : i32
      %add3A_76 = arith.addi %mul3A_12, %add3A_75 : i32
      %dma_start3A_77 = arith.constant 0 : i32
      %dma_start3A_78 = arith.constant 0 : i32
      %dma_start3A_79 = tpu.memref_slice %arg9[%dma_start3A_77, %dma_start3A_78] : memref<400x128xf32, #tpu.memory_space<vmem>> -> memref<80x128xf32, #tpu.memory_space<vmem>>
      %dma_start3A_80 = arith.constant 0 : i32
      %dma_start3A_81 = tpu.memref_slice %arg8[%add3A_76, %dma_start3A_80] : memref<125x80xi32, #tpu.memory_space<vmem>> -> memref<1x80xi32, #tpu.memory_space<vmem>>
      %dma_start3A_82 = tpu.memref_squeeze %dma_start3A_81 : memref<1x80xi32, #tpu.memory_space<vmem>> -> memref<80xi32, #tpu.memory_space<vmem>>
      %dma_start3A_83 = arith.constant 0 : i32
      %dma_start3A_84 = arith.constant 0 : i32
      %dma_start3A_85 = tpu.memref_slice %arg3[%dma_start3A_83, %dma_start3A_84] : memref<10000x128xf32, #tpu.memory_space<hbm>> -> memref<10000x128xf32, #tpu.memory_space<hbm>>
      tpu.enqueue_indirect_dma source(%dma_start3A_85 : memref<10000x128xf32, #tpu.memory_space<hbm>>) target(%dma_start3A_79 : memref<80x128xf32, #tpu.memory_space<vmem>>) offsets(%dma_start3A_82 : memref<80xi32, #tpu.memory_space<vmem>>) semaphore(%arg10 : memref<!tpu.dma_semaphore, #tpu.memory_space<semaphore_mem>>) {add = true}
      %dma_wait3A_86 = arith.constant 80 : i32
      %dma_wait3A_87 = arith.constant 0 : i32
      %dma_wait3A_88 = tpu.memref_slice %arg9[%dma_wait3A_86, %dma_wait3A_87] : memref<400x128xf32, #tpu.memory_space<vmem>> -> memref<80x128xf32, #tpu.memory_space<vmem>>
      %dma_wait3A_89 = arith.constant 0 : i32
      %dma_wait3A_90 = tpu.memref_slice %arg7[%add3A_24, %dma_wait3A_89] : memref<125x80xi32, #tpu.memory_space<vmem>> -> memref<1x80xi32, #tpu.memory_space<vmem>>
      %dma_wait3A_91 = tpu.memref_squeeze %dma_wait3A_90 : memref<1x80xi32, #tpu.memory_space<vmem>> -> memref<80xi32, #tpu.memory_space<vmem>>
      %dma_wait3A_92 = arith.constant 0 : i32
      %dma_wait3A_93 = arith.constant 0 : i32
      %dma_wait3A_94 = tpu.memref_slice %arg2[%dma_wait3A_92, %dma_wait3A_93] : memref<10000x128xf32, #tpu.memory_space<hbm>> -> memref<10000x128xf32, #tpu.memory_space<hbm>>
      tpu.wait_indirect_dma semaphore(%arg10 : memref<!tpu.dma_semaphore, #tpu.memory_space<semaphore_mem>>) src(%dma_wait3A_94 : memref<10000x128xf32, #tpu.memory_space<hbm>>) dst(%dma_wait3A_88 : memref<80x128xf32, #tpu.memory_space<vmem>>)
      %add3A_95 = arith.constant 1 : i32
      %add3A_96 = arith.addi %mul3A_12, %add3A_95 : i32
      %dma_start3A_97 = arith.constant 80 : i32
      %dma_start3A_98 = arith.constant 0 : i32
      %dma_start3A_99 = tpu.memref_slice %arg9[%dma_start3A_97, %dma_start3A_98] : memref<400x128xf32, #tpu.memory_space<vmem>> -> memref<80x128xf32, #tpu.memory_space<vmem>>
      %dma_start3A_100 = arith.constant 0 : i32
      %dma_start3A_101 = tpu.memref_slice %arg8[%add3A_96, %dma_start3A_100] : memref<125x80xi32, #tpu.memory_space<vmem>> -> memref<1x80xi32, #tpu.memory_space<vmem>>
      %dma_start3A_102 = tpu.memref_squeeze %dma_start3A_101 : memref<1x80xi32, #tpu.memory_space<vmem>> -> memref<80xi32, #tpu.memory_space<vmem>>
      %dma_start3A_103 = arith.constant 0 : i32
      %dma_start3A_104 = arith.constant 0 : i32
      %dma_start3A_105 = tpu.memref_slice %arg3[%dma_start3A_103, %dma_start3A_104] : memref<10000x128xf32, #tpu.memory_space<hbm>> -> memref<10000x128xf32, #tpu.memory_space<hbm>>
      tpu.enqueue_indirect_dma source(%dma_start3A_105 : memref<10000x128xf32, #tpu.memory_space<hbm>>) target(%dma_start3A_99 : memref<80x128xf32, #tpu.memory_space<vmem>>) offsets(%dma_start3A_102 : memref<80xi32, #tpu.memory_space<vmem>>) semaphore(%arg10 : memref<!tpu.dma_semaphore, #tpu.memory_space<semaphore_mem>>) {add = true}
      %dma_wait3A_106 = arith.constant 160 : i32
      %dma_wait3A_107 = arith.constant 0 : i32
      %dma_wait3A_108 = tpu.memref_slice %arg9[%dma_wait3A_106, %dma_wait3A_107] : memref<400x128xf32, #tpu.memory_space<vmem>> -> memref<80x128xf32, #tpu.memory_space<vmem>>
      %dma_wait3A_109 = arith.constant 0 : i32
      %dma_wait3A_110 = tpu.memref_slice %arg7[%add3A_35, %dma_wait3A_109] : memref<125x80xi32, #tpu.memory_space<vmem>> -> memref<1x80xi32, #tpu.memory_space<vmem>>
      %dma_wait3A_111 = tpu.memref_squeeze %dma_wait3A_110 : memref<1x80xi32, #tpu.memory_space<vmem>> -> memref<80xi32, #tpu.memory_space<vmem>>
      %dma_wait3A_112 = arith.constant 0 : i32
      %dma_wait3A_113 = arith.constant 0 : i32
      %dma_wait3A_114 = tpu.memref_slice %arg2[%dma_wait3A_112, %dma_wait3A_113] : memref<10000x128xf32, #tpu.memory_space<hbm>> -> memref<10000x128xf32, #tpu.memory_space<hbm>>
      tpu.wait_indirect_dma semaphore(%arg10 : memref<!tpu.dma_semaphore, #tpu.memory_space<semaphore_mem>>) src(%dma_wait3A_114 : memref<10000x128xf32, #tpu.memory_space<hbm>>) dst(%dma_wait3A_108 : memref<80x128xf32, #tpu.memory_space<vmem>>)
      %add3A_115 = arith.constant 2 : i32
      %add3A_116 = arith.addi %mul3A_12, %add3A_115 : i32
      %dma_start3A_117 = arith.constant 160 : i32
      %dma_start3A_118 = arith.constant 0 : i32
      %dma_start3A_119 = tpu.memref_slice %arg9[%dma_start3A_117, %dma_start3A_118] : memref<400x128xf32, #tpu.memory_space<vmem>> -> memref<80x128xf32, #tpu.memory_space<vmem>>
      %dma_start3A_120 = arith.constant 0 : i32
      %dma_start3A_121 = tpu.memref_slice %arg8[%add3A_116, %dma_start3A_120] : memref<125x80xi32, #tpu.memory_space<vmem>> -> memref<1x80xi32, #tpu.memory_space<vmem>>
      %dma_start3A_122 = tpu.memref_squeeze %dma_start3A_121 : memref<1x80xi32, #tpu.memory_space<vmem>> -> memref<80xi32, #tpu.memory_space<vmem>>
      %dma_start3A_123 = arith.constant 0 : i32
      %dma_start3A_124 = arith.constant 0 : i32
      %dma_start3A_125 = tpu.memref_slice %arg3[%dma_start3A_123, %dma_start3A_124] : memref<10000x128xf32, #tpu.memory_space<hbm>> -> memref<10000x128xf32, #tpu.memory_space<hbm>>
      tpu.enqueue_indirect_dma source(%dma_start3A_125 : memref<10000x128xf32, #tpu.memory_space<hbm>>) target(%dma_start3A_119 : memref<80x128xf32, #tpu.memory_space<vmem>>) offsets(%dma_start3A_122 : memref<80xi32, #tpu.memory_space<vmem>>) semaphore(%arg10 : memref<!tpu.dma_semaphore, #tpu.memory_space<semaphore_mem>>) {add = true}
      %dma_wait3A_126 = arith.constant 240 : i32
      %dma_wait3A_127 = arith.constant 0 : i32
      %dma_wait3A_128 = tpu.memref_slice %arg9[%dma_wait3A_126, %dma_wait3A_127] : memref<400x128xf32, #tpu.memory_space<vmem>> -> memref<80x128xf32, #tpu.memory_space<vmem>>
      %dma_wait3A_129 = arith.constant 0 : i32
      %dma_wait3A_130 = tpu.memref_slice %arg7[%add3A_46, %dma_wait3A_129] : memref<125x80xi32, #tpu.memory_space<vmem>> -> memref<1x80xi32, #tpu.memory_space<vmem>>
      %dma_wait3A_131 = tpu.memref_squeeze %dma_wait3A_130 : memref<1x80xi32, #tpu.memory_space<vmem>> -> memref<80xi32, #tpu.memory_space<vmem>>
      %dma_wait3A_132 = arith.constant 0 : i32
      %dma_wait3A_133 = arith.constant 0 : i32
      %dma_wait3A_134 = tpu.memref_slice %arg2[%dma_wait3A_132, %dma_wait3A_133] : memref<10000x128xf32, #tpu.memory_space<hbm>> -> memref<10000x128xf32, #tpu.memory_space<hbm>>
      tpu.wait_indirect_dma semaphore(%arg10 : memref<!tpu.dma_semaphore, #tpu.memory_space<semaphore_mem>>) src(%dma_wait3A_134 : memref<10000x128xf32, #tpu.memory_space<hbm>>) dst(%dma_wait3A_128 : memref<80x128xf32, #tpu.memory_space<vmem>>)
      %add3A_135 = arith.constant 3 : i32
      %add3A_136 = arith.addi %mul3A_12, %add3A_135 : i32
      %dma_start3A_137 = arith.constant 240 : i32
      %dma_start3A_138 = arith.constant 0 : i32
      %dma_start3A_139 = tpu.memref_slice %arg9[%dma_start3A_137, %dma_start3A_138] : memref<400x128xf32, #tpu.memory_space<vmem>> -> memref<80x128xf32, #tpu.memory_space<vmem>>
      %dma_start3A_140 = arith.constant 0 : i32
      %dma_start3A_141 = tpu.memref_slice %arg8[%add3A_136, %dma_start3A_140] : memref<125x80xi32, #tpu.memory_space<vmem>> -> memref<1x80xi32, #tpu.memory_space<vmem>>
      %dma_start3A_142 = tpu.memref_squeeze %dma_start3A_141 : memref<1x80xi32, #tpu.memory_space<vmem>> -> memref<80xi32, #tpu.memory_space<vmem>>
      %dma_start3A_143 = arith.constant 0 : i32
      %dma_start3A_144 = arith.constant 0 : i32
      %dma_start3A_145 = tpu.memref_slice %arg3[%dma_start3A_143, %dma_start3A_144] : memref<10000x128xf32, #tpu.memory_space<hbm>> -> memref<10000x128xf32, #tpu.memory_space<hbm>>
      tpu.enqueue_indirect_dma source(%dma_start3A_145 : memref<10000x128xf32, #tpu.memory_space<hbm>>) target(%dma_start3A_139 : memref<80x128xf32, #tpu.memory_space<vmem>>) offsets(%dma_start3A_142 : memref<80xi32, #tpu.memory_space<vmem>>) semaphore(%arg10 : memref<!tpu.dma_semaphore, #tpu.memory_space<semaphore_mem>>) {add = true}
      %dma_wait3A_146 = arith.constant 320 : i32
      %dma_wait3A_147 = arith.constant 0 : i32
      %dma_wait3A_148 = tpu.memref_slice %arg9[%dma_wait3A_146, %dma_wait3A_147] : memref<400x128xf32, #tpu.memory_space<vmem>> -> memref<80x128xf32, #tpu.memory_space<vmem>>
      %dma_wait3A_149 = arith.constant 0 : i32
      %dma_wait3A_150 = tpu.memref_slice %arg7[%add3A_57, %dma_wait3A_149] : memref<125x80xi32, #tpu.memory_space<vmem>> -> memref<1x80xi32, #tpu.memory_space<vmem>>
      %dma_wait3A_151 = tpu.memref_squeeze %dma_wait3A_150 : memref<1x80xi32, #tpu.memory_space<vmem>> -> memref<80xi32, #tpu.memory_space<vmem>>
      %dma_wait3A_152 = arith.constant 0 : i32
      %dma_wait3A_153 = arith.constant 0 : i32
      %dma_wait3A_154 = tpu.memref_slice %arg2[%dma_wait3A_152, %dma_wait3A_153] : memref<10000x128xf32, #tpu.memory_space<hbm>> -> memref<10000x128xf32, #tpu.memory_space<hbm>>
      tpu.wait_indirect_dma semaphore(%arg10 : memref<!tpu.dma_semaphore, #tpu.memory_space<semaphore_mem>>) src(%dma_wait3A_154 : memref<10000x128xf32, #tpu.memory_space<hbm>>) dst(%dma_wait3A_148 : memref<80x128xf32, #tpu.memory_space<vmem>>)
      %add3A_155 = arith.constant 4 : i32
      %add3A_156 = arith.addi %mul3A_12, %add3A_155 : i32
      %dma_start3A_157 = arith.constant 320 : i32
      %dma_start3A_158 = arith.constant 0 : i32
      %dma_start3A_159 = tpu.memref_slice %arg9[%dma_start3A_157, %dma_start3A_158] : memref<400x128xf32, #tpu.memory_space<vmem>> -> memref<80x128xf32, #tpu.memory_space<vmem>>
      %dma_start3A_160 = arith.constant 0 : i32
      %dma_start3A_161 = tpu.memref_slice %arg8[%add3A_156, %dma_start3A_160] : memref<125x80xi32, #tpu.memory_space<vmem>> -> memref<1x80xi32, #tpu.memory_space<vmem>>
      %dma_start3A_162 = tpu.memref_squeeze %dma_start3A_161 : memref<1x80xi32, #tpu.memory_space<vmem>> -> memref<80xi32, #tpu.memory_space<vmem>>
      %dma_start3A_163 = arith.constant 0 : i32
      %dma_start3A_164 = arith.constant 0 : i32
      %dma_start3A_165 = tpu.memref_slice %arg3[%dma_start3A_163, %dma_start3A_164] : memref<10000x128xf32, #tpu.memory_space<hbm>> -> memref<10000x128xf32, #tpu.memory_space<hbm>>
      tpu.enqueue_indirect_dma source(%dma_start3A_165 : memref<10000x128xf32, #tpu.memory_space<hbm>>) target(%dma_start3A_159 : memref<80x128xf32, #tpu.memory_space<vmem>>) offsets(%dma_start3A_162 : memref<80xi32, #tpu.memory_space<vmem>>) semaphore(%arg10 : memref<!tpu.dma_semaphore, #tpu.memory_space<semaphore_mem>>) {add = true}
      %dma_wait3A_166 = arith.constant 0 : i32
      %dma_wait3A_167 = arith.constant 0 : i32
      %dma_wait3A_168 = tpu.memref_slice %arg9[%dma_wait3A_166, %dma_wait3A_167] : memref<400x128xf32, #tpu.memory_space<vmem>> -> memref<80x128xf32, #tpu.memory_space<vmem>>
      %dma_wait3A_169 = arith.constant 0 : i32
      %dma_wait3A_170 = tpu.memref_slice %arg8[%add3A_76, %dma_wait3A_169] : memref<125x80xi32, #tpu.memory_space<vmem>> -> memref<1x80xi32, #tpu.memory_space<vmem>>
      %dma_wait3A_171 = tpu.memref_squeeze %dma_wait3A_170 : memref<1x80xi32, #tpu.memory_space<vmem>> -> memref<80xi32, #tpu.memory_space<vmem>>
      %dma_wait3A_172 = arith.constant 0 : i32
      %dma_wait3A_173 = arith.constant 0 : i32
      %dma_wait3A_174 = tpu.memref_slice %arg3[%dma_wait3A_172, %dma_wait3A_173] : memref<10000x128xf32, #tpu.memory_space<hbm>> -> memref<10000x128xf32, #tpu.memory_space<hbm>>
      tpu.wait_indirect_dma semaphore(%arg10 : memref<!tpu.dma_semaphore, #tpu.memory_space<semaphore_mem>>) src(%dma_wait3A_174 : memref<10000x128xf32, #tpu.memory_space<hbm>>) dst(%dma_wait3A_168 : memref<80x128xf32, #tpu.memory_space<vmem>>)
      %dma_wait3A_175 = arith.constant 80 : i32
      %dma_wait3A_176 = arith.constant 0 : i32
      %dma_wait3A_177 = tpu.memref_slice %arg9[%dma_wait3A_175, %dma_wait3A_176] : memref<400x128xf32, #tpu.memory_space<vmem>> -> memref<80x128xf32, #tpu.memory_space<vmem>>
      %dma_wait3A_178 = arith.constant 0 : i32
      %dma_wait3A_179 = tpu.memref_slice %arg8[%add3A_96, %dma_wait3A_178] : memref<125x80xi32, #tpu.memory_space<vmem>> -> memref<1x80xi32, #tpu.memory_space<vmem>>
      %dma_wait3A_180 = tpu.memref_squeeze %dma_wait3A_179 : memref<1x80xi32, #tpu.memory_space<vmem>> -> memref<80xi32, #tpu.memory_space<vmem>>
      %dma_wait3A_181 = arith.constant 0 : i32
      %dma_wait3A_182 = arith.constant 0 : i32
      %dma_wait3A_183 = tpu.memref_slice %arg3[%dma_wait3A_181, %dma_wait3A_182] : memref<10000x128xf32, #tpu.memory_space<hbm>> -> memref<10000x128xf32, #tpu.memory_space<hbm>>
      tpu.wait_indirect_dma semaphore(%arg10 : memref<!tpu.dma_semaphore, #tpu.memory_space<semaphore_mem>>) src(%dma_wait3A_183 : memref<10000x128xf32, #tpu.memory_space<hbm>>) dst(%dma_wait3A_177 : memref<80x128xf32, #tpu.memory_space<vmem>>)
      %dma_wait3A_184 = arith.constant 160 : i32
      %dma_wait3A_185 = arith.constant 0 : i32
      %dma_wait3A_186 = tpu.memref_slice %arg9[%dma_wait3A_184, %dma_wait3A_185] : memref<400x128xf32, #tpu.memory_space<vmem>> -> memref<80x128xf32, #tpu.memory_space<vmem>>
      %dma_wait3A_187 = arith.constant 0 : i32
      %dma_wait3A_188 = tpu.memref_slice %arg8[%add3A_116, %dma_wait3A_187] : memref<125x80xi32, #tpu.memory_space<vmem>> -> memref<1x80xi32, #tpu.memory_space<vmem>>
      %dma_wait3A_189 = tpu.memref_squeeze %dma_wait3A_188 : memref<1x80xi32, #tpu.memory_space<vmem>> -> memref<80xi32, #tpu.memory_space<vmem>>
      %dma_wait3A_190 = arith.constant 0 : i32
      %dma_wait3A_191 = arith.constant 0 : i32
      %dma_wait3A_192 = tpu.memref_slice %arg3[%dma_wait3A_190, %dma_wait3A_191] : memref<10000x128xf32, #tpu.memory_space<hbm>> -> memref<10000x128xf32, #tpu.memory_space<hbm>>
      tpu.wait_indirect_dma semaphore(%arg10 : memref<!tpu.dma_semaphore, #tpu.memory_space<semaphore_mem>>) src(%dma_wait3A_192 : memref<10000x128xf32, #tpu.memory_space<hbm>>) dst(%dma_wait3A_186 : memref<80x128xf32, #tpu.memory_space<vmem>>)
      %dma_wait3A_193 = arith.constant 240 : i32
      %dma_wait3A_194 = arith.constant 0 : i32
      %dma_wait3A_195 = tpu.memref_slice %arg9[%dma_wait3A_193, %dma_wait3A_194] : memref<400x128xf32, #tpu.memory_space<vmem>> -> memref<80x128xf32, #tpu.memory_space<vmem>>
      %dma_wait3A_196 = arith.constant 0 : i32
      %dma_wait3A_197 = tpu.memref_slice %arg8[%add3A_136, %dma_wait3A_196] : memref<125x80xi32, #tpu.memory_space<vmem>> -> memref<1x80xi32, #tpu.memory_space<vmem>>
      %dma_wait3A_198 = tpu.memref_squeeze %dma_wait3A_197 : memref<1x80xi32, #tpu.memory_space<vmem>> -> memref<80xi32, #tpu.memory_space<vmem>>
      %dma_wait3A_199 = arith.constant 0 : i32
      %dma_wait3A_200 = arith.constant 0 : i32
      %dma_wait3A_201 = tpu.memref_slice %arg3[%dma_wait3A_199, %dma_wait3A_200] : memref<10000x128xf32, #tpu.memory_space<hbm>> -> memref<10000x128xf32, #tpu.memory_space<hbm>>
      tpu.wait_indirect_dma semaphore(%arg10 : memref<!tpu.dma_semaphore, #tpu.memory_space<semaphore_mem>>) src(%dma_wait3A_201 : memref<10000x128xf32, #tpu.memory_space<hbm>>) dst(%dma_wait3A_195 : memref<80x128xf32, #tpu.memory_space<vmem>>)
      %dma_wait3A_202 = arith.constant 320 : i32
      %dma_wait3A_203 = arith.constant 0 : i32
      %dma_wait3A_204 = tpu.memref_slice %arg9[%dma_wait3A_202, %dma_wait3A_203] : memref<400x128xf32, #tpu.memory_space<vmem>> -> memref<80x128xf32, #tpu.memory_space<vmem>>
      %dma_wait3A_205 = arith.constant 0 : i32
      %dma_wait3A_206 = tpu.memref_slice %arg8[%add3A_156, %dma_wait3A_205] : memref<125x80xi32, #tpu.memory_space<vmem>> -> memref<1x80xi32, #tpu.memory_space<vmem>>
      %dma_wait3A_207 = tpu.memref_squeeze %dma_wait3A_206 : memref<1x80xi32, #tpu.memory_space<vmem>> -> memref<80xi32, #tpu.memory_space<vmem>>
      %dma_wait3A_208 = arith.constant 0 : i32
      %dma_wait3A_209 = arith.constant 0 : i32
      %dma_wait3A_210 = tpu.memref_slice %arg3[%dma_wait3A_208, %dma_wait3A_209] : memref<10000x128xf32, #tpu.memory_space<hbm>> -> memref<10000x128xf32, #tpu.memory_space<hbm>>
      tpu.wait_indirect_dma semaphore(%arg10 : memref<!tpu.dma_semaphore, #tpu.memory_space<semaphore_mem>>) src(%dma_wait3A_210 : memref<10000x128xf32, #tpu.memory_space<hbm>>) dst(%dma_wait3A_204 : memref<80x128xf32, #tpu.memory_space<vmem>>)
      %mul3A_211 = arith.constant 80 : i32
      %mul3A_212 = arith.muli %mul3A_12, %mul3A_211 : i32
      %add3A_213 = arith.addi %mul3A_2, %mul3A_212 : i32
      %dma_start3A_214 = arith.constant 0 : i32
      %dma_start3A_215 = tpu.memref_slice %arg6[%add3A_213, %dma_start3A_214] : memref<320000x128xf32, #tpu.memory_space<hbm>> -> memref<400x128xf32, #tpu.memory_space<hbm>>
      %dma_start3A_216 = arith.constant 0 : i32
      %dma_start3A_217 = tpu.memref_slice %arg6[%add3A_213, %dma_start3A_216] : memref<320000x128xf32, #tpu.memory_space<hbm>> -> memref<400x128xf32, #tpu.memory_space<hbm>>
      tpu.enqueue_dma source(%arg9 : memref<400x128xf32, #tpu.memory_space<vmem>>) target(%dma_start3A_217 : memref<400x128xf32, #tpu.memory_space<hbm>>) target_semaphore(%arg11 : memref<!tpu.dma_semaphore, #tpu.memory_space<semaphore_mem>>)
      %dma_wait3A_218 = arith.constant 0 : i32
      %dma_wait3A_219 = tpu.memref_slice %arg6[%add3A_213, %dma_wait3A_218] : memref<320000x128xf32, #tpu.memory_space<hbm>> -> memref<400x128xf32, #tpu.memory_space<hbm>>
      %dma_wait3A_220 = arith.constant 0 : i32
      %dma_wait3A_221 = tpu.memref_slice %arg6[%add3A_213, %dma_wait3A_220] : memref<320000x128xf32, #tpu.memory_space<hbm>> -> memref<400x128xf32, #tpu.memory_space<hbm>>
      tpu.wait_dma2 semaphore(%arg11 : memref<!tpu.dma_semaphore, #tpu.memory_space<semaphore_mem>>) src(%arg9 : memref<400x128xf32, #tpu.memory_space<vmem>>) dst(%dma_wait3A_221 : memref<400x128xf32, #tpu.memory_space<hbm>>)
      %scan3A_222 = arith.constant 0 : i32
      scf.yield %scan3A_222 : i32
    }
    %scan3A_8 = arith.constant 25 : i32
    return
  }
}

#map = affine_map<(d0, d1) -> (0, 0)>
#map1 = affine_map<(d0, d1) -> (0)>
#map2 = affine_map<(d0, d1) -> (0, 0, 0)>
module attributes {stable_mosaic.version = 14 : i64} {
  func.func @_sc_msg_body(%arg0: i32, %arg1: i32, %arg2: memref<10000x128xf32, #tpu.memory_space<hbm>>, %arg3: memref<320000x128xf32, #tpu.memory_space<hbm>>, %arg4: memref<320000xi32, #tpu.memory_space<hbm>>, %arg5: memref<320000xi32, #tpu.memory_space<hbm>>, %arg6: memref<2x10112x128xf32, #tpu.memory_space<hbm>>, %arg7: memref<2x80xi32, #tpu.memory_space<vmem>>, %arg8: memref<2x80xi32, #tpu.memory_space<vmem>>, %arg9: memref<80x128xf32, #tpu.memory_space<vmem>>, %arg10: memref<80x128xf32, #tpu.memory_space<vmem>>, %arg11: memref<80x128xf32, #tpu.memory_space<vmem>>, %arg12: memref<80x128xf32, #tpu.memory_space<vmem>>, %arg13: memref<8x128xf32, #tpu.memory_space<vmem>>, %arg14: memref<10112x128xf32, #tpu.memory_space<vmem_shared>>, %arg15: memref<!tpu.dma_semaphore, #tpu.memory_space<semaphore_mem>>, %arg16: memref<!tpu.dma_semaphore, #tpu.memory_space<semaphore_mem>>, %arg17: memref<!tpu.dma_semaphore, #tpu.memory_space<semaphore_mem>>, %arg18: memref<!tpu.dma_semaphore, #tpu.memory_space<semaphore_mem>>, %arg19: memref<!tpu.dma_semaphore, #tpu.memory_space<semaphore_mem>>) attributes {dimension_semantics = [#tpu.dimension_semantics<core_parallel>, #tpu.dimension_semantics<subcore_parallel>], iteration_bounds = array<i64: 2, 16>, scalar_prefetch = 0 : i64, scratch_operands = 13 : i64, tpu.core_type = #tpu.core_type<sc_vector_subcore>, window_params = [{transform_indices = #map}, {transform_indices = #map}, {transform_indices = #map1}, {transform_indices = #map1}, {transform_indices = #map2}]} {
    %mul3A = arith.constant 16 : i32
    %mul3A_0 = arith.muli %arg0, %mul3A : i32
    %add3A = arith.addi %mul3A_0, %arg1 : i32
    %mul3A_1 = arith.constant 10000 : i32
    %mul3A_2 = arith.muli %add3A, %mul3A_1 : i32
    %scan3A = arith.constant 0 : i32
    %scan3A_3 = arith.constant 0 : i32
    %scan3A_4 = arith.constant 8 : i32
    %scan3A_5 = arith.addi %scan3A_3, %scan3A_4 : i32
    %scan3A_6 = arith.constant 1 : i32
    %scan3A_7 = scf.for %scan3A_114 = %scan3A_3 to %scan3A_5 step %scan3A_6 iter_args(%scan3A_115 = %scan3A) -> (i32)  : i32 {
      %broadcast_in_dim3A = arith.constant 0.000000e+00 : f32
      %broadcast_in_dim3A_116 = vector.broadcast %broadcast_in_dim3A : f32 to vector<16xf32>
      %swap3A = arith.index_cast %scan3A_114 : i32 to index
      %swap3A_117 = arith.constant 0 : index
      %swap3A_118 = tpu.vector_load %arg13[%swap3A, %swap3A_117] {strides = array<i32>} : memref<8x128xf32, #tpu.memory_space<vmem>>, vector<1x16xf32>,
      %swap3A_119 = vector.shape_cast %swap3A_118 : vector<1x16xf32> to vector<16xf32>
      %swap3A_120 = vector.shape_cast %broadcast_in_dim3A_116 : vector<16xf32> to vector<1x16xf32>
      tpu.vector_store %arg13[%swap3A, %swap3A_117], %swap3A_120 {strides = array<i32>} : memref<8x128xf32, #tpu.memory_space<vmem>>, vector<1x16xf32>,
      %broadcast_in_dim3A_121 = arith.constant 0.000000e+00 : f32
      %broadcast_in_dim3A_122 = vector.broadcast %broadcast_in_dim3A_121 : f32 to vector<16xf32>
      %swap3A_123 = arith.index_cast %scan3A_114 : i32 to index
      %swap3A_124 = arith.constant 16 : index
      %swap3A_125 = tpu.vector_load %arg13[%swap3A_123, %swap3A_124] {strides = array<i32>} : memref<8x128xf32, #tpu.memory_space<vmem>>, vector<1x16xf32>,
      %swap3A_126 = vector.shape_cast %swap3A_125 : vector<1x16xf32> to vector<16xf32>
      %swap3A_127 = vector.shape_cast %broadcast_in_dim3A_122 : vector<16xf32> to vector<1x16xf32>
      tpu.vector_store %arg13[%swap3A_123, %swap3A_124], %swap3A_127 {strides = array<i32>} : memref<8x128xf32, #tpu.memory_space<vmem>>, vector<1x16xf32>,
      %broadcast_in_dim3A_128 = arith.constant 0.000000e+00 : f32
      %broadcast_in_dim3A_129 = vector.broadcast %broadcast_in_dim3A_128 : f32 to vector<16xf32>
      %swap3A_130 = arith.index_cast %scan3A_114 : i32 to index
      %swap3A_131 = arith.constant 32 : index
      %swap3A_132 = tpu.vector_load %arg13[%swap3A_130, %swap3A_131] {strides = array<i32>} : memref<8x128xf32, #tpu.memory_space<vmem>>, vector<1x16xf32>,
      %swap3A_133 = vector.shape_cast %swap3A_132 : vector<1x16xf32> to vector<16xf32>
      %swap3A_134 = vector.shape_cast %broadcast_in_dim3A_129 : vector<16xf32> to vector<1x16xf32>
      tpu.vector_store %arg13[%swap3A_130, %swap3A_131], %swap3A_134 {strides = array<i32>} : memref<8x128xf32, #tpu.memory_space<vmem>>, vector<1x16xf32>,
      %broadcast_in_dim3A_135 = arith.constant 0.000000e+00 : f32
      %broadcast_in_dim3A_136 = vector.broadcast %broadcast_in_dim3A_135 : f32 to vector<16xf32>
      %swap3A_137 = arith.index_cast %scan3A_114 : i32 to index
      %swap3A_138 = arith.constant 48 : index
      %swap3A_139 = tpu.vector_load %arg13[%swap3A_137, %swap3A_138] {strides = array<i32>} : memref<8x128xf32, #tpu.memory_space<vmem>>, vector<1x16xf32>,
      %swap3A_140 = vector.shape_cast %swap3A_139 : vector<1x16xf32> to vector<16xf32>
      %swap3A_141 = vector.shape_cast %broadcast_in_dim3A_136 : vector<16xf32> to vector<1x16xf32>
      tpu.vector_store %arg13[%swap3A_137, %swap3A_138], %swap3A_141 {strides = array<i32>} : memref<8x128xf32, #tpu.memory_space<vmem>>, vector<1x16xf32>,
      %broadcast_in_dim3A_142 = arith.constant 0.000000e+00 : f32
      %broadcast_in_dim3A_143 = vector.broadcast %broadcast_in_dim3A_142 : f32 to vector<16xf32>
      %swap3A_144 = arith.index_cast %scan3A_114 : i32 to index
      %swap3A_145 = arith.constant 64 : index
      %swap3A_146 = tpu.vector_load %arg13[%swap3A_144, %swap3A_145] {strides = array<i32>} : memref<8x128xf32, #tpu.memory_space<vmem>>, vector<1x16xf32>,
      %swap3A_147 = vector.shape_cast %swap3A_146 : vector<1x16xf32> to vector<16xf32>
      %swap3A_148 = vector.shape_cast %broadcast_in_dim3A_143 : vector<16xf32> to vector<1x16xf32>
      tpu.vector_store %arg13[%swap3A_144, %swap3A_145], %swap3A_148 {strides = array<i32>} : memref<8x128xf32, #tpu.memory_space<vmem>>, vector<1x16xf32>,
      %broadcast_in_dim3A_149 = arith.constant 0.000000e+00 : f32
      %broadcast_in_dim3A_150 = vector.broadcast %broadcast_in_dim3A_149 : f32 to vector<16xf32>
      %swap3A_151 = arith.index_cast %scan3A_114 : i32 to index
      %swap3A_152 = arith.constant 80 : index
      %swap3A_153 = tpu.vector_load %arg13[%swap3A_151, %swap3A_152] {strides = array<i32>} : memref<8x128xf32, #tpu.memory_space<vmem>>, vector<1x16xf32>,
      %swap3A_154 = vector.shape_cast %swap3A_153 : vector<1x16xf32> to vector<16xf32>
      %swap3A_155 = vector.shape_cast %broadcast_in_dim3A_150 : vector<16xf32> to vector<1x16xf32>
      tpu.vector_store %arg13[%swap3A_151, %swap3A_152], %swap3A_155 {strides = array<i32>} : memref<8x128xf32, #tpu.memory_space<vmem>>, vector<1x16xf32>,
      %broadcast_in_dim3A_156 = arith.constant 0.000000e+00 : f32
      %broadcast_in_dim3A_157 = vector.broadcast %broadcast_in_dim3A_156 : f32 to vector<16xf32>
      %swap3A_158 = arith.index_cast %scan3A_114 : i32 to index
      %swap3A_159 = arith.constant 96 : index
      %swap3A_160 = tpu.vector_load %arg13[%swap3A_158, %swap3A_159] {strides = array<i32>} : memref<8x128xf32, #tpu.memory_space<vmem>>, vector<1x16xf32>,
      %swap3A_161 = vector.shape_cast %swap3A_160 : vector<1x16xf32> to vector<16xf32>
      %swap3A_162 = vector.shape_cast %broadcast_in_dim3A_157 : vector<16xf32> to vector<1x16xf32>
      tpu.vector_store %arg13[%swap3A_158, %swap3A_159], %swap3A_162 {strides = array<i32>} : memref<8x128xf32, #tpu.memory_space<vmem>>, vector<1x16xf32>,
      %broadcast_in_dim3A_163 = arith.constant 0.000000e+00 : f32
      %broadcast_in_dim3A_164 = vector.broadcast %broadcast_in_dim3A_163 : f32 to vector<16xf32>
      %swap3A_165 = arith.index_cast %scan3A_114 : i32 to index
      %swap3A_166 = arith.constant 112 : index
      %swap3A_167 = tpu.vector_load %arg13[%swap3A_165, %swap3A_166] {strides = array<i32>} : memref<8x128xf32, #tpu.memory_space<vmem>>, vector<1x16xf32>,
      %swap3A_168 = vector.shape_cast %swap3A_167 : vector<1x16xf32> to vector<16xf32>
      %swap3A_169 = vector.shape_cast %broadcast_in_dim3A_164 : vector<16xf32> to vector<1x16xf32>
      tpu.vector_store %arg13[%swap3A_165, %swap3A_166], %swap3A_169 {strides = array<i32>} : memref<8x128xf32, #tpu.memory_space<vmem>>, vector<1x16xf32>,
      %scan3A_170 = arith.constant 0 : i32
      scf.yield %scan3A_170 : i32
    }
    %scan3A_8 = arith.constant 8 : i32
    %scan3A_9 = arith.constant 0 : i32
    %scan3A_10 = arith.constant 0 : i32
    %scan3A_11 = arith.constant 79 : i32
    %scan3A_12 = arith.addi %scan3A_10, %scan3A_11 : i32
    %scan3A_13 = arith.constant 1 : i32
    %scan3A_14 = scf.for %scan3A_114 = %scan3A_10 to %scan3A_12 step %scan3A_13 iter_args(%scan3A_115 = %scan3A_9) -> (i32)  : i32 {
      %mul3A_116 = arith.constant 632 : i32
      %mul3A_117 = arith.muli %arg1, %mul3A_116 : i32
      %mul3A_118 = arith.constant 8 : i32
      %mul3A_119 = arith.muli %scan3A_114, %mul3A_118 : i32
      %add3A_120 = arith.addi %mul3A_117, %mul3A_119 : i32
      %dma_start3A_121 = arith.constant 0 : i32
      %dma_start3A_122 = tpu.memref_slice %arg14[%add3A_120, %dma_start3A_121] : memref<10112x128xf32, #tpu.memory_space<vmem_shared>> -> memref<8x128xf32, #tpu.memory_space<vmem_shared>>
      %dma_start3A_123 = arith.constant 0 : i32
      %dma_start3A_124 = tpu.memref_slice %arg14[%add3A_120, %dma_start3A_123] : memref<10112x128xf32, #tpu.memory_space<vmem_shared>> -> memref<8x128xf32, #tpu.memory_space<vmem_shared>>
      tpu.enqueue_dma source(%arg13 : memref<8x128xf32, #tpu.memory_space<vmem>>) target(%dma_start3A_124 : memref<8x128xf32, #tpu.memory_space<vmem_shared>>) target_semaphore(%arg19 : memref<!tpu.dma_semaphore, #tpu.memory_space<semaphore_mem>>)
      %scan3A_125 = arith.constant 0 : i32
      scf.yield %scan3A_125 : i32
    }
    %scan3A_15 = arith.constant 79 : i32
    %scan3A_16 = arith.constant 0 : i32
    %scan3A_17 = arith.constant 0 : i32
    %scan3A_18 = arith.constant 79 : i32
    %scan3A_19 = arith.addi %scan3A_17, %scan3A_18 : i32
    %scan3A_20 = arith.constant 1 : i32
    %scan3A_21 = scf.for %scan3A_114 = %scan3A_17 to %scan3A_19 step %scan3A_20 iter_args(%scan3A_115 = %scan3A_16) -> (i32)  : i32 {
      %mul3A_116 = arith.constant 632 : i32
      %mul3A_117 = arith.muli %arg1, %mul3A_116 : i32
      %mul3A_118 = arith.constant 8 : i32
      %mul3A_119 = arith.muli %scan3A_114, %mul3A_118 : i32
      %add3A_120 = arith.addi %mul3A_117, %mul3A_119 : i32
      %dma_wait3A_121 = arith.constant 0 : i32
      %dma_wait3A_122 = tpu.memref_slice %arg14[%add3A_120, %dma_wait3A_121] : memref<10112x128xf32, #tpu.memory_space<vmem_shared>> -> memref<8x128xf32, #tpu.memory_space<vmem_shared>>
      %dma_wait3A_123 = arith.constant 0 : i32
      %dma_wait3A_124 = tpu.memref_slice %arg14[%add3A_120, %dma_wait3A_123] : memref<10112x128xf32, #tpu.memory_space<vmem_shared>> -> memref<8x128xf32, #tpu.memory_space<vmem_shared>>
      tpu.wait_dma2 semaphore(%arg19 : memref<!tpu.dma_semaphore, #tpu.memory_space<semaphore_mem>>) src(%arg13 : memref<8x128xf32, #tpu.memory_space<vmem>>) dst(%dma_wait3A_124 : memref<8x128xf32, #tpu.memory_space<vmem_shared>>)
      %scan3A_125 = arith.constant 0 : i32
      scf.yield %scan3A_125 : i32
    }
    %scan3A_22 = arith.constant 79 : i32
    %barrier3A = arith.constant 0 : index
    tpu.barrier barrier_id(%barrier3A)
    %scan3A_23 = arith.constant 0 : i32
    %scan3A_24 = arith.constant 0 : i32
    %scan3A_25 = arith.constant 62 : i32
    %scan3A_26 = arith.addi %scan3A_24, %scan3A_25 : i32
    %scan3A_27 = arith.constant 1 : i32
    %scan3A_28 = scf.for %scan3A_114 = %scan3A_24 to %scan3A_26 step %scan3A_27 iter_args(%scan3A_115 = %scan3A_23) -> (i32)  : i32 {
      %mul3A_116 = arith.constant 2 : i32
      %mul3A_117 = arith.muli %scan3A_114, %mul3A_116 : i32
      %add3A_118 = arith.constant 0 : i32
      %add3A_119 = arith.addi %mul3A_117, %add3A_118 : i32
      %mul3A_120 = arith.constant 80 : i32
      %mul3A_121 = arith.muli %add3A_119, %mul3A_120 : i32
      %add3A_122 = arith.addi %mul3A_2, %mul3A_121 : i32
      %dma_start3A_123 = arith.constant 0 : i32
      %dma_start3A_124 = arith.constant 0 : i32
      %dma_start3A_125 = tpu.memref_slice %arg7[%dma_start3A_123, %dma_start3A_124] : memref<2x80xi32, #tpu.memory_space<vmem>> -> memref<1x80xi32, #tpu.memory_space<vmem>>
      %dma_start3A_126 = tpu.memref_squeeze %dma_start3A_125 : memref<1x80xi32, #tpu.memory_space<vmem>> -> memref<80xi32, #tpu.memory_space<vmem>>
      %dma_start3A_127 = tpu.memref_slice %arg4[%add3A_122] : memref<320000xi32, #tpu.memory_space<hbm>> -> memref<80xi32, #tpu.memory_space<hbm>>
      %dma_start3A_128 = arith.constant 0 : i32
      %dma_start3A_129 = tpu.memref_slice %arg7[%dma_start3A_123, %dma_start3A_128] : memref<2x80xi32, #tpu.memory_space<vmem>> -> memref<1x80xi32, #tpu.memory_space<vmem>>
      %dma_start3A_130 = tpu.memref_squeeze %dma_start3A_129 : memref<1x80xi32, #tpu.memory_space<vmem>> -> memref<80xi32, #tpu.memory_space<vmem>>
      %dma_start3A_131 = tpu.memref_slice %arg4[%add3A_122] : memref<320000xi32, #tpu.memory_space<hbm>> -> memref<80xi32, #tpu.memory_space<hbm>>
      tpu.enqueue_dma source(%dma_start3A_131 : memref<80xi32, #tpu.memory_space<hbm>>) target(%dma_start3A_130 : memref<80xi32, #tpu.memory_space<vmem>>) target_semaphore(%arg15 : memref<!tpu.dma_semaphore, #tpu.memory_space<semaphore_mem>>)
      %dma_start3A_132 = arith.constant 0 : i32
      %dma_start3A_133 = arith.constant 0 : i32
      %dma_start3A_134 = tpu.memref_slice %arg8[%dma_start3A_132, %dma_start3A_133] : memref<2x80xi32, #tpu.memory_space<vmem>> -> memref<1x80xi32, #tpu.memory_space<vmem>>
      %dma_start3A_135 = tpu.memref_squeeze %dma_start3A_134 : memref<1x80xi32, #tpu.memory_space<vmem>> -> memref<80xi32, #tpu.memory_space<vmem>>
      %dma_start3A_136 = tpu.memref_slice %arg5[%add3A_122] : memref<320000xi32, #tpu.memory_space<hbm>> -> memref<80xi32, #tpu.memory_space<hbm>>
      %dma_start3A_137 = arith.constant 0 : i32
      %dma_start3A_138 = tpu.memref_slice %arg8[%dma_start3A_132, %dma_start3A_137] : memref<2x80xi32, #tpu.memory_space<vmem>> -> memref<1x80xi32, #tpu.memory_space<vmem>>
      %dma_start3A_139 = tpu.memref_squeeze %dma_start3A_138 : memref<1x80xi32, #tpu.memory_space<vmem>> -> memref<80xi32, #tpu.memory_space<vmem>>
      %dma_start3A_140 = tpu.memref_slice %arg5[%add3A_122] : memref<320000xi32, #tpu.memory_space<hbm>> -> memref<80xi32, #tpu.memory_space<hbm>>
      tpu.enqueue_dma source(%dma_start3A_140 : memref<80xi32, #tpu.memory_space<hbm>>) target(%dma_start3A_139 : memref<80xi32, #tpu.memory_space<vmem>>) target_semaphore(%arg15 : memref<!tpu.dma_semaphore, #tpu.memory_space<semaphore_mem>>)
      %dma_start3A_141 = arith.constant 0 : i32
      %dma_start3A_142 = tpu.memref_slice %arg3[%add3A_122, %dma_start3A_141] : memref<320000x128xf32, #tpu.memory_space<hbm>> -> memref<80x128xf32, #tpu.memory_space<hbm>>
      %dma_start3A_143 = arith.constant 0 : i32
      %dma_start3A_144 = tpu.memref_slice %arg3[%add3A_122, %dma_start3A_143] : memref<320000x128xf32, #tpu.memory_space<hbm>> -> memref<80x128xf32, #tpu.memory_space<hbm>>
      tpu.enqueue_dma source(%dma_start3A_144 : memref<80x128xf32, #tpu.memory_space<hbm>>) target(%arg11 : memref<80x128xf32, #tpu.memory_space<vmem>>) target_semaphore(%arg17 : memref<!tpu.dma_semaphore, #tpu.memory_space<semaphore_mem>>)
      %add3A_145 = arith.constant 1 : i32
      %add3A_146 = arith.addi %mul3A_117, %add3A_145 : i32
      %mul3A_147 = arith.constant 80 : i32
      %mul3A_148 = arith.muli %add3A_146, %mul3A_147 : i32
      %add3A_149 = arith.addi %mul3A_2, %mul3A_148 : i32
      %dma_start3A_150 = arith.constant 1 : i32
      %dma_start3A_151 = arith.constant 0 : i32
      %dma_start3A_152 = tpu.memref_slice %arg7[%dma_start3A_150, %dma_start3A_151] : memref<2x80xi32, #tpu.memory_space<vmem>> -> memref<1x80xi32, #tpu.memory_space<vmem>>
      %dma_start3A_153 = tpu.memref_squeeze %dma_start3A_152 : memref<1x80xi32, #tpu.memory_space<vmem>> -> memref<80xi32, #tpu.memory_space<vmem>>
      %dma_start3A_154 = tpu.memref_slice %arg4[%add3A_149] : memref<320000xi32, #tpu.memory_space<hbm>> -> memref<80xi32, #tpu.memory_space<hbm>>
      %dma_start3A_155 = arith.constant 0 : i32
      %dma_start3A_156 = tpu.memref_slice %arg7[%dma_start3A_150, %dma_start3A_155] : memref<2x80xi32, #tpu.memory_space<vmem>> -> memref<1x80xi32, #tpu.memory_space<vmem>>
      %dma_start3A_157 = tpu.memref_squeeze %dma_start3A_156 : memref<1x80xi32, #tpu.memory_space<vmem>> -> memref<80xi32, #tpu.memory_space<vmem>>
      %dma_start3A_158 = tpu.memref_slice %arg4[%add3A_149] : memref<320000xi32, #tpu.memory_space<hbm>> -> memref<80xi32, #tpu.memory_space<hbm>>
      tpu.enqueue_dma source(%dma_start3A_158 : memref<80xi32, #tpu.memory_space<hbm>>) target(%dma_start3A_157 : memref<80xi32, #tpu.memory_space<vmem>>) target_semaphore(%arg15 : memref<!tpu.dma_semaphore, #tpu.memory_space<semaphore_mem>>)
      %dma_start3A_159 = arith.constant 1 : i32
      %dma_start3A_160 = arith.constant 0 : i32
      %dma_start3A_161 = tpu.memref_slice %arg8[%dma_start3A_159, %dma_start3A_160] : memref<2x80xi32, #tpu.memory_space<vmem>> -> memref<1x80xi32, #tpu.memory_space<vmem>>
      %dma_start3A_162 = tpu.memref_squeeze %dma_start3A_161 : memref<1x80xi32, #tpu.memory_space<vmem>> -> memref<80xi32, #tpu.memory_space<vmem>>
      %dma_start3A_163 = tpu.memref_slice %arg5[%add3A_149] : memref<320000xi32, #tpu.memory_space<hbm>> -> memref<80xi32, #tpu.memory_space<hbm>>
      %dma_start3A_164 = arith.constant 0 : i32
      %dma_start3A_165 = tpu.memref_slice %arg8[%dma_start3A_159, %dma_start3A_164] : memref<2x80xi32, #tpu.memory_space<vmem>> -> memref<1x80xi32, #tpu.memory_space<vmem>>
      %dma_start3A_166 = tpu.memref_squeeze %dma_start3A_165 : memref<1x80xi32, #tpu.memory_space<vmem>> -> memref<80xi32, #tpu.memory_space<vmem>>
      %dma_start3A_167 = tpu.memref_slice %arg5[%add3A_149] : memref<320000xi32, #tpu.memory_space<hbm>> -> memref<80xi32, #tpu.memory_space<hbm>>
      tpu.enqueue_dma source(%dma_start3A_167 : memref<80xi32, #tpu.memory_space<hbm>>) target(%dma_start3A_166 : memref<80xi32, #tpu.memory_space<vmem>>) target_semaphore(%arg15 : memref<!tpu.dma_semaphore, #tpu.memory_space<semaphore_mem>>)
      %dma_start3A_168 = arith.constant 0 : i32
      %dma_start3A_169 = tpu.memref_slice %arg3[%add3A_149, %dma_start3A_168] : memref<320000x128xf32, #tpu.memory_space<hbm>> -> memref<80x128xf32, #tpu.memory_space<hbm>>
      %dma_start3A_170 = arith.constant 0 : i32
      %dma_start3A_171 = tpu.memref_slice %arg3[%add3A_149, %dma_start3A_170] : memref<320000x128xf32, #tpu.memory_space<hbm>> -> memref<80x128xf32, #tpu.memory_space<hbm>>
      tpu.enqueue_dma source(%dma_start3A_171 : memref<80x128xf32, #tpu.memory_space<hbm>>) target(%arg12 : memref<80x128xf32, #tpu.memory_space<vmem>>) target_semaphore(%arg17 : memref<!tpu.dma_semaphore, #tpu.memory_space<semaphore_mem>>)
      %dma_wait3A_172 = arith.constant 0 : i32
      %dma_wait3A_173 = arith.constant 0 : i32
      %dma_wait3A_174 = tpu.memref_slice %arg7[%dma_wait3A_172, %dma_wait3A_173] : memref<2x80xi32, #tpu.memory_space<vmem>> -> memref<1x80xi32, #tpu.memory_space<vmem>>
      %dma_wait3A_175 = tpu.memref_squeeze %dma_wait3A_174 : memref<1x80xi32, #tpu.memory_space<vmem>> -> memref<80xi32, #tpu.memory_space<vmem>>
      %dma_wait3A_176 = tpu.memref_slice %arg4[%add3A_122] : memref<320000xi32, #tpu.memory_space<hbm>> -> memref<80xi32, #tpu.memory_space<hbm>>
      %dma_wait3A_177 = arith.constant 0 : i32
      %dma_wait3A_178 = tpu.memref_slice %arg7[%dma_wait3A_172, %dma_wait3A_177] : memref<2x80xi32, #tpu.memory_space<vmem>> -> memref<1x80xi32, #tpu.memory_space<vmem>>
      %dma_wait3A_179 = tpu.memref_squeeze %dma_wait3A_178 : memref<1x80xi32, #tpu.memory_space<vmem>> -> memref<80xi32, #tpu.memory_space<vmem>>
      %dma_wait3A_180 = tpu.memref_slice %arg4[%add3A_122] : memref<320000xi32, #tpu.memory_space<hbm>> -> memref<80xi32, #tpu.memory_space<hbm>>
      tpu.wait_dma2 semaphore(%arg15 : memref<!tpu.dma_semaphore, #tpu.memory_space<semaphore_mem>>) src(%dma_wait3A_180 : memref<80xi32, #tpu.memory_space<hbm>>) dst(%dma_wait3A_179 : memref<80xi32, #tpu.memory_space<vmem>>)
      %dma_wait3A_181 = arith.constant 0 : i32
      %dma_wait3A_182 = arith.constant 0 : i32
      %dma_wait3A_183 = tpu.memref_slice %arg8[%dma_wait3A_181, %dma_wait3A_182] : memref<2x80xi32, #tpu.memory_space<vmem>> -> memref<1x80xi32, #tpu.memory_space<vmem>>
      %dma_wait3A_184 = tpu.memref_squeeze %dma_wait3A_183 : memref<1x80xi32, #tpu.memory_space<vmem>> -> memref<80xi32, #tpu.memory_space<vmem>>
      %dma_wait3A_185 = tpu.memref_slice %arg5[%add3A_122] : memref<320000xi32, #tpu.memory_space<hbm>> -> memref<80xi32, #tpu.memory_space<hbm>>
      %dma_wait3A_186 = arith.constant 0 : i32
      %dma_wait3A_187 = tpu.memref_slice %arg8[%dma_wait3A_181, %dma_wait3A_186] : memref<2x80xi32, #tpu.memory_space<vmem>> -> memref<1x80xi32, #tpu.memory_space<vmem>>
      %dma_wait3A_188 = tpu.memref_squeeze %dma_wait3A_187 : memref<1x80xi32, #tpu.memory_space<vmem>> -> memref<80xi32, #tpu.memory_space<vmem>>
      %dma_wait3A_189 = tpu.memref_slice %arg5[%add3A_122] : memref<320000xi32, #tpu.memory_space<hbm>> -> memref<80xi32, #tpu.memory_space<hbm>>
      tpu.wait_dma2 semaphore(%arg15 : memref<!tpu.dma_semaphore, #tpu.memory_space<semaphore_mem>>) src(%dma_wait3A_189 : memref<80xi32, #tpu.memory_space<hbm>>) dst(%dma_wait3A_188 : memref<80xi32, #tpu.memory_space<vmem>>)
      %dma_start3A_190 = arith.constant 0 : i32
      %dma_start3A_191 = arith.constant 0 : i32
      %dma_start3A_192 = tpu.memref_slice %arg7[%dma_start3A_190, %dma_start3A_191] : memref<2x80xi32, #tpu.memory_space<vmem>> -> memref<1x80xi32, #tpu.memory_space<vmem>>
      %dma_start3A_193 = tpu.memref_squeeze %dma_start3A_192 : memref<1x80xi32, #tpu.memory_space<vmem>> -> memref<80xi32, #tpu.memory_space<vmem>>
      %dma_start3A_194 = arith.constant 0 : i32
      %dma_start3A_195 = arith.constant 0 : i32
      %dma_start3A_196 = tpu.memref_slice %arg2[%dma_start3A_194, %dma_start3A_195] : memref<10000x128xf32, #tpu.memory_space<hbm>> -> memref<10000x128xf32, #tpu.memory_space<hbm>>
      tpu.enqueue_indirect_dma source(%dma_start3A_196 : memref<10000x128xf32, #tpu.memory_space<hbm>>) target(%arg9 : memref<80x128xf32, #tpu.memory_space<vmem>>) offsets(%dma_start3A_193 : memref<80xi32, #tpu.memory_space<vmem>>) semaphore(%arg16 : memref<!tpu.dma_semaphore, #tpu.memory_space<semaphore_mem>>)
      %dma_wait3A_197 = arith.constant 1 : i32
      %dma_wait3A_198 = arith.constant 0 : i32
      %dma_wait3A_199 = tpu.memref_slice %arg7[%dma_wait3A_197, %dma_wait3A_198] : memref<2x80xi32, #tpu.memory_space<vmem>> -> memref<1x80xi32, #tpu.memory_space<vmem>>
      %dma_wait3A_200 = tpu.memref_squeeze %dma_wait3A_199 : memref<1x80xi32, #tpu.memory_space<vmem>> -> memref<80xi32, #tpu.memory_space<vmem>>
      %dma_wait3A_201 = tpu.memref_slice %arg4[%add3A_149] : memref<320000xi32, #tpu.memory_space<hbm>> -> memref<80xi32, #tpu.memory_space<hbm>>
      %dma_wait3A_202 = arith.constant 0 : i32
      %dma_wait3A_203 = tpu.memref_slice %arg7[%dma_wait3A_197, %dma_wait3A_202] : memref<2x80xi32, #tpu.memory_space<vmem>> -> memref<1x80xi32, #tpu.memory_space<vmem>>
      %dma_wait3A_204 = tpu.memref_squeeze %dma_wait3A_203 : memref<1x80xi32, #tpu.memory_space<vmem>> -> memref<80xi32, #tpu.memory_space<vmem>>
      %dma_wait3A_205 = tpu.memref_slice %arg4[%add3A_149] : memref<320000xi32, #tpu.memory_space<hbm>> -> memref<80xi32, #tpu.memory_space<hbm>>
      tpu.wait_dma2 semaphore(%arg15 : memref<!tpu.dma_semaphore, #tpu.memory_space<semaphore_mem>>) src(%dma_wait3A_205 : memref<80xi32, #tpu.memory_space<hbm>>) dst(%dma_wait3A_204 : memref<80xi32, #tpu.memory_space<vmem>>)
      %dma_wait3A_206 = arith.constant 1 : i32
      %dma_wait3A_207 = arith.constant 0 : i32
      %dma_wait3A_208 = tpu.memref_slice %arg8[%dma_wait3A_206, %dma_wait3A_207] : memref<2x80xi32, #tpu.memory_space<vmem>> -> memref<1x80xi32, #tpu.memory_space<vmem>>
      %dma_wait3A_209 = tpu.memref_squeeze %dma_wait3A_208 : memref<1x80xi32, #tpu.memory_space<vmem>> -> memref<80xi32, #tpu.memory_space<vmem>>
      %dma_wait3A_210 = tpu.memref_slice %arg5[%add3A_149] : memref<320000xi32, #tpu.memory_space<hbm>> -> memref<80xi32, #tpu.memory_space<hbm>>
      %dma_wait3A_211 = arith.constant 0 : i32
      %dma_wait3A_212 = tpu.memref_slice %arg8[%dma_wait3A_206, %dma_wait3A_211] : memref<2x80xi32, #tpu.memory_space<vmem>> -> memref<1x80xi32, #tpu.memory_space<vmem>>
      %dma_wait3A_213 = tpu.memref_squeeze %dma_wait3A_212 : memref<1x80xi32, #tpu.memory_space<vmem>> -> memref<80xi32, #tpu.memory_space<vmem>>
      %dma_wait3A_214 = tpu.memref_slice %arg5[%add3A_149] : memref<320000xi32, #tpu.memory_space<hbm>> -> memref<80xi32, #tpu.memory_space<hbm>>
      tpu.wait_dma2 semaphore(%arg15 : memref<!tpu.dma_semaphore, #tpu.memory_space<semaphore_mem>>) src(%dma_wait3A_214 : memref<80xi32, #tpu.memory_space<hbm>>) dst(%dma_wait3A_213 : memref<80xi32, #tpu.memory_space<vmem>>)
      %dma_start3A_215 = arith.constant 1 : i32
      %dma_start3A_216 = arith.constant 0 : i32
      %dma_start3A_217 = tpu.memref_slice %arg7[%dma_start3A_215, %dma_start3A_216] : memref<2x80xi32, #tpu.memory_space<vmem>> -> memref<1x80xi32, #tpu.memory_space<vmem>>
      %dma_start3A_218 = tpu.memref_squeeze %dma_start3A_217 : memref<1x80xi32, #tpu.memory_space<vmem>> -> memref<80xi32, #tpu.memory_space<vmem>>
      %dma_start3A_219 = arith.constant 0 : i32
      %dma_start3A_220 = arith.constant 0 : i32
      %dma_start3A_221 = tpu.memref_slice %arg2[%dma_start3A_219, %dma_start3A_220] : memref<10000x128xf32, #tpu.memory_space<hbm>> -> memref<10000x128xf32, #tpu.memory_space<hbm>>
      tpu.enqueue_indirect_dma source(%dma_start3A_221 : memref<10000x128xf32, #tpu.memory_space<hbm>>) target(%arg10 : memref<80x128xf32, #tpu.memory_space<vmem>>) offsets(%dma_start3A_218 : memref<80xi32, #tpu.memory_space<vmem>>) semaphore(%arg16 : memref<!tpu.dma_semaphore, #tpu.memory_space<semaphore_mem>>)
      %dma_wait3A_222 = arith.constant 0 : i32
      %dma_wait3A_223 = arith.constant 0 : i32
      %dma_wait3A_224 = tpu.memref_slice %arg7[%dma_wait3A_222, %dma_wait3A_223] : memref<2x80xi32, #tpu.memory_space<vmem>> -> memref<1x80xi32, #tpu.memory_space<vmem>>
      %dma_wait3A_225 = tpu.memref_squeeze %dma_wait3A_224 : memref<1x80xi32, #tpu.memory_space<vmem>> -> memref<80xi32, #tpu.memory_space<vmem>>
      %dma_wait3A_226 = arith.constant 0 : i32
      %dma_wait3A_227 = arith.constant 0 : i32
      %dma_wait3A_228 = tpu.memref_slice %arg2[%dma_wait3A_226, %dma_wait3A_227] : memref<10000x128xf32, #tpu.memory_space<hbm>> -> memref<10000x128xf32, #tpu.memory_space<hbm>>
      tpu.wait_indirect_dma semaphore(%arg16 : memref<!tpu.dma_semaphore, #tpu.memory_space<semaphore_mem>>) src(%dma_wait3A_228 : memref<10000x128xf32, #tpu.memory_space<hbm>>) dst(%arg9 : memref<80x128xf32, #tpu.memory_space<vmem>>)
      %dma_wait3A_229 = arith.constant 0 : i32
      %dma_wait3A_230 = tpu.memref_slice %arg3[%add3A_122, %dma_wait3A_229] : memref<320000x128xf32, #tpu.memory_space<hbm>> -> memref<80x128xf32, #tpu.memory_space<hbm>>
      %dma_wait3A_231 = arith.constant 0 : i32
      %dma_wait3A_232 = tpu.memref_slice %arg3[%add3A_122, %dma_wait3A_231] : memref<320000x128xf32, #tpu.memory_space<hbm>> -> memref<80x128xf32, #tpu.memory_space<hbm>>
      tpu.wait_dma2 semaphore(%arg17 : memref<!tpu.dma_semaphore, #tpu.memory_space<semaphore_mem>>) src(%dma_wait3A_232 : memref<80x128xf32, #tpu.memory_space<hbm>>) dst(%arg11 : memref<80x128xf32, #tpu.memory_space<vmem>>)
      %scan3A_233 = arith.constant 0 : i32
      %scan3A_234 = arith.constant 0 : i32
      %scan3A_235 = arith.constant 80 : i32
      %scan3A_236 = arith.addi %scan3A_234, %scan3A_235 : i32
      %scan3A_237 = arith.constant 1 : i32
      %scan3A_238 = scf.for %scan3A_287 = %scan3A_234 to %scan3A_236 step %scan3A_237 iter_args(%scan3A_288 = %scan3A_233) -> (i32)  : i32 {
        %get3A = arith.index_cast %scan3A_287 : i32 to index
        %get3A_289 = arith.constant 0 : index
        %get3A_290 = tpu.vector_load %arg9[%get3A, %get3A_289] {strides = array<i32>} : memref<80x128xf32, #tpu.memory_space<vmem>>, vector<1x16xf32>,
        %get3A_291 = vector.shape_cast %get3A_290 : vector<1x16xf32> to vector<16xf32>
        %get3A_292 = arith.index_cast %scan3A_287 : i32 to index
        %get3A_293 = arith.constant 0 : index
        %get3A_294 = tpu.vector_load %arg11[%get3A_292, %get3A_293] {strides = array<i32>} : memref<80x128xf32, #tpu.memory_space<vmem>>, vector<1x16xf32>,
        %get3A_295 = vector.shape_cast %get3A_294 : vector<1x16xf32> to vector<16xf32>
        %add3A_296 = arith.addf %get3A_291, %get3A_295 : vector<16xf32>
        %max3A = arith.constant 0.000000e+00 : f32
        %max3A_297 = vector.broadcast %max3A : f32 to vector<16xf32>
        %max3A_298 = arith.maximumf %add3A_296, %max3A_297 : vector<16xf32>
        %swap3A = arith.index_cast %scan3A_287 : i32 to index
        %swap3A_299 = arith.constant 0 : index
        %swap3A_300 = tpu.vector_load %arg9[%swap3A, %swap3A_299] {strides = array<i32>} : memref<80x128xf32, #tpu.memory_space<vmem>>, vector<1x16xf32>,
        %swap3A_301 = vector.shape_cast %swap3A_300 : vector<1x16xf32> to vector<16xf32>
        %swap3A_302 = vector.shape_cast %max3A_298 : vector<16xf32> to vector<1x16xf32>
        tpu.vector_store %arg9[%swap3A, %swap3A_299], %swap3A_302 {strides = array<i32>} : memref<80x128xf32, #tpu.memory_space<vmem>>, vector<1x16xf32>,
        %get3A_303 = arith.index_cast %scan3A_287 : i32 to index
        %get3A_304 = arith.constant 16 : index
        %get3A_305 = tpu.vector_load %arg9[%get3A_303, %get3A_304] {strides = array<i32>} : memref<80x128xf32, #tpu.memory_space<vmem>>, vector<1x16xf32>,
        %get3A_306 = vector.shape_cast %get3A_305 : vector<1x16xf32> to vector<16xf32>
        %get3A_307 = arith.index_cast %scan3A_287 : i32 to index
        %get3A_308 = arith.constant 16 : index
        %get3A_309 = tpu.vector_load %arg11[%get3A_307, %get3A_308] {strides = array<i32>} : memref<80x128xf32, #tpu.memory_space<vmem>>, vector<1x16xf32>,
        %get3A_310 = vector.shape_cast %get3A_309 : vector<1x16xf32> to vector<16xf32>
        %add3A_311 = arith.addf %get3A_306, %get3A_310 : vector<16xf32>
        %max3A_312 = arith.constant 0.000000e+00 : f32
        %max3A_313 = vector.broadcast %max3A_312 : f32 to vector<16xf32>
        %max3A_314 = arith.maximumf %add3A_311, %max3A_313 : vector<16xf32>
        %swap3A_315 = arith.index_cast %scan3A_287 : i32 to index
        %swap3A_316 = arith.constant 16 : index
        %swap3A_317 = tpu.vector_load %arg9[%swap3A_315, %swap3A_316] {strides = array<i32>} : memref<80x128xf32, #tpu.memory_space<vmem>>, vector<1x16xf32>,
        %swap3A_318 = vector.shape_cast %swap3A_317 : vector<1x16xf32> to vector<16xf32>
        %swap3A_319 = vector.shape_cast %max3A_314 : vector<16xf32> to vector<1x16xf32>
        tpu.vector_store %arg9[%swap3A_315, %swap3A_316], %swap3A_319 {strides = array<i32>} : memref<80x128xf32, #tpu.memory_space<vmem>>, vector<1x16xf32>,
        %get3A_320 = arith.index_cast %scan3A_287 : i32 to index
        %get3A_321 = arith.constant 32 : index
        %get3A_322 = tpu.vector_load %arg9[%get3A_320, %get3A_321] {strides = array<i32>} : memref<80x128xf32, #tpu.memory_space<vmem>>, vector<1x16xf32>,
        %get3A_323 = vector.shape_cast %get3A_322 : vector<1x16xf32> to vector<16xf32>
        %get3A_324 = arith.index_cast %scan3A_287 : i32 to index
        %get3A_325 = arith.constant 32 : index
        %get3A_326 = tpu.vector_load %arg11[%get3A_324, %get3A_325] {strides = array<i32>} : memref<80x128xf32, #tpu.memory_space<vmem>>, vector<1x16xf32>,
        %get3A_327 = vector.shape_cast %get3A_326 : vector<1x16xf32> to vector<16xf32>
        %add3A_328 = arith.addf %get3A_323, %get3A_327 : vector<16xf32>
        %max3A_329 = arith.constant 0.000000e+00 : f32
        %max3A_330 = vector.broadcast %max3A_329 : f32 to vector<16xf32>
        %max3A_331 = arith.maximumf %add3A_328, %max3A_330 : vector<16xf32>
        %swap3A_332 = arith.index_cast %scan3A_287 : i32 to index
        %swap3A_333 = arith.constant 32 : index
        %swap3A_334 = tpu.vector_load %arg9[%swap3A_332, %swap3A_333] {strides = array<i32>} : memref<80x128xf32, #tpu.memory_space<vmem>>, vector<1x16xf32>,
        %swap3A_335 = vector.shape_cast %swap3A_334 : vector<1x16xf32> to vector<16xf32>
        %swap3A_336 = vector.shape_cast %max3A_331 : vector<16xf32> to vector<1x16xf32>
        tpu.vector_store %arg9[%swap3A_332, %swap3A_333], %swap3A_336 {strides = array<i32>} : memref<80x128xf32, #tpu.memory_space<vmem>>, vector<1x16xf32>,
        %get3A_337 = arith.index_cast %scan3A_287 : i32 to index
        %get3A_338 = arith.constant 48 : index
        %get3A_339 = tpu.vector_load %arg9[%get3A_337, %get3A_338] {strides = array<i32>} : memref<80x128xf32, #tpu.memory_space<vmem>>, vector<1x16xf32>,
        %get3A_340 = vector.shape_cast %get3A_339 : vector<1x16xf32> to vector<16xf32>
        %get3A_341 = arith.index_cast %scan3A_287 : i32 to index
        %get3A_342 = arith.constant 48 : index
        %get3A_343 = tpu.vector_load %arg11[%get3A_341, %get3A_342] {strides = array<i32>} : memref<80x128xf32, #tpu.memory_space<vmem>>, vector<1x16xf32>,
        %get3A_344 = vector.shape_cast %get3A_343 : vector<1x16xf32> to vector<16xf32>
        %add3A_345 = arith.addf %get3A_340, %get3A_344 : vector<16xf32>
        %max3A_346 = arith.constant 0.000000e+00 : f32
        %max3A_347 = vector.broadcast %max3A_346 : f32 to vector<16xf32>
        %max3A_348 = arith.maximumf %add3A_345, %max3A_347 : vector<16xf32>
        %swap3A_349 = arith.index_cast %scan3A_287 : i32 to index
        %swap3A_350 = arith.constant 48 : index
        %swap3A_351 = tpu.vector_load %arg9[%swap3A_349, %swap3A_350] {strides = array<i32>} : memref<80x128xf32, #tpu.memory_space<vmem>>, vector<1x16xf32>,
        %swap3A_352 = vector.shape_cast %swap3A_351 : vector<1x16xf32> to vector<16xf32>
        %swap3A_353 = vector.shape_cast %max3A_348 : vector<16xf32> to vector<1x16xf32>
        tpu.vector_store %arg9[%swap3A_349, %swap3A_350], %swap3A_353 {strides = array<i32>} : memref<80x128xf32, #tpu.memory_space<vmem>>, vector<1x16xf32>,
        %get3A_354 = arith.index_cast %scan3A_287 : i32 to index
        %get3A_355 = arith.constant 64 : index
        %get3A_356 = tpu.vector_load %arg9[%get3A_354, %get3A_355] {strides = array<i32>} : memref<80x128xf32, #tpu.memory_space<vmem>>, vector<1x16xf32>,
        %get3A_357 = vector.shape_cast %get3A_356 : vector<1x16xf32> to vector<16xf32>
        %get3A_358 = arith.index_cast %scan3A_287 : i32 to index
        %get3A_359 = arith.constant 64 : index
        %get3A_360 = tpu.vector_load %arg11[%get3A_358, %get3A_359] {strides = array<i32>} : memref<80x128xf32, #tpu.memory_space<vmem>>, vector<1x16xf32>,
        %get3A_361 = vector.shape_cast %get3A_360 : vector<1x16xf32> to vector<16xf32>
        %add3A_362 = arith.addf %get3A_357, %get3A_361 : vector<16xf32>
        %max3A_363 = arith.constant 0.000000e+00 : f32
        %max3A_364 = vector.broadcast %max3A_363 : f32 to vector<16xf32>
        %max3A_365 = arith.maximumf %add3A_362, %max3A_364 : vector<16xf32>
        %swap3A_366 = arith.index_cast %scan3A_287 : i32 to index
        %swap3A_367 = arith.constant 64 : index
        %swap3A_368 = tpu.vector_load %arg9[%swap3A_366, %swap3A_367] {strides = array<i32>} : memref<80x128xf32, #tpu.memory_space<vmem>>, vector<1x16xf32>,
        %swap3A_369 = vector.shape_cast %swap3A_368 : vector<1x16xf32> to vector<16xf32>
        %swap3A_370 = vector.shape_cast %max3A_365 : vector<16xf32> to vector<1x16xf32>
        tpu.vector_store %arg9[%swap3A_366, %swap3A_367], %swap3A_370 {strides = array<i32>} : memref<80x128xf32, #tpu.memory_space<vmem>>, vector<1x16xf32>,
        %scan3A_371 = arith.constant 0 : i32
        scf.yield %scan3A_371 : i32
      }
      %scan3A_239 = arith.constant 80 : i32
      %dma_start3A_240 = arith.constant 0 : i32
      %dma_start3A_241 = arith.constant 0 : i32
      %dma_start3A_242 = tpu.memref_slice %arg8[%dma_start3A_240, %dma_start3A_241] : memref<2x80xi32, #tpu.memory_space<vmem>> -> memref<1x80xi32, #tpu.memory_space<vmem>>
      %dma_start3A_243 = tpu.memref_squeeze %dma_start3A_242 : memref<1x80xi32, #tpu.memory_space<vmem>> -> memref<80xi32, #tpu.memory_space<vmem>>
      %dma_start3A_244 = arith.constant 0 : i32
      %dma_start3A_245 = arith.constant 0 : i32
      %dma_start3A_246 = tpu.memref_slice %arg14[%dma_start3A_244, %dma_start3A_245] : memref<10112x128xf32, #tpu.memory_space<vmem_shared>> -> memref<10112x128xf32, #tpu.memory_space<vmem_shared>>
      tpu.enqueue_indirect_dma source(%arg9 : memref<80x128xf32, #tpu.memory_space<vmem>>) target(%dma_start3A_246 : memref<10112x128xf32, #tpu.memory_space<vmem_shared>>) offsets(%dma_start3A_243 : memref<80xi32, #tpu.memory_space<vmem>>) semaphore(%arg18 : memref<!tpu.dma_semaphore, #tpu.memory_space<semaphore_mem>>) {add = true}
      %dma_wait3A_247 = arith.constant 1 : i32
      %dma_wait3A_248 = arith.constant 0 : i32
      %dma_wait3A_249 = tpu.memref_slice %arg7[%dma_wait3A_247, %dma_wait3A_248] : memref<2x80xi32, #tpu.memory_space<vmem>> -> memref<1x80xi32, #tpu.memory_space<vmem>>
      %dma_wait3A_250 = tpu.memref_squeeze %dma_wait3A_249 : memref<1x80xi32, #tpu.memory_space<vmem>> -> memref<80xi32, #tpu.memory_space<vmem>>
      %dma_wait3A_251 = arith.constant 0 : i32
      %dma_wait3A_252 = arith.constant 0 : i32
      %dma_wait3A_253 = tpu.memref_slice %arg2[%dma_wait3A_251, %dma_wait3A_252] : memref<10000x128xf32, #tpu.memory_space<hbm>> -> memref<10000x128xf32, #tpu.memory_space<hbm>>
      tpu.wait_indirect_dma semaphore(%arg16 : memref<!tpu.dma_semaphore, #tpu.memory_space<semaphore_mem>>) src(%dma_wait3A_253 : memref<10000x128xf32, #tpu.memory_space<hbm>>) dst(%arg10 : memref<80x128xf32, #tpu.memory_space<vmem>>)
      %dma_wait3A_254 = arith.constant 0 : i32
      %dma_wait3A_255 = tpu.memref_slice %arg3[%add3A_149, %dma_wait3A_254] : memref<320000x128xf32, #tpu.memory_space<hbm>> -> memref<80x128xf32, #tpu.memory_space<hbm>>
      %dma_wait3A_256 = arith.constant 0 : i32
      %dma_wait3A_257 = tpu.memref_slice %arg3[%add3A_149, %dma_wait3A_256] : memref<320000x128xf32, #tpu.memory_space<hbm>> -> memref<80x128xf32, #tpu.memory_space<hbm>>
      tpu.wait_dma2 semaphore(%arg17 : memref<!tpu.dma_semaphore, #tpu.memory_space<semaphore_mem>>) src(%dma_wait3A_257 : memref<80x128xf32, #tpu.memory_space<hbm>>) dst(%arg12 : memref<80x128xf32, #tpu.memory_space<vmem>>)
      %scan3A_258 = arith.constant 0 : i32
      %scan3A_259 = arith.constant 0 : i32
      %scan3A_260 = arith.constant 80 : i32
      %scan3A_261 = arith.addi %scan3A_259, %scan3A_260 : i32
      %scan3A_262 = arith.constant 1 : i32
      %scan3A_263 = scf.for %scan3A_287 = %scan3A_259 to %scan3A_261 step %scan3A_262 iter_args(%scan3A_288 = %scan3A_258) -> (i32)  : i32 {
        %get3A = arith.index_cast %scan3A_287 : i32 to index
        %get3A_289 = arith.constant 0 : index
        %get3A_290 = tpu.vector_load %arg10[%get3A, %get3A_289] {strides = array<i32>} : memref<80x128xf32, #tpu.memory_space<vmem>>, vector<1x16xf32>,
        %get3A_291 = vector.shape_cast %get3A_290 : vector<1x16xf32> to vector<16xf32>
        %get3A_292 = arith.index_cast %scan3A_287 : i32 to index
        %get3A_293 = arith.constant 0 : index
        %get3A_294 = tpu.vector_load %arg12[%get3A_292, %get3A_293] {strides = array<i32>} : memref<80x128xf32, #tpu.memory_space<vmem>>, vector<1x16xf32>,
        %get3A_295 = vector.shape_cast %get3A_294 : vector<1x16xf32> to vector<16xf32>
        %add3A_296 = arith.addf %get3A_291, %get3A_295 : vector<16xf32>
        %max3A = arith.constant 0.000000e+00 : f32
        %max3A_297 = vector.broadcast %max3A : f32 to vector<16xf32>
        %max3A_298 = arith.maximumf %add3A_296, %max3A_297 : vector<16xf32>
        %swap3A = arith.index_cast %scan3A_287 : i32 to index
        %swap3A_299 = arith.constant 0 : index
        %swap3A_300 = tpu.vector_load %arg10[%swap3A, %swap3A_299] {strides = array<i32>} : memref<80x128xf32, #tpu.memory_space<vmem>>, vector<1x16xf32>,
        %swap3A_301 = vector.shape_cast %swap3A_300 : vector<1x16xf32> to vector<16xf32>
        %swap3A_302 = vector.shape_cast %max3A_298 : vector<16xf32> to vector<1x16xf32>
        tpu.vector_store %arg10[%swap3A, %swap3A_299], %swap3A_302 {strides = array<i32>} : memref<80x128xf32, #tpu.memory_space<vmem>>, vector<1x16xf32>,
        %get3A_303 = arith.index_cast %scan3A_287 : i32 to index
        %get3A_304 = arith.constant 16 : index
        %get3A_305 = tpu.vector_load %arg10[%get3A_303, %get3A_304] {strides = array<i32>} : memref<80x128xf32, #tpu.memory_space<vmem>>, vector<1x16xf32>,
        %get3A_306 = vector.shape_cast %get3A_305 : vector<1x16xf32> to vector<16xf32>
        %get3A_307 = arith.index_cast %scan3A_287 : i32 to index
        %get3A_308 = arith.constant 16 : index
        %get3A_309 = tpu.vector_load %arg12[%get3A_307, %get3A_308] {strides = array<i32>} : memref<80x128xf32, #tpu.memory_space<vmem>>, vector<1x16xf32>,
        %get3A_310 = vector.shape_cast %get3A_309 : vector<1x16xf32> to vector<16xf32>
        %add3A_311 = arith.addf %get3A_306, %get3A_310 : vector<16xf32>
        %max3A_312 = arith.constant 0.000000e+00 : f32
        %max3A_313 = vector.broadcast %max3A_312 : f32 to vector<16xf32>
        %max3A_314 = arith.maximumf %add3A_311, %max3A_313 : vector<16xf32>
        %swap3A_315 = arith.index_cast %scan3A_287 : i32 to index
        %swap3A_316 = arith.constant 16 : index
        %swap3A_317 = tpu.vector_load %arg10[%swap3A_315, %swap3A_316] {strides = array<i32>} : memref<80x128xf32, #tpu.memory_space<vmem>>, vector<1x16xf32>,
        %swap3A_318 = vector.shape_cast %swap3A_317 : vector<1x16xf32> to vector<16xf32>
        %swap3A_319 = vector.shape_cast %max3A_314 : vector<16xf32> to vector<1x16xf32>
        tpu.vector_store %arg10[%swap3A_315, %swap3A_316], %swap3A_319 {strides = array<i32>} : memref<80x128xf32, #tpu.memory_space<vmem>>, vector<1x16xf32>,
        %get3A_320 = arith.index_cast %scan3A_287 : i32 to index
        %get3A_321 = arith.constant 32 : index
        %get3A_322 = tpu.vector_load %arg10[%get3A_320, %get3A_321] {strides = array<i32>} : memref<80x128xf32, #tpu.memory_space<vmem>>, vector<1x16xf32>,
        %get3A_323 = vector.shape_cast %get3A_322 : vector<1x16xf32> to vector<16xf32>
        %get3A_324 = arith.index_cast %scan3A_287 : i32 to index
        %get3A_325 = arith.constant 32 : index
        %get3A_326 = tpu.vector_load %arg12[%get3A_324, %get3A_325] {strides = array<i32>} : memref<80x128xf32, #tpu.memory_space<vmem>>, vector<1x16xf32>,
        %get3A_327 = vector.shape_cast %get3A_326 : vector<1x16xf32> to vector<16xf32>
        %add3A_328 = arith.addf %get3A_323, %get3A_327 : vector<16xf32>
        %max3A_329 = arith.constant 0.000000e+00 : f32
        %max3A_330 = vector.broadcast %max3A_329 : f32 to vector<16xf32>
        %max3A_331 = arith.maximumf %add3A_328, %max3A_330 : vector<16xf32>
        %swap3A_332 = arith.index_cast %scan3A_287 : i32 to index
        %swap3A_333 = arith.constant 32 : index
        %swap3A_334 = tpu.vector_load %arg10[%swap3A_332, %swap3A_333] {strides = array<i32>} : memref<80x128xf32, #tpu.memory_space<vmem>>, vector<1x16xf32>,
        %swap3A_335 = vector.shape_cast %swap3A_334 : vector<1x16xf32> to vector<16xf32>
        %swap3A_336 = vector.shape_cast %max3A_331 : vector<16xf32> to vector<1x16xf32>
        tpu.vector_store %arg10[%swap3A_332, %swap3A_333], %swap3A_336 {strides = array<i32>} : memref<80x128xf32, #tpu.memory_space<vmem>>, vector<1x16xf32>,
        %get3A_337 = arith.index_cast %scan3A_287 : i32 to index
        %get3A_338 = arith.constant 48 : index
        %get3A_339 = tpu.vector_load %arg10[%get3A_337, %get3A_338] {strides = array<i32>} : memref<80x128xf32, #tpu.memory_space<vmem>>, vector<1x16xf32>,
        %get3A_340 = vector.shape_cast %get3A_339 : vector<1x16xf32> to vector<16xf32>
        %get3A_341 = arith.index_cast %scan3A_287 : i32 to index
        %get3A_342 = arith.constant 48 : index
        %get3A_343 = tpu.vector_load %arg12[%get3A_341, %get3A_342] {strides = array<i32>} : memref<80x128xf32, #tpu.memory_space<vmem>>, vector<1x16xf32>,
        %get3A_344 = vector.shape_cast %get3A_343 : vector<1x16xf32> to vector<16xf32>
        %add3A_345 = arith.addf %get3A_340, %get3A_344 : vector<16xf32>
        %max3A_346 = arith.constant 0.000000e+00 : f32
        %max3A_347 = vector.broadcast %max3A_346 : f32 to vector<16xf32>
        %max3A_348 = arith.maximumf %add3A_345, %max3A_347 : vector<16xf32>
        %swap3A_349 = arith.index_cast %scan3A_287 : i32 to index
        %swap3A_350 = arith.constant 48 : index
        %swap3A_351 = tpu.vector_load %arg10[%swap3A_349, %swap3A_350] {strides = array<i32>} : memref<80x128xf32, #tpu.memory_space<vmem>>, vector<1x16xf32>,
        %swap3A_352 = vector.shape_cast %swap3A_351 : vector<1x16xf32> to vector<16xf32>
        %swap3A_353 = vector.shape_cast %max3A_348 : vector<16xf32> to vector<1x16xf32>
        tpu.vector_store %arg10[%swap3A_349, %swap3A_350], %swap3A_353 {strides = array<i32>} : memref<80x128xf32, #tpu.memory_space<vmem>>, vector<1x16xf32>,
        %get3A_354 = arith.index_cast %scan3A_287 : i32 to index
        %get3A_355 = arith.constant 64 : index
        %get3A_356 = tpu.vector_load %arg10[%get3A_354, %get3A_355] {strides = array<i32>} : memref<80x128xf32, #tpu.memory_space<vmem>>, vector<1x16xf32>,
        %get3A_357 = vector.shape_cast %get3A_356 : vector<1x16xf32> to vector<16xf32>
        %get3A_358 = arith.index_cast %scan3A_287 : i32 to index
        %get3A_359 = arith.constant 64 : index
        %get3A_360 = tpu.vector_load %arg12[%get3A_358, %get3A_359] {strides = array<i32>} : memref<80x128xf32, #tpu.memory_space<vmem>>, vector<1x16xf32>,
        %get3A_361 = vector.shape_cast %get3A_360 : vector<1x16xf32> to vector<16xf32>
        %add3A_362 = arith.addf %get3A_357, %get3A_361 : vector<16xf32>
        %max3A_363 = arith.constant 0.000000e+00 : f32
        %max3A_364 = vector.broadcast %max3A_363 : f32 to vector<16xf32>
        %max3A_365 = arith.maximumf %add3A_362, %max3A_364 : vector<16xf32>
        %swap3A_366 = arith.index_cast %scan3A_287 : i32 to index
        %swap3A_367 = arith.constant 64 : index
        %swap3A_368 = tpu.vector_load %arg10[%swap3A_366, %swap3A_367] {strides = array<i32>} : memref<80x128xf32, #tpu.memory_space<vmem>>, vector<1x16xf32>,
        %swap3A_369 = vector.shape_cast %swap3A_368 : vector<1x16xf32> to vector<16xf32>
        %swap3A_370 = vector.shape_cast %max3A_365 : vector<16xf32> to vector<1x16xf32>
        tpu.vector_store %arg10[%swap3A_366, %swap3A_367], %swap3A_370 {strides = array<i32>} : memref<80x128xf32, #tpu.memory_space<vmem>>, vector<1x16xf32>,
        %scan3A_371 = arith.constant 0 : i32
        scf.yield %scan3A_371 : i32
      }
      %scan3A_264 = arith.constant 80 : i32
      %dma_start3A_265 = arith.constant 1 : i32
      %dma_start3A_266 = arith.constant 0 : i32
      %dma_start3A_267 = tpu.memref_slice %arg8[%dma_start3A_265, %dma_start3A_266] : memref<2x80xi32, #tpu.memory_space<vmem>> -> memref<1x80xi32, #tpu.memory_space<vmem>>
      %dma_start3A_268 = tpu.memref_squeeze %dma_start3A_267 : memref<1x80xi32, #tpu.memory_space<vmem>> -> memref<80xi32, #tpu.memory_space<vmem>>
      %dma_start3A_269 = arith.constant 0 : i32
      %dma_start3A_270 = arith.constant 0 : i32
      %dma_start3A_271 = tpu.memref_slice %arg14[%dma_start3A_269, %dma_start3A_270] : memref<10112x128xf32, #tpu.memory_space<vmem_shared>> -> memref<10112x128xf32, #tpu.memory_space<vmem_shared>>
      tpu.enqueue_indirect_dma source(%arg10 : memref<80x128xf32, #tpu.memory_space<vmem>>) target(%dma_start3A_271 : memref<10112x128xf32, #tpu.memory_space<vmem_shared>>) offsets(%dma_start3A_268 : memref<80xi32, #tpu.memory_space<vmem>>) semaphore(%arg18 : memref<!tpu.dma_semaphore, #tpu.memory_space<semaphore_mem>>) {add = true}
      %dma_wait3A_272 = arith.constant 0 : i32
      %dma_wait3A_273 = arith.constant 0 : i32
      %dma_wait3A_274 = tpu.memref_slice %arg8[%dma_wait3A_272, %dma_wait3A_273] : memref<2x80xi32, #tpu.memory_space<vmem>> -> memref<1x80xi32, #tpu.memory_space<vmem>>
      %dma_wait3A_275 = tpu.memref_squeeze %dma_wait3A_274 : memref<1x80xi32, #tpu.memory_space<vmem>> -> memref<80xi32, #tpu.memory_space<vmem>>
      %dma_wait3A_276 = arith.constant 0 : i32
      %dma_wait3A_277 = arith.constant 0 : i32
      %dma_wait3A_278 = tpu.memref_slice %arg14[%dma_wait3A_276, %dma_wait3A_277] : memref<10112x128xf32, #tpu.memory_space<vmem_shared>> -> memref<10112x128xf32, #tpu.memory_space<vmem_shared>>
      tpu.wait_indirect_dma semaphore(%arg18 : memref<!tpu.dma_semaphore, #tpu.memory_space<semaphore_mem>>) src(%arg9 : memref<80x128xf32, #tpu.memory_space<vmem>>) dst(%dma_wait3A_278 : memref<10112x128xf32, #tpu.memory_space<vmem_shared>>)
      %dma_wait3A_279 = arith.constant 1 : i32
      %dma_wait3A_280 = arith.constant 0 : i32
      %dma_wait3A_281 = tpu.memref_slice %arg8[%dma_wait3A_279, %dma_wait3A_280] : memref<2x80xi32, #tpu.memory_space<vmem>> -> memref<1x80xi32, #tpu.memory_space<vmem>>
      %dma_wait3A_282 = tpu.memref_squeeze %dma_wait3A_281 : memref<1x80xi32, #tpu.memory_space<vmem>> -> memref<80xi32, #tpu.memory_space<vmem>>
      %dma_wait3A_283 = arith.constant 0 : i32
      %dma_wait3A_284 = arith.constant 0 : i32
      %dma_wait3A_285 = tpu.memref_slice %arg14[%dma_wait3A_283, %dma_wait3A_284] : memref<10112x128xf32, #tpu.memory_space<vmem_shared>> -> memref<10112x128xf32, #tpu.memory_space<vmem_shared>>
      tpu.wait_indirect_dma semaphore(%arg18 : memref<!tpu.dma_semaphore, #tpu.memory_space<semaphore_mem>>) src(%arg10 : memref<80x128xf32, #tpu.memory_space<vmem>>) dst(%dma_wait3A_285 : memref<10112x128xf32, #tpu.memory_space<vmem_shared>>)
      %scan3A_286 = arith.constant 0 : i32
      scf.yield %scan3A_286 : i32
    }
    %scan3A_29 = arith.constant 62 : i32
    %add3A_30 = arith.constant 9920 : i32
    %add3A_31 = arith.addi %mul3A_2, %add3A_30 : i32
    %dma_start3A = arith.constant 0 : i32
    %dma_start3A_32 = arith.constant 0 : i32
    %dma_start3A_33 = tpu.memref_slice %arg7[%dma_start3A, %dma_start3A_32] : memref<2x80xi32, #tpu.memory_space<vmem>> -> memref<1x80xi32, #tpu.memory_space<vmem>>
    %dma_start3A_34 = tpu.memref_squeeze %dma_start3A_33 : memref<1x80xi32, #tpu.memory_space<vmem>> -> memref<80xi32, #tpu.memory_space<vmem>>
    %dma_start3A_35 = tpu.memref_slice %arg4[%add3A_31] : memref<320000xi32, #tpu.memory_space<hbm>> -> memref<80xi32, #tpu.memory_space<hbm>>
    %dma_start3A_36 = arith.constant 0 : i32
    %dma_start3A_37 = tpu.memref_slice %arg7[%dma_start3A, %dma_start3A_36] : memref<2x80xi32, #tpu.memory_space<vmem>> -> memref<1x80xi32, #tpu.memory_space<vmem>>
    %dma_start3A_38 = tpu.memref_squeeze %dma_start3A_37 : memref<1x80xi32, #tpu.memory_space<vmem>> -> memref<80xi32, #tpu.memory_space<vmem>>
    %dma_start3A_39 = tpu.memref_slice %arg4[%add3A_31] : memref<320000xi32, #tpu.memory_space<hbm>> -> memref<80xi32, #tpu.memory_space<hbm>>
    tpu.enqueue_dma source(%dma_start3A_39 : memref<80xi32, #tpu.memory_space<hbm>>) target(%dma_start3A_38 : memref<80xi32, #tpu.memory_space<vmem>>) target_semaphore(%arg15 : memref<!tpu.dma_semaphore, #tpu.memory_space<semaphore_mem>>)
    %dma_start3A_40 = arith.constant 0 : i32
    %dma_start3A_41 = arith.constant 0 : i32
    %dma_start3A_42 = tpu.memref_slice %arg8[%dma_start3A_40, %dma_start3A_41] : memref<2x80xi32, #tpu.memory_space<vmem>> -> memref<1x80xi32, #tpu.memory_space<vmem>>
    %dma_start3A_43 = tpu.memref_squeeze %dma_start3A_42 : memref<1x80xi32, #tpu.memory_space<vmem>> -> memref<80xi32, #tpu.memory_space<vmem>>
    %dma_start3A_44 = tpu.memref_slice %arg5[%add3A_31] : memref<320000xi32, #tpu.memory_space<hbm>> -> memref<80xi32, #tpu.memory_space<hbm>>
    %dma_start3A_45 = arith.constant 0 : i32
    %dma_start3A_46 = tpu.memref_slice %arg8[%dma_start3A_40, %dma_start3A_45] : memref<2x80xi32, #tpu.memory_space<vmem>> -> memref<1x80xi32, #tpu.memory_space<vmem>>
    %dma_start3A_47 = tpu.memref_squeeze %dma_start3A_46 : memref<1x80xi32, #tpu.memory_space<vmem>> -> memref<80xi32, #tpu.memory_space<vmem>>
    %dma_start3A_48 = tpu.memref_slice %arg5[%add3A_31] : memref<320000xi32, #tpu.memory_space<hbm>> -> memref<80xi32, #tpu.memory_space<hbm>>
    tpu.enqueue_dma source(%dma_start3A_48 : memref<80xi32, #tpu.memory_space<hbm>>) target(%dma_start3A_47 : memref<80xi32, #tpu.memory_space<vmem>>) target_semaphore(%arg15 : memref<!tpu.dma_semaphore, #tpu.memory_space<semaphore_mem>>)
    %dma_start3A_49 = arith.constant 0 : i32
    %dma_start3A_50 = tpu.memref_slice %arg3[%add3A_31, %dma_start3A_49] : memref<320000x128xf32, #tpu.memory_space<hbm>> -> memref<80x128xf32, #tpu.memory_space<hbm>>
    %dma_start3A_51 = arith.constant 0 : i32
    %dma_start3A_52 = tpu.memref_slice %arg3[%add3A_31, %dma_start3A_51] : memref<320000x128xf32, #tpu.memory_space<hbm>> -> memref<80x128xf32, #tpu.memory_space<hbm>>
    tpu.enqueue_dma source(%dma_start3A_52 : memref<80x128xf32, #tpu.memory_space<hbm>>) target(%arg11 : memref<80x128xf32, #tpu.memory_space<vmem>>) target_semaphore(%arg17 : memref<!tpu.dma_semaphore, #tpu.memory_space<semaphore_mem>>)
    %dma_wait3A = arith.constant 0 : i32
    %dma_wait3A_53 = arith.constant 0 : i32
    %dma_wait3A_54 = tpu.memref_slice %arg7[%dma_wait3A, %dma_wait3A_53] : memref<2x80xi32, #tpu.memory_space<vmem>> -> memref<1x80xi32, #tpu.memory_space<vmem>>
    %dma_wait3A_55 = tpu.memref_squeeze %dma_wait3A_54 : memref<1x80xi32, #tpu.memory_space<vmem>> -> memref<80xi32, #tpu.memory_space<vmem>>
    %dma_wait3A_56 = tpu.memref_slice %arg4[%add3A_31] : memref<320000xi32, #tpu.memory_space<hbm>> -> memref<80xi32, #tpu.memory_space<hbm>>
    %dma_wait3A_57 = arith.constant 0 : i32
    %dma_wait3A_58 = tpu.memref_slice %arg7[%dma_wait3A, %dma_wait3A_57] : memref<2x80xi32, #tpu.memory_space<vmem>> -> memref<1x80xi32, #tpu.memory_space<vmem>>
    %dma_wait3A_59 = tpu.memref_squeeze %dma_wait3A_58 : memref<1x80xi32, #tpu.memory_space<vmem>> -> memref<80xi32, #tpu.memory_space<vmem>>
    %dma_wait3A_60 = tpu.memref_slice %arg4[%add3A_31] : memref<320000xi32, #tpu.memory_space<hbm>> -> memref<80xi32, #tpu.memory_space<hbm>>
    tpu.wait_dma2 semaphore(%arg15 : memref<!tpu.dma_semaphore, #tpu.memory_space<semaphore_mem>>) src(%dma_wait3A_60 : memref<80xi32, #tpu.memory_space<hbm>>) dst(%dma_wait3A_59 : memref<80xi32, #tpu.memory_space<vmem>>)
    %dma_wait3A_61 = arith.constant 0 : i32
    %dma_wait3A_62 = arith.constant 0 : i32
    %dma_wait3A_63 = tpu.memref_slice %arg8[%dma_wait3A_61, %dma_wait3A_62] : memref<2x80xi32, #tpu.memory_space<vmem>> -> memref<1x80xi32, #tpu.memory_space<vmem>>
    %dma_wait3A_64 = tpu.memref_squeeze %dma_wait3A_63 : memref<1x80xi32, #tpu.memory_space<vmem>> -> memref<80xi32, #tpu.memory_space<vmem>>
    %dma_wait3A_65 = tpu.memref_slice %arg5[%add3A_31] : memref<320000xi32, #tpu.memory_space<hbm>> -> memref<80xi32, #tpu.memory_space<hbm>>
    %dma_wait3A_66 = arith.constant 0 : i32
    %dma_wait3A_67 = tpu.memref_slice %arg8[%dma_wait3A_61, %dma_wait3A_66] : memref<2x80xi32, #tpu.memory_space<vmem>> -> memref<1x80xi32, #tpu.memory_space<vmem>>
    %dma_wait3A_68 = tpu.memref_squeeze %dma_wait3A_67 : memref<1x80xi32, #tpu.memory_space<vmem>> -> memref<80xi32, #tpu.memory_space<vmem>>
    %dma_wait3A_69 = tpu.memref_slice %arg5[%add3A_31] : memref<320000xi32, #tpu.memory_space<hbm>> -> memref<80xi32, #tpu.memory_space<hbm>>
    tpu.wait_dma2 semaphore(%arg15 : memref<!tpu.dma_semaphore, #tpu.memory_space<semaphore_mem>>) src(%dma_wait3A_69 : memref<80xi32, #tpu.memory_space<hbm>>) dst(%dma_wait3A_68 : memref<80xi32, #tpu.memory_space<vmem>>)
    %dma_start3A_70 = arith.constant 0 : i32
    %dma_start3A_71 = arith.constant 0 : i32
    %dma_start3A_72 = tpu.memref_slice %arg7[%dma_start3A_70, %dma_start3A_71] : memref<2x80xi32, #tpu.memory_space<vmem>> -> memref<1x80xi32, #tpu.memory_space<vmem>>
    %dma_start3A_73 = tpu.memref_squeeze %dma_start3A_72 : memref<1x80xi32, #tpu.memory_space<vmem>> -> memref<80xi32, #tpu.memory_space<vmem>>
    %dma_start3A_74 = arith.constant 0 : i32
    %dma_start3A_75 = arith.constant 0 : i32
    %dma_start3A_76 = tpu.memref_slice %arg2[%dma_start3A_74, %dma_start3A_75] : memref<10000x128xf32, #tpu.memory_space<hbm>> -> memref<10000x128xf32, #tpu.memory_space<hbm>>
    tpu.enqueue_indirect_dma source(%dma_start3A_76 : memref<10000x128xf32, #tpu.memory_space<hbm>>) target(%arg9 : memref<80x128xf32, #tpu.memory_space<vmem>>) offsets(%dma_start3A_73 : memref<80xi32, #tpu.memory_space<vmem>>) semaphore(%arg16 : memref<!tpu.dma_semaphore, #tpu.memory_space<semaphore_mem>>)
    %dma_wait3A_77 = arith.constant 0 : i32
    %dma_wait3A_78 = arith.constant 0 : i32
    %dma_wait3A_79 = tpu.memref_slice %arg7[%dma_wait3A_77, %dma_wait3A_78] : memref<2x80xi32, #tpu.memory_space<vmem>> -> memref<1x80xi32, #tpu.memory_space<vmem>>
    %dma_wait3A_80 = tpu.memref_squeeze %dma_wait3A_79 : memref<1x80xi32, #tpu.memory_space<vmem>> -> memref<80xi32, #tpu.memory_space<vmem>>
    %dma_wait3A_81 = arith.constant 0 : i32
    %dma_wait3A_82 = arith.constant 0 : i32
    %dma_wait3A_83 = tpu.memref_slice %arg2[%dma_wait3A_81, %dma_wait3A_82] : memref<10000x128xf32, #tpu.memory_space<hbm>> -> memref<10000x128xf32, #tpu.memory_space<hbm>>
    tpu.wait_indirect_dma semaphore(%arg16 : memref<!tpu.dma_semaphore, #tpu.memory_space<semaphore_mem>>) src(%dma_wait3A_83 : memref<10000x128xf32, #tpu.memory_space<hbm>>) dst(%arg9 : memref<80x128xf32, #tpu.memory_space<vmem>>)
    %dma_wait3A_84 = arith.constant 0 : i32
    %dma_wait3A_85 = tpu.memref_slice %arg3[%add3A_31, %dma_wait3A_84] : memref<320000x128xf32, #tpu.memory_space<hbm>> -> memref<80x128xf32, #tpu.memory_space<hbm>>
    %dma_wait3A_86 = arith.constant 0 : i32
    %dma_wait3A_87 = tpu.memref_slice %arg3[%add3A_31, %dma_wait3A_86] : memref<320000x128xf32, #tpu.memory_space<hbm>> -> memref<80x128xf32, #tpu.memory_space<hbm>>
    tpu.wait_dma2 semaphore(%arg17 : memref<!tpu.dma_semaphore, #tpu.memory_space<semaphore_mem>>) src(%dma_wait3A_87 : memref<80x128xf32, #tpu.memory_space<hbm>>) dst(%arg11 : memref<80x128xf32, #tpu.memory_space<vmem>>)
    %scan3A_88 = arith.constant 0 : i32
    %scan3A_89 = arith.constant 0 : i32
    %scan3A_90 = arith.constant 80 : i32
    %scan3A_91 = arith.addi %scan3A_89, %scan3A_90 : i32
    %scan3A_92 = arith.constant 1 : i32
    %scan3A_93 = scf.for %scan3A_114 = %scan3A_89 to %scan3A_91 step %scan3A_92 iter_args(%scan3A_115 = %scan3A_88) -> (i32)  : i32 {
      %get3A = arith.index_cast %scan3A_114 : i32 to index
      %get3A_116 = arith.constant 0 : index
      %get3A_117 = tpu.vector_load %arg9[%get3A, %get3A_116] {strides = array<i32>} : memref<80x128xf32, #tpu.memory_space<vmem>>, vector<1x16xf32>,
      %get3A_118 = vector.shape_cast %get3A_117 : vector<1x16xf32> to vector<16xf32>
      %get3A_119 = arith.index_cast %scan3A_114 : i32 to index
      %get3A_120 = arith.constant 0 : index
      %get3A_121 = tpu.vector_load %arg11[%get3A_119, %get3A_120] {strides = array<i32>} : memref<80x128xf32, #tpu.memory_space<vmem>>, vector<1x16xf32>,
      %get3A_122 = vector.shape_cast %get3A_121 : vector<1x16xf32> to vector<16xf32>
      %add3A_123 = arith.addf %get3A_118, %get3A_122 : vector<16xf32>
      %max3A = arith.constant 0.000000e+00 : f32
      %max3A_124 = vector.broadcast %max3A : f32 to vector<16xf32>
      %max3A_125 = arith.maximumf %add3A_123, %max3A_124 : vector<16xf32>
      %swap3A = arith.index_cast %scan3A_114 : i32 to index
      %swap3A_126 = arith.constant 0 : index
      %swap3A_127 = tpu.vector_load %arg9[%swap3A, %swap3A_126] {strides = array<i32>} : memref<80x128xf32, #tpu.memory_space<vmem>>, vector<1x16xf32>,
      %swap3A_128 = vector.shape_cast %swap3A_127 : vector<1x16xf32> to vector<16xf32>
      %swap3A_129 = vector.shape_cast %max3A_125 : vector<16xf32> to vector<1x16xf32>
      tpu.vector_store %arg9[%swap3A, %swap3A_126], %swap3A_129 {strides = array<i32>} : memref<80x128xf32, #tpu.memory_space<vmem>>, vector<1x16xf32>,
      %get3A_130 = arith.index_cast %scan3A_114 : i32 to index
      %get3A_131 = arith.constant 16 : index
      %get3A_132 = tpu.vector_load %arg9[%get3A_130, %get3A_131] {strides = array<i32>} : memref<80x128xf32, #tpu.memory_space<vmem>>, vector<1x16xf32>,
      %get3A_133 = vector.shape_cast %get3A_132 : vector<1x16xf32> to vector<16xf32>
      %get3A_134 = arith.index_cast %scan3A_114 : i32 to index
      %get3A_135 = arith.constant 16 : index
      %get3A_136 = tpu.vector_load %arg11[%get3A_134, %get3A_135] {strides = array<i32>} : memref<80x128xf32, #tpu.memory_space<vmem>>, vector<1x16xf32>,
      %get3A_137 = vector.shape_cast %get3A_136 : vector<1x16xf32> to vector<16xf32>
      %add3A_138 = arith.addf %get3A_133, %get3A_137 : vector<16xf32>
      %max3A_139 = arith.constant 0.000000e+00 : f32
      %max3A_140 = vector.broadcast %max3A_139 : f32 to vector<16xf32>
      %max3A_141 = arith.maximumf %add3A_138, %max3A_140 : vector<16xf32>
      %swap3A_142 = arith.index_cast %scan3A_114 : i32 to index
      %swap3A_143 = arith.constant 16 : index
      %swap3A_144 = tpu.vector_load %arg9[%swap3A_142, %swap3A_143] {strides = array<i32>} : memref<80x128xf32, #tpu.memory_space<vmem>>, vector<1x16xf32>,
      %swap3A_145 = vector.shape_cast %swap3A_144 : vector<1x16xf32> to vector<16xf32>
      %swap3A_146 = vector.shape_cast %max3A_141 : vector<16xf32> to vector<1x16xf32>
      tpu.vector_store %arg9[%swap3A_142, %swap3A_143], %swap3A_146 {strides = array<i32>} : memref<80x128xf32, #tpu.memory_space<vmem>>, vector<1x16xf32>,
      %get3A_147 = arith.index_cast %scan3A_114 : i32 to index
      %get3A_148 = arith.constant 32 : index
      %get3A_149 = tpu.vector_load %arg9[%get3A_147, %get3A_148] {strides = array<i32>} : memref<80x128xf32, #tpu.memory_space<vmem>>, vector<1x16xf32>,
      %get3A_150 = vector.shape_cast %get3A_149 : vector<1x16xf32> to vector<16xf32>
      %get3A_151 = arith.index_cast %scan3A_114 : i32 to index
      %get3A_152 = arith.constant 32 : index
      %get3A_153 = tpu.vector_load %arg11[%get3A_151, %get3A_152] {strides = array<i32>} : memref<80x128xf32, #tpu.memory_space<vmem>>, vector<1x16xf32>,
      %get3A_154 = vector.shape_cast %get3A_153 : vector<1x16xf32> to vector<16xf32>
      %add3A_155 = arith.addf %get3A_150, %get3A_154 : vector<16xf32>
      %max3A_156 = arith.constant 0.000000e+00 : f32
      %max3A_157 = vector.broadcast %max3A_156 : f32 to vector<16xf32>
      %max3A_158 = arith.maximumf %add3A_155, %max3A_157 : vector<16xf32>
      %swap3A_159 = arith.index_cast %scan3A_114 : i32 to index
      %swap3A_160 = arith.constant 32 : index
      %swap3A_161 = tpu.vector_load %arg9[%swap3A_159, %swap3A_160] {strides = array<i32>} : memref<80x128xf32, #tpu.memory_space<vmem>>, vector<1x16xf32>,
      %swap3A_162 = vector.shape_cast %swap3A_161 : vector<1x16xf32> to vector<16xf32>
      %swap3A_163 = vector.shape_cast %max3A_158 : vector<16xf32> to vector<1x16xf32>
      tpu.vector_store %arg9[%swap3A_159, %swap3A_160], %swap3A_163 {strides = array<i32>} : memref<80x128xf32, #tpu.memory_space<vmem>>, vector<1x16xf32>,
      %get3A_164 = arith.index_cast %scan3A_114 : i32 to index
      %get3A_165 = arith.constant 48 : index
      %get3A_166 = tpu.vector_load %arg9[%get3A_164, %get3A_165] {strides = array<i32>} : memref<80x128xf32, #tpu.memory_space<vmem>>, vector<1x16xf32>,
      %get3A_167 = vector.shape_cast %get3A_166 : vector<1x16xf32> to vector<16xf32>
      %get3A_168 = arith.index_cast %scan3A_114 : i32 to index
      %get3A_169 = arith.constant 48 : index
      %get3A_170 = tpu.vector_load %arg11[%get3A_168, %get3A_169] {strides = array<i32>} : memref<80x128xf32, #tpu.memory_space<vmem>>, vector<1x16xf32>,
      %get3A_171 = vector.shape_cast %get3A_170 : vector<1x16xf32> to vector<16xf32>
      %add3A_172 = arith.addf %get3A_167, %get3A_171 : vector<16xf32>
      %max3A_173 = arith.constant 0.000000e+00 : f32
      %max3A_174 = vector.broadcast %max3A_173 : f32 to vector<16xf32>
      %max3A_175 = arith.maximumf %add3A_172, %max3A_174 : vector<16xf32>
      %swap3A_176 = arith.index_cast %scan3A_114 : i32 to index
      %swap3A_177 = arith.constant 48 : index
      %swap3A_178 = tpu.vector_load %arg9[%swap3A_176, %swap3A_177] {strides = array<i32>} : memref<80x128xf32, #tpu.memory_space<vmem>>, vector<1x16xf32>,
      %swap3A_179 = vector.shape_cast %swap3A_178 : vector<1x16xf32> to vector<16xf32>
      %swap3A_180 = vector.shape_cast %max3A_175 : vector<16xf32> to vector<1x16xf32>
      tpu.vector_store %arg9[%swap3A_176, %swap3A_177], %swap3A_180 {strides = array<i32>} : memref<80x128xf32, #tpu.memory_space<vmem>>, vector<1x16xf32>,
      %get3A_181 = arith.index_cast %scan3A_114 : i32 to index
      %get3A_182 = arith.constant 64 : index
      %get3A_183 = tpu.vector_load %arg9[%get3A_181, %get3A_182] {strides = array<i32>} : memref<80x128xf32, #tpu.memory_space<vmem>>, vector<1x16xf32>,
      %get3A_184 = vector.shape_cast %get3A_183 : vector<1x16xf32> to vector<16xf32>
      %get3A_185 = arith.index_cast %scan3A_114 : i32 to index
      %get3A_186 = arith.constant 64 : index
      %get3A_187 = tpu.vector_load %arg11[%get3A_185, %get3A_186] {strides = array<i32>} : memref<80x128xf32, #tpu.memory_space<vmem>>, vector<1x16xf32>,
      %get3A_188 = vector.shape_cast %get3A_187 : vector<1x16xf32> to vector<16xf32>
      %add3A_189 = arith.addf %get3A_184, %get3A_188 : vector<16xf32>
      %max3A_190 = arith.constant 0.000000e+00 : f32
      %max3A_191 = vector.broadcast %max3A_190 : f32 to vector<16xf32>
      %max3A_192 = arith.maximumf %add3A_189, %max3A_191 : vector<16xf32>
      %swap3A_193 = arith.index_cast %scan3A_114 : i32 to index
      %swap3A_194 = arith.constant 64 : index
      %swap3A_195 = tpu.vector_load %arg9[%swap3A_193, %swap3A_194] {strides = array<i32>} : memref<80x128xf32, #tpu.memory_space<vmem>>, vector<1x16xf32>,
      %swap3A_196 = vector.shape_cast %swap3A_195 : vector<1x16xf32> to vector<16xf32>
      %swap3A_197 = vector.shape_cast %max3A_192 : vector<16xf32> to vector<1x16xf32>
      tpu.vector_store %arg9[%swap3A_193, %swap3A_194], %swap3A_197 {strides = array<i32>} : memref<80x128xf32, #tpu.memory_space<vmem>>, vector<1x16xf32>,
      %scan3A_198 = arith.constant 0 : i32
      scf.yield %scan3A_198 : i32
    }
    %scan3A_94 = arith.constant 80 : i32
    %dma_start3A_95 = arith.constant 0 : i32
    %dma_start3A_96 = arith.constant 0 : i32
    %dma_start3A_97 = tpu.memref_slice %arg8[%dma_start3A_95, %dma_start3A_96] : memref<2x80xi32, #tpu.memory_space<vmem>> -> memref<1x80xi32, #tpu.memory_space<vmem>>
    %dma_start3A_98 = tpu.memref_squeeze %dma_start3A_97 : memref<1x80xi32, #tpu.memory_space<vmem>> -> memref<80xi32, #tpu.memory_space<vmem>>
    %dma_start3A_99 = arith.constant 0 : i32
    %dma_start3A_100 = arith.constant 0 : i32
    %dma_start3A_101 = tpu.memref_slice %arg14[%dma_start3A_99, %dma_start3A_100] : memref<10112x128xf32, #tpu.memory_space<vmem_shared>> -> memref<10112x128xf32, #tpu.memory_space<vmem_shared>>
    tpu.enqueue_indirect_dma source(%arg9 : memref<80x128xf32, #tpu.memory_space<vmem>>) target(%dma_start3A_101 : memref<10112x128xf32, #tpu.memory_space<vmem_shared>>) offsets(%dma_start3A_98 : memref<80xi32, #tpu.memory_space<vmem>>) semaphore(%arg18 : memref<!tpu.dma_semaphore, #tpu.memory_space<semaphore_mem>>) {add = true}
    %dma_wait3A_102 = arith.constant 0 : i32
    %dma_wait3A_103 = arith.constant 0 : i32
    %dma_wait3A_104 = tpu.memref_slice %arg8[%dma_wait3A_102, %dma_wait3A_103] : memref<2x80xi32, #tpu.memory_space<vmem>> -> memref<1x80xi32, #tpu.memory_space<vmem>>
    %dma_wait3A_105 = tpu.memref_squeeze %dma_wait3A_104 : memref<1x80xi32, #tpu.memory_space<vmem>> -> memref<80xi32, #tpu.memory_space<vmem>>
    %dma_wait3A_106 = arith.constant 0 : i32
    %dma_wait3A_107 = arith.constant 0 : i32
    %dma_wait3A_108 = tpu.memref_slice %arg14[%dma_wait3A_106, %dma_wait3A_107] : memref<10112x128xf32, #tpu.memory_space<vmem_shared>> -> memref<10112x128xf32, #tpu.memory_space<vmem_shared>>
    tpu.wait_indirect_dma semaphore(%arg18 : memref<!tpu.dma_semaphore, #tpu.memory_space<semaphore_mem>>) src(%arg9 : memref<80x128xf32, #tpu.memory_space<vmem>>) dst(%dma_wait3A_108 : memref<10112x128xf32, #tpu.memory_space<vmem_shared>>)
    %barrier3A_109 = arith.constant 0 : index
    tpu.barrier barrier_id(%barrier3A_109)
    %mul3A_110 = arith.constant 632 : i32
    %mul3A_111 = arith.muli %arg1, %mul3A_110 : i32
    %mul3A_112 = arith.constant 632 : i32
    %mul3A_113 = arith.muli %arg1, %mul3A_112 : i32
    "tpu.region"() ({
      %run_scoped3A = tpu.sem_alloc : memref<!tpu.dma_semaphore, #tpu.memory_space<semaphore_mem>>
      %dma_start3A_114 = arith.constant 0 : i32
      %dma_start3A_115 = tpu.memref_slice %arg6[%arg0, %mul3A_113, %dma_start3A_114] : memref<2x10112x128xf32, #tpu.memory_space<hbm>> -> memref<1x632x128xf32, #tpu.memory_space<hbm>>
      %dma_start3A_116 = tpu.memref_squeeze %dma_start3A_115 : memref<1x632x128xf32, #tpu.memory_space<hbm>> -> memref<632x128xf32, #tpu.memory_space<hbm>>
      %dma_start3A_117 = arith.constant 0 : i32
      %dma_start3A_118 = tpu.memref_slice %arg14[%mul3A_111, %dma_start3A_117] : memref<10112x128xf32, #tpu.memory_space<vmem_shared>> -> memref<632x128xf32, #tpu.memory_space<vmem_shared>>
      tpu.enqueue_dma source(%dma_start3A_118 : memref<632x128xf32, #tpu.memory_space<vmem_shared>>) target(%dma_start3A_116 : memref<632x128xf32, #tpu.memory_space<hbm>>) target_semaphore(%run_scoped3A : memref<!tpu.dma_semaphore, #tpu.memory_space<semaphore_mem>>)
      %dma_wait3A_119 = arith.constant 0 : i32
      %dma_wait3A_120 = tpu.memref_slice %arg6[%arg0, %mul3A_113, %dma_wait3A_119] : memref<2x10112x128xf32, #tpu.memory_space<hbm>> -> memref<1x632x128xf32, #tpu.memory_space<hbm>>
      %dma_wait3A_121 = tpu.memref_squeeze %dma_wait3A_120 : memref<1x632x128xf32, #tpu.memory_space<hbm>> -> memref<632x128xf32, #tpu.memory_space<hbm>>
      %dma_wait3A_122 = arith.constant 0 : i32
      %dma_wait3A_123 = tpu.memref_slice %arg14[%mul3A_111, %dma_wait3A_122] : memref<10112x128xf32, #tpu.memory_space<vmem_shared>> -> memref<632x128xf32, #tpu.memory_space<vmem_shared>>
      tpu.wait_dma2 semaphore(%run_scoped3A : memref<!tpu.dma_semaphore, #tpu.memory_space<semaphore_mem>>) src(%dma_wait3A_123 : memref<632x128xf32, #tpu.memory_space<vmem_shared>>) dst(%dma_wait3A_121 : memref<632x128xf32, #tpu.memory_space<hbm>>)
      tpu.yield
    }) : () -> ()
    return
  }
}

#map = affine_map<(d0, d1) -> (0, 0)>
#map1 = affine_map<(d0, d1) -> (0)>
#map2 = affine_map<(d0, d1) -> (0, 0, 0)>
module attributes {stable_mosaic.version = 14 : i64} {
  func.func @_sc_msg_body(%arg0: i32, %arg1: i32, %arg2: memref<10000x128xf32, #tpu.memory_space<hbm>>, %arg3: memref<320000x128xf32, #tpu.memory_space<hbm>>, %arg4: memref<320000xi32, #tpu.memory_space<hbm>>, %arg5: memref<320000xi32, #tpu.memory_space<hbm>>, %arg6: memref<2x10112x128xf32, #tpu.memory_space<hbm>>, %arg7: memref<2x80xi32, #tpu.memory_space<vmem>>, %arg8: memref<2x80xi32, #tpu.memory_space<vmem>>, %arg9: memref<80x128xf32, #tpu.memory_space<vmem>>, %arg10: memref<80x128xf32, #tpu.memory_space<vmem>>, %arg11: memref<80x128xf32, #tpu.memory_space<vmem>>, %arg12: memref<80x128xf32, #tpu.memory_space<vmem>>, %arg13: memref<8x128xf32, #tpu.memory_space<vmem>>, %arg14: memref<10112x128xf32, #tpu.memory_space<vmem_shared>>, %arg15: memref<!tpu.dma_semaphore, #tpu.memory_space<semaphore_mem>>, %arg16: memref<!tpu.dma_semaphore, #tpu.memory_space<semaphore_mem>>, %arg17: memref<!tpu.dma_semaphore, #tpu.memory_space<semaphore_mem>>, %arg18: memref<!tpu.dma_semaphore, #tpu.memory_space<semaphore_mem>>, %arg19: memref<!tpu.dma_semaphore, #tpu.memory_space<semaphore_mem>>) attributes {dimension_semantics = [#tpu.dimension_semantics<core_parallel>, #tpu.dimension_semantics<subcore_parallel>], iteration_bounds = array<i64: 2, 16>, scalar_prefetch = 0 : i64, scratch_operands = 13 : i64, tpu.core_type = #tpu.core_type<sc_vector_subcore>, window_params = [{transform_indices = #map}, {transform_indices = #map}, {transform_indices = #map1}, {transform_indices = #map1}, {transform_indices = #map2}]} {
    %mul3A = arith.constant 16 : i32
    %mul3A_0 = arith.muli %arg0, %mul3A : i32
    %add3A = arith.addi %mul3A_0, %arg1 : i32
    %mul3A_1 = arith.constant 10000 : i32
    %mul3A_2 = arith.muli %add3A, %mul3A_1 : i32
    %scan3A = arith.constant 0 : i32
    %scan3A_3 = arith.constant 0 : i32
    %scan3A_4 = arith.constant 8 : i32
    %scan3A_5 = arith.addi %scan3A_3, %scan3A_4 : i32
    %scan3A_6 = arith.constant 1 : i32
    %scan3A_7 = scf.for %scan3A_114 = %scan3A_3 to %scan3A_5 step %scan3A_6 iter_args(%scan3A_115 = %scan3A) -> (i32)  : i32 {
      %broadcast_in_dim3A = arith.constant 0.000000e+00 : f32
      %broadcast_in_dim3A_116 = vector.broadcast %broadcast_in_dim3A : f32 to vector<16xf32>
      %swap3A = arith.index_cast %scan3A_114 : i32 to index
      %swap3A_117 = arith.constant 0 : index
      %swap3A_118 = tpu.vector_load %arg13[%swap3A, %swap3A_117] {strides = array<i32>} : memref<8x128xf32, #tpu.memory_space<vmem>>, vector<1x16xf32>,
      %swap3A_119 = vector.shape_cast %swap3A_118 : vector<1x16xf32> to vector<16xf32>
      %swap3A_120 = vector.shape_cast %broadcast_in_dim3A_116 : vector<16xf32> to vector<1x16xf32>
      tpu.vector_store %arg13[%swap3A, %swap3A_117], %swap3A_120 {strides = array<i32>} : memref<8x128xf32, #tpu.memory_space<vmem>>, vector<1x16xf32>,
      %broadcast_in_dim3A_121 = arith.constant 0.000000e+00 : f32
      %broadcast_in_dim3A_122 = vector.broadcast %broadcast_in_dim3A_121 : f32 to vector<16xf32>
      %swap3A_123 = arith.index_cast %scan3A_114 : i32 to index
      %swap3A_124 = arith.constant 16 : index
      %swap3A_125 = tpu.vector_load %arg13[%swap3A_123, %swap3A_124] {strides = array<i32>} : memref<8x128xf32, #tpu.memory_space<vmem>>, vector<1x16xf32>,
      %swap3A_126 = vector.shape_cast %swap3A_125 : vector<1x16xf32> to vector<16xf32>
      %swap3A_127 = vector.shape_cast %broadcast_in_dim3A_122 : vector<16xf32> to vector<1x16xf32>
      tpu.vector_store %arg13[%swap3A_123, %swap3A_124], %swap3A_127 {strides = array<i32>} : memref<8x128xf32, #tpu.memory_space<vmem>>, vector<1x16xf32>,
      %broadcast_in_dim3A_128 = arith.constant 0.000000e+00 : f32
      %broadcast_in_dim3A_129 = vector.broadcast %broadcast_in_dim3A_128 : f32 to vector<16xf32>
      %swap3A_130 = arith.index_cast %scan3A_114 : i32 to index
      %swap3A_131 = arith.constant 32 : index
      %swap3A_132 = tpu.vector_load %arg13[%swap3A_130, %swap3A_131] {strides = array<i32>} : memref<8x128xf32, #tpu.memory_space<vmem>>, vector<1x16xf32>,
      %swap3A_133 = vector.shape_cast %swap3A_132 : vector<1x16xf32> to vector<16xf32>
      %swap3A_134 = vector.shape_cast %broadcast_in_dim3A_129 : vector<16xf32> to vector<1x16xf32>
      tpu.vector_store %arg13[%swap3A_130, %swap3A_131], %swap3A_134 {strides = array<i32>} : memref<8x128xf32, #tpu.memory_space<vmem>>, vector<1x16xf32>,
      %broadcast_in_dim3A_135 = arith.constant 0.000000e+00 : f32
      %broadcast_in_dim3A_136 = vector.broadcast %broadcast_in_dim3A_135 : f32 to vector<16xf32>
      %swap3A_137 = arith.index_cast %scan3A_114 : i32 to index
      %swap3A_138 = arith.constant 48 : index
      %swap3A_139 = tpu.vector_load %arg13[%swap3A_137, %swap3A_138] {strides = array<i32>} : memref<8x128xf32, #tpu.memory_space<vmem>>, vector<1x16xf32>,
      %swap3A_140 = vector.shape_cast %swap3A_139 : vector<1x16xf32> to vector<16xf32>
      %swap3A_141 = vector.shape_cast %broadcast_in_dim3A_136 : vector<16xf32> to vector<1x16xf32>
      tpu.vector_store %arg13[%swap3A_137, %swap3A_138], %swap3A_141 {strides = array<i32>} : memref<8x128xf32, #tpu.memory_space<vmem>>, vector<1x16xf32>,
      %broadcast_in_dim3A_142 = arith.constant 0.000000e+00 : f32
      %broadcast_in_dim3A_143 = vector.broadcast %broadcast_in_dim3A_142 : f32 to vector<16xf32>
      %swap3A_144 = arith.index_cast %scan3A_114 : i32 to index
      %swap3A_145 = arith.constant 64 : index
      %swap3A_146 = tpu.vector_load %arg13[%swap3A_144, %swap3A_145] {strides = array<i32>} : memref<8x128xf32, #tpu.memory_space<vmem>>, vector<1x16xf32>,
      %swap3A_147 = vector.shape_cast %swap3A_146 : vector<1x16xf32> to vector<16xf32>
      %swap3A_148 = vector.shape_cast %broadcast_in_dim3A_143 : vector<16xf32> to vector<1x16xf32>
      tpu.vector_store %arg13[%swap3A_144, %swap3A_145], %swap3A_148 {strides = array<i32>} : memref<8x128xf32, #tpu.memory_space<vmem>>, vector<1x16xf32>,
      %broadcast_in_dim3A_149 = arith.constant 0.000000e+00 : f32
      %broadcast_in_dim3A_150 = vector.broadcast %broadcast_in_dim3A_149 : f32 to vector<16xf32>
      %swap3A_151 = arith.index_cast %scan3A_114 : i32 to index
      %swap3A_152 = arith.constant 80 : index
      %swap3A_153 = tpu.vector_load %arg13[%swap3A_151, %swap3A_152] {strides = array<i32>} : memref<8x128xf32, #tpu.memory_space<vmem>>, vector<1x16xf32>,
      %swap3A_154 = vector.shape_cast %swap3A_153 : vector<1x16xf32> to vector<16xf32>
      %swap3A_155 = vector.shape_cast %broadcast_in_dim3A_150 : vector<16xf32> to vector<1x16xf32>
      tpu.vector_store %arg13[%swap3A_151, %swap3A_152], %swap3A_155 {strides = array<i32>} : memref<8x128xf32, #tpu.memory_space<vmem>>, vector<1x16xf32>,
      %broadcast_in_dim3A_156 = arith.constant 0.000000e+00 : f32
      %broadcast_in_dim3A_157 = vector.broadcast %broadcast_in_dim3A_156 : f32 to vector<16xf32>
      %swap3A_158 = arith.index_cast %scan3A_114 : i32 to index
      %swap3A_159 = arith.constant 96 : index
      %swap3A_160 = tpu.vector_load %arg13[%swap3A_158, %swap3A_159] {strides = array<i32>} : memref<8x128xf32, #tpu.memory_space<vmem>>, vector<1x16xf32>,
      %swap3A_161 = vector.shape_cast %swap3A_160 : vector<1x16xf32> to vector<16xf32>
      %swap3A_162 = vector.shape_cast %broadcast_in_dim3A_157 : vector<16xf32> to vector<1x16xf32>
      tpu.vector_store %arg13[%swap3A_158, %swap3A_159], %swap3A_162 {strides = array<i32>} : memref<8x128xf32, #tpu.memory_space<vmem>>, vector<1x16xf32>,
      %broadcast_in_dim3A_163 = arith.constant 0.000000e+00 : f32
      %broadcast_in_dim3A_164 = vector.broadcast %broadcast_in_dim3A_163 : f32 to vector<16xf32>
      %swap3A_165 = arith.index_cast %scan3A_114 : i32 to index
      %swap3A_166 = arith.constant 112 : index
      %swap3A_167 = tpu.vector_load %arg13[%swap3A_165, %swap3A_166] {strides = array<i32>} : memref<8x128xf32, #tpu.memory_space<vmem>>, vector<1x16xf32>,
      %swap3A_168 = vector.shape_cast %swap3A_167 : vector<1x16xf32> to vector<16xf32>
      %swap3A_169 = vector.shape_cast %broadcast_in_dim3A_164 : vector<16xf32> to vector<1x16xf32>
      tpu.vector_store %arg13[%swap3A_165, %swap3A_166], %swap3A_169 {strides = array<i32>} : memref<8x128xf32, #tpu.memory_space<vmem>>, vector<1x16xf32>,
      %scan3A_170 = arith.constant 0 : i32
      scf.yield %scan3A_170 : i32
    }
    %scan3A_8 = arith.constant 8 : i32
    %scan3A_9 = arith.constant 0 : i32
    %scan3A_10 = arith.constant 0 : i32
    %scan3A_11 = arith.constant 79 : i32
    %scan3A_12 = arith.addi %scan3A_10, %scan3A_11 : i32
    %scan3A_13 = arith.constant 1 : i32
    %scan3A_14 = scf.for %scan3A_114 = %scan3A_10 to %scan3A_12 step %scan3A_13 iter_args(%scan3A_115 = %scan3A_9) -> (i32)  : i32 {
      %mul3A_116 = arith.constant 632 : i32
      %mul3A_117 = arith.muli %arg1, %mul3A_116 : i32
      %mul3A_118 = arith.constant 8 : i32
      %mul3A_119 = arith.muli %scan3A_114, %mul3A_118 : i32
      %add3A_120 = arith.addi %mul3A_117, %mul3A_119 : i32
      %dma_start3A_121 = arith.constant 0 : i32
      %dma_start3A_122 = tpu.memref_slice %arg14[%add3A_120, %dma_start3A_121] : memref<10112x128xf32, #tpu.memory_space<vmem_shared>> -> memref<8x128xf32, #tpu.memory_space<vmem_shared>>
      %dma_start3A_123 = arith.constant 0 : i32
      %dma_start3A_124 = tpu.memref_slice %arg14[%add3A_120, %dma_start3A_123] : memref<10112x128xf32, #tpu.memory_space<vmem_shared>> -> memref<8x128xf32, #tpu.memory_space<vmem_shared>>
      tpu.enqueue_dma source(%arg13 : memref<8x128xf32, #tpu.memory_space<vmem>>) target(%dma_start3A_124 : memref<8x128xf32, #tpu.memory_space<vmem_shared>>) target_semaphore(%arg19 : memref<!tpu.dma_semaphore, #tpu.memory_space<semaphore_mem>>)
      %scan3A_125 = arith.constant 0 : i32
      scf.yield %scan3A_125 : i32
    }
    %scan3A_15 = arith.constant 79 : i32
    %scan3A_16 = arith.constant 0 : i32
    %scan3A_17 = arith.constant 0 : i32
    %scan3A_18 = arith.constant 79 : i32
    %scan3A_19 = arith.addi %scan3A_17, %scan3A_18 : i32
    %scan3A_20 = arith.constant 1 : i32
    %scan3A_21 = scf.for %scan3A_114 = %scan3A_17 to %scan3A_19 step %scan3A_20 iter_args(%scan3A_115 = %scan3A_16) -> (i32)  : i32 {
      %mul3A_116 = arith.constant 632 : i32
      %mul3A_117 = arith.muli %arg1, %mul3A_116 : i32
      %mul3A_118 = arith.constant 8 : i32
      %mul3A_119 = arith.muli %scan3A_114, %mul3A_118 : i32
      %add3A_120 = arith.addi %mul3A_117, %mul3A_119 : i32
      %dma_wait3A_121 = arith.constant 0 : i32
      %dma_wait3A_122 = tpu.memref_slice %arg14[%add3A_120, %dma_wait3A_121] : memref<10112x128xf32, #tpu.memory_space<vmem_shared>> -> memref<8x128xf32, #tpu.memory_space<vmem_shared>>
      %dma_wait3A_123 = arith.constant 0 : i32
      %dma_wait3A_124 = tpu.memref_slice %arg14[%add3A_120, %dma_wait3A_123] : memref<10112x128xf32, #tpu.memory_space<vmem_shared>> -> memref<8x128xf32, #tpu.memory_space<vmem_shared>>
      tpu.wait_dma2 semaphore(%arg19 : memref<!tpu.dma_semaphore, #tpu.memory_space<semaphore_mem>>) src(%arg13 : memref<8x128xf32, #tpu.memory_space<vmem>>) dst(%dma_wait3A_124 : memref<8x128xf32, #tpu.memory_space<vmem_shared>>)
      %scan3A_125 = arith.constant 0 : i32
      scf.yield %scan3A_125 : i32
    }
    %scan3A_22 = arith.constant 79 : i32
    %barrier3A = arith.constant 0 : index
    tpu.barrier barrier_id(%barrier3A)
    %scan3A_23 = arith.constant 0 : i32
    %scan3A_24 = arith.constant 0 : i32
    %scan3A_25 = arith.constant 62 : i32
    %scan3A_26 = arith.addi %scan3A_24, %scan3A_25 : i32
    %scan3A_27 = arith.constant 1 : i32
    %scan3A_28 = scf.for %scan3A_114 = %scan3A_24 to %scan3A_26 step %scan3A_27 iter_args(%scan3A_115 = %scan3A_23) -> (i32)  : i32 {
      %mul3A_116 = arith.constant 2 : i32
      %mul3A_117 = arith.muli %scan3A_114, %mul3A_116 : i32
      %add3A_118 = arith.constant 0 : i32
      %add3A_119 = arith.addi %mul3A_117, %add3A_118 : i32
      %mul3A_120 = arith.constant 80 : i32
      %mul3A_121 = arith.muli %add3A_119, %mul3A_120 : i32
      %add3A_122 = arith.addi %mul3A_2, %mul3A_121 : i32
      %dma_start3A_123 = arith.constant 0 : i32
      %dma_start3A_124 = arith.constant 0 : i32
      %dma_start3A_125 = tpu.memref_slice %arg7[%dma_start3A_123, %dma_start3A_124] : memref<2x80xi32, #tpu.memory_space<vmem>> -> memref<1x80xi32, #tpu.memory_space<vmem>>
      %dma_start3A_126 = tpu.memref_squeeze %dma_start3A_125 : memref<1x80xi32, #tpu.memory_space<vmem>> -> memref<80xi32, #tpu.memory_space<vmem>>
      %dma_start3A_127 = tpu.memref_slice %arg4[%add3A_122] : memref<320000xi32, #tpu.memory_space<hbm>> -> memref<80xi32, #tpu.memory_space<hbm>>
      %dma_start3A_128 = arith.constant 0 : i32
      %dma_start3A_129 = tpu.memref_slice %arg7[%dma_start3A_123, %dma_start3A_128] : memref<2x80xi32, #tpu.memory_space<vmem>> -> memref<1x80xi32, #tpu.memory_space<vmem>>
      %dma_start3A_130 = tpu.memref_squeeze %dma_start3A_129 : memref<1x80xi32, #tpu.memory_space<vmem>> -> memref<80xi32, #tpu.memory_space<vmem>>
      %dma_start3A_131 = tpu.memref_slice %arg4[%add3A_122] : memref<320000xi32, #tpu.memory_space<hbm>> -> memref<80xi32, #tpu.memory_space<hbm>>
      tpu.enqueue_dma source(%dma_start3A_131 : memref<80xi32, #tpu.memory_space<hbm>>) target(%dma_start3A_130 : memref<80xi32, #tpu.memory_space<vmem>>) target_semaphore(%arg15 : memref<!tpu.dma_semaphore, #tpu.memory_space<semaphore_mem>>)
      %dma_start3A_132 = arith.constant 0 : i32
      %dma_start3A_133 = arith.constant 0 : i32
      %dma_start3A_134 = tpu.memref_slice %arg8[%dma_start3A_132, %dma_start3A_133] : memref<2x80xi32, #tpu.memory_space<vmem>> -> memref<1x80xi32, #tpu.memory_space<vmem>>
      %dma_start3A_135 = tpu.memref_squeeze %dma_start3A_134 : memref<1x80xi32, #tpu.memory_space<vmem>> -> memref<80xi32, #tpu.memory_space<vmem>>
      %dma_start3A_136 = tpu.memref_slice %arg5[%add3A_122] : memref<320000xi32, #tpu.memory_space<hbm>> -> memref<80xi32, #tpu.memory_space<hbm>>
      %dma_start3A_137 = arith.constant 0 : i32
      %dma_start3A_138 = tpu.memref_slice %arg8[%dma_start3A_132, %dma_start3A_137] : memref<2x80xi32, #tpu.memory_space<vmem>> -> memref<1x80xi32, #tpu.memory_space<vmem>>
      %dma_start3A_139 = tpu.memref_squeeze %dma_start3A_138 : memref<1x80xi32, #tpu.memory_space<vmem>> -> memref<80xi32, #tpu.memory_space<vmem>>
      %dma_start3A_140 = tpu.memref_slice %arg5[%add3A_122] : memref<320000xi32, #tpu.memory_space<hbm>> -> memref<80xi32, #tpu.memory_space<hbm>>
      tpu.enqueue_dma source(%dma_start3A_140 : memref<80xi32, #tpu.memory_space<hbm>>) target(%dma_start3A_139 : memref<80xi32, #tpu.memory_space<vmem>>) target_semaphore(%arg15 : memref<!tpu.dma_semaphore, #tpu.memory_space<semaphore_mem>>)
      %dma_start3A_141 = arith.constant 0 : i32
      %dma_start3A_142 = tpu.memref_slice %arg3[%add3A_122, %dma_start3A_141] : memref<320000x128xf32, #tpu.memory_space<hbm>> -> memref<80x128xf32, #tpu.memory_space<hbm>>
      %dma_start3A_143 = arith.constant 0 : i32
      %dma_start3A_144 = tpu.memref_slice %arg3[%add3A_122, %dma_start3A_143] : memref<320000x128xf32, #tpu.memory_space<hbm>> -> memref<80x128xf32, #tpu.memory_space<hbm>>
      tpu.enqueue_dma source(%dma_start3A_144 : memref<80x128xf32, #tpu.memory_space<hbm>>) target(%arg11 : memref<80x128xf32, #tpu.memory_space<vmem>>) target_semaphore(%arg17 : memref<!tpu.dma_semaphore, #tpu.memory_space<semaphore_mem>>)
      %add3A_145 = arith.constant 1 : i32
      %add3A_146 = arith.addi %mul3A_117, %add3A_145 : i32
      %mul3A_147 = arith.constant 80 : i32
      %mul3A_148 = arith.muli %add3A_146, %mul3A_147 : i32
      %add3A_149 = arith.addi %mul3A_2, %mul3A_148 : i32
      %dma_start3A_150 = arith.constant 1 : i32
      %dma_start3A_151 = arith.constant 0 : i32
      %dma_start3A_152 = tpu.memref_slice %arg7[%dma_start3A_150, %dma_start3A_151] : memref<2x80xi32, #tpu.memory_space<vmem>> -> memref<1x80xi32, #tpu.memory_space<vmem>>
      %dma_start3A_153 = tpu.memref_squeeze %dma_start3A_152 : memref<1x80xi32, #tpu.memory_space<vmem>> -> memref<80xi32, #tpu.memory_space<vmem>>
      %dma_start3A_154 = tpu.memref_slice %arg4[%add3A_149] : memref<320000xi32, #tpu.memory_space<hbm>> -> memref<80xi32, #tpu.memory_space<hbm>>
      %dma_start3A_155 = arith.constant 0 : i32
      %dma_start3A_156 = tpu.memref_slice %arg7[%dma_start3A_150, %dma_start3A_155] : memref<2x80xi32, #tpu.memory_space<vmem>> -> memref<1x80xi32, #tpu.memory_space<vmem>>
      %dma_start3A_157 = tpu.memref_squeeze %dma_start3A_156 : memref<1x80xi32, #tpu.memory_space<vmem>> -> memref<80xi32, #tpu.memory_space<vmem>>
      %dma_start3A_158 = tpu.memref_slice %arg4[%add3A_149] : memref<320000xi32, #tpu.memory_space<hbm>> -> memref<80xi32, #tpu.memory_space<hbm>>
      tpu.enqueue_dma source(%dma_start3A_158 : memref<80xi32, #tpu.memory_space<hbm>>) target(%dma_start3A_157 : memref<80xi32, #tpu.memory_space<vmem>>) target_semaphore(%arg15 : memref<!tpu.dma_semaphore, #tpu.memory_space<semaphore_mem>>)
      %dma_start3A_159 = arith.constant 1 : i32
      %dma_start3A_160 = arith.constant 0 : i32
      %dma_start3A_161 = tpu.memref_slice %arg8[%dma_start3A_159, %dma_start3A_160] : memref<2x80xi32, #tpu.memory_space<vmem>> -> memref<1x80xi32, #tpu.memory_space<vmem>>
      %dma_start3A_162 = tpu.memref_squeeze %dma_start3A_161 : memref<1x80xi32, #tpu.memory_space<vmem>> -> memref<80xi32, #tpu.memory_space<vmem>>
      %dma_start3A_163 = tpu.memref_slice %arg5[%add3A_149] : memref<320000xi32, #tpu.memory_space<hbm>> -> memref<80xi32, #tpu.memory_space<hbm>>
      %dma_start3A_164 = arith.constant 0 : i32
      %dma_start3A_165 = tpu.memref_slice %arg8[%dma_start3A_159, %dma_start3A_164] : memref<2x80xi32, #tpu.memory_space<vmem>> -> memref<1x80xi32, #tpu.memory_space<vmem>>
      %dma_start3A_166 = tpu.memref_squeeze %dma_start3A_165 : memref<1x80xi32, #tpu.memory_space<vmem>> -> memref<80xi32, #tpu.memory_space<vmem>>
      %dma_start3A_167 = tpu.memref_slice %arg5[%add3A_149] : memref<320000xi32, #tpu.memory_space<hbm>> -> memref<80xi32, #tpu.memory_space<hbm>>
      tpu.enqueue_dma source(%dma_start3A_167 : memref<80xi32, #tpu.memory_space<hbm>>) target(%dma_start3A_166 : memref<80xi32, #tpu.memory_space<vmem>>) target_semaphore(%arg15 : memref<!tpu.dma_semaphore, #tpu.memory_space<semaphore_mem>>)
      %dma_start3A_168 = arith.constant 0 : i32
      %dma_start3A_169 = tpu.memref_slice %arg3[%add3A_149, %dma_start3A_168] : memref<320000x128xf32, #tpu.memory_space<hbm>> -> memref<80x128xf32, #tpu.memory_space<hbm>>
      %dma_start3A_170 = arith.constant 0 : i32
      %dma_start3A_171 = tpu.memref_slice %arg3[%add3A_149, %dma_start3A_170] : memref<320000x128xf32, #tpu.memory_space<hbm>> -> memref<80x128xf32, #tpu.memory_space<hbm>>
      tpu.enqueue_dma source(%dma_start3A_171 : memref<80x128xf32, #tpu.memory_space<hbm>>) target(%arg12 : memref<80x128xf32, #tpu.memory_space<vmem>>) target_semaphore(%arg17 : memref<!tpu.dma_semaphore, #tpu.memory_space<semaphore_mem>>)
      %dma_wait3A_172 = arith.constant 0 : i32
      %dma_wait3A_173 = arith.constant 0 : i32
      %dma_wait3A_174 = tpu.memref_slice %arg7[%dma_wait3A_172, %dma_wait3A_173] : memref<2x80xi32, #tpu.memory_space<vmem>> -> memref<1x80xi32, #tpu.memory_space<vmem>>
      %dma_wait3A_175 = tpu.memref_squeeze %dma_wait3A_174 : memref<1x80xi32, #tpu.memory_space<vmem>> -> memref<80xi32, #tpu.memory_space<vmem>>
      %dma_wait3A_176 = tpu.memref_slice %arg4[%add3A_122] : memref<320000xi32, #tpu.memory_space<hbm>> -> memref<80xi32, #tpu.memory_space<hbm>>
      %dma_wait3A_177 = arith.constant 0 : i32
      %dma_wait3A_178 = tpu.memref_slice %arg7[%dma_wait3A_172, %dma_wait3A_177] : memref<2x80xi32, #tpu.memory_space<vmem>> -> memref<1x80xi32, #tpu.memory_space<vmem>>
      %dma_wait3A_179 = tpu.memref_squeeze %dma_wait3A_178 : memref<1x80xi32, #tpu.memory_space<vmem>> -> memref<80xi32, #tpu.memory_space<vmem>>
      %dma_wait3A_180 = tpu.memref_slice %arg4[%add3A_122] : memref<320000xi32, #tpu.memory_space<hbm>> -> memref<80xi32, #tpu.memory_space<hbm>>
      tpu.wait_dma2 semaphore(%arg15 : memref<!tpu.dma_semaphore, #tpu.memory_space<semaphore_mem>>) src(%dma_wait3A_180 : memref<80xi32, #tpu.memory_space<hbm>>) dst(%dma_wait3A_179 : memref<80xi32, #tpu.memory_space<vmem>>)
      %dma_wait3A_181 = arith.constant 0 : i32
      %dma_wait3A_182 = arith.constant 0 : i32
      %dma_wait3A_183 = tpu.memref_slice %arg8[%dma_wait3A_181, %dma_wait3A_182] : memref<2x80xi32, #tpu.memory_space<vmem>> -> memref<1x80xi32, #tpu.memory_space<vmem>>
      %dma_wait3A_184 = tpu.memref_squeeze %dma_wait3A_183 : memref<1x80xi32, #tpu.memory_space<vmem>> -> memref<80xi32, #tpu.memory_space<vmem>>
      %dma_wait3A_185 = tpu.memref_slice %arg5[%add3A_122] : memref<320000xi32, #tpu.memory_space<hbm>> -> memref<80xi32, #tpu.memory_space<hbm>>
      %dma_wait3A_186 = arith.constant 0 : i32
      %dma_wait3A_187 = tpu.memref_slice %arg8[%dma_wait3A_181, %dma_wait3A_186] : memref<2x80xi32, #tpu.memory_space<vmem>> -> memref<1x80xi32, #tpu.memory_space<vmem>>
      %dma_wait3A_188 = tpu.memref_squeeze %dma_wait3A_187 : memref<1x80xi32, #tpu.memory_space<vmem>> -> memref<80xi32, #tpu.memory_space<vmem>>
      %dma_wait3A_189 = tpu.memref_slice %arg5[%add3A_122] : memref<320000xi32, #tpu.memory_space<hbm>> -> memref<80xi32, #tpu.memory_space<hbm>>
      tpu.wait_dma2 semaphore(%arg15 : memref<!tpu.dma_semaphore, #tpu.memory_space<semaphore_mem>>) src(%dma_wait3A_189 : memref<80xi32, #tpu.memory_space<hbm>>) dst(%dma_wait3A_188 : memref<80xi32, #tpu.memory_space<vmem>>)
      %dma_start3A_190 = arith.constant 0 : i32
      %dma_start3A_191 = arith.constant 0 : i32
      %dma_start3A_192 = tpu.memref_slice %arg7[%dma_start3A_190, %dma_start3A_191] : memref<2x80xi32, #tpu.memory_space<vmem>> -> memref<1x80xi32, #tpu.memory_space<vmem>>
      %dma_start3A_193 = tpu.memref_squeeze %dma_start3A_192 : memref<1x80xi32, #tpu.memory_space<vmem>> -> memref<80xi32, #tpu.memory_space<vmem>>
      %dma_start3A_194 = arith.constant 0 : i32
      %dma_start3A_195 = arith.constant 0 : i32
      %dma_start3A_196 = tpu.memref_slice %arg2[%dma_start3A_194, %dma_start3A_195] : memref<10000x128xf32, #tpu.memory_space<hbm>> -> memref<10000x128xf32, #tpu.memory_space<hbm>>
      tpu.enqueue_indirect_dma source(%dma_start3A_196 : memref<10000x128xf32, #tpu.memory_space<hbm>>) target(%arg9 : memref<80x128xf32, #tpu.memory_space<vmem>>) offsets(%dma_start3A_193 : memref<80xi32, #tpu.memory_space<vmem>>) semaphore(%arg16 : memref<!tpu.dma_semaphore, #tpu.memory_space<semaphore_mem>>)
      %dma_wait3A_197 = arith.constant 1 : i32
      %dma_wait3A_198 = arith.constant 0 : i32
      %dma_wait3A_199 = tpu.memref_slice %arg7[%dma_wait3A_197, %dma_wait3A_198] : memref<2x80xi32, #tpu.memory_space<vmem>> -> memref<1x80xi32, #tpu.memory_space<vmem>>
      %dma_wait3A_200 = tpu.memref_squeeze %dma_wait3A_199 : memref<1x80xi32, #tpu.memory_space<vmem>> -> memref<80xi32, #tpu.memory_space<vmem>>
      %dma_wait3A_201 = tpu.memref_slice %arg4[%add3A_149] : memref<320000xi32, #tpu.memory_space<hbm>> -> memref<80xi32, #tpu.memory_space<hbm>>
      %dma_wait3A_202 = arith.constant 0 : i32
      %dma_wait3A_203 = tpu.memref_slice %arg7[%dma_wait3A_197, %dma_wait3A_202] : memref<2x80xi32, #tpu.memory_space<vmem>> -> memref<1x80xi32, #tpu.memory_space<vmem>>
      %dma_wait3A_204 = tpu.memref_squeeze %dma_wait3A_203 : memref<1x80xi32, #tpu.memory_space<vmem>> -> memref<80xi32, #tpu.memory_space<vmem>>
      %dma_wait3A_205 = tpu.memref_slice %arg4[%add3A_149] : memref<320000xi32, #tpu.memory_space<hbm>> -> memref<80xi32, #tpu.memory_space<hbm>>
      tpu.wait_dma2 semaphore(%arg15 : memref<!tpu.dma_semaphore, #tpu.memory_space<semaphore_mem>>) src(%dma_wait3A_205 : memref<80xi32, #tpu.memory_space<hbm>>) dst(%dma_wait3A_204 : memref<80xi32, #tpu.memory_space<vmem>>)
      %dma_wait3A_206 = arith.constant 1 : i32
      %dma_wait3A_207 = arith.constant 0 : i32
      %dma_wait3A_208 = tpu.memref_slice %arg8[%dma_wait3A_206, %dma_wait3A_207] : memref<2x80xi32, #tpu.memory_space<vmem>> -> memref<1x80xi32, #tpu.memory_space<vmem>>
      %dma_wait3A_209 = tpu.memref_squeeze %dma_wait3A_208 : memref<1x80xi32, #tpu.memory_space<vmem>> -> memref<80xi32, #tpu.memory_space<vmem>>
      %dma_wait3A_210 = tpu.memref_slice %arg5[%add3A_149] : memref<320000xi32, #tpu.memory_space<hbm>> -> memref<80xi32, #tpu.memory_space<hbm>>
      %dma_wait3A_211 = arith.constant 0 : i32
      %dma_wait3A_212 = tpu.memref_slice %arg8[%dma_wait3A_206, %dma_wait3A_211] : memref<2x80xi32, #tpu.memory_space<vmem>> -> memref<1x80xi32, #tpu.memory_space<vmem>>
      %dma_wait3A_213 = tpu.memref_squeeze %dma_wait3A_212 : memref<1x80xi32, #tpu.memory_space<vmem>> -> memref<80xi32, #tpu.memory_space<vmem>>
      %dma_wait3A_214 = tpu.memref_slice %arg5[%add3A_149] : memref<320000xi32, #tpu.memory_space<hbm>> -> memref<80xi32, #tpu.memory_space<hbm>>
      tpu.wait_dma2 semaphore(%arg15 : memref<!tpu.dma_semaphore, #tpu.memory_space<semaphore_mem>>) src(%dma_wait3A_214 : memref<80xi32, #tpu.memory_space<hbm>>) dst(%dma_wait3A_213 : memref<80xi32, #tpu.memory_space<vmem>>)
      %dma_start3A_215 = arith.constant 1 : i32
      %dma_start3A_216 = arith.constant 0 : i32
      %dma_start3A_217 = tpu.memref_slice %arg7[%dma_start3A_215, %dma_start3A_216] : memref<2x80xi32, #tpu.memory_space<vmem>> -> memref<1x80xi32, #tpu.memory_space<vmem>>
      %dma_start3A_218 = tpu.memref_squeeze %dma_start3A_217 : memref<1x80xi32, #tpu.memory_space<vmem>> -> memref<80xi32, #tpu.memory_space<vmem>>
      %dma_start3A_219 = arith.constant 0 : i32
      %dma_start3A_220 = arith.constant 0 : i32
      %dma_start3A_221 = tpu.memref_slice %arg2[%dma_start3A_219, %dma_start3A_220] : memref<10000x128xf32, #tpu.memory_space<hbm>> -> memref<10000x128xf32, #tpu.memory_space<hbm>>
      tpu.enqueue_indirect_dma source(%dma_start3A_221 : memref<10000x128xf32, #tpu.memory_space<hbm>>) target(%arg10 : memref<80x128xf32, #tpu.memory_space<vmem>>) offsets(%dma_start3A_218 : memref<80xi32, #tpu.memory_space<vmem>>) semaphore(%arg16 : memref<!tpu.dma_semaphore, #tpu.memory_space<semaphore_mem>>)
      %dma_wait3A_222 = arith.constant 0 : i32
      %dma_wait3A_223 = arith.constant 0 : i32
      %dma_wait3A_224 = tpu.memref_slice %arg7[%dma_wait3A_222, %dma_wait3A_223] : memref<2x80xi32, #tpu.memory_space<vmem>> -> memref<1x80xi32, #tpu.memory_space<vmem>>
      %dma_wait3A_225 = tpu.memref_squeeze %dma_wait3A_224 : memref<1x80xi32, #tpu.memory_space<vmem>> -> memref<80xi32, #tpu.memory_space<vmem>>
      %dma_wait3A_226 = arith.constant 0 : i32
      %dma_wait3A_227 = arith.constant 0 : i32
      %dma_wait3A_228 = tpu.memref_slice %arg2[%dma_wait3A_226, %dma_wait3A_227] : memref<10000x128xf32, #tpu.memory_space<hbm>> -> memref<10000x128xf32, #tpu.memory_space<hbm>>
      tpu.wait_indirect_dma semaphore(%arg16 : memref<!tpu.dma_semaphore, #tpu.memory_space<semaphore_mem>>) src(%dma_wait3A_228 : memref<10000x128xf32, #tpu.memory_space<hbm>>) dst(%arg9 : memref<80x128xf32, #tpu.memory_space<vmem>>)
      %dma_wait3A_229 = arith.constant 0 : i32
      %dma_wait3A_230 = tpu.memref_slice %arg3[%add3A_122, %dma_wait3A_229] : memref<320000x128xf32, #tpu.memory_space<hbm>> -> memref<80x128xf32, #tpu.memory_space<hbm>>
      %dma_wait3A_231 = arith.constant 0 : i32
      %dma_wait3A_232 = tpu.memref_slice %arg3[%add3A_122, %dma_wait3A_231] : memref<320000x128xf32, #tpu.memory_space<hbm>> -> memref<80x128xf32, #tpu.memory_space<hbm>>
      tpu.wait_dma2 semaphore(%arg17 : memref<!tpu.dma_semaphore, #tpu.memory_space<semaphore_mem>>) src(%dma_wait3A_232 : memref<80x128xf32, #tpu.memory_space<hbm>>) dst(%arg11 : memref<80x128xf32, #tpu.memory_space<vmem>>)
      %scan3A_233 = arith.constant 0 : i32
      %scan3A_234 = arith.constant 0 : i32
      %scan3A_235 = arith.constant 80 : i32
      %scan3A_236 = arith.addi %scan3A_234, %scan3A_235 : i32
      %scan3A_237 = arith.constant 1 : i32
      %scan3A_238 = scf.for %scan3A_287 = %scan3A_234 to %scan3A_236 step %scan3A_237 iter_args(%scan3A_288 = %scan3A_233) -> (i32)  : i32 {
        %get3A = arith.index_cast %scan3A_287 : i32 to index
        %get3A_289 = arith.constant 0 : index
        %get3A_290 = tpu.vector_load %arg9[%get3A, %get3A_289] {strides = array<i32>} : memref<80x128xf32, #tpu.memory_space<vmem>>, vector<1x16xf32>,
        %get3A_291 = vector.shape_cast %get3A_290 : vector<1x16xf32> to vector<16xf32>
        %get3A_292 = arith.index_cast %scan3A_287 : i32 to index
        %get3A_293 = arith.constant 0 : index
        %get3A_294 = tpu.vector_load %arg11[%get3A_292, %get3A_293] {strides = array<i32>} : memref<80x128xf32, #tpu.memory_space<vmem>>, vector<1x16xf32>,
        %get3A_295 = vector.shape_cast %get3A_294 : vector<1x16xf32> to vector<16xf32>
        %add3A_296 = arith.addf %get3A_291, %get3A_295 : vector<16xf32>
        %max3A = arith.constant 0.000000e+00 : f32
        %max3A_297 = vector.broadcast %max3A : f32 to vector<16xf32>
        %max3A_298 = arith.maximumf %add3A_296, %max3A_297 : vector<16xf32>
        %swap3A = arith.index_cast %scan3A_287 : i32 to index
        %swap3A_299 = arith.constant 0 : index
        %swap3A_300 = tpu.vector_load %arg9[%swap3A, %swap3A_299] {strides = array<i32>} : memref<80x128xf32, #tpu.memory_space<vmem>>, vector<1x16xf32>,
        %swap3A_301 = vector.shape_cast %swap3A_300 : vector<1x16xf32> to vector<16xf32>
        %swap3A_302 = vector.shape_cast %max3A_298 : vector<16xf32> to vector<1x16xf32>
        tpu.vector_store %arg9[%swap3A, %swap3A_299], %swap3A_302 {strides = array<i32>} : memref<80x128xf32, #tpu.memory_space<vmem>>, vector<1x16xf32>,
        %get3A_303 = arith.index_cast %scan3A_287 : i32 to index
        %get3A_304 = arith.constant 16 : index
        %get3A_305 = tpu.vector_load %arg9[%get3A_303, %get3A_304] {strides = array<i32>} : memref<80x128xf32, #tpu.memory_space<vmem>>, vector<1x16xf32>,
        %get3A_306 = vector.shape_cast %get3A_305 : vector<1x16xf32> to vector<16xf32>
        %get3A_307 = arith.index_cast %scan3A_287 : i32 to index
        %get3A_308 = arith.constant 16 : index
        %get3A_309 = tpu.vector_load %arg11[%get3A_307, %get3A_308] {strides = array<i32>} : memref<80x128xf32, #tpu.memory_space<vmem>>, vector<1x16xf32>,
        %get3A_310 = vector.shape_cast %get3A_309 : vector<1x16xf32> to vector<16xf32>
        %add3A_311 = arith.addf %get3A_306, %get3A_310 : vector<16xf32>
        %max3A_312 = arith.constant 0.000000e+00 : f32
        %max3A_313 = vector.broadcast %max3A_312 : f32 to vector<16xf32>
        %max3A_314 = arith.maximumf %add3A_311, %max3A_313 : vector<16xf32>
        %swap3A_315 = arith.index_cast %scan3A_287 : i32 to index
        %swap3A_316 = arith.constant 16 : index
        %swap3A_317 = tpu.vector_load %arg9[%swap3A_315, %swap3A_316] {strides = array<i32>} : memref<80x128xf32, #tpu.memory_space<vmem>>, vector<1x16xf32>,
        %swap3A_318 = vector.shape_cast %swap3A_317 : vector<1x16xf32> to vector<16xf32>
        %swap3A_319 = vector.shape_cast %max3A_314 : vector<16xf32> to vector<1x16xf32>
        tpu.vector_store %arg9[%swap3A_315, %swap3A_316], %swap3A_319 {strides = array<i32>} : memref<80x128xf32, #tpu.memory_space<vmem>>, vector<1x16xf32>,
        %get3A_320 = arith.index_cast %scan3A_287 : i32 to index
        %get3A_321 = arith.constant 32 : index
        %get3A_322 = tpu.vector_load %arg9[%get3A_320, %get3A_321] {strides = array<i32>} : memref<80x128xf32, #tpu.memory_space<vmem>>, vector<1x16xf32>,
        %get3A_323 = vector.shape_cast %get3A_322 : vector<1x16xf32> to vector<16xf32>
        %get3A_324 = arith.index_cast %scan3A_287 : i32 to index
        %get3A_325 = arith.constant 32 : index
        %get3A_326 = tpu.vector_load %arg11[%get3A_324, %get3A_325] {strides = array<i32>} : memref<80x128xf32, #tpu.memory_space<vmem>>, vector<1x16xf32>,
        %get3A_327 = vector.shape_cast %get3A_326 : vector<1x16xf32> to vector<16xf32>
        %add3A_328 = arith.addf %get3A_323, %get3A_327 : vector<16xf32>
        %max3A_329 = arith.constant 0.000000e+00 : f32
        %max3A_330 = vector.broadcast %max3A_329 : f32 to vector<16xf32>
        %max3A_331 = arith.maximumf %add3A_328, %max3A_330 : vector<16xf32>
        %swap3A_332 = arith.index_cast %scan3A_287 : i32 to index
        %swap3A_333 = arith.constant 32 : index
        %swap3A_334 = tpu.vector_load %arg9[%swap3A_332, %swap3A_333] {strides = array<i32>} : memref<80x128xf32, #tpu.memory_space<vmem>>, vector<1x16xf32>,
        %swap3A_335 = vector.shape_cast %swap3A_334 : vector<1x16xf32> to vector<16xf32>
        %swap3A_336 = vector.shape_cast %max3A_331 : vector<16xf32> to vector<1x16xf32>
        tpu.vector_store %arg9[%swap3A_332, %swap3A_333], %swap3A_336 {strides = array<i32>} : memref<80x128xf32, #tpu.memory_space<vmem>>, vector<1x16xf32>,
        %get3A_337 = arith.index_cast %scan3A_287 : i32 to index
        %get3A_338 = arith.constant 48 : index
        %get3A_339 = tpu.vector_load %arg9[%get3A_337, %get3A_338] {strides = array<i32>} : memref<80x128xf32, #tpu.memory_space<vmem>>, vector<1x16xf32>,
        %get3A_340 = vector.shape_cast %get3A_339 : vector<1x16xf32> to vector<16xf32>
        %get3A_341 = arith.index_cast %scan3A_287 : i32 to index
        %get3A_342 = arith.constant 48 : index
        %get3A_343 = tpu.vector_load %arg11[%get3A_341, %get3A_342] {strides = array<i32>} : memref<80x128xf32, #tpu.memory_space<vmem>>, vector<1x16xf32>,
        %get3A_344 = vector.shape_cast %get3A_343 : vector<1x16xf32> to vector<16xf32>
        %add3A_345 = arith.addf %get3A_340, %get3A_344 : vector<16xf32>
        %max3A_346 = arith.constant 0.000000e+00 : f32
        %max3A_347 = vector.broadcast %max3A_346 : f32 to vector<16xf32>
        %max3A_348 = arith.maximumf %add3A_345, %max3A_347 : vector<16xf32>
        %swap3A_349 = arith.index_cast %scan3A_287 : i32 to index
        %swap3A_350 = arith.constant 48 : index
        %swap3A_351 = tpu.vector_load %arg9[%swap3A_349, %swap3A_350] {strides = array<i32>} : memref<80x128xf32, #tpu.memory_space<vmem>>, vector<1x16xf32>,
        %swap3A_352 = vector.shape_cast %swap3A_351 : vector<1x16xf32> to vector<16xf32>
        %swap3A_353 = vector.shape_cast %max3A_348 : vector<16xf32> to vector<1x16xf32>
        tpu.vector_store %arg9[%swap3A_349, %swap3A_350], %swap3A_353 {strides = array<i32>} : memref<80x128xf32, #tpu.memory_space<vmem>>, vector<1x16xf32>,
        %get3A_354 = arith.index_cast %scan3A_287 : i32 to index
        %get3A_355 = arith.constant 64 : index
        %get3A_356 = tpu.vector_load %arg9[%get3A_354, %get3A_355] {strides = array<i32>} : memref<80x128xf32, #tpu.memory_space<vmem>>, vector<1x16xf32>,
        %get3A_357 = vector.shape_cast %get3A_356 : vector<1x16xf32> to vector<16xf32>
        %get3A_358 = arith.index_cast %scan3A_287 : i32 to index
        %get3A_359 = arith.constant 64 : index
        %get3A_360 = tpu.vector_load %arg11[%get3A_358, %get3A_359] {strides = array<i32>} : memref<80x128xf32, #tpu.memory_space<vmem>>, vector<1x16xf32>,
        %get3A_361 = vector.shape_cast %get3A_360 : vector<1x16xf32> to vector<16xf32>
        %add3A_362 = arith.addf %get3A_357, %get3A_361 : vector<16xf32>
        %max3A_363 = arith.constant 0.000000e+00 : f32
        %max3A_364 = vector.broadcast %max3A_363 : f32 to vector<16xf32>
        %max3A_365 = arith.maximumf %add3A_362, %max3A_364 : vector<16xf32>
        %swap3A_366 = arith.index_cast %scan3A_287 : i32 to index
        %swap3A_367 = arith.constant 64 : index
        %swap3A_368 = tpu.vector_load %arg9[%swap3A_366, %swap3A_367] {strides = array<i32>} : memref<80x128xf32, #tpu.memory_space<vmem>>, vector<1x16xf32>,
        %swap3A_369 = vector.shape_cast %swap3A_368 : vector<1x16xf32> to vector<16xf32>
        %swap3A_370 = vector.shape_cast %max3A_365 : vector<16xf32> to vector<1x16xf32>
        tpu.vector_store %arg9[%swap3A_366, %swap3A_367], %swap3A_370 {strides = array<i32>} : memref<80x128xf32, #tpu.memory_space<vmem>>, vector<1x16xf32>,
        %scan3A_371 = arith.constant 0 : i32
        scf.yield %scan3A_371 : i32
      }
      %scan3A_239 = arith.constant 80 : i32
      %dma_start3A_240 = arith.constant 0 : i32
      %dma_start3A_241 = arith.constant 0 : i32
      %dma_start3A_242 = tpu.memref_slice %arg8[%dma_start3A_240, %dma_start3A_241] : memref<2x80xi32, #tpu.memory_space<vmem>> -> memref<1x80xi32, #tpu.memory_space<vmem>>
      %dma_start3A_243 = tpu.memref_squeeze %dma_start3A_242 : memref<1x80xi32, #tpu.memory_space<vmem>> -> memref<80xi32, #tpu.memory_space<vmem>>
      %dma_start3A_244 = arith.constant 0 : i32
      %dma_start3A_245 = arith.constant 0 : i32
      %dma_start3A_246 = tpu.memref_slice %arg14[%dma_start3A_244, %dma_start3A_245] : memref<10112x128xf32, #tpu.memory_space<vmem_shared>> -> memref<10112x128xf32, #tpu.memory_space<vmem_shared>>
      tpu.enqueue_indirect_dma source(%arg9 : memref<80x128xf32, #tpu.memory_space<vmem>>) target(%dma_start3A_246 : memref<10112x128xf32, #tpu.memory_space<vmem_shared>>) offsets(%dma_start3A_243 : memref<80xi32, #tpu.memory_space<vmem>>) semaphore(%arg18 : memref<!tpu.dma_semaphore, #tpu.memory_space<semaphore_mem>>) {add = true}
      %dma_wait3A_247 = arith.constant 1 : i32
      %dma_wait3A_248 = arith.constant 0 : i32
      %dma_wait3A_249 = tpu.memref_slice %arg7[%dma_wait3A_247, %dma_wait3A_248] : memref<2x80xi32, #tpu.memory_space<vmem>> -> memref<1x80xi32, #tpu.memory_space<vmem>>
      %dma_wait3A_250 = tpu.memref_squeeze %dma_wait3A_249 : memref<1x80xi32, #tpu.memory_space<vmem>> -> memref<80xi32, #tpu.memory_space<vmem>>
      %dma_wait3A_251 = arith.constant 0 : i32
      %dma_wait3A_252 = arith.constant 0 : i32
      %dma_wait3A_253 = tpu.memref_slice %arg2[%dma_wait3A_251, %dma_wait3A_252] : memref<10000x128xf32, #tpu.memory_space<hbm>> -> memref<10000x128xf32, #tpu.memory_space<hbm>>
      tpu.wait_indirect_dma semaphore(%arg16 : memref<!tpu.dma_semaphore, #tpu.memory_space<semaphore_mem>>) src(%dma_wait3A_253 : memref<10000x128xf32, #tpu.memory_space<hbm>>) dst(%arg10 : memref<80x128xf32, #tpu.memory_space<vmem>>)
      %dma_wait3A_254 = arith.constant 0 : i32
      %dma_wait3A_255 = tpu.memref_slice %arg3[%add3A_149, %dma_wait3A_254] : memref<320000x128xf32, #tpu.memory_space<hbm>> -> memref<80x128xf32, #tpu.memory_space<hbm>>
      %dma_wait3A_256 = arith.constant 0 : i32
      %dma_wait3A_257 = tpu.memref_slice %arg3[%add3A_149, %dma_wait3A_256] : memref<320000x128xf32, #tpu.memory_space<hbm>> -> memref<80x128xf32, #tpu.memory_space<hbm>>
      tpu.wait_dma2 semaphore(%arg17 : memref<!tpu.dma_semaphore, #tpu.memory_space<semaphore_mem>>) src(%dma_wait3A_257 : memref<80x128xf32, #tpu.memory_space<hbm>>) dst(%arg12 : memref<80x128xf32, #tpu.memory_space<vmem>>)
      %scan3A_258 = arith.constant 0 : i32
      %scan3A_259 = arith.constant 0 : i32
      %scan3A_260 = arith.constant 80 : i32
      %scan3A_261 = arith.addi %scan3A_259, %scan3A_260 : i32
      %scan3A_262 = arith.constant 1 : i32
      %scan3A_263 = scf.for %scan3A_287 = %scan3A_259 to %scan3A_261 step %scan3A_262 iter_args(%scan3A_288 = %scan3A_258) -> (i32)  : i32 {
        %get3A = arith.index_cast %scan3A_287 : i32 to index
        %get3A_289 = arith.constant 0 : index
        %get3A_290 = tpu.vector_load %arg10[%get3A, %get3A_289] {strides = array<i32>} : memref<80x128xf32, #tpu.memory_space<vmem>>, vector<1x16xf32>,
        %get3A_291 = vector.shape_cast %get3A_290 : vector<1x16xf32> to vector<16xf32>
        %get3A_292 = arith.index_cast %scan3A_287 : i32 to index
        %get3A_293 = arith.constant 0 : index
        %get3A_294 = tpu.vector_load %arg12[%get3A_292, %get3A_293] {strides = array<i32>} : memref<80x128xf32, #tpu.memory_space<vmem>>, vector<1x16xf32>,
        %get3A_295 = vector.shape_cast %get3A_294 : vector<1x16xf32> to vector<16xf32>
        %add3A_296 = arith.addf %get3A_291, %get3A_295 : vector<16xf32>
        %max3A = arith.constant 0.000000e+00 : f32
        %max3A_297 = vector.broadcast %max3A : f32 to vector<16xf32>
        %max3A_298 = arith.maximumf %add3A_296, %max3A_297 : vector<16xf32>
        %swap3A = arith.index_cast %scan3A_287 : i32 to index
        %swap3A_299 = arith.constant 0 : index
        %swap3A_300 = tpu.vector_load %arg10[%swap3A, %swap3A_299] {strides = array<i32>} : memref<80x128xf32, #tpu.memory_space<vmem>>, vector<1x16xf32>,
        %swap3A_301 = vector.shape_cast %swap3A_300 : vector<1x16xf32> to vector<16xf32>
        %swap3A_302 = vector.shape_cast %max3A_298 : vector<16xf32> to vector<1x16xf32>
        tpu.vector_store %arg10[%swap3A, %swap3A_299], %swap3A_302 {strides = array<i32>} : memref<80x128xf32, #tpu.memory_space<vmem>>, vector<1x16xf32>,
        %get3A_303 = arith.index_cast %scan3A_287 : i32 to index
        %get3A_304 = arith.constant 16 : index
        %get3A_305 = tpu.vector_load %arg10[%get3A_303, %get3A_304] {strides = array<i32>} : memref<80x128xf32, #tpu.memory_space<vmem>>, vector<1x16xf32>,
        %get3A_306 = vector.shape_cast %get3A_305 : vector<1x16xf32> to vector<16xf32>
        %get3A_307 = arith.index_cast %scan3A_287 : i32 to index
        %get3A_308 = arith.constant 16 : index
        %get3A_309 = tpu.vector_load %arg12[%get3A_307, %get3A_308] {strides = array<i32>} : memref<80x128xf32, #tpu.memory_space<vmem>>, vector<1x16xf32>,
        %get3A_310 = vector.shape_cast %get3A_309 : vector<1x16xf32> to vector<16xf32>
        %add3A_311 = arith.addf %get3A_306, %get3A_310 : vector<16xf32>
        %max3A_312 = arith.constant 0.000000e+00 : f32
        %max3A_313 = vector.broadcast %max3A_312 : f32 to vector<16xf32>
        %max3A_314 = arith.maximumf %add3A_311, %max3A_313 : vector<16xf32>
        %swap3A_315 = arith.index_cast %scan3A_287 : i32 to index
        %swap3A_316 = arith.constant 16 : index
        %swap3A_317 = tpu.vector_load %arg10[%swap3A_315, %swap3A_316] {strides = array<i32>} : memref<80x128xf32, #tpu.memory_space<vmem>>, vector<1x16xf32>,
        %swap3A_318 = vector.shape_cast %swap3A_317 : vector<1x16xf32> to vector<16xf32>
        %swap3A_319 = vector.shape_cast %max3A_314 : vector<16xf32> to vector<1x16xf32>
        tpu.vector_store %arg10[%swap3A_315, %swap3A_316], %swap3A_319 {strides = array<i32>} : memref<80x128xf32, #tpu.memory_space<vmem>>, vector<1x16xf32>,
        %get3A_320 = arith.index_cast %scan3A_287 : i32 to index
        %get3A_321 = arith.constant 32 : index
        %get3A_322 = tpu.vector_load %arg10[%get3A_320, %get3A_321] {strides = array<i32>} : memref<80x128xf32, #tpu.memory_space<vmem>>, vector<1x16xf32>,
        %get3A_323 = vector.shape_cast %get3A_322 : vector<1x16xf32> to vector<16xf32>
        %get3A_324 = arith.index_cast %scan3A_287 : i32 to index
        %get3A_325 = arith.constant 32 : index
        %get3A_326 = tpu.vector_load %arg12[%get3A_324, %get3A_325] {strides = array<i32>} : memref<80x128xf32, #tpu.memory_space<vmem>>, vector<1x16xf32>,
        %get3A_327 = vector.shape_cast %get3A_326 : vector<1x16xf32> to vector<16xf32>
        %add3A_328 = arith.addf %get3A_323, %get3A_327 : vector<16xf32>
        %max3A_329 = arith.constant 0.000000e+00 : f32
        %max3A_330 = vector.broadcast %max3A_329 : f32 to vector<16xf32>
        %max3A_331 = arith.maximumf %add3A_328, %max3A_330 : vector<16xf32>
        %swap3A_332 = arith.index_cast %scan3A_287 : i32 to index
        %swap3A_333 = arith.constant 32 : index
        %swap3A_334 = tpu.vector_load %arg10[%swap3A_332, %swap3A_333] {strides = array<i32>} : memref<80x128xf32, #tpu.memory_space<vmem>>, vector<1x16xf32>,
        %swap3A_335 = vector.shape_cast %swap3A_334 : vector<1x16xf32> to vector<16xf32>
        %swap3A_336 = vector.shape_cast %max3A_331 : vector<16xf32> to vector<1x16xf32>
        tpu.vector_store %arg10[%swap3A_332, %swap3A_333], %swap3A_336 {strides = array<i32>} : memref<80x128xf32, #tpu.memory_space<vmem>>, vector<1x16xf32>,
        %get3A_337 = arith.index_cast %scan3A_287 : i32 to index
        %get3A_338 = arith.constant 48 : index
        %get3A_339 = tpu.vector_load %arg10[%get3A_337, %get3A_338] {strides = array<i32>} : memref<80x128xf32, #tpu.memory_space<vmem>>, vector<1x16xf32>,
        %get3A_340 = vector.shape_cast %get3A_339 : vector<1x16xf32> to vector<16xf32>
        %get3A_341 = arith.index_cast %scan3A_287 : i32 to index
        %get3A_342 = arith.constant 48 : index
        %get3A_343 = tpu.vector_load %arg12[%get3A_341, %get3A_342] {strides = array<i32>} : memref<80x128xf32, #tpu.memory_space<vmem>>, vector<1x16xf32>,
        %get3A_344 = vector.shape_cast %get3A_343 : vector<1x16xf32> to vector<16xf32>
        %add3A_345 = arith.addf %get3A_340, %get3A_344 : vector<16xf32>
        %max3A_346 = arith.constant 0.000000e+00 : f32
        %max3A_347 = vector.broadcast %max3A_346 : f32 to vector<16xf32>
        %max3A_348 = arith.maximumf %add3A_345, %max3A_347 : vector<16xf32>
        %swap3A_349 = arith.index_cast %scan3A_287 : i32 to index
        %swap3A_350 = arith.constant 48 : index
        %swap3A_351 = tpu.vector_load %arg10[%swap3A_349, %swap3A_350] {strides = array<i32>} : memref<80x128xf32, #tpu.memory_space<vmem>>, vector<1x16xf32>,
        %swap3A_352 = vector.shape_cast %swap3A_351 : vector<1x16xf32> to vector<16xf32>
        %swap3A_353 = vector.shape_cast %max3A_348 : vector<16xf32> to vector<1x16xf32>
        tpu.vector_store %arg10[%swap3A_349, %swap3A_350], %swap3A_353 {strides = array<i32>} : memref<80x128xf32, #tpu.memory_space<vmem>>, vector<1x16xf32>,
        %get3A_354 = arith.index_cast %scan3A_287 : i32 to index
        %get3A_355 = arith.constant 64 : index
        %get3A_356 = tpu.vector_load %arg10[%get3A_354, %get3A_355] {strides = array<i32>} : memref<80x128xf32, #tpu.memory_space<vmem>>, vector<1x16xf32>,
        %get3A_357 = vector.shape_cast %get3A_356 : vector<1x16xf32> to vector<16xf32>
        %get3A_358 = arith.index_cast %scan3A_287 : i32 to index
        %get3A_359 = arith.constant 64 : index
        %get3A_360 = tpu.vector_load %arg12[%get3A_358, %get3A_359] {strides = array<i32>} : memref<80x128xf32, #tpu.memory_space<vmem>>, vector<1x16xf32>,
        %get3A_361 = vector.shape_cast %get3A_360 : vector<1x16xf32> to vector<16xf32>
        %add3A_362 = arith.addf %get3A_357, %get3A_361 : vector<16xf32>
        %max3A_363 = arith.constant 0.000000e+00 : f32
        %max3A_364 = vector.broadcast %max3A_363 : f32 to vector<16xf32>
        %max3A_365 = arith.maximumf %add3A_362, %max3A_364 : vector<16xf32>
        %swap3A_366 = arith.index_cast %scan3A_287 : i32 to index
        %swap3A_367 = arith.constant 64 : index
        %swap3A_368 = tpu.vector_load %arg10[%swap3A_366, %swap3A_367] {strides = array<i32>} : memref<80x128xf32, #tpu.memory_space<vmem>>, vector<1x16xf32>,
        %swap3A_369 = vector.shape_cast %swap3A_368 : vector<1x16xf32> to vector<16xf32>
        %swap3A_370 = vector.shape_cast %max3A_365 : vector<16xf32> to vector<1x16xf32>
        tpu.vector_store %arg10[%swap3A_366, %swap3A_367], %swap3A_370 {strides = array<i32>} : memref<80x128xf32, #tpu.memory_space<vmem>>, vector<1x16xf32>,
        %scan3A_371 = arith.constant 0 : i32
        scf.yield %scan3A_371 : i32
      }
      %scan3A_264 = arith.constant 80 : i32
      %dma_start3A_265 = arith.constant 1 : i32
      %dma_start3A_266 = arith.constant 0 : i32
      %dma_start3A_267 = tpu.memref_slice %arg8[%dma_start3A_265, %dma_start3A_266] : memref<2x80xi32, #tpu.memory_space<vmem>> -> memref<1x80xi32, #tpu.memory_space<vmem>>
      %dma_start3A_268 = tpu.memref_squeeze %dma_start3A_267 : memref<1x80xi32, #tpu.memory_space<vmem>> -> memref<80xi32, #tpu.memory_space<vmem>>
      %dma_start3A_269 = arith.constant 0 : i32
      %dma_start3A_270 = arith.constant 0 : i32
      %dma_start3A_271 = tpu.memref_slice %arg14[%dma_start3A_269, %dma_start3A_270] : memref<10112x128xf32, #tpu.memory_space<vmem_shared>> -> memref<10112x128xf32, #tpu.memory_space<vmem_shared>>
      tpu.enqueue_indirect_dma source(%arg10 : memref<80x128xf32, #tpu.memory_space<vmem>>) target(%dma_start3A_271 : memref<10112x128xf32, #tpu.memory_space<vmem_shared>>) offsets(%dma_start3A_268 : memref<80xi32, #tpu.memory_space<vmem>>) semaphore(%arg18 : memref<!tpu.dma_semaphore, #tpu.memory_space<semaphore_mem>>) {add = true}
      %dma_wait3A_272 = arith.constant 0 : i32
      %dma_wait3A_273 = arith.constant 0 : i32
      %dma_wait3A_274 = tpu.memref_slice %arg8[%dma_wait3A_272, %dma_wait3A_273] : memref<2x80xi32, #tpu.memory_space<vmem>> -> memref<1x80xi32, #tpu.memory_space<vmem>>
      %dma_wait3A_275 = tpu.memref_squeeze %dma_wait3A_274 : memref<1x80xi32, #tpu.memory_space<vmem>> -> memref<80xi32, #tpu.memory_space<vmem>>
      %dma_wait3A_276 = arith.constant 0 : i32
      %dma_wait3A_277 = arith.constant 0 : i32
      %dma_wait3A_278 = tpu.memref_slice %arg14[%dma_wait3A_276, %dma_wait3A_277] : memref<10112x128xf32, #tpu.memory_space<vmem_shared>> -> memref<10112x128xf32, #tpu.memory_space<vmem_shared>>
      tpu.wait_indirect_dma semaphore(%arg18 : memref<!tpu.dma_semaphore, #tpu.memory_space<semaphore_mem>>) src(%arg9 : memref<80x128xf32, #tpu.memory_space<vmem>>) dst(%dma_wait3A_278 : memref<10112x128xf32, #tpu.memory_space<vmem_shared>>)
      %dma_wait3A_279 = arith.constant 1 : i32
      %dma_wait3A_280 = arith.constant 0 : i32
      %dma_wait3A_281 = tpu.memref_slice %arg8[%dma_wait3A_279, %dma_wait3A_280] : memref<2x80xi32, #tpu.memory_space<vmem>> -> memref<1x80xi32, #tpu.memory_space<vmem>>
      %dma_wait3A_282 = tpu.memref_squeeze %dma_wait3A_281 : memref<1x80xi32, #tpu.memory_space<vmem>> -> memref<80xi32, #tpu.memory_space<vmem>>
      %dma_wait3A_283 = arith.constant 0 : i32
      %dma_wait3A_284 = arith.constant 0 : i32
      %dma_wait3A_285 = tpu.memref_slice %arg14[%dma_wait3A_283, %dma_wait3A_284] : memref<10112x128xf32, #tpu.memory_space<vmem_shared>> -> memref<10112x128xf32, #tpu.memory_space<vmem_shared>>
      tpu.wait_indirect_dma semaphore(%arg18 : memref<!tpu.dma_semaphore, #tpu.memory_space<semaphore_mem>>) src(%arg10 : memref<80x128xf32, #tpu.memory_space<vmem>>) dst(%dma_wait3A_285 : memref<10112x128xf32, #tpu.memory_space<vmem_shared>>)
      %scan3A_286 = arith.constant 0 : i32
      scf.yield %scan3A_286 : i32
    }
    %scan3A_29 = arith.constant 62 : i32
    %add3A_30 = arith.constant 9920 : i32
    %add3A_31 = arith.addi %mul3A_2, %add3A_30 : i32
    %dma_start3A = arith.constant 0 : i32
    %dma_start3A_32 = arith.constant 0 : i32
    %dma_start3A_33 = tpu.memref_slice %arg7[%dma_start3A, %dma_start3A_32] : memref<2x80xi32, #tpu.memory_space<vmem>> -> memref<1x80xi32, #tpu.memory_space<vmem>>
    %dma_start3A_34 = tpu.memref_squeeze %dma_start3A_33 : memref<1x80xi32, #tpu.memory_space<vmem>> -> memref<80xi32, #tpu.memory_space<vmem>>
    %dma_start3A_35 = tpu.memref_slice %arg4[%add3A_31] : memref<320000xi32, #tpu.memory_space<hbm>> -> memref<80xi32, #tpu.memory_space<hbm>>
    %dma_start3A_36 = arith.constant 0 : i32
    %dma_start3A_37 = tpu.memref_slice %arg7[%dma_start3A, %dma_start3A_36] : memref<2x80xi32, #tpu.memory_space<vmem>> -> memref<1x80xi32, #tpu.memory_space<vmem>>
    %dma_start3A_38 = tpu.memref_squeeze %dma_start3A_37 : memref<1x80xi32, #tpu.memory_space<vmem>> -> memref<80xi32, #tpu.memory_space<vmem>>
    %dma_start3A_39 = tpu.memref_slice %arg4[%add3A_31] : memref<320000xi32, #tpu.memory_space<hbm>> -> memref<80xi32, #tpu.memory_space<hbm>>
    tpu.enqueue_dma source(%dma_start3A_39 : memref<80xi32, #tpu.memory_space<hbm>>) target(%dma_start3A_38 : memref<80xi32, #tpu.memory_space<vmem>>) target_semaphore(%arg15 : memref<!tpu.dma_semaphore, #tpu.memory_space<semaphore_mem>>)
    %dma_start3A_40 = arith.constant 0 : i32
    %dma_start3A_41 = arith.constant 0 : i32
    %dma_start3A_42 = tpu.memref_slice %arg8[%dma_start3A_40, %dma_start3A_41] : memref<2x80xi32, #tpu.memory_space<vmem>> -> memref<1x80xi32, #tpu.memory_space<vmem>>
    %dma_start3A_43 = tpu.memref_squeeze %dma_start3A_42 : memref<1x80xi32, #tpu.memory_space<vmem>> -> memref<80xi32, #tpu.memory_space<vmem>>
    %dma_start3A_44 = tpu.memref_slice %arg5[%add3A_31] : memref<320000xi32, #tpu.memory_space<hbm>> -> memref<80xi32, #tpu.memory_space<hbm>>
    %dma_start3A_45 = arith.constant 0 : i32
    %dma_start3A_46 = tpu.memref_slice %arg8[%dma_start3A_40, %dma_start3A_45] : memref<2x80xi32, #tpu.memory_space<vmem>> -> memref<1x80xi32, #tpu.memory_space<vmem>>
    %dma_start3A_47 = tpu.memref_squeeze %dma_start3A_46 : memref<1x80xi32, #tpu.memory_space<vmem>> -> memref<80xi32, #tpu.memory_space<vmem>>
    %dma_start3A_48 = tpu.memref_slice %arg5[%add3A_31] : memref<320000xi32, #tpu.memory_space<hbm>> -> memref<80xi32, #tpu.memory_space<hbm>>
    tpu.enqueue_dma source(%dma_start3A_48 : memref<80xi32, #tpu.memory_space<hbm>>) target(%dma_start3A_47 : memref<80xi32, #tpu.memory_space<vmem>>) target_semaphore(%arg15 : memref<!tpu.dma_semaphore, #tpu.memory_space<semaphore_mem>>)
    %dma_start3A_49 = arith.constant 0 : i32
    %dma_start3A_50 = tpu.memref_slice %arg3[%add3A_31, %dma_start3A_49] : memref<320000x128xf32, #tpu.memory_space<hbm>> -> memref<80x128xf32, #tpu.memory_space<hbm>>
    %dma_start3A_51 = arith.constant 0 : i32
    %dma_start3A_52 = tpu.memref_slice %arg3[%add3A_31, %dma_start3A_51] : memref<320000x128xf32, #tpu.memory_space<hbm>> -> memref<80x128xf32, #tpu.memory_space<hbm>>
    tpu.enqueue_dma source(%dma_start3A_52 : memref<80x128xf32, #tpu.memory_space<hbm>>) target(%arg11 : memref<80x128xf32, #tpu.memory_space<vmem>>) target_semaphore(%arg17 : memref<!tpu.dma_semaphore, #tpu.memory_space<semaphore_mem>>)
    %dma_wait3A = arith.constant 0 : i32
    %dma_wait3A_53 = arith.constant 0 : i32
    %dma_wait3A_54 = tpu.memref_slice %arg7[%dma_wait3A, %dma_wait3A_53] : memref<2x80xi32, #tpu.memory_space<vmem>> -> memref<1x80xi32, #tpu.memory_space<vmem>>
    %dma_wait3A_55 = tpu.memref_squeeze %dma_wait3A_54 : memref<1x80xi32, #tpu.memory_space<vmem>> -> memref<80xi32, #tpu.memory_space<vmem>>
    %dma_wait3A_56 = tpu.memref_slice %arg4[%add3A_31] : memref<320000xi32, #tpu.memory_space<hbm>> -> memref<80xi32, #tpu.memory_space<hbm>>
    %dma_wait3A_57 = arith.constant 0 : i32
    %dma_wait3A_58 = tpu.memref_slice %arg7[%dma_wait3A, %dma_wait3A_57] : memref<2x80xi32, #tpu.memory_space<vmem>> -> memref<1x80xi32, #tpu.memory_space<vmem>>
    %dma_wait3A_59 = tpu.memref_squeeze %dma_wait3A_58 : memref<1x80xi32, #tpu.memory_space<vmem>> -> memref<80xi32, #tpu.memory_space<vmem>>
    %dma_wait3A_60 = tpu.memref_slice %arg4[%add3A_31] : memref<320000xi32, #tpu.memory_space<hbm>> -> memref<80xi32, #tpu.memory_space<hbm>>
    tpu.wait_dma2 semaphore(%arg15 : memref<!tpu.dma_semaphore, #tpu.memory_space<semaphore_mem>>) src(%dma_wait3A_60 : memref<80xi32, #tpu.memory_space<hbm>>) dst(%dma_wait3A_59 : memref<80xi32, #tpu.memory_space<vmem>>)
    %dma_wait3A_61 = arith.constant 0 : i32
    %dma_wait3A_62 = arith.constant 0 : i32
    %dma_wait3A_63 = tpu.memref_slice %arg8[%dma_wait3A_61, %dma_wait3A_62] : memref<2x80xi32, #tpu.memory_space<vmem>> -> memref<1x80xi32, #tpu.memory_space<vmem>>
    %dma_wait3A_64 = tpu.memref_squeeze %dma_wait3A_63 : memref<1x80xi32, #tpu.memory_space<vmem>> -> memref<80xi32, #tpu.memory_space<vmem>>
    %dma_wait3A_65 = tpu.memref_slice %arg5[%add3A_31] : memref<320000xi32, #tpu.memory_space<hbm>> -> memref<80xi32, #tpu.memory_space<hbm>>
    %dma_wait3A_66 = arith.constant 0 : i32
    %dma_wait3A_67 = tpu.memref_slice %arg8[%dma_wait3A_61, %dma_wait3A_66] : memref<2x80xi32, #tpu.memory_space<vmem>> -> memref<1x80xi32, #tpu.memory_space<vmem>>
    %dma_wait3A_68 = tpu.memref_squeeze %dma_wait3A_67 : memref<1x80xi32, #tpu.memory_space<vmem>> -> memref<80xi32, #tpu.memory_space<vmem>>
    %dma_wait3A_69 = tpu.memref_slice %arg5[%add3A_31] : memref<320000xi32, #tpu.memory_space<hbm>> -> memref<80xi32, #tpu.memory_space<hbm>>
    tpu.wait_dma2 semaphore(%arg15 : memref<!tpu.dma_semaphore, #tpu.memory_space<semaphore_mem>>) src(%dma_wait3A_69 : memref<80xi32, #tpu.memory_space<hbm>>) dst(%dma_wait3A_68 : memref<80xi32, #tpu.memory_space<vmem>>)
    %dma_start3A_70 = arith.constant 0 : i32
    %dma_start3A_71 = arith.constant 0 : i32
    %dma_start3A_72 = tpu.memref_slice %arg7[%dma_start3A_70, %dma_start3A_71] : memref<2x80xi32, #tpu.memory_space<vmem>> -> memref<1x80xi32, #tpu.memory_space<vmem>>
    %dma_start3A_73 = tpu.memref_squeeze %dma_start3A_72 : memref<1x80xi32, #tpu.memory_space<vmem>> -> memref<80xi32, #tpu.memory_space<vmem>>
    %dma_start3A_74 = arith.constant 0 : i32
    %dma_start3A_75 = arith.constant 0 : i32
    %dma_start3A_76 = tpu.memref_slice %arg2[%dma_start3A_74, %dma_start3A_75] : memref<10000x128xf32, #tpu.memory_space<hbm>> -> memref<10000x128xf32, #tpu.memory_space<hbm>>
    tpu.enqueue_indirect_dma source(%dma_start3A_76 : memref<10000x128xf32, #tpu.memory_space<hbm>>) target(%arg9 : memref<80x128xf32, #tpu.memory_space<vmem>>) offsets(%dma_start3A_73 : memref<80xi32, #tpu.memory_space<vmem>>) semaphore(%arg16 : memref<!tpu.dma_semaphore, #tpu.memory_space<semaphore_mem>>)
    %dma_wait3A_77 = arith.constant 0 : i32
    %dma_wait3A_78 = arith.constant 0 : i32
    %dma_wait3A_79 = tpu.memref_slice %arg7[%dma_wait3A_77, %dma_wait3A_78] : memref<2x80xi32, #tpu.memory_space<vmem>> -> memref<1x80xi32, #tpu.memory_space<vmem>>
    %dma_wait3A_80 = tpu.memref_squeeze %dma_wait3A_79 : memref<1x80xi32, #tpu.memory_space<vmem>> -> memref<80xi32, #tpu.memory_space<vmem>>
    %dma_wait3A_81 = arith.constant 0 : i32
    %dma_wait3A_82 = arith.constant 0 : i32
    %dma_wait3A_83 = tpu.memref_slice %arg2[%dma_wait3A_81, %dma_wait3A_82] : memref<10000x128xf32, #tpu.memory_space<hbm>> -> memref<10000x128xf32, #tpu.memory_space<hbm>>
    tpu.wait_indirect_dma semaphore(%arg16 : memref<!tpu.dma_semaphore, #tpu.memory_space<semaphore_mem>>) src(%dma_wait3A_83 : memref<10000x128xf32, #tpu.memory_space<hbm>>) dst(%arg9 : memref<80x128xf32, #tpu.memory_space<vmem>>)
    %dma_wait3A_84 = arith.constant 0 : i32
    %dma_wait3A_85 = tpu.memref_slice %arg3[%add3A_31, %dma_wait3A_84] : memref<320000x128xf32, #tpu.memory_space<hbm>> -> memref<80x128xf32, #tpu.memory_space<hbm>>
    %dma_wait3A_86 = arith.constant 0 : i32
    %dma_wait3A_87 = tpu.memref_slice %arg3[%add3A_31, %dma_wait3A_86] : memref<320000x128xf32, #tpu.memory_space<hbm>> -> memref<80x128xf32, #tpu.memory_space<hbm>>
    tpu.wait_dma2 semaphore(%arg17 : memref<!tpu.dma_semaphore, #tpu.memory_space<semaphore_mem>>) src(%dma_wait3A_87 : memref<80x128xf32, #tpu.memory_space<hbm>>) dst(%arg11 : memref<80x128xf32, #tpu.memory_space<vmem>>)
    %scan3A_88 = arith.constant 0 : i32
    %scan3A_89 = arith.constant 0 : i32
    %scan3A_90 = arith.constant 80 : i32
    %scan3A_91 = arith.addi %scan3A_89, %scan3A_90 : i32
    %scan3A_92 = arith.constant 1 : i32
    %scan3A_93 = scf.for %scan3A_114 = %scan3A_89 to %scan3A_91 step %scan3A_92 iter_args(%scan3A_115 = %scan3A_88) -> (i32)  : i32 {
      %get3A = arith.index_cast %scan3A_114 : i32 to index
      %get3A_116 = arith.constant 0 : index
      %get3A_117 = tpu.vector_load %arg9[%get3A, %get3A_116] {strides = array<i32>} : memref<80x128xf32, #tpu.memory_space<vmem>>, vector<1x16xf32>,
      %get3A_118 = vector.shape_cast %get3A_117 : vector<1x16xf32> to vector<16xf32>
      %get3A_119 = arith.index_cast %scan3A_114 : i32 to index
      %get3A_120 = arith.constant 0 : index
      %get3A_121 = tpu.vector_load %arg11[%get3A_119, %get3A_120] {strides = array<i32>} : memref<80x128xf32, #tpu.memory_space<vmem>>, vector<1x16xf32>,
      %get3A_122 = vector.shape_cast %get3A_121 : vector<1x16xf32> to vector<16xf32>
      %add3A_123 = arith.addf %get3A_118, %get3A_122 : vector<16xf32>
      %max3A = arith.constant 0.000000e+00 : f32
      %max3A_124 = vector.broadcast %max3A : f32 to vector<16xf32>
      %max3A_125 = arith.maximumf %add3A_123, %max3A_124 : vector<16xf32>
      %swap3A = arith.index_cast %scan3A_114 : i32 to index
      %swap3A_126 = arith.constant 0 : index
      %swap3A_127 = tpu.vector_load %arg9[%swap3A, %swap3A_126] {strides = array<i32>} : memref<80x128xf32, #tpu.memory_space<vmem>>, vector<1x16xf32>,
      %swap3A_128 = vector.shape_cast %swap3A_127 : vector<1x16xf32> to vector<16xf32>
      %swap3A_129 = vector.shape_cast %max3A_125 : vector<16xf32> to vector<1x16xf32>
      tpu.vector_store %arg9[%swap3A, %swap3A_126], %swap3A_129 {strides = array<i32>} : memref<80x128xf32, #tpu.memory_space<vmem>>, vector<1x16xf32>,
      %get3A_130 = arith.index_cast %scan3A_114 : i32 to index
      %get3A_131 = arith.constant 16 : index
      %get3A_132 = tpu.vector_load %arg9[%get3A_130, %get3A_131] {strides = array<i32>} : memref<80x128xf32, #tpu.memory_space<vmem>>, vector<1x16xf32>,
      %get3A_133 = vector.shape_cast %get3A_132 : vector<1x16xf32> to vector<16xf32>
      %get3A_134 = arith.index_cast %scan3A_114 : i32 to index
      %get3A_135 = arith.constant 16 : index
      %get3A_136 = tpu.vector_load %arg11[%get3A_134, %get3A_135] {strides = array<i32>} : memref<80x128xf32, #tpu.memory_space<vmem>>, vector<1x16xf32>,
      %get3A_137 = vector.shape_cast %get3A_136 : vector<1x16xf32> to vector<16xf32>
      %add3A_138 = arith.addf %get3A_133, %get3A_137 : vector<16xf32>
      %max3A_139 = arith.constant 0.000000e+00 : f32
      %max3A_140 = vector.broadcast %max3A_139 : f32 to vector<16xf32>
      %max3A_141 = arith.maximumf %add3A_138, %max3A_140 : vector<16xf32>
      %swap3A_142 = arith.index_cast %scan3A_114 : i32 to index
      %swap3A_143 = arith.constant 16 : index
      %swap3A_144 = tpu.vector_load %arg9[%swap3A_142, %swap3A_143] {strides = array<i32>} : memref<80x128xf32, #tpu.memory_space<vmem>>, vector<1x16xf32>,
      %swap3A_145 = vector.shape_cast %swap3A_144 : vector<1x16xf32> to vector<16xf32>
      %swap3A_146 = vector.shape_cast %max3A_141 : vector<16xf32> to vector<1x16xf32>
      tpu.vector_store %arg9[%swap3A_142, %swap3A_143], %swap3A_146 {strides = array<i32>} : memref<80x128xf32, #tpu.memory_space<vmem>>, vector<1x16xf32>,
      %get3A_147 = arith.index_cast %scan3A_114 : i32 to index
      %get3A_148 = arith.constant 32 : index
      %get3A_149 = tpu.vector_load %arg9[%get3A_147, %get3A_148] {strides = array<i32>} : memref<80x128xf32, #tpu.memory_space<vmem>>, vector<1x16xf32>,
      %get3A_150 = vector.shape_cast %get3A_149 : vector<1x16xf32> to vector<16xf32>
      %get3A_151 = arith.index_cast %scan3A_114 : i32 to index
      %get3A_152 = arith.constant 32 : index
      %get3A_153 = tpu.vector_load %arg11[%get3A_151, %get3A_152] {strides = array<i32>} : memref<80x128xf32, #tpu.memory_space<vmem>>, vector<1x16xf32>,
      %get3A_154 = vector.shape_cast %get3A_153 : vector<1x16xf32> to vector<16xf32>
      %add3A_155 = arith.addf %get3A_150, %get3A_154 : vector<16xf32>
      %max3A_156 = arith.constant 0.000000e+00 : f32
      %max3A_157 = vector.broadcast %max3A_156 : f32 to vector<16xf32>
      %max3A_158 = arith.maximumf %add3A_155, %max3A_157 : vector<16xf32>
      %swap3A_159 = arith.index_cast %scan3A_114 : i32 to index
      %swap3A_160 = arith.constant 32 : index
      %swap3A_161 = tpu.vector_load %arg9[%swap3A_159, %swap3A_160] {strides = array<i32>} : memref<80x128xf32, #tpu.memory_space<vmem>>, vector<1x16xf32>,
      %swap3A_162 = vector.shape_cast %swap3A_161 : vector<1x16xf32> to vector<16xf32>
      %swap3A_163 = vector.shape_cast %max3A_158 : vector<16xf32> to vector<1x16xf32>
      tpu.vector_store %arg9[%swap3A_159, %swap3A_160], %swap3A_163 {strides = array<i32>} : memref<80x128xf32, #tpu.memory_space<vmem>>, vector<1x16xf32>,
      %get3A_164 = arith.index_cast %scan3A_114 : i32 to index
      %get3A_165 = arith.constant 48 : index
      %get3A_166 = tpu.vector_load %arg9[%get3A_164, %get3A_165] {strides = array<i32>} : memref<80x128xf32, #tpu.memory_space<vmem>>, vector<1x16xf32>,
      %get3A_167 = vector.shape_cast %get3A_166 : vector<1x16xf32> to vector<16xf32>
      %get3A_168 = arith.index_cast %scan3A_114 : i32 to index
      %get3A_169 = arith.constant 48 : index
      %get3A_170 = tpu.vector_load %arg11[%get3A_168, %get3A_169] {strides = array<i32>} : memref<80x128xf32, #tpu.memory_space<vmem>>, vector<1x16xf32>,
      %get3A_171 = vector.shape_cast %get3A_170 : vector<1x16xf32> to vector<16xf32>
      %add3A_172 = arith.addf %get3A_167, %get3A_171 : vector<16xf32>
      %max3A_173 = arith.constant 0.000000e+00 : f32
      %max3A_174 = vector.broadcast %max3A_173 : f32 to vector<16xf32>
      %max3A_175 = arith.maximumf %add3A_172, %max3A_174 : vector<16xf32>
      %swap3A_176 = arith.index_cast %scan3A_114 : i32 to index
      %swap3A_177 = arith.constant 48 : index
      %swap3A_178 = tpu.vector_load %arg9[%swap3A_176, %swap3A_177] {strides = array<i32>} : memref<80x128xf32, #tpu.memory_space<vmem>>, vector<1x16xf32>,
      %swap3A_179 = vector.shape_cast %swap3A_178 : vector<1x16xf32> to vector<16xf32>
      %swap3A_180 = vector.shape_cast %max3A_175 : vector<16xf32> to vector<1x16xf32>
      tpu.vector_store %arg9[%swap3A_176, %swap3A_177], %swap3A_180 {strides = array<i32>} : memref<80x128xf32, #tpu.memory_space<vmem>>, vector<1x16xf32>,
      %get3A_181 = arith.index_cast %scan3A_114 : i32 to index
      %get3A_182 = arith.constant 64 : index
      %get3A_183 = tpu.vector_load %arg9[%get3A_181, %get3A_182] {strides = array<i32>} : memref<80x128xf32, #tpu.memory_space<vmem>>, vector<1x16xf32>,
      %get3A_184 = vector.shape_cast %get3A_183 : vector<1x16xf32> to vector<16xf32>
      %get3A_185 = arith.index_cast %scan3A_114 : i32 to index
      %get3A_186 = arith.constant 64 : index
      %get3A_187 = tpu.vector_load %arg11[%get3A_185, %get3A_186] {strides = array<i32>} : memref<80x128xf32, #tpu.memory_space<vmem>>, vector<1x16xf32>,
      %get3A_188 = vector.shape_cast %get3A_187 : vector<1x16xf32> to vector<16xf32>
      %add3A_189 = arith.addf %get3A_184, %get3A_188 : vector<16xf32>
      %max3A_190 = arith.constant 0.000000e+00 : f32
      %max3A_191 = vector.broadcast %max3A_190 : f32 to vector<16xf32>
      %max3A_192 = arith.maximumf %add3A_189, %max3A_191 : vector<16xf32>
      %swap3A_193 = arith.index_cast %scan3A_114 : i32 to index
      %swap3A_194 = arith.constant 64 : index
      %swap3A_195 = tpu.vector_load %arg9[%swap3A_193, %swap3A_194] {strides = array<i32>} : memref<80x128xf32, #tpu.memory_space<vmem>>, vector<1x16xf32>,
      %swap3A_196 = vector.shape_cast %swap3A_195 : vector<1x16xf32> to vector<16xf32>
      %swap3A_197 = vector.shape_cast %max3A_192 : vector<16xf32> to vector<1x16xf32>
      tpu.vector_store %arg9[%swap3A_193, %swap3A_194], %swap3A_197 {strides = array<i32>} : memref<80x128xf32, #tpu.memory_space<vmem>>, vector<1x16xf32>,
      %scan3A_198 = arith.constant 0 : i32
      scf.yield %scan3A_198 : i32
    }
    %scan3A_94 = arith.constant 80 : i32
    %dma_start3A_95 = arith.constant 0 : i32
    %dma_start3A_96 = arith.constant 0 : i32
    %dma_start3A_97 = tpu.memref_slice %arg8[%dma_start3A_95, %dma_start3A_96] : memref<2x80xi32, #tpu.memory_space<vmem>> -> memref<1x80xi32, #tpu.memory_space<vmem>>
    %dma_start3A_98 = tpu.memref_squeeze %dma_start3A_97 : memref<1x80xi32, #tpu.memory_space<vmem>> -> memref<80xi32, #tpu.memory_space<vmem>>
    %dma_start3A_99 = arith.constant 0 : i32
    %dma_start3A_100 = arith.constant 0 : i32
    %dma_start3A_101 = tpu.memref_slice %arg14[%dma_start3A_99, %dma_start3A_100] : memref<10112x128xf32, #tpu.memory_space<vmem_shared>> -> memref<10112x128xf32, #tpu.memory_space<vmem_shared>>
    tpu.enqueue_indirect_dma source(%arg9 : memref<80x128xf32, #tpu.memory_space<vmem>>) target(%dma_start3A_101 : memref<10112x128xf32, #tpu.memory_space<vmem_shared>>) offsets(%dma_start3A_98 : memref<80xi32, #tpu.memory_space<vmem>>) semaphore(%arg18 : memref<!tpu.dma_semaphore, #tpu.memory_space<semaphore_mem>>) {add = true}
    %dma_wait3A_102 = arith.constant 0 : i32
    %dma_wait3A_103 = arith.constant 0 : i32
    %dma_wait3A_104 = tpu.memref_slice %arg8[%dma_wait3A_102, %dma_wait3A_103] : memref<2x80xi32, #tpu.memory_space<vmem>> -> memref<1x80xi32, #tpu.memory_space<vmem>>
    %dma_wait3A_105 = tpu.memref_squeeze %dma_wait3A_104 : memref<1x80xi32, #tpu.memory_space<vmem>> -> memref<80xi32, #tpu.memory_space<vmem>>
    %dma_wait3A_106 = arith.constant 0 : i32
    %dma_wait3A_107 = arith.constant 0 : i32
    %dma_wait3A_108 = tpu.memref_slice %arg14[%dma_wait3A_106, %dma_wait3A_107] : memref<10112x128xf32, #tpu.memory_space<vmem_shared>> -> memref<10112x128xf32, #tpu.memory_space<vmem_shared>>
    tpu.wait_indirect_dma semaphore(%arg18 : memref<!tpu.dma_semaphore, #tpu.memory_space<semaphore_mem>>) src(%arg9 : memref<80x128xf32, #tpu.memory_space<vmem>>) dst(%dma_wait3A_108 : memref<10112x128xf32, #tpu.memory_space<vmem_shared>>)
    %barrier3A_109 = arith.constant 0 : index
    tpu.barrier barrier_id(%barrier3A_109)
    %mul3A_110 = arith.constant 632 : i32
    %mul3A_111 = arith.muli %arg1, %mul3A_110 : i32
    %mul3A_112 = arith.constant 632 : i32
    %mul3A_113 = arith.muli %arg1, %mul3A_112 : i32
    "tpu.region"() ({
      %run_scoped3A = tpu.sem_alloc : memref<!tpu.dma_semaphore, #tpu.memory_space<semaphore_mem>>
      %dma_start3A_114 = arith.constant 0 : i32
      %dma_start3A_115 = tpu.memref_slice %arg6[%arg0, %mul3A_113, %dma_start3A_114] : memref<2x10112x128xf32, #tpu.memory_space<hbm>> -> memref<1x632x128xf32, #tpu.memory_space<hbm>>
      %dma_start3A_116 = tpu.memref_squeeze %dma_start3A_115 : memref<1x632x128xf32, #tpu.memory_space<hbm>> -> memref<632x128xf32, #tpu.memory_space<hbm>>
      %dma_start3A_117 = arith.constant 0 : i32
      %dma_start3A_118 = tpu.memref_slice %arg14[%mul3A_111, %dma_start3A_117] : memref<10112x128xf32, #tpu.memory_space<vmem_shared>> -> memref<632x128xf32, #tpu.memory_space<vmem_shared>>
      tpu.enqueue_dma source(%dma_start3A_118 : memref<632x128xf32, #tpu.memory_space<vmem_shared>>) target(%dma_start3A_116 : memref<632x128xf32, #tpu.memory_space<hbm>>) target_semaphore(%run_scoped3A : memref<!tpu.dma_semaphore, #tpu.memory_space<semaphore_mem>>)
      %dma_wait3A_119 = arith.constant 0 : i32
      %dma_wait3A_120 = tpu.memref_slice %arg6[%arg0, %mul3A_113, %dma_wait3A_119] : memref<2x10112x128xf32, #tpu.memory_space<hbm>> -> memref<1x632x128xf32, #tpu.memory_space<hbm>>
      %dma_wait3A_121 = tpu.memref_squeeze %dma_wait3A_120 : memref<1x632x128xf32, #tpu.memory_space<hbm>> -> memref<632x128xf32, #tpu.memory_space<hbm>>
      %dma_wait3A_122 = arith.constant 0 : i32
      %dma_wait3A_123 = tpu.memref_slice %arg14[%mul3A_111, %dma_wait3A_122] : memref<10112x128xf32, #tpu.memory_space<vmem_shared>> -> memref<632x128xf32, #tpu.memory_space<vmem_shared>>
      tpu.wait_dma2 semaphore(%run_scoped3A : memref<!tpu.dma_semaphore, #tpu.memory_space<semaphore_mem>>) src(%dma_wait3A_123 : memref<632x128xf32, #tpu.memory_space<vmem_shared>>) dst(%dma_wait3A_121 : memref<632x128xf32, #tpu.memory_space<hbm>>)
      tpu.yield
    }) : () -> ()
    return
  }
}

#map = affine_map<(d0, d1) -> (0, 0)>
#map1 = affine_map<(d0, d1) -> (0, 0, 0)>
module attributes {stable_mosaic.version = 14 : i64} {
  func.func @_sc_gather_sum_body(%arg0: i32, %arg1: i32, %arg2: memref<10000x128xf32, #tpu.memory_space<hbm>>, %arg3: memref<10000x128xf32, #tpu.memory_space<hbm>>, %arg4: memref<32x125x80xi32, #tpu.memory_space<hbm>>, %arg5: memref<32x125x80xi32, #tpu.memory_space<hbm>>, %arg6: memref<320000x128xf32, #tpu.memory_space<hbm>>, %arg7: memref<125x80xi32, #tpu.memory_space<vmem>>, %arg8: memref<125x80xi32, #tpu.memory_space<vmem>>, %arg9: memref<400x128xf32, #tpu.memory_space<vmem>>, %arg10: memref<!tpu.dma_semaphore, #tpu.memory_space<semaphore_mem>>, %arg11: memref<!tpu.dma_semaphore, #tpu.memory_space<semaphore_mem>>) attributes {dimension_semantics = [#tpu.dimension_semantics<core_parallel>, #tpu.dimension_semantics<subcore_parallel>], iteration_bounds = array<i64: 2, 16>, scalar_prefetch = 0 : i64, scratch_operands = 5 : i64, tpu.core_type = #tpu.core_type<sc_vector_subcore>, window_params = [{transform_indices = #map}, {transform_indices = #map}, {transform_indices = #map1}, {transform_indices = #map1}, {transform_indices = #map}]} {
    %mul3A = arith.constant 16 : i32
    %mul3A_0 = arith.muli %arg0, %mul3A : i32
    %add3A = arith.addi %mul3A_0, %arg1 : i32
    %mul3A_1 = arith.constant 10000 : i32
    %mul3A_2 = arith.muli %add3A, %mul3A_1 : i32
    "tpu.region"() ({
      %run_scoped3A = tpu.sem_alloc : memref<!tpu.dma_semaphore, #tpu.memory_space<semaphore_mem>>
      %dma_start3A = arith.constant 0 : i32
      %dma_start3A_9 = arith.constant 0 : i32
      %dma_start3A_10 = tpu.memref_slice %arg4[%add3A, %dma_start3A, %dma_start3A_9] : memref<32x125x80xi32, #tpu.memory_space<hbm>> -> memref<1x125x80xi32, #tpu.memory_space<hbm>>
      %dma_start3A_11 = tpu.memref_squeeze %dma_start3A_10 : memref<1x125x80xi32, #tpu.memory_space<hbm>> -> memref<125x80xi32, #tpu.memory_space<hbm>>
      %dma_start3A_12 = arith.constant 0 : i32
      %dma_start3A_13 = arith.constant 0 : i32
      %dma_start3A_14 = tpu.memref_slice %arg4[%add3A, %dma_start3A_12, %dma_start3A_13] : memref<32x125x80xi32, #tpu.memory_space<hbm>> -> memref<1x125x80xi32, #tpu.memory_space<hbm>>
      %dma_start3A_15 = tpu.memref_squeeze %dma_start3A_14 : memref<1x125x80xi32, #tpu.memory_space<hbm>> -> memref<125x80xi32, #tpu.memory_space<hbm>>
      tpu.enqueue_dma source(%dma_start3A_15 : memref<125x80xi32, #tpu.memory_space<hbm>>) target(%arg7 : memref<125x80xi32, #tpu.memory_space<vmem>>) target_semaphore(%run_scoped3A : memref<!tpu.dma_semaphore, #tpu.memory_space<semaphore_mem>>)
      %dma_wait3A = arith.constant 0 : i32
      %dma_wait3A_16 = arith.constant 0 : i32
      %dma_wait3A_17 = tpu.memref_slice %arg4[%add3A, %dma_wait3A, %dma_wait3A_16] : memref<32x125x80xi32, #tpu.memory_space<hbm>> -> memref<1x125x80xi32, #tpu.memory_space<hbm>>
      %dma_wait3A_18 = tpu.memref_squeeze %dma_wait3A_17 : memref<1x125x80xi32, #tpu.memory_space<hbm>> -> memref<125x80xi32, #tpu.memory_space<hbm>>
      %dma_wait3A_19 = arith.constant 0 : i32
      %dma_wait3A_20 = arith.constant 0 : i32
      %dma_wait3A_21 = tpu.memref_slice %arg4[%add3A, %dma_wait3A_19, %dma_wait3A_20] : memref<32x125x80xi32, #tpu.memory_space<hbm>> -> memref<1x125x80xi32, #tpu.memory_space<hbm>>
      %dma_wait3A_22 = tpu.memref_squeeze %dma_wait3A_21 : memref<1x125x80xi32, #tpu.memory_space<hbm>> -> memref<125x80xi32, #tpu.memory_space<hbm>>
      tpu.wait_dma2 semaphore(%run_scoped3A : memref<!tpu.dma_semaphore, #tpu.memory_space<semaphore_mem>>) src(%dma_wait3A_22 : memref<125x80xi32, #tpu.memory_space<hbm>>) dst(%arg7 : memref<125x80xi32, #tpu.memory_space<vmem>>)
      tpu.yield
    }) : () -> ()
    "tpu.region"() ({
      %run_scoped3A = tpu.sem_alloc : memref<!tpu.dma_semaphore, #tpu.memory_space<semaphore_mem>>
      %dma_start3A = arith.constant 0 : i32
      %dma_start3A_9 = arith.constant 0 : i32
      %dma_start3A_10 = tpu.memref_slice %arg5[%add3A, %dma_start3A, %dma_start3A_9] : memref<32x125x80xi32, #tpu.memory_space<hbm>> -> memref<1x125x80xi32, #tpu.memory_space<hbm>>
      %dma_start3A_11 = tpu.memref_squeeze %dma_start3A_10 : memref<1x125x80xi32, #tpu.memory_space<hbm>> -> memref<125x80xi32, #tpu.memory_space<hbm>>
      %dma_start3A_12 = arith.constant 0 : i32
      %dma_start3A_13 = arith.constant 0 : i32
      %dma_start3A_14 = tpu.memref_slice %arg5[%add3A, %dma_start3A_12, %dma_start3A_13] : memref<32x125x80xi32, #tpu.memory_space<hbm>> -> memref<1x125x80xi32, #tpu.memory_space<hbm>>
      %dma_start3A_15 = tpu.memref_squeeze %dma_start3A_14 : memref<1x125x80xi32, #tpu.memory_space<hbm>> -> memref<125x80xi32, #tpu.memory_space<hbm>>
      tpu.enqueue_dma source(%dma_start3A_15 : memref<125x80xi32, #tpu.memory_space<hbm>>) target(%arg8 : memref<125x80xi32, #tpu.memory_space<vmem>>) target_semaphore(%run_scoped3A : memref<!tpu.dma_semaphore, #tpu.memory_space<semaphore_mem>>)
      %dma_wait3A = arith.constant 0 : i32
      %dma_wait3A_16 = arith.constant 0 : i32
      %dma_wait3A_17 = tpu.memref_slice %arg5[%add3A, %dma_wait3A, %dma_wait3A_16] : memref<32x125x80xi32, #tpu.memory_space<hbm>> -> memref<1x125x80xi32, #tpu.memory_space<hbm>>
      %dma_wait3A_18 = tpu.memref_squeeze %dma_wait3A_17 : memref<1x125x80xi32, #tpu.memory_space<hbm>> -> memref<125x80xi32, #tpu.memory_space<hbm>>
      %dma_wait3A_19 = arith.constant 0 : i32
      %dma_wait3A_20 = arith.constant 0 : i32
      %dma_wait3A_21 = tpu.memref_slice %arg5[%add3A, %dma_wait3A_19, %dma_wait3A_20] : memref<32x125x80xi32, #tpu.memory_space<hbm>> -> memref<1x125x80xi32, #tpu.memory_space<hbm>>
      %dma_wait3A_22 = tpu.memref_squeeze %dma_wait3A_21 : memref<1x125x80xi32, #tpu.memory_space<hbm>> -> memref<125x80xi32, #tpu.memory_space<hbm>>
      tpu.wait_dma2 semaphore(%run_scoped3A : memref<!tpu.dma_semaphore, #tpu.memory_space<semaphore_mem>>) src(%dma_wait3A_22 : memref<125x80xi32, #tpu.memory_space<hbm>>) dst(%arg8 : memref<125x80xi32, #tpu.memory_space<vmem>>)
      tpu.yield
    }) : () -> ()
    %scan3A = arith.constant 0 : i32
    %scan3A_3 = arith.constant 0 : i32
    %scan3A_4 = arith.constant 25 : i32
    %scan3A_5 = arith.addi %scan3A_3, %scan3A_4 : i32
    %scan3A_6 = arith.constant 1 : i32
    %scan3A_7 = scf.for %scan3A_9 = %scan3A_3 to %scan3A_5 step %scan3A_6 iter_args(%scan3A_10 = %scan3A) -> (i32)  : i32 {
      %mul3A_11 = arith.constant 5 : i32
      %mul3A_12 = arith.muli %scan3A_9, %mul3A_11 : i32
      %add3A_13 = arith.constant 0 : i32
      %add3A_14 = arith.addi %mul3A_12, %add3A_13 : i32
      %dma_start3A = arith.constant 0 : i32
      %dma_start3A_15 = arith.constant 0 : i32
      %dma_start3A_16 = tpu.memref_slice %arg9[%dma_start3A, %dma_start3A_15] : memref<400x128xf32, #tpu.memory_space<vmem>> -> memref<80x128xf32, #tpu.memory_space<vmem>>
      %dma_start3A_17 = arith.constant 0 : i32
      %dma_start3A_18 = tpu.memref_slice %arg7[%add3A_14, %dma_start3A_17] : memref<125x80xi32, #tpu.memory_space<vmem>> -> memref<1x80xi32, #tpu.memory_space<vmem>>
      %dma_start3A_19 = tpu.memref_squeeze %dma_start3A_18 : memref<1x80xi32, #tpu.memory_space<vmem>> -> memref<80xi32, #tpu.memory_space<vmem>>
      %dma_start3A_20 = arith.constant 0 : i32
      %dma_start3A_21 = arith.constant 0 : i32
      %dma_start3A_22 = tpu.memref_slice %arg2[%dma_start3A_20, %dma_start3A_21] : memref<10000x128xf32, #tpu.memory_space<hbm>> -> memref<10000x128xf32, #tpu.memory_space<hbm>>
      tpu.enqueue_indirect_dma source(%dma_start3A_22 : memref<10000x128xf32, #tpu.memory_space<hbm>>) target(%dma_start3A_16 : memref<80x128xf32, #tpu.memory_space<vmem>>) offsets(%dma_start3A_19 : memref<80xi32, #tpu.memory_space<vmem>>) semaphore(%arg10 : memref<!tpu.dma_semaphore, #tpu.memory_space<semaphore_mem>>)
      %add3A_23 = arith.constant 1 : i32
      %add3A_24 = arith.addi %mul3A_12, %add3A_23 : i32
      %dma_start3A_25 = arith.constant 80 : i32
      %dma_start3A_26 = arith.constant 0 : i32
      %dma_start3A_27 = tpu.memref_slice %arg9[%dma_start3A_25, %dma_start3A_26] : memref<400x128xf32, #tpu.memory_space<vmem>> -> memref<80x128xf32, #tpu.memory_space<vmem>>
      %dma_start3A_28 = arith.constant 0 : i32
      %dma_start3A_29 = tpu.memref_slice %arg7[%add3A_24, %dma_start3A_28] : memref<125x80xi32, #tpu.memory_space<vmem>> -> memref<1x80xi32, #tpu.memory_space<vmem>>
      %dma_start3A_30 = tpu.memref_squeeze %dma_start3A_29 : memref<1x80xi32, #tpu.memory_space<vmem>> -> memref<80xi32, #tpu.memory_space<vmem>>
      %dma_start3A_31 = arith.constant 0 : i32
      %dma_start3A_32 = arith.constant 0 : i32
      %dma_start3A_33 = tpu.memref_slice %arg2[%dma_start3A_31, %dma_start3A_32] : memref<10000x128xf32, #tpu.memory_space<hbm>> -> memref<10000x128xf32, #tpu.memory_space<hbm>>
      tpu.enqueue_indirect_dma source(%dma_start3A_33 : memref<10000x128xf32, #tpu.memory_space<hbm>>) target(%dma_start3A_27 : memref<80x128xf32, #tpu.memory_space<vmem>>) offsets(%dma_start3A_30 : memref<80xi32, #tpu.memory_space<vmem>>) semaphore(%arg10 : memref<!tpu.dma_semaphore, #tpu.memory_space<semaphore_mem>>)
      %add3A_34 = arith.constant 2 : i32
      %add3A_35 = arith.addi %mul3A_12, %add3A_34 : i32
      %dma_start3A_36 = arith.constant 160 : i32
      %dma_start3A_37 = arith.constant 0 : i32
      %dma_start3A_38 = tpu.memref_slice %arg9[%dma_start3A_36, %dma_start3A_37] : memref<400x128xf32, #tpu.memory_space<vmem>> -> memref<80x128xf32, #tpu.memory_space<vmem>>
      %dma_start3A_39 = arith.constant 0 : i32
      %dma_start3A_40 = tpu.memref_slice %arg7[%add3A_35, %dma_start3A_39] : memref<125x80xi32, #tpu.memory_space<vmem>> -> memref<1x80xi32, #tpu.memory_space<vmem>>
      %dma_start3A_41 = tpu.memref_squeeze %dma_start3A_40 : memref<1x80xi32, #tpu.memory_space<vmem>> -> memref<80xi32, #tpu.memory_space<vmem>>
      %dma_start3A_42 = arith.constant 0 : i32
      %dma_start3A_43 = arith.constant 0 : i32
      %dma_start3A_44 = tpu.memref_slice %arg2[%dma_start3A_42, %dma_start3A_43] : memref<10000x128xf32, #tpu.memory_space<hbm>> -> memref<10000x128xf32, #tpu.memory_space<hbm>>
      tpu.enqueue_indirect_dma source(%dma_start3A_44 : memref<10000x128xf32, #tpu.memory_space<hbm>>) target(%dma_start3A_38 : memref<80x128xf32, #tpu.memory_space<vmem>>) offsets(%dma_start3A_41 : memref<80xi32, #tpu.memory_space<vmem>>) semaphore(%arg10 : memref<!tpu.dma_semaphore, #tpu.memory_space<semaphore_mem>>)
      %add3A_45 = arith.constant 3 : i32
      %add3A_46 = arith.addi %mul3A_12, %add3A_45 : i32
      %dma_start3A_47 = arith.constant 240 : i32
      %dma_start3A_48 = arith.constant 0 : i32
      %dma_start3A_49 = tpu.memref_slice %arg9[%dma_start3A_47, %dma_start3A_48] : memref<400x128xf32, #tpu.memory_space<vmem>> -> memref<80x128xf32, #tpu.memory_space<vmem>>
      %dma_start3A_50 = arith.constant 0 : i32
      %dma_start3A_51 = tpu.memref_slice %arg7[%add3A_46, %dma_start3A_50] : memref<125x80xi32, #tpu.memory_space<vmem>> -> memref<1x80xi32, #tpu.memory_space<vmem>>
      %dma_start3A_52 = tpu.memref_squeeze %dma_start3A_51 : memref<1x80xi32, #tpu.memory_space<vmem>> -> memref<80xi32, #tpu.memory_space<vmem>>
      %dma_start3A_53 = arith.constant 0 : i32
      %dma_start3A_54 = arith.constant 0 : i32
      %dma_start3A_55 = tpu.memref_slice %arg2[%dma_start3A_53, %dma_start3A_54] : memref<10000x128xf32, #tpu.memory_space<hbm>> -> memref<10000x128xf32, #tpu.memory_space<hbm>>
      tpu.enqueue_indirect_dma source(%dma_start3A_55 : memref<10000x128xf32, #tpu.memory_space<hbm>>) target(%dma_start3A_49 : memref<80x128xf32, #tpu.memory_space<vmem>>) offsets(%dma_start3A_52 : memref<80xi32, #tpu.memory_space<vmem>>) semaphore(%arg10 : memref<!tpu.dma_semaphore, #tpu.memory_space<semaphore_mem>>)
      %add3A_56 = arith.constant 4 : i32
      %add3A_57 = arith.addi %mul3A_12, %add3A_56 : i32
      %dma_start3A_58 = arith.constant 320 : i32
      %dma_start3A_59 = arith.constant 0 : i32
      %dma_start3A_60 = tpu.memref_slice %arg9[%dma_start3A_58, %dma_start3A_59] : memref<400x128xf32, #tpu.memory_space<vmem>> -> memref<80x128xf32, #tpu.memory_space<vmem>>
      %dma_start3A_61 = arith.constant 0 : i32
      %dma_start3A_62 = tpu.memref_slice %arg7[%add3A_57, %dma_start3A_61] : memref<125x80xi32, #tpu.memory_space<vmem>> -> memref<1x80xi32, #tpu.memory_space<vmem>>
      %dma_start3A_63 = tpu.memref_squeeze %dma_start3A_62 : memref<1x80xi32, #tpu.memory_space<vmem>> -> memref<80xi32, #tpu.memory_space<vmem>>
      %dma_start3A_64 = arith.constant 0 : i32
      %dma_start3A_65 = arith.constant 0 : i32
      %dma_start3A_66 = tpu.memref_slice %arg2[%dma_start3A_64, %dma_start3A_65] : memref<10000x128xf32, #tpu.memory_space<hbm>> -> memref<10000x128xf32, #tpu.memory_space<hbm>>
      tpu.enqueue_indirect_dma source(%dma_start3A_66 : memref<10000x128xf32, #tpu.memory_space<hbm>>) target(%dma_start3A_60 : memref<80x128xf32, #tpu.memory_space<vmem>>) offsets(%dma_start3A_63 : memref<80xi32, #tpu.memory_space<vmem>>) semaphore(%arg10 : memref<!tpu.dma_semaphore, #tpu.memory_space<semaphore_mem>>)
      %dma_wait3A = arith.constant 0 : i32
      %dma_wait3A_67 = arith.constant 0 : i32
      %dma_wait3A_68 = tpu.memref_slice %arg9[%dma_wait3A, %dma_wait3A_67] : memref<400x128xf32, #tpu.memory_space<vmem>> -> memref<80x128xf32, #tpu.memory_space<vmem>>
      %dma_wait3A_69 = arith.constant 0 : i32
      %dma_wait3A_70 = tpu.memref_slice %arg7[%add3A_14, %dma_wait3A_69] : memref<125x80xi32, #tpu.memory_space<vmem>> -> memref<1x80xi32, #tpu.memory_space<vmem>>
      %dma_wait3A_71 = tpu.memref_squeeze %dma_wait3A_70 : memref<1x80xi32, #tpu.memory_space<vmem>> -> memref<80xi32, #tpu.memory_space<vmem>>
      %dma_wait3A_72 = arith.constant 0 : i32
      %dma_wait3A_73 = arith.constant 0 : i32
      %dma_wait3A_74 = tpu.memref_slice %arg2[%dma_wait3A_72, %dma_wait3A_73] : memref<10000x128xf32, #tpu.memory_space<hbm>> -> memref<10000x128xf32, #tpu.memory_space<hbm>>
      tpu.wait_indirect_dma semaphore(%arg10 : memref<!tpu.dma_semaphore, #tpu.memory_space<semaphore_mem>>) src(%dma_wait3A_74 : memref<10000x128xf32, #tpu.memory_space<hbm>>) dst(%dma_wait3A_68 : memref<80x128xf32, #tpu.memory_space<vmem>>)
      %add3A_75 = arith.constant 0 : i32
      %add3A_76 = arith.addi %mul3A_12, %add3A_75 : i32
      %dma_start3A_77 = arith.constant 0 : i32
      %dma_start3A_78 = arith.constant 0 : i32
      %dma_start3A_79 = tpu.memref_slice %arg9[%dma_start3A_77, %dma_start3A_78] : memref<400x128xf32, #tpu.memory_space<vmem>> -> memref<80x128xf32, #tpu.memory_space<vmem>>
      %dma_start3A_80 = arith.constant 0 : i32
      %dma_start3A_81 = tpu.memref_slice %arg8[%add3A_76, %dma_start3A_80] : memref<125x80xi32, #tpu.memory_space<vmem>> -> memref<1x80xi32, #tpu.memory_space<vmem>>
      %dma_start3A_82 = tpu.memref_squeeze %dma_start3A_81 : memref<1x80xi32, #tpu.memory_space<vmem>> -> memref<80xi32, #tpu.memory_space<vmem>>
      %dma_start3A_83 = arith.constant 0 : i32
      %dma_start3A_84 = arith.constant 0 : i32
      %dma_start3A_85 = tpu.memref_slice %arg3[%dma_start3A_83, %dma_start3A_84] : memref<10000x128xf32, #tpu.memory_space<hbm>> -> memref<10000x128xf32, #tpu.memory_space<hbm>>
      tpu.enqueue_indirect_dma source(%dma_start3A_85 : memref<10000x128xf32, #tpu.memory_space<hbm>>) target(%dma_start3A_79 : memref<80x128xf32, #tpu.memory_space<vmem>>) offsets(%dma_start3A_82 : memref<80xi32, #tpu.memory_space<vmem>>) semaphore(%arg10 : memref<!tpu.dma_semaphore, #tpu.memory_space<semaphore_mem>>) {add = true}
      %dma_wait3A_86 = arith.constant 80 : i32
      %dma_wait3A_87 = arith.constant 0 : i32
      %dma_wait3A_88 = tpu.memref_slice %arg9[%dma_wait3A_86, %dma_wait3A_87] : memref<400x128xf32, #tpu.memory_space<vmem>> -> memref<80x128xf32, #tpu.memory_space<vmem>>
      %dma_wait3A_89 = arith.constant 0 : i32
      %dma_wait3A_90 = tpu.memref_slice %arg7[%add3A_24, %dma_wait3A_89] : memref<125x80xi32, #tpu.memory_space<vmem>> -> memref<1x80xi32, #tpu.memory_space<vmem>>
      %dma_wait3A_91 = tpu.memref_squeeze %dma_wait3A_90 : memref<1x80xi32, #tpu.memory_space<vmem>> -> memref<80xi32, #tpu.memory_space<vmem>>
      %dma_wait3A_92 = arith.constant 0 : i32
      %dma_wait3A_93 = arith.constant 0 : i32
      %dma_wait3A_94 = tpu.memref_slice %arg2[%dma_wait3A_92, %dma_wait3A_93] : memref<10000x128xf32, #tpu.memory_space<hbm>> -> memref<10000x128xf32, #tpu.memory_space<hbm>>
      tpu.wait_indirect_dma semaphore(%arg10 : memref<!tpu.dma_semaphore, #tpu.memory_space<semaphore_mem>>) src(%dma_wait3A_94 : memref<10000x128xf32, #tpu.memory_space<hbm>>) dst(%dma_wait3A_88 : memref<80x128xf32, #tpu.memory_space<vmem>>)
      %add3A_95 = arith.constant 1 : i32
      %add3A_96 = arith.addi %mul3A_12, %add3A_95 : i32
      %dma_start3A_97 = arith.constant 80 : i32
      %dma_start3A_98 = arith.constant 0 : i32
      %dma_start3A_99 = tpu.memref_slice %arg9[%dma_start3A_97, %dma_start3A_98] : memref<400x128xf32, #tpu.memory_space<vmem>> -> memref<80x128xf32, #tpu.memory_space<vmem>>
      %dma_start3A_100 = arith.constant 0 : i32
      %dma_start3A_101 = tpu.memref_slice %arg8[%add3A_96, %dma_start3A_100] : memref<125x80xi32, #tpu.memory_space<vmem>> -> memref<1x80xi32, #tpu.memory_space<vmem>>
      %dma_start3A_102 = tpu.memref_squeeze %dma_start3A_101 : memref<1x80xi32, #tpu.memory_space<vmem>> -> memref<80xi32, #tpu.memory_space<vmem>>
      %dma_start3A_103 = arith.constant 0 : i32
      %dma_start3A_104 = arith.constant 0 : i32
      %dma_start3A_105 = tpu.memref_slice %arg3[%dma_start3A_103, %dma_start3A_104] : memref<10000x128xf32, #tpu.memory_space<hbm>> -> memref<10000x128xf32, #tpu.memory_space<hbm>>
      tpu.enqueue_indirect_dma source(%dma_start3A_105 : memref<10000x128xf32, #tpu.memory_space<hbm>>) target(%dma_start3A_99 : memref<80x128xf32, #tpu.memory_space<vmem>>) offsets(%dma_start3A_102 : memref<80xi32, #tpu.memory_space<vmem>>) semaphore(%arg10 : memref<!tpu.dma_semaphore, #tpu.memory_space<semaphore_mem>>) {add = true}
      %dma_wait3A_106 = arith.constant 160 : i32
      %dma_wait3A_107 = arith.constant 0 : i32
      %dma_wait3A_108 = tpu.memref_slice %arg9[%dma_wait3A_106, %dma_wait3A_107] : memref<400x128xf32, #tpu.memory_space<vmem>> -> memref<80x128xf32, #tpu.memory_space<vmem>>
      %dma_wait3A_109 = arith.constant 0 : i32
      %dma_wait3A_110 = tpu.memref_slice %arg7[%add3A_35, %dma_wait3A_109] : memref<125x80xi32, #tpu.memory_space<vmem>> -> memref<1x80xi32, #tpu.memory_space<vmem>>
      %dma_wait3A_111 = tpu.memref_squeeze %dma_wait3A_110 : memref<1x80xi32, #tpu.memory_space<vmem>> -> memref<80xi32, #tpu.memory_space<vmem>>
      %dma_wait3A_112 = arith.constant 0 : i32
      %dma_wait3A_113 = arith.constant 0 : i32
      %dma_wait3A_114 = tpu.memref_slice %arg2[%dma_wait3A_112, %dma_wait3A_113] : memref<10000x128xf32, #tpu.memory_space<hbm>> -> memref<10000x128xf32, #tpu.memory_space<hbm>>
      tpu.wait_indirect_dma semaphore(%arg10 : memref<!tpu.dma_semaphore, #tpu.memory_space<semaphore_mem>>) src(%dma_wait3A_114 : memref<10000x128xf32, #tpu.memory_space<hbm>>) dst(%dma_wait3A_108 : memref<80x128xf32, #tpu.memory_space<vmem>>)
      %add3A_115 = arith.constant 2 : i32
      %add3A_116 = arith.addi %mul3A_12, %add3A_115 : i32
      %dma_start3A_117 = arith.constant 160 : i32
      %dma_start3A_118 = arith.constant 0 : i32
      %dma_start3A_119 = tpu.memref_slice %arg9[%dma_start3A_117, %dma_start3A_118] : memref<400x128xf32, #tpu.memory_space<vmem>> -> memref<80x128xf32, #tpu.memory_space<vmem>>
      %dma_start3A_120 = arith.constant 0 : i32
      %dma_start3A_121 = tpu.memref_slice %arg8[%add3A_116, %dma_start3A_120] : memref<125x80xi32, #tpu.memory_space<vmem>> -> memref<1x80xi32, #tpu.memory_space<vmem>>
      %dma_start3A_122 = tpu.memref_squeeze %dma_start3A_121 : memref<1x80xi32, #tpu.memory_space<vmem>> -> memref<80xi32, #tpu.memory_space<vmem>>
      %dma_start3A_123 = arith.constant 0 : i32
      %dma_start3A_124 = arith.constant 0 : i32
      %dma_start3A_125 = tpu.memref_slice %arg3[%dma_start3A_123, %dma_start3A_124] : memref<10000x128xf32, #tpu.memory_space<hbm>> -> memref<10000x128xf32, #tpu.memory_space<hbm>>
      tpu.enqueue_indirect_dma source(%dma_start3A_125 : memref<10000x128xf32, #tpu.memory_space<hbm>>) target(%dma_start3A_119 : memref<80x128xf32, #tpu.memory_space<vmem>>) offsets(%dma_start3A_122 : memref<80xi32, #tpu.memory_space<vmem>>) semaphore(%arg10 : memref<!tpu.dma_semaphore, #tpu.memory_space<semaphore_mem>>) {add = true}
      %dma_wait3A_126 = arith.constant 240 : i32
      %dma_wait3A_127 = arith.constant 0 : i32
      %dma_wait3A_128 = tpu.memref_slice %arg9[%dma_wait3A_126, %dma_wait3A_127] : memref<400x128xf32, #tpu.memory_space<vmem>> -> memref<80x128xf32, #tpu.memory_space<vmem>>
      %dma_wait3A_129 = arith.constant 0 : i32
      %dma_wait3A_130 = tpu.memref_slice %arg7[%add3A_46, %dma_wait3A_129] : memref<125x80xi32, #tpu.memory_space<vmem>> -> memref<1x80xi32, #tpu.memory_space<vmem>>
      %dma_wait3A_131 = tpu.memref_squeeze %dma_wait3A_130 : memref<1x80xi32, #tpu.memory_space<vmem>> -> memref<80xi32, #tpu.memory_space<vmem>>
      %dma_wait3A_132 = arith.constant 0 : i32
      %dma_wait3A_133 = arith.constant 0 : i32
      %dma_wait3A_134 = tpu.memref_slice %arg2[%dma_wait3A_132, %dma_wait3A_133] : memref<10000x128xf32, #tpu.memory_space<hbm>> -> memref<10000x128xf32, #tpu.memory_space<hbm>>
      tpu.wait_indirect_dma semaphore(%arg10 : memref<!tpu.dma_semaphore, #tpu.memory_space<semaphore_mem>>) src(%dma_wait3A_134 : memref<10000x128xf32, #tpu.memory_space<hbm>>) dst(%dma_wait3A_128 : memref<80x128xf32, #tpu.memory_space<vmem>>)
      %add3A_135 = arith.constant 3 : i32
      %add3A_136 = arith.addi %mul3A_12, %add3A_135 : i32
      %dma_start3A_137 = arith.constant 240 : i32
      %dma_start3A_138 = arith.constant 0 : i32
      %dma_start3A_139 = tpu.memref_slice %arg9[%dma_start3A_137, %dma_start3A_138] : memref<400x128xf32, #tpu.memory_space<vmem>> -> memref<80x128xf32, #tpu.memory_space<vmem>>
      %dma_start3A_140 = arith.constant 0 : i32
      %dma_start3A_141 = tpu.memref_slice %arg8[%add3A_136, %dma_start3A_140] : memref<125x80xi32, #tpu.memory_space<vmem>> -> memref<1x80xi32, #tpu.memory_space<vmem>>
      %dma_start3A_142 = tpu.memref_squeeze %dma_start3A_141 : memref<1x80xi32, #tpu.memory_space<vmem>> -> memref<80xi32, #tpu.memory_space<vmem>>
      %dma_start3A_143 = arith.constant 0 : i32
      %dma_start3A_144 = arith.constant 0 : i32
      %dma_start3A_145 = tpu.memref_slice %arg3[%dma_start3A_143, %dma_start3A_144] : memref<10000x128xf32, #tpu.memory_space<hbm>> -> memref<10000x128xf32, #tpu.memory_space<hbm>>
      tpu.enqueue_indirect_dma source(%dma_start3A_145 : memref<10000x128xf32, #tpu.memory_space<hbm>>) target(%dma_start3A_139 : memref<80x128xf32, #tpu.memory_space<vmem>>) offsets(%dma_start3A_142 : memref<80xi32, #tpu.memory_space<vmem>>) semaphore(%arg10 : memref<!tpu.dma_semaphore, #tpu.memory_space<semaphore_mem>>) {add = true}
      %dma_wait3A_146 = arith.constant 320 : i32
      %dma_wait3A_147 = arith.constant 0 : i32
      %dma_wait3A_148 = tpu.memref_slice %arg9[%dma_wait3A_146, %dma_wait3A_147] : memref<400x128xf32, #tpu.memory_space<vmem>> -> memref<80x128xf32, #tpu.memory_space<vmem>>
      %dma_wait3A_149 = arith.constant 0 : i32
      %dma_wait3A_150 = tpu.memref_slice %arg7[%add3A_57, %dma_wait3A_149] : memref<125x80xi32, #tpu.memory_space<vmem>> -> memref<1x80xi32, #tpu.memory_space<vmem>>
      %dma_wait3A_151 = tpu.memref_squeeze %dma_wait3A_150 : memref<1x80xi32, #tpu.memory_space<vmem>> -> memref<80xi32, #tpu.memory_space<vmem>>
      %dma_wait3A_152 = arith.constant 0 : i32
      %dma_wait3A_153 = arith.constant 0 : i32
      %dma_wait3A_154 = tpu.memref_slice %arg2[%dma_wait3A_152, %dma_wait3A_153] : memref<10000x128xf32, #tpu.memory_space<hbm>> -> memref<10000x128xf32, #tpu.memory_space<hbm>>
      tpu.wait_indirect_dma semaphore(%arg10 : memref<!tpu.dma_semaphore, #tpu.memory_space<semaphore_mem>>) src(%dma_wait3A_154 : memref<10000x128xf32, #tpu.memory_space<hbm>>) dst(%dma_wait3A_148 : memref<80x128xf32, #tpu.memory_space<vmem>>)
      %add3A_155 = arith.constant 4 : i32
      %add3A_156 = arith.addi %mul3A_12, %add3A_155 : i32
      %dma_start3A_157 = arith.constant 320 : i32
      %dma_start3A_158 = arith.constant 0 : i32
      %dma_start3A_159 = tpu.memref_slice %arg9[%dma_start3A_157, %dma_start3A_158] : memref<400x128xf32, #tpu.memory_space<vmem>> -> memref<80x128xf32, #tpu.memory_space<vmem>>
      %dma_start3A_160 = arith.constant 0 : i32
      %dma_start3A_161 = tpu.memref_slice %arg8[%add3A_156, %dma_start3A_160] : memref<125x80xi32, #tpu.memory_space<vmem>> -> memref<1x80xi32, #tpu.memory_space<vmem>>
      %dma_start3A_162 = tpu.memref_squeeze %dma_start3A_161 : memref<1x80xi32, #tpu.memory_space<vmem>> -> memref<80xi32, #tpu.memory_space<vmem>>
      %dma_start3A_163 = arith.constant 0 : i32
      %dma_start3A_164 = arith.constant 0 : i32
      %dma_start3A_165 = tpu.memref_slice %arg3[%dma_start3A_163, %dma_start3A_164] : memref<10000x128xf32, #tpu.memory_space<hbm>> -> memref<10000x128xf32, #tpu.memory_space<hbm>>
      tpu.enqueue_indirect_dma source(%dma_start3A_165 : memref<10000x128xf32, #tpu.memory_space<hbm>>) target(%dma_start3A_159 : memref<80x128xf32, #tpu.memory_space<vmem>>) offsets(%dma_start3A_162 : memref<80xi32, #tpu.memory_space<vmem>>) semaphore(%arg10 : memref<!tpu.dma_semaphore, #tpu.memory_space<semaphore_mem>>) {add = true}
      %dma_wait3A_166 = arith.constant 0 : i32
      %dma_wait3A_167 = arith.constant 0 : i32
      %dma_wait3A_168 = tpu.memref_slice %arg9[%dma_wait3A_166, %dma_wait3A_167] : memref<400x128xf32, #tpu.memory_space<vmem>> -> memref<80x128xf32, #tpu.memory_space<vmem>>
      %dma_wait3A_169 = arith.constant 0 : i32
      %dma_wait3A_170 = tpu.memref_slice %arg8[%add3A_76, %dma_wait3A_169] : memref<125x80xi32, #tpu.memory_space<vmem>> -> memref<1x80xi32, #tpu.memory_space<vmem>>
      %dma_wait3A_171 = tpu.memref_squeeze %dma_wait3A_170 : memref<1x80xi32, #tpu.memory_space<vmem>> -> memref<80xi32, #tpu.memory_space<vmem>>
      %dma_wait3A_172 = arith.constant 0 : i32
      %dma_wait3A_173 = arith.constant 0 : i32
      %dma_wait3A_174 = tpu.memref_slice %arg3[%dma_wait3A_172, %dma_wait3A_173] : memref<10000x128xf32, #tpu.memory_space<hbm>> -> memref<10000x128xf32, #tpu.memory_space<hbm>>
      tpu.wait_indirect_dma semaphore(%arg10 : memref<!tpu.dma_semaphore, #tpu.memory_space<semaphore_mem>>) src(%dma_wait3A_174 : memref<10000x128xf32, #tpu.memory_space<hbm>>) dst(%dma_wait3A_168 : memref<80x128xf32, #tpu.memory_space<vmem>>)
      %dma_wait3A_175 = arith.constant 80 : i32
      %dma_wait3A_176 = arith.constant 0 : i32
      %dma_wait3A_177 = tpu.memref_slice %arg9[%dma_wait3A_175, %dma_wait3A_176] : memref<400x128xf32, #tpu.memory_space<vmem>> -> memref<80x128xf32, #tpu.memory_space<vmem>>
      %dma_wait3A_178 = arith.constant 0 : i32
      %dma_wait3A_179 = tpu.memref_slice %arg8[%add3A_96, %dma_wait3A_178] : memref<125x80xi32, #tpu.memory_space<vmem>> -> memref<1x80xi32, #tpu.memory_space<vmem>>
      %dma_wait3A_180 = tpu.memref_squeeze %dma_wait3A_179 : memref<1x80xi32, #tpu.memory_space<vmem>> -> memref<80xi32, #tpu.memory_space<vmem>>
      %dma_wait3A_181 = arith.constant 0 : i32
      %dma_wait3A_182 = arith.constant 0 : i32
      %dma_wait3A_183 = tpu.memref_slice %arg3[%dma_wait3A_181, %dma_wait3A_182] : memref<10000x128xf32, #tpu.memory_space<hbm>> -> memref<10000x128xf32, #tpu.memory_space<hbm>>
      tpu.wait_indirect_dma semaphore(%arg10 : memref<!tpu.dma_semaphore, #tpu.memory_space<semaphore_mem>>) src(%dma_wait3A_183 : memref<10000x128xf32, #tpu.memory_space<hbm>>) dst(%dma_wait3A_177 : memref<80x128xf32, #tpu.memory_space<vmem>>)
      %dma_wait3A_184 = arith.constant 160 : i32
      %dma_wait3A_185 = arith.constant 0 : i32
      %dma_wait3A_186 = tpu.memref_slice %arg9[%dma_wait3A_184, %dma_wait3A_185] : memref<400x128xf32, #tpu.memory_space<vmem>> -> memref<80x128xf32, #tpu.memory_space<vmem>>
      %dma_wait3A_187 = arith.constant 0 : i32
      %dma_wait3A_188 = tpu.memref_slice %arg8[%add3A_116, %dma_wait3A_187] : memref<125x80xi32, #tpu.memory_space<vmem>> -> memref<1x80xi32, #tpu.memory_space<vmem>>
      %dma_wait3A_189 = tpu.memref_squeeze %dma_wait3A_188 : memref<1x80xi32, #tpu.memory_space<vmem>> -> memref<80xi32, #tpu.memory_space<vmem>>
      %dma_wait3A_190 = arith.constant 0 : i32
      %dma_wait3A_191 = arith.constant 0 : i32
      %dma_wait3A_192 = tpu.memref_slice %arg3[%dma_wait3A_190, %dma_wait3A_191] : memref<10000x128xf32, #tpu.memory_space<hbm>> -> memref<10000x128xf32, #tpu.memory_space<hbm>>
      tpu.wait_indirect_dma semaphore(%arg10 : memref<!tpu.dma_semaphore, #tpu.memory_space<semaphore_mem>>) src(%dma_wait3A_192 : memref<10000x128xf32, #tpu.memory_space<hbm>>) dst(%dma_wait3A_186 : memref<80x128xf32, #tpu.memory_space<vmem>>)
      %dma_wait3A_193 = arith.constant 240 : i32
      %dma_wait3A_194 = arith.constant 0 : i32
      %dma_wait3A_195 = tpu.memref_slice %arg9[%dma_wait3A_193, %dma_wait3A_194] : memref<400x128xf32, #tpu.memory_space<vmem>> -> memref<80x128xf32, #tpu.memory_space<vmem>>
      %dma_wait3A_196 = arith.constant 0 : i32
      %dma_wait3A_197 = tpu.memref_slice %arg8[%add3A_136, %dma_wait3A_196] : memref<125x80xi32, #tpu.memory_space<vmem>> -> memref<1x80xi32, #tpu.memory_space<vmem>>
      %dma_wait3A_198 = tpu.memref_squeeze %dma_wait3A_197 : memref<1x80xi32, #tpu.memory_space<vmem>> -> memref<80xi32, #tpu.memory_space<vmem>>
      %dma_wait3A_199 = arith.constant 0 : i32
      %dma_wait3A_200 = arith.constant 0 : i32
      %dma_wait3A_201 = tpu.memref_slice %arg3[%dma_wait3A_199, %dma_wait3A_200] : memref<10000x128xf32, #tpu.memory_space<hbm>> -> memref<10000x128xf32, #tpu.memory_space<hbm>>
      tpu.wait_indirect_dma semaphore(%arg10 : memref<!tpu.dma_semaphore, #tpu.memory_space<semaphore_mem>>) src(%dma_wait3A_201 : memref<10000x128xf32, #tpu.memory_space<hbm>>) dst(%dma_wait3A_195 : memref<80x128xf32, #tpu.memory_space<vmem>>)
      %dma_wait3A_202 = arith.constant 320 : i32
      %dma_wait3A_203 = arith.constant 0 : i32
      %dma_wait3A_204 = tpu.memref_slice %arg9[%dma_wait3A_202, %dma_wait3A_203] : memref<400x128xf32, #tpu.memory_space<vmem>> -> memref<80x128xf32, #tpu.memory_space<vmem>>
      %dma_wait3A_205 = arith.constant 0 : i32
      %dma_wait3A_206 = tpu.memref_slice %arg8[%add3A_156, %dma_wait3A_205] : memref<125x80xi32, #tpu.memory_space<vmem>> -> memref<1x80xi32, #tpu.memory_space<vmem>>
      %dma_wait3A_207 = tpu.memref_squeeze %dma_wait3A_206 : memref<1x80xi32, #tpu.memory_space<vmem>> -> memref<80xi32, #tpu.memory_space<vmem>>
      %dma_wait3A_208 = arith.constant 0 : i32
      %dma_wait3A_209 = arith.constant 0 : i32
      %dma_wait3A_210 = tpu.memref_slice %arg3[%dma_wait3A_208, %dma_wait3A_209] : memref<10000x128xf32, #tpu.memory_space<hbm>> -> memref<10000x128xf32, #tpu.memory_space<hbm>>
      tpu.wait_indirect_dma semaphore(%arg10 : memref<!tpu.dma_semaphore, #tpu.memory_space<semaphore_mem>>) src(%dma_wait3A_210 : memref<10000x128xf32, #tpu.memory_space<hbm>>) dst(%dma_wait3A_204 : memref<80x128xf32, #tpu.memory_space<vmem>>)
      %mul3A_211 = arith.constant 80 : i32
      %mul3A_212 = arith.muli %mul3A_12, %mul3A_211 : i32
      %add3A_213 = arith.addi %mul3A_2, %mul3A_212 : i32
      %dma_start3A_214 = arith.constant 0 : i32
      %dma_start3A_215 = tpu.memref_slice %arg6[%add3A_213, %dma_start3A_214] : memref<320000x128xf32, #tpu.memory_space<hbm>> -> memref<400x128xf32, #tpu.memory_space<hbm>>
      %dma_start3A_216 = arith.constant 0 : i32
      %dma_start3A_217 = tpu.memref_slice %arg6[%add3A_213, %dma_start3A_216] : memref<320000x128xf32, #tpu.memory_space<hbm>> -> memref<400x128xf32, #tpu.memory_space<hbm>>
      tpu.enqueue_dma source(%arg9 : memref<400x128xf32, #tpu.memory_space<vmem>>) target(%dma_start3A_217 : memref<400x128xf32, #tpu.memory_space<hbm>>) target_semaphore(%arg11 : memref<!tpu.dma_semaphore, #tpu.memory_space<semaphore_mem>>)
      %dma_wait3A_218 = arith.constant 0 : i32
      %dma_wait3A_219 = tpu.memref_slice %arg6[%add3A_213, %dma_wait3A_218] : memref<320000x128xf32, #tpu.memory_space<hbm>> -> memref<400x128xf32, #tpu.memory_space<hbm>>
      %dma_wait3A_220 = arith.constant 0 : i32
      %dma_wait3A_221 = tpu.memref_slice %arg6[%add3A_213, %dma_wait3A_220] : memref<320000x128xf32, #tpu.memory_space<hbm>> -> memref<400x128xf32, #tpu.memory_space<hbm>>
      tpu.wait_dma2 semaphore(%arg11 : memref<!tpu.dma_semaphore, #tpu.memory_space<semaphore_mem>>) src(%arg9 : memref<400x128xf32, #tpu.memory_space<vmem>>) dst(%dma_wait3A_221 : memref<400x128xf32, #tpu.memory_space<hbm>>)
      %scan3A_222 = arith.constant 0 : i32
      scf.yield %scan3A_222 : i32
    }
    %scan3A_8 = arith.constant 25 : i32
    return
  }
}

#map = affine_map<(d0, d1) -> (0, 0)>
#map1 = affine_map<(d0, d1) -> (0, 0, 0)>
module attributes {stable_mosaic.version = 14 : i64} {
  func.func @_sc_gather_sum_body(%arg0: i32, %arg1: i32, %arg2: memref<10000x128xf32, #tpu.memory_space<hbm>>, %arg3: memref<10000x128xf32, #tpu.memory_space<hbm>>, %arg4: memref<32x125x80xi32, #tpu.memory_space<hbm>>, %arg5: memref<32x125x80xi32, #tpu.memory_space<hbm>>, %arg6: memref<320000x128xf32, #tpu.memory_space<hbm>>, %arg7: memref<125x80xi32, #tpu.memory_space<vmem>>, %arg8: memref<125x80xi32, #tpu.memory_space<vmem>>, %arg9: memref<400x128xf32, #tpu.memory_space<vmem>>, %arg10: memref<!tpu.dma_semaphore, #tpu.memory_space<semaphore_mem>>, %arg11: memref<!tpu.dma_semaphore, #tpu.memory_space<semaphore_mem>>) attributes {dimension_semantics = [#tpu.dimension_semantics<core_parallel>, #tpu.dimension_semantics<subcore_parallel>], iteration_bounds = array<i64: 2, 16>, scalar_prefetch = 0 : i64, scratch_operands = 5 : i64, tpu.core_type = #tpu.core_type<sc_vector_subcore>, window_params = [{transform_indices = #map}, {transform_indices = #map}, {transform_indices = #map1}, {transform_indices = #map1}, {transform_indices = #map}]} {
    %mul3A = arith.constant 16 : i32
    %mul3A_0 = arith.muli %arg0, %mul3A : i32
    %add3A = arith.addi %mul3A_0, %arg1 : i32
    %mul3A_1 = arith.constant 10000 : i32
    %mul3A_2 = arith.muli %add3A, %mul3A_1 : i32
    "tpu.region"() ({
      %run_scoped3A = tpu.sem_alloc : memref<!tpu.dma_semaphore, #tpu.memory_space<semaphore_mem>>
      %dma_start3A = arith.constant 0 : i32
      %dma_start3A_9 = arith.constant 0 : i32
      %dma_start3A_10 = tpu.memref_slice %arg4[%add3A, %dma_start3A, %dma_start3A_9] : memref<32x125x80xi32, #tpu.memory_space<hbm>> -> memref<1x125x80xi32, #tpu.memory_space<hbm>>
      %dma_start3A_11 = tpu.memref_squeeze %dma_start3A_10 : memref<1x125x80xi32, #tpu.memory_space<hbm>> -> memref<125x80xi32, #tpu.memory_space<hbm>>
      %dma_start3A_12 = arith.constant 0 : i32
      %dma_start3A_13 = arith.constant 0 : i32
      %dma_start3A_14 = tpu.memref_slice %arg4[%add3A, %dma_start3A_12, %dma_start3A_13] : memref<32x125x80xi32, #tpu.memory_space<hbm>> -> memref<1x125x80xi32, #tpu.memory_space<hbm>>
      %dma_start3A_15 = tpu.memref_squeeze %dma_start3A_14 : memref<1x125x80xi32, #tpu.memory_space<hbm>> -> memref<125x80xi32, #tpu.memory_space<hbm>>
      tpu.enqueue_dma source(%dma_start3A_15 : memref<125x80xi32, #tpu.memory_space<hbm>>) target(%arg7 : memref<125x80xi32, #tpu.memory_space<vmem>>) target_semaphore(%run_scoped3A : memref<!tpu.dma_semaphore, #tpu.memory_space<semaphore_mem>>)
      %dma_wait3A = arith.constant 0 : i32
      %dma_wait3A_16 = arith.constant 0 : i32
      %dma_wait3A_17 = tpu.memref_slice %arg4[%add3A, %dma_wait3A, %dma_wait3A_16] : memref<32x125x80xi32, #tpu.memory_space<hbm>> -> memref<1x125x80xi32, #tpu.memory_space<hbm>>
      %dma_wait3A_18 = tpu.memref_squeeze %dma_wait3A_17 : memref<1x125x80xi32, #tpu.memory_space<hbm>> -> memref<125x80xi32, #tpu.memory_space<hbm>>
      %dma_wait3A_19 = arith.constant 0 : i32
      %dma_wait3A_20 = arith.constant 0 : i32
      %dma_wait3A_21 = tpu.memref_slice %arg4[%add3A, %dma_wait3A_19, %dma_wait3A_20] : memref<32x125x80xi32, #tpu.memory_space<hbm>> -> memref<1x125x80xi32, #tpu.memory_space<hbm>>
      %dma_wait3A_22 = tpu.memref_squeeze %dma_wait3A_21 : memref<1x125x80xi32, #tpu.memory_space<hbm>> -> memref<125x80xi32, #tpu.memory_space<hbm>>
      tpu.wait_dma2 semaphore(%run_scoped3A : memref<!tpu.dma_semaphore, #tpu.memory_space<semaphore_mem>>) src(%dma_wait3A_22 : memref<125x80xi32, #tpu.memory_space<hbm>>) dst(%arg7 : memref<125x80xi32, #tpu.memory_space<vmem>>)
      tpu.yield
    }) : () -> ()
    "tpu.region"() ({
      %run_scoped3A = tpu.sem_alloc : memref<!tpu.dma_semaphore, #tpu.memory_space<semaphore_mem>>
      %dma_start3A = arith.constant 0 : i32
      %dma_start3A_9 = arith.constant 0 : i32
      %dma_start3A_10 = tpu.memref_slice %arg5[%add3A, %dma_start3A, %dma_start3A_9] : memref<32x125x80xi32, #tpu.memory_space<hbm>> -> memref<1x125x80xi32, #tpu.memory_space<hbm>>
      %dma_start3A_11 = tpu.memref_squeeze %dma_start3A_10 : memref<1x125x80xi32, #tpu.memory_space<hbm>> -> memref<125x80xi32, #tpu.memory_space<hbm>>
      %dma_start3A_12 = arith.constant 0 : i32
      %dma_start3A_13 = arith.constant 0 : i32
      %dma_start3A_14 = tpu.memref_slice %arg5[%add3A, %dma_start3A_12, %dma_start3A_13] : memref<32x125x80xi32, #tpu.memory_space<hbm>> -> memref<1x125x80xi32, #tpu.memory_space<hbm>>
      %dma_start3A_15 = tpu.memref_squeeze %dma_start3A_14 : memref<1x125x80xi32, #tpu.memory_space<hbm>> -> memref<125x80xi32, #tpu.memory_space<hbm>>
      tpu.enqueue_dma source(%dma_start3A_15 : memref<125x80xi32, #tpu.memory_space<hbm>>) target(%arg8 : memref<125x80xi32, #tpu.memory_space<vmem>>) target_semaphore(%run_scoped3A : memref<!tpu.dma_semaphore, #tpu.memory_space<semaphore_mem>>)
      %dma_wait3A = arith.constant 0 : i32
      %dma_wait3A_16 = arith.constant 0 : i32
      %dma_wait3A_17 = tpu.memref_slice %arg5[%add3A, %dma_wait3A, %dma_wait3A_16] : memref<32x125x80xi32, #tpu.memory_space<hbm>> -> memref<1x125x80xi32, #tpu.memory_space<hbm>>
      %dma_wait3A_18 = tpu.memref_squeeze %dma_wait3A_17 : memref<1x125x80xi32, #tpu.memory_space<hbm>> -> memref<125x80xi32, #tpu.memory_space<hbm>>
      %dma_wait3A_19 = arith.constant 0 : i32
      %dma_wait3A_20 = arith.constant 0 : i32
      %dma_wait3A_21 = tpu.memref_slice %arg5[%add3A, %dma_wait3A_19, %dma_wait3A_20] : memref<32x125x80xi32, #tpu.memory_space<hbm>> -> memref<1x125x80xi32, #tpu.memory_space<hbm>>
      %dma_wait3A_22 = tpu.memref_squeeze %dma_wait3A_21 : memref<1x125x80xi32, #tpu.memory_space<hbm>> -> memref<125x80xi32, #tpu.memory_space<hbm>>
      tpu.wait_dma2 semaphore(%run_scoped3A : memref<!tpu.dma_semaphore, #tpu.memory_space<semaphore_mem>>) src(%dma_wait3A_22 : memref<125x80xi32, #tpu.memory_space<hbm>>) dst(%arg8 : memref<125x80xi32, #tpu.memory_space<vmem>>)
      tpu.yield
    }) : () -> ()
    %scan3A = arith.constant 0 : i32
    %scan3A_3 = arith.constant 0 : i32
    %scan3A_4 = arith.constant 25 : i32
    %scan3A_5 = arith.addi %scan3A_3, %scan3A_4 : i32
    %scan3A_6 = arith.constant 1 : i32
    %scan3A_7 = scf.for %scan3A_9 = %scan3A_3 to %scan3A_5 step %scan3A_6 iter_args(%scan3A_10 = %scan3A) -> (i32)  : i32 {
      %mul3A_11 = arith.constant 5 : i32
      %mul3A_12 = arith.muli %scan3A_9, %mul3A_11 : i32
      %add3A_13 = arith.constant 0 : i32
      %add3A_14 = arith.addi %mul3A_12, %add3A_13 : i32
      %dma_start3A = arith.constant 0 : i32
      %dma_start3A_15 = arith.constant 0 : i32
      %dma_start3A_16 = tpu.memref_slice %arg9[%dma_start3A, %dma_start3A_15] : memref<400x128xf32, #tpu.memory_space<vmem>> -> memref<80x128xf32, #tpu.memory_space<vmem>>
      %dma_start3A_17 = arith.constant 0 : i32
      %dma_start3A_18 = tpu.memref_slice %arg7[%add3A_14, %dma_start3A_17] : memref<125x80xi32, #tpu.memory_space<vmem>> -> memref<1x80xi32, #tpu.memory_space<vmem>>
      %dma_start3A_19 = tpu.memref_squeeze %dma_start3A_18 : memref<1x80xi32, #tpu.memory_space<vmem>> -> memref<80xi32, #tpu.memory_space<vmem>>
      %dma_start3A_20 = arith.constant 0 : i32
      %dma_start3A_21 = arith.constant 0 : i32
      %dma_start3A_22 = tpu.memref_slice %arg2[%dma_start3A_20, %dma_start3A_21] : memref<10000x128xf32, #tpu.memory_space<hbm>> -> memref<10000x128xf32, #tpu.memory_space<hbm>>
      tpu.enqueue_indirect_dma source(%dma_start3A_22 : memref<10000x128xf32, #tpu.memory_space<hbm>>) target(%dma_start3A_16 : memref<80x128xf32, #tpu.memory_space<vmem>>) offsets(%dma_start3A_19 : memref<80xi32, #tpu.memory_space<vmem>>) semaphore(%arg10 : memref<!tpu.dma_semaphore, #tpu.memory_space<semaphore_mem>>)
      %add3A_23 = arith.constant 1 : i32
      %add3A_24 = arith.addi %mul3A_12, %add3A_23 : i32
      %dma_start3A_25 = arith.constant 80 : i32
      %dma_start3A_26 = arith.constant 0 : i32
      %dma_start3A_27 = tpu.memref_slice %arg9[%dma_start3A_25, %dma_start3A_26] : memref<400x128xf32, #tpu.memory_space<vmem>> -> memref<80x128xf32, #tpu.memory_space<vmem>>
      %dma_start3A_28 = arith.constant 0 : i32
      %dma_start3A_29 = tpu.memref_slice %arg7[%add3A_24, %dma_start3A_28] : memref<125x80xi32, #tpu.memory_space<vmem>> -> memref<1x80xi32, #tpu.memory_space<vmem>>
      %dma_start3A_30 = tpu.memref_squeeze %dma_start3A_29 : memref<1x80xi32, #tpu.memory_space<vmem>> -> memref<80xi32, #tpu.memory_space<vmem>>
      %dma_start3A_31 = arith.constant 0 : i32
      %dma_start3A_32 = arith.constant 0 : i32
      %dma_start3A_33 = tpu.memref_slice %arg2[%dma_start3A_31, %dma_start3A_32] : memref<10000x128xf32, #tpu.memory_space<hbm>> -> memref<10000x128xf32, #tpu.memory_space<hbm>>
      tpu.enqueue_indirect_dma source(%dma_start3A_33 : memref<10000x128xf32, #tpu.memory_space<hbm>>) target(%dma_start3A_27 : memref<80x128xf32, #tpu.memory_space<vmem>>) offsets(%dma_start3A_30 : memref<80xi32, #tpu.memory_space<vmem>>) semaphore(%arg10 : memref<!tpu.dma_semaphore, #tpu.memory_space<semaphore_mem>>)
      %add3A_34 = arith.constant 2 : i32
      %add3A_35 = arith.addi %mul3A_12, %add3A_34 : i32
      %dma_start3A_36 = arith.constant 160 : i32
      %dma_start3A_37 = arith.constant 0 : i32
      %dma_start3A_38 = tpu.memref_slice %arg9[%dma_start3A_36, %dma_start3A_37] : memref<400x128xf32, #tpu.memory_space<vmem>> -> memref<80x128xf32, #tpu.memory_space<vmem>>
      %dma_start3A_39 = arith.constant 0 : i32
      %dma_start3A_40 = tpu.memref_slice %arg7[%add3A_35, %dma_start3A_39] : memref<125x80xi32, #tpu.memory_space<vmem>> -> memref<1x80xi32, #tpu.memory_space<vmem>>
      %dma_start3A_41 = tpu.memref_squeeze %dma_start3A_40 : memref<1x80xi32, #tpu.memory_space<vmem>> -> memref<80xi32, #tpu.memory_space<vmem>>
      %dma_start3A_42 = arith.constant 0 : i32
      %dma_start3A_43 = arith.constant 0 : i32
      %dma_start3A_44 = tpu.memref_slice %arg2[%dma_start3A_42, %dma_start3A_43] : memref<10000x128xf32, #tpu.memory_space<hbm>> -> memref<10000x128xf32, #tpu.memory_space<hbm>>
      tpu.enqueue_indirect_dma source(%dma_start3A_44 : memref<10000x128xf32, #tpu.memory_space<hbm>>) target(%dma_start3A_38 : memref<80x128xf32, #tpu.memory_space<vmem>>) offsets(%dma_start3A_41 : memref<80xi32, #tpu.memory_space<vmem>>) semaphore(%arg10 : memref<!tpu.dma_semaphore, #tpu.memory_space<semaphore_mem>>)
      %add3A_45 = arith.constant 3 : i32
      %add3A_46 = arith.addi %mul3A_12, %add3A_45 : i32
      %dma_start3A_47 = arith.constant 240 : i32
      %dma_start3A_48 = arith.constant 0 : i32
      %dma_start3A_49 = tpu.memref_slice %arg9[%dma_start3A_47, %dma_start3A_48] : memref<400x128xf32, #tpu.memory_space<vmem>> -> memref<80x128xf32, #tpu.memory_space<vmem>>
      %dma_start3A_50 = arith.constant 0 : i32
      %dma_start3A_51 = tpu.memref_slice %arg7[%add3A_46, %dma_start3A_50] : memref<125x80xi32, #tpu.memory_space<vmem>> -> memref<1x80xi32, #tpu.memory_space<vmem>>
      %dma_start3A_52 = tpu.memref_squeeze %dma_start3A_51 : memref<1x80xi32, #tpu.memory_space<vmem>> -> memref<80xi32, #tpu.memory_space<vmem>>
      %dma_start3A_53 = arith.constant 0 : i32
      %dma_start3A_54 = arith.constant 0 : i32
      %dma_start3A_55 = tpu.memref_slice %arg2[%dma_start3A_53, %dma_start3A_54] : memref<10000x128xf32, #tpu.memory_space<hbm>> -> memref<10000x128xf32, #tpu.memory_space<hbm>>
      tpu.enqueue_indirect_dma source(%dma_start3A_55 : memref<10000x128xf32, #tpu.memory_space<hbm>>) target(%dma_start3A_49 : memref<80x128xf32, #tpu.memory_space<vmem>>) offsets(%dma_start3A_52 : memref<80xi32, #tpu.memory_space<vmem>>) semaphore(%arg10 : memref<!tpu.dma_semaphore, #tpu.memory_space<semaphore_mem>>)
      %add3A_56 = arith.constant 4 : i32
      %add3A_57 = arith.addi %mul3A_12, %add3A_56 : i32
      %dma_start3A_58 = arith.constant 320 : i32
      %dma_start3A_59 = arith.constant 0 : i32
      %dma_start3A_60 = tpu.memref_slice %arg9[%dma_start3A_58, %dma_start3A_59] : memref<400x128xf32, #tpu.memory_space<vmem>> -> memref<80x128xf32, #tpu.memory_space<vmem>>
      %dma_start3A_61 = arith.constant 0 : i32
      %dma_start3A_62 = tpu.memref_slice %arg7[%add3A_57, %dma_start3A_61] : memref<125x80xi32, #tpu.memory_space<vmem>> -> memref<1x80xi32, #tpu.memory_space<vmem>>
      %dma_start3A_63 = tpu.memref_squeeze %dma_start3A_62 : memref<1x80xi32, #tpu.memory_space<vmem>> -> memref<80xi32, #tpu.memory_space<vmem>>
      %dma_start3A_64 = arith.constant 0 : i32
      %dma_start3A_65 = arith.constant 0 : i32
      %dma_start3A_66 = tpu.memref_slice %arg2[%dma_start3A_64, %dma_start3A_65] : memref<10000x128xf32, #tpu.memory_space<hbm>> -> memref<10000x128xf32, #tpu.memory_space<hbm>>
      tpu.enqueue_indirect_dma source(%dma_start3A_66 : memref<10000x128xf32, #tpu.memory_space<hbm>>) target(%dma_start3A_60 : memref<80x128xf32, #tpu.memory_space<vmem>>) offsets(%dma_start3A_63 : memref<80xi32, #tpu.memory_space<vmem>>) semaphore(%arg10 : memref<!tpu.dma_semaphore, #tpu.memory_space<semaphore_mem>>)
      %dma_wait3A = arith.constant 0 : i32
      %dma_wait3A_67 = arith.constant 0 : i32
      %dma_wait3A_68 = tpu.memref_slice %arg9[%dma_wait3A, %dma_wait3A_67] : memref<400x128xf32, #tpu.memory_space<vmem>> -> memref<80x128xf32, #tpu.memory_space<vmem>>
      %dma_wait3A_69 = arith.constant 0 : i32
      %dma_wait3A_70 = tpu.memref_slice %arg7[%add3A_14, %dma_wait3A_69] : memref<125x80xi32, #tpu.memory_space<vmem>> -> memref<1x80xi32, #tpu.memory_space<vmem>>
      %dma_wait3A_71 = tpu.memref_squeeze %dma_wait3A_70 : memref<1x80xi32, #tpu.memory_space<vmem>> -> memref<80xi32, #tpu.memory_space<vmem>>
      %dma_wait3A_72 = arith.constant 0 : i32
      %dma_wait3A_73 = arith.constant 0 : i32
      %dma_wait3A_74 = tpu.memref_slice %arg2[%dma_wait3A_72, %dma_wait3A_73] : memref<10000x128xf32, #tpu.memory_space<hbm>> -> memref<10000x128xf32, #tpu.memory_space<hbm>>
      tpu.wait_indirect_dma semaphore(%arg10 : memref<!tpu.dma_semaphore, #tpu.memory_space<semaphore_mem>>) src(%dma_wait3A_74 : memref<10000x128xf32, #tpu.memory_space<hbm>>) dst(%dma_wait3A_68 : memref<80x128xf32, #tpu.memory_space<vmem>>)
      %add3A_75 = arith.constant 0 : i32
      %add3A_76 = arith.addi %mul3A_12, %add3A_75 : i32
      %dma_start3A_77 = arith.constant 0 : i32
      %dma_start3A_78 = arith.constant 0 : i32
      %dma_start3A_79 = tpu.memref_slice %arg9[%dma_start3A_77, %dma_start3A_78] : memref<400x128xf32, #tpu.memory_space<vmem>> -> memref<80x128xf32, #tpu.memory_space<vmem>>
      %dma_start3A_80 = arith.constant 0 : i32
      %dma_start3A_81 = tpu.memref_slice %arg8[%add3A_76, %dma_start3A_80] : memref<125x80xi32, #tpu.memory_space<vmem>> -> memref<1x80xi32, #tpu.memory_space<vmem>>
      %dma_start3A_82 = tpu.memref_squeeze %dma_start3A_81 : memref<1x80xi32, #tpu.memory_space<vmem>> -> memref<80xi32, #tpu.memory_space<vmem>>
      %dma_start3A_83 = arith.constant 0 : i32
      %dma_start3A_84 = arith.constant 0 : i32
      %dma_start3A_85 = tpu.memref_slice %arg3[%dma_start3A_83, %dma_start3A_84] : memref<10000x128xf32, #tpu.memory_space<hbm>> -> memref<10000x128xf32, #tpu.memory_space<hbm>>
      tpu.enqueue_indirect_dma source(%dma_start3A_85 : memref<10000x128xf32, #tpu.memory_space<hbm>>) target(%dma_start3A_79 : memref<80x128xf32, #tpu.memory_space<vmem>>) offsets(%dma_start3A_82 : memref<80xi32, #tpu.memory_space<vmem>>) semaphore(%arg10 : memref<!tpu.dma_semaphore, #tpu.memory_space<semaphore_mem>>) {add = true}
      %dma_wait3A_86 = arith.constant 80 : i32
      %dma_wait3A_87 = arith.constant 0 : i32
      %dma_wait3A_88 = tpu.memref_slice %arg9[%dma_wait3A_86, %dma_wait3A_87] : memref<400x128xf32, #tpu.memory_space<vmem>> -> memref<80x128xf32, #tpu.memory_space<vmem>>
      %dma_wait3A_89 = arith.constant 0 : i32
      %dma_wait3A_90 = tpu.memref_slice %arg7[%add3A_24, %dma_wait3A_89] : memref<125x80xi32, #tpu.memory_space<vmem>> -> memref<1x80xi32, #tpu.memory_space<vmem>>
      %dma_wait3A_91 = tpu.memref_squeeze %dma_wait3A_90 : memref<1x80xi32, #tpu.memory_space<vmem>> -> memref<80xi32, #tpu.memory_space<vmem>>
      %dma_wait3A_92 = arith.constant 0 : i32
      %dma_wait3A_93 = arith.constant 0 : i32
      %dma_wait3A_94 = tpu.memref_slice %arg2[%dma_wait3A_92, %dma_wait3A_93] : memref<10000x128xf32, #tpu.memory_space<hbm>> -> memref<10000x128xf32, #tpu.memory_space<hbm>>
      tpu.wait_indirect_dma semaphore(%arg10 : memref<!tpu.dma_semaphore, #tpu.memory_space<semaphore_mem>>) src(%dma_wait3A_94 : memref<10000x128xf32, #tpu.memory_space<hbm>>) dst(%dma_wait3A_88 : memref<80x128xf32, #tpu.memory_space<vmem>>)
      %add3A_95 = arith.constant 1 : i32
      %add3A_96 = arith.addi %mul3A_12, %add3A_95 : i32
      %dma_start3A_97 = arith.constant 80 : i32
      %dma_start3A_98 = arith.constant 0 : i32
      %dma_start3A_99 = tpu.memref_slice %arg9[%dma_start3A_97, %dma_start3A_98] : memref<400x128xf32, #tpu.memory_space<vmem>> -> memref<80x128xf32, #tpu.memory_space<vmem>>
      %dma_start3A_100 = arith.constant 0 : i32
      %dma_start3A_101 = tpu.memref_slice %arg8[%add3A_96, %dma_start3A_100] : memref<125x80xi32, #tpu.memory_space<vmem>> -> memref<1x80xi32, #tpu.memory_space<vmem>>
      %dma_start3A_102 = tpu.memref_squeeze %dma_start3A_101 : memref<1x80xi32, #tpu.memory_space<vmem>> -> memref<80xi32, #tpu.memory_space<vmem>>
      %dma_start3A_103 = arith.constant 0 : i32
      %dma_start3A_104 = arith.constant 0 : i32
      %dma_start3A_105 = tpu.memref_slice %arg3[%dma_start3A_103, %dma_start3A_104] : memref<10000x128xf32, #tpu.memory_space<hbm>> -> memref<10000x128xf32, #tpu.memory_space<hbm>>
      tpu.enqueue_indirect_dma source(%dma_start3A_105 : memref<10000x128xf32, #tpu.memory_space<hbm>>) target(%dma_start3A_99 : memref<80x128xf32, #tpu.memory_space<vmem>>) offsets(%dma_start3A_102 : memref<80xi32, #tpu.memory_space<vmem>>) semaphore(%arg10 : memref<!tpu.dma_semaphore, #tpu.memory_space<semaphore_mem>>) {add = true}
      %dma_wait3A_106 = arith.constant 160 : i32
      %dma_wait3A_107 = arith.constant 0 : i32
      %dma_wait3A_108 = tpu.memref_slice %arg9[%dma_wait3A_106, %dma_wait3A_107] : memref<400x128xf32, #tpu.memory_space<vmem>> -> memref<80x128xf32, #tpu.memory_space<vmem>>
      %dma_wait3A_109 = arith.constant 0 : i32
      %dma_wait3A_110 = tpu.memref_slice %arg7[%add3A_35, %dma_wait3A_109] : memref<125x80xi32, #tpu.memory_space<vmem>> -> memref<1x80xi32, #tpu.memory_space<vmem>>
      %dma_wait3A_111 = tpu.memref_squeeze %dma_wait3A_110 : memref<1x80xi32, #tpu.memory_space<vmem>> -> memref<80xi32, #tpu.memory_space<vmem>>
      %dma_wait3A_112 = arith.constant 0 : i32
      %dma_wait3A_113 = arith.constant 0 : i32
      %dma_wait3A_114 = tpu.memref_slice %arg2[%dma_wait3A_112, %dma_wait3A_113] : memref<10000x128xf32, #tpu.memory_space<hbm>> -> memref<10000x128xf32, #tpu.memory_space<hbm>>
      tpu.wait_indirect_dma semaphore(%arg10 : memref<!tpu.dma_semaphore, #tpu.memory_space<semaphore_mem>>) src(%dma_wait3A_114 : memref<10000x128xf32, #tpu.memory_space<hbm>>) dst(%dma_wait3A_108 : memref<80x128xf32, #tpu.memory_space<vmem>>)
      %add3A_115 = arith.constant 2 : i32
      %add3A_116 = arith.addi %mul3A_12, %add3A_115 : i32
      %dma_start3A_117 = arith.constant 160 : i32
      %dma_start3A_118 = arith.constant 0 : i32
      %dma_start3A_119 = tpu.memref_slice %arg9[%dma_start3A_117, %dma_start3A_118] : memref<400x128xf32, #tpu.memory_space<vmem>> -> memref<80x128xf32, #tpu.memory_space<vmem>>
      %dma_start3A_120 = arith.constant 0 : i32
      %dma_start3A_121 = tpu.memref_slice %arg8[%add3A_116, %dma_start3A_120] : memref<125x80xi32, #tpu.memory_space<vmem>> -> memref<1x80xi32, #tpu.memory_space<vmem>>
      %dma_start3A_122 = tpu.memref_squeeze %dma_start3A_121 : memref<1x80xi32, #tpu.memory_space<vmem>> -> memref<80xi32, #tpu.memory_space<vmem>>
      %dma_start3A_123 = arith.constant 0 : i32
      %dma_start3A_124 = arith.constant 0 : i32
      %dma_start3A_125 = tpu.memref_slice %arg3[%dma_start3A_123, %dma_start3A_124] : memref<10000x128xf32, #tpu.memory_space<hbm>> -> memref<10000x128xf32, #tpu.memory_space<hbm>>
      tpu.enqueue_indirect_dma source(%dma_start3A_125 : memref<10000x128xf32, #tpu.memory_space<hbm>>) target(%dma_start3A_119 : memref<80x128xf32, #tpu.memory_space<vmem>>) offsets(%dma_start3A_122 : memref<80xi32, #tpu.memory_space<vmem>>) semaphore(%arg10 : memref<!tpu.dma_semaphore, #tpu.memory_space<semaphore_mem>>) {add = true}
      %dma_wait3A_126 = arith.constant 240 : i32
      %dma_wait3A_127 = arith.constant 0 : i32
      %dma_wait3A_128 = tpu.memref_slice %arg9[%dma_wait3A_126, %dma_wait3A_127] : memref<400x128xf32, #tpu.memory_space<vmem>> -> memref<80x128xf32, #tpu.memory_space<vmem>>
      %dma_wait3A_129 = arith.constant 0 : i32
      %dma_wait3A_130 = tpu.memref_slice %arg7[%add3A_46, %dma_wait3A_129] : memref<125x80xi32, #tpu.memory_space<vmem>> -> memref<1x80xi32, #tpu.memory_space<vmem>>
      %dma_wait3A_131 = tpu.memref_squeeze %dma_wait3A_130 : memref<1x80xi32, #tpu.memory_space<vmem>> -> memref<80xi32, #tpu.memory_space<vmem>>
      %dma_wait3A_132 = arith.constant 0 : i32
      %dma_wait3A_133 = arith.constant 0 : i32
      %dma_wait3A_134 = tpu.memref_slice %arg2[%dma_wait3A_132, %dma_wait3A_133] : memref<10000x128xf32, #tpu.memory_space<hbm>> -> memref<10000x128xf32, #tpu.memory_space<hbm>>
      tpu.wait_indirect_dma semaphore(%arg10 : memref<!tpu.dma_semaphore, #tpu.memory_space<semaphore_mem>>) src(%dma_wait3A_134 : memref<10000x128xf32, #tpu.memory_space<hbm>>) dst(%dma_wait3A_128 : memref<80x128xf32, #tpu.memory_space<vmem>>)
      %add3A_135 = arith.constant 3 : i32
      %add3A_136 = arith.addi %mul3A_12, %add3A_135 : i32
      %dma_start3A_137 = arith.constant 240 : i32
      %dma_start3A_138 = arith.constant 0 : i32
      %dma_start3A_139 = tpu.memref_slice %arg9[%dma_start3A_137, %dma_start3A_138] : memref<400x128xf32, #tpu.memory_space<vmem>> -> memref<80x128xf32, #tpu.memory_space<vmem>>
      %dma_start3A_140 = arith.constant 0 : i32
      %dma_start3A_141 = tpu.memref_slice %arg8[%add3A_136, %dma_start3A_140] : memref<125x80xi32, #tpu.memory_space<vmem>> -> memref<1x80xi32, #tpu.memory_space<vmem>>
      %dma_start3A_142 = tpu.memref_squeeze %dma_start3A_141 : memref<1x80xi32, #tpu.memory_space<vmem>> -> memref<80xi32, #tpu.memory_space<vmem>>
      %dma_start3A_143 = arith.constant 0 : i32
      %dma_start3A_144 = arith.constant 0 : i32
      %dma_start3A_145 = tpu.memref_slice %arg3[%dma_start3A_143, %dma_start3A_144] : memref<10000x128xf32, #tpu.memory_space<hbm>> -> memref<10000x128xf32, #tpu.memory_space<hbm>>
      tpu.enqueue_indirect_dma source(%dma_start3A_145 : memref<10000x128xf32, #tpu.memory_space<hbm>>) target(%dma_start3A_139 : memref<80x128xf32, #tpu.memory_space<vmem>>) offsets(%dma_start3A_142 : memref<80xi32, #tpu.memory_space<vmem>>) semaphore(%arg10 : memref<!tpu.dma_semaphore, #tpu.memory_space<semaphore_mem>>) {add = true}
      %dma_wait3A_146 = arith.constant 320 : i32
      %dma_wait3A_147 = arith.constant 0 : i32
      %dma_wait3A_148 = tpu.memref_slice %arg9[%dma_wait3A_146, %dma_wait3A_147] : memref<400x128xf32, #tpu.memory_space<vmem>> -> memref<80x128xf32, #tpu.memory_space<vmem>>
      %dma_wait3A_149 = arith.constant 0 : i32
      %dma_wait3A_150 = tpu.memref_slice %arg7[%add3A_57, %dma_wait3A_149] : memref<125x80xi32, #tpu.memory_space<vmem>> -> memref<1x80xi32, #tpu.memory_space<vmem>>
      %dma_wait3A_151 = tpu.memref_squeeze %dma_wait3A_150 : memref<1x80xi32, #tpu.memory_space<vmem>> -> memref<80xi32, #tpu.memory_space<vmem>>
      %dma_wait3A_152 = arith.constant 0 : i32
      %dma_wait3A_153 = arith.constant 0 : i32
      %dma_wait3A_154 = tpu.memref_slice %arg2[%dma_wait3A_152, %dma_wait3A_153] : memref<10000x128xf32, #tpu.memory_space<hbm>> -> memref<10000x128xf32, #tpu.memory_space<hbm>>
      tpu.wait_indirect_dma semaphore(%arg10 : memref<!tpu.dma_semaphore, #tpu.memory_space<semaphore_mem>>) src(%dma_wait3A_154 : memref<10000x128xf32, #tpu.memory_space<hbm>>) dst(%dma_wait3A_148 : memref<80x128xf32, #tpu.memory_space<vmem>>)
      %add3A_155 = arith.constant 4 : i32
      %add3A_156 = arith.addi %mul3A_12, %add3A_155 : i32
      %dma_start3A_157 = arith.constant 320 : i32
      %dma_start3A_158 = arith.constant 0 : i32
      %dma_start3A_159 = tpu.memref_slice %arg9[%dma_start3A_157, %dma_start3A_158] : memref<400x128xf32, #tpu.memory_space<vmem>> -> memref<80x128xf32, #tpu.memory_space<vmem>>
      %dma_start3A_160 = arith.constant 0 : i32
      %dma_start3A_161 = tpu.memref_slice %arg8[%add3A_156, %dma_start3A_160] : memref<125x80xi32, #tpu.memory_space<vmem>> -> memref<1x80xi32, #tpu.memory_space<vmem>>
      %dma_start3A_162 = tpu.memref_squeeze %dma_start3A_161 : memref<1x80xi32, #tpu.memory_space<vmem>> -> memref<80xi32, #tpu.memory_space<vmem>>
      %dma_start3A_163 = arith.constant 0 : i32
      %dma_start3A_164 = arith.constant 0 : i32
      %dma_start3A_165 = tpu.memref_slice %arg3[%dma_start3A_163, %dma_start3A_164] : memref<10000x128xf32, #tpu.memory_space<hbm>> -> memref<10000x128xf32, #tpu.memory_space<hbm>>
      tpu.enqueue_indirect_dma source(%dma_start3A_165 : memref<10000x128xf32, #tpu.memory_space<hbm>>) target(%dma_start3A_159 : memref<80x128xf32, #tpu.memory_space<vmem>>) offsets(%dma_start3A_162 : memref<80xi32, #tpu.memory_space<vmem>>) semaphore(%arg10 : memref<!tpu.dma_semaphore, #tpu.memory_space<semaphore_mem>>) {add = true}
      %dma_wait3A_166 = arith.constant 0 : i32
      %dma_wait3A_167 = arith.constant 0 : i32
      %dma_wait3A_168 = tpu.memref_slice %arg9[%dma_wait3A_166, %dma_wait3A_167] : memref<400x128xf32, #tpu.memory_space<vmem>> -> memref<80x128xf32, #tpu.memory_space<vmem>>
      %dma_wait3A_169 = arith.constant 0 : i32
      %dma_wait3A_170 = tpu.memref_slice %arg8[%add3A_76, %dma_wait3A_169] : memref<125x80xi32, #tpu.memory_space<vmem>> -> memref<1x80xi32, #tpu.memory_space<vmem>>
      %dma_wait3A_171 = tpu.memref_squeeze %dma_wait3A_170 : memref<1x80xi32, #tpu.memory_space<vmem>> -> memref<80xi32, #tpu.memory_space<vmem>>
      %dma_wait3A_172 = arith.constant 0 : i32
      %dma_wait3A_173 = arith.constant 0 : i32
      %dma_wait3A_174 = tpu.memref_slice %arg3[%dma_wait3A_172, %dma_wait3A_173] : memref<10000x128xf32, #tpu.memory_space<hbm>> -> memref<10000x128xf32, #tpu.memory_space<hbm>>
      tpu.wait_indirect_dma semaphore(%arg10 : memref<!tpu.dma_semaphore, #tpu.memory_space<semaphore_mem>>) src(%dma_wait3A_174 : memref<10000x128xf32, #tpu.memory_space<hbm>>) dst(%dma_wait3A_168 : memref<80x128xf32, #tpu.memory_space<vmem>>)
      %dma_wait3A_175 = arith.constant 80 : i32
      %dma_wait3A_176 = arith.constant 0 : i32
      %dma_wait3A_177 = tpu.memref_slice %arg9[%dma_wait3A_175, %dma_wait3A_176] : memref<400x128xf32, #tpu.memory_space<vmem>> -> memref<80x128xf32, #tpu.memory_space<vmem>>
      %dma_wait3A_178 = arith.constant 0 : i32
      %dma_wait3A_179 = tpu.memref_slice %arg8[%add3A_96, %dma_wait3A_178] : memref<125x80xi32, #tpu.memory_space<vmem>> -> memref<1x80xi32, #tpu.memory_space<vmem>>
      %dma_wait3A_180 = tpu.memref_squeeze %dma_wait3A_179 : memref<1x80xi32, #tpu.memory_space<vmem>> -> memref<80xi32, #tpu.memory_space<vmem>>
      %dma_wait3A_181 = arith.constant 0 : i32
      %dma_wait3A_182 = arith.constant 0 : i32
      %dma_wait3A_183 = tpu.memref_slice %arg3[%dma_wait3A_181, %dma_wait3A_182] : memref<10000x128xf32, #tpu.memory_space<hbm>> -> memref<10000x128xf32, #tpu.memory_space<hbm>>
      tpu.wait_indirect_dma semaphore(%arg10 : memref<!tpu.dma_semaphore, #tpu.memory_space<semaphore_mem>>) src(%dma_wait3A_183 : memref<10000x128xf32, #tpu.memory_space<hbm>>) dst(%dma_wait3A_177 : memref<80x128xf32, #tpu.memory_space<vmem>>)
      %dma_wait3A_184 = arith.constant 160 : i32
      %dma_wait3A_185 = arith.constant 0 : i32
      %dma_wait3A_186 = tpu.memref_slice %arg9[%dma_wait3A_184, %dma_wait3A_185] : memref<400x128xf32, #tpu.memory_space<vmem>> -> memref<80x128xf32, #tpu.memory_space<vmem>>
      %dma_wait3A_187 = arith.constant 0 : i32
      %dma_wait3A_188 = tpu.memref_slice %arg8[%add3A_116, %dma_wait3A_187] : memref<125x80xi32, #tpu.memory_space<vmem>> -> memref<1x80xi32, #tpu.memory_space<vmem>>
      %dma_wait3A_189 = tpu.memref_squeeze %dma_wait3A_188 : memref<1x80xi32, #tpu.memory_space<vmem>> -> memref<80xi32, #tpu.memory_space<vmem>>
      %dma_wait3A_190 = arith.constant 0 : i32
      %dma_wait3A_191 = arith.constant 0 : i32
      %dma_wait3A_192 = tpu.memref_slice %arg3[%dma_wait3A_190, %dma_wait3A_191] : memref<10000x128xf32, #tpu.memory_space<hbm>> -> memref<10000x128xf32, #tpu.memory_space<hbm>>
      tpu.wait_indirect_dma semaphore(%arg10 : memref<!tpu.dma_semaphore, #tpu.memory_space<semaphore_mem>>) src(%dma_wait3A_192 : memref<10000x128xf32, #tpu.memory_space<hbm>>) dst(%dma_wait3A_186 : memref<80x128xf32, #tpu.memory_space<vmem>>)
      %dma_wait3A_193 = arith.constant 240 : i32
      %dma_wait3A_194 = arith.constant 0 : i32
      %dma_wait3A_195 = tpu.memref_slice %arg9[%dma_wait3A_193, %dma_wait3A_194] : memref<400x128xf32, #tpu.memory_space<vmem>> -> memref<80x128xf32, #tpu.memory_space<vmem>>
      %dma_wait3A_196 = arith.constant 0 : i32
      %dma_wait3A_197 = tpu.memref_slice %arg8[%add3A_136, %dma_wait3A_196] : memref<125x80xi32, #tpu.memory_space<vmem>> -> memref<1x80xi32, #tpu.memory_space<vmem>>
      %dma_wait3A_198 = tpu.memref_squeeze %dma_wait3A_197 : memref<1x80xi32, #tpu.memory_space<vmem>> -> memref<80xi32, #tpu.memory_space<vmem>>
      %dma_wait3A_199 = arith.constant 0 : i32
      %dma_wait3A_200 = arith.constant 0 : i32
      %dma_wait3A_201 = tpu.memref_slice %arg3[%dma_wait3A_199, %dma_wait3A_200] : memref<10000x128xf32, #tpu.memory_space<hbm>> -> memref<10000x128xf32, #tpu.memory_space<hbm>>
      tpu.wait_indirect_dma semaphore(%arg10 : memref<!tpu.dma_semaphore, #tpu.memory_space<semaphore_mem>>) src(%dma_wait3A_201 : memref<10000x128xf32, #tpu.memory_space<hbm>>) dst(%dma_wait3A_195 : memref<80x128xf32, #tpu.memory_space<vmem>>)
      %dma_wait3A_202 = arith.constant 320 : i32
      %dma_wait3A_203 = arith.constant 0 : i32
      %dma_wait3A_204 = tpu.memref_slice %arg9[%dma_wait3A_202, %dma_wait3A_203] : memref<400x128xf32, #tpu.memory_space<vmem>> -> memref<80x128xf32, #tpu.memory_space<vmem>>
      %dma_wait3A_205 = arith.constant 0 : i32
      %dma_wait3A_206 = tpu.memref_slice %arg8[%add3A_156, %dma_wait3A_205] : memref<125x80xi32, #tpu.memory_space<vmem>> -> memref<1x80xi32, #tpu.memory_space<vmem>>
      %dma_wait3A_207 = tpu.memref_squeeze %dma_wait3A_206 : memref<1x80xi32, #tpu.memory_space<vmem>> -> memref<80xi32, #tpu.memory_space<vmem>>
      %dma_wait3A_208 = arith.constant 0 : i32
      %dma_wait3A_209 = arith.constant 0 : i32
      %dma_wait3A_210 = tpu.memref_slice %arg3[%dma_wait3A_208, %dma_wait3A_209] : memref<10000x128xf32, #tpu.memory_space<hbm>> -> memref<10000x128xf32, #tpu.memory_space<hbm>>
      tpu.wait_indirect_dma semaphore(%arg10 : memref<!tpu.dma_semaphore, #tpu.memory_space<semaphore_mem>>) src(%dma_wait3A_210 : memref<10000x128xf32, #tpu.memory_space<hbm>>) dst(%dma_wait3A_204 : memref<80x128xf32, #tpu.memory_space<vmem>>)
      %mul3A_211 = arith.constant 80 : i32
      %mul3A_212 = arith.muli %mul3A_12, %mul3A_211 : i32
      %add3A_213 = arith.addi %mul3A_2, %mul3A_212 : i32
      %dma_start3A_214 = arith.constant 0 : i32
      %dma_start3A_215 = tpu.memref_slice %arg6[%add3A_213, %dma_start3A_214] : memref<320000x128xf32, #tpu.memory_space<hbm>> -> memref<400x128xf32, #tpu.memory_space<hbm>>
      %dma_start3A_216 = arith.constant 0 : i32
      %dma_start3A_217 = tpu.memref_slice %arg6[%add3A_213, %dma_start3A_216] : memref<320000x128xf32, #tpu.memory_space<hbm>> -> memref<400x128xf32, #tpu.memory_space<hbm>>
      tpu.enqueue_dma source(%arg9 : memref<400x128xf32, #tpu.memory_space<vmem>>) target(%dma_start3A_217 : memref<400x128xf32, #tpu.memory_space<hbm>>) target_semaphore(%arg11 : memref<!tpu.dma_semaphore, #tpu.memory_space<semaphore_mem>>)
      %dma_wait3A_218 = arith.constant 0 : i32
      %dma_wait3A_219 = tpu.memref_slice %arg6[%add3A_213, %dma_wait3A_218] : memref<320000x128xf32, #tpu.memory_space<hbm>> -> memref<400x128xf32, #tpu.memory_space<hbm>>
      %dma_wait3A_220 = arith.constant 0 : i32
      %dma_wait3A_221 = tpu.memref_slice %arg6[%add3A_213, %dma_wait3A_220] : memref<320000x128xf32, #tpu.memory_space<hbm>> -> memref<400x128xf32, #tpu.memory_space<hbm>>
      tpu.wait_dma2 semaphore(%arg11 : memref<!tpu.dma_semaphore, #tpu.memory_space<semaphore_mem>>) src(%arg9 : memref<400x128xf32, #tpu.memory_space<vmem>>) dst(%dma_wait3A_221 : memref<400x128xf32, #tpu.memory_space<hbm>>)
      %scan3A_222 = arith.constant 0 : i32
      scf.yield %scan3A_222 : i32
    }
    %scan3A_8 = arith.constant 25 : i32
    return
  }
}

module attributes {stable_mosaic.version = 14 : i64} {
  func.func @_t_ea_body(%arg0: i32, %arg1: memref<2560x16xf32, #tpu.memory_space<vmem>>, %arg2: memref<16x128xf32, #tpu.memory_space<vmem>>, %arg3: memref<1x128xf32, #tpu.memory_space<vmem>>, %arg4: memref<2560x128xf32, #tpu.memory_space<vmem>>) attributes {dimension_semantics = [#tpu.dimension_semantics<arbitrary>], iteration_bounds = array<i64: 125>, scalar_prefetch = 0 : i64, scratch_operands = 0 : i64, tpu.core_type = #tpu.core_type<tc>, window_params = [{transform_indices = @transform_0, window_bounds = array<i64: 2560, 16>}, {pipeline_mode = #tpu.pipeline_mode<synchronous>, transform_indices = @transform_1, window_bounds = array<i64: 16, 128>}, {pipeline_mode = #tpu.pipeline_mode<synchronous>, transform_indices = @transform_2, window_bounds = array<i64: 1, 128>}, {transform_indices = @transform_3, window_bounds = array<i64: 2560, 128>}]} {
    %get3A = arith.constant 0 : index
    %get3A_0 = arith.constant 0 : index
    %get3A_1 = vector.load %arg1[%get3A, %get3A_0] : memref<2560x16xf32, #tpu.memory_space<vmem>>, vector<2560x16xf32>
    %get3A_2 = arith.constant 0 : index
    %get3A_3 = arith.constant 0 : index
    %get3A_4 = vector.load %arg2[%get3A_2, %get3A_3] : memref<16x128xf32, #tpu.memory_space<vmem>>, vector<16x128xf32>
    %dot_general3A = arith.constant dense<0.000000e+00> : vector<2560x128xf32>
    %dot_general3A_5 = tpu.matmul %get3A_1, %get3A_4, %dot_general3A {dimension_numbers = #tpu.dot_dimension_numbers<[1], [0], [0], [1], [0, 0, 1, 1], [], []>, transpose_lhs_hint = false} : vector<2560x16xf32>, vector<16x128xf32>, vector<2560x128xf32> -> vector<2560x128xf32>
    %get3A_6 = arith.constant 0 : index
    %get3A_7 = arith.constant 0 : index
    %get3A_8 = vector.load %arg3[%get3A_6, %get3A_7] : memref<1x128xf32, #tpu.memory_space<vmem>>, vector<1x128xf32>
    %add3A = vector.broadcast %get3A_8 : vector<1x128xf32> to vector<2560x128xf32>
    %add3A_9 = arith.addf %dot_general3A_5, %add3A : vector<2560x128xf32>
    %swap3A = arith.constant 0 : index
    %swap3A_10 = arith.constant 0 : index
    %swap3A_11 = vector.load %arg4[%swap3A, %swap3A_10] : memref<2560x128xf32, #tpu.memory_space<vmem>>, vector<2560x128xf32>
    tpu.vector_store %arg4[%swap3A, %swap3A_10], %add3A_9 {strides = array<i32>} : memref<2560x128xf32, #tpu.memory_space<vmem>>, vector<2560x128xf32>,
    return
  }
  func.func @transform_0(%arg0: i32) -> (i32, i32) {
    %c0_i32 = arith.constant 0 : i32
    %c0_i32_0 = arith.constant 0 : i32
    return %arg0, %c0_i32 : i32, i32
  }
  func.func @transform_1(%arg0: i32) -> (i32, i32) {
    %c0_i32 = arith.constant 0 : i32
    %c0_i32_0 = arith.constant 0 : i32
    %c0_i32_1 = arith.constant 0 : i32
    return %c0_i32, %c0_i32_0 : i32, i32
  }
  func.func @transform_2(%arg0: i32) -> (i32, i32) {
    %c0_i32 = arith.constant 0 : i32
    %c0_i32_0 = arith.constant 0 : i32
    %c0_i32_1 = arith.constant 0 : i32
    return %c0_i32, %c0_i32_0 : i32, i32
  }
  func.func @transform_3(%arg0: i32) -> (i32, i32) {
    %c0_i32 = arith.constant 0 : i32
    %c0_i32_0 = arith.constant 0 : i32
    return %arg0, %c0_i32 : i32, i32
  }
}

module attributes {stable_mosaic.version = 14 : i64} {
  func.func @_t_h_body(%arg0: memref<10000x128xf32, #tpu.memory_space<vmem>>, %arg1: memref<128x128xf32, #tpu.memory_space<vmem>>, %arg2: memref<1x128xf32, #tpu.memory_space<vmem>>, %arg3: memref<10000x128xf32, #tpu.memory_space<vmem>>) attributes {dimension_semantics = [], scalar_prefetch = 0 : i64, scratch_operands = 0 : i64, tpu.core_type = #tpu.core_type<tc>} {
    %get3A = arith.constant 0 : index
    %get3A_0 = arith.constant 0 : index
    %get3A_1 = vector.load %arg0[%get3A, %get3A_0] : memref<10000x128xf32, #tpu.memory_space<vmem>>, vector<10000x128xf32>
    %get3A_2 = arith.constant 0 : index
    %get3A_3 = arith.constant 0 : index
    %get3A_4 = vector.load %arg1[%get3A_2, %get3A_3] : memref<128x128xf32, #tpu.memory_space<vmem>>, vector<128x128xf32>
    %dot_general3A = arith.constant dense<0.000000e+00> : vector<10000x128xf32>
    %dot_general3A_5 = tpu.matmul %get3A_1, %get3A_4, %dot_general3A {dimension_numbers = #tpu.dot_dimension_numbers<[1], [0], [0], [1], [0, 0, 1, 1], [], []>, transpose_lhs_hint = false} : vector<10000x128xf32>, vector<128x128xf32>, vector<10000x128xf32> -> vector<10000x128xf32>
    %get3A_6 = arith.constant 0 : index
    %get3A_7 = arith.constant 0 : index
    %get3A_8 = vector.load %arg2[%get3A_6, %get3A_7] : memref<1x128xf32, #tpu.memory_space<vmem>>, vector<1x128xf32>
    %add3A = vector.broadcast %get3A_8 : vector<1x128xf32> to vector<10000x128xf32>
    %add3A_9 = arith.addf %dot_general3A_5, %add3A : vector<10000x128xf32>
    %swap3A = arith.constant 0 : index
    %swap3A_10 = arith.constant 0 : index
    %swap3A_11 = vector.load %arg3[%swap3A, %swap3A_10] : memref<10000x128xf32, #tpu.memory_space<vmem>>, vector<10000x128xf32>
    tpu.vector_store %arg3[%swap3A, %swap3A_10], %add3A_9 {strides = array<i32>} : memref<10000x128xf32, #tpu.memory_space<vmem>>, vector<10000x128xf32>,
    return
  }
}

module attributes {stable_mosaic.version = 14 : i64} {
  func.func @_t_node_body(%arg0: memref<10000x128xf32, #tpu.memory_space<vmem>>, %arg1: memref<2x10112x128xf32, #tpu.memory_space<vmem>>, %arg2: memref<128x128xf32, #tpu.memory_space<vmem>>, %arg3: memref<1x128xf32, #tpu.memory_space<vmem>>, %arg4: memref<128x128xf32, #tpu.memory_space<vmem>>, %arg5: memref<1x128xf32, #tpu.memory_space<vmem>>, %arg6: memref<1x128xf32, #tpu.memory_space<vmem>>, %arg7: memref<1x128xf32, #tpu.memory_space<vmem>>, %arg8: memref<128x128xf32, #tpu.memory_space<vmem>>, %arg9: memref<128x128xf32, #tpu.memory_space<vmem>>, %arg10: memref<10000x128xf32, #tpu.memory_space<vmem>>, %arg11: memref<10000x128xf32, #tpu.memory_space<vmem>>, %arg12: memref<10000x128xf32, #tpu.memory_space<vmem>>) attributes {dimension_semantics = [], scalar_prefetch = 0 : i64, scratch_operands = 0 : i64, tpu.core_type = #tpu.core_type<tc>} {
    %get3A = arith.constant 0 : index
    %get3A_0 = arith.constant 0 : index
    %get3A_1 = vector.load %arg0[%get3A, %get3A_0] : memref<10000x128xf32, #tpu.memory_space<vmem>>, vector<10000x128xf32>
    %get3A_2 = arith.constant 0 : index
    %get3A_3 = arith.constant 0 : index
    %get3A_4 = arith.constant 0 : index
    %get3A_5 = vector.load %arg1[%get3A_2, %get3A_3, %get3A_4] : memref<2x10112x128xf32, #tpu.memory_space<vmem>>, vector<2x10112x128xf32>
    %slice3A = vector.extract_strided_slice %get3A_5 {offsets = [0, 0, 0], sizes = [1, 10112, 128], strides = [1, 1, 1]} : vector<2x10112x128xf32> to vector<1x10112x128xf32>
    %squeeze3A = vector.shape_cast %slice3A : vector<1x10112x128xf32> to vector<10112x128xf32>
    %slice3A_6 = vector.extract_strided_slice %get3A_5 {offsets = [1, 0, 0], sizes = [1, 10112, 128], strides = [1, 1, 1]} : vector<2x10112x128xf32> to vector<1x10112x128xf32>
    %squeeze3A_7 = vector.shape_cast %slice3A_6 : vector<1x10112x128xf32> to vector<10112x128xf32>
    %add3A = arith.addf %squeeze3A, %squeeze3A_7 : vector<10112x128xf32>
    %slice3A_8 = vector.extract_strided_slice %add3A {offsets = [0, 0], sizes = [10000, 128], strides = [1, 1]} : vector<10112x128xf32> to vector<10000x128xf32>
    %add3A_9 = arith.addf %get3A_1, %slice3A_8 : vector<10000x128xf32>
    %get3A_10 = arith.constant 0 : index
    %get3A_11 = arith.constant 0 : index
    %get3A_12 = vector.load %arg2[%get3A_10, %get3A_11] : memref<128x128xf32, #tpu.memory_space<vmem>>, vector<128x128xf32>
    %dot_general3A = arith.constant dense<0.000000e+00> : vector<10000x128xf32>
    %dot_general3A_13 = tpu.matmul %add3A_9, %get3A_12, %dot_general3A {dimension_numbers = #tpu.dot_dimension_numbers<[1], [0], [0], [1], [0, 0, 1, 1], [], []>, transpose_lhs_hint = false} : vector<10000x128xf32>, vector<128x128xf32>, vector<10000x128xf32> -> vector<10000x128xf32>
    %get3A_14 = arith.constant 0 : index
    %get3A_15 = arith.constant 0 : index
    %get3A_16 = vector.load %arg3[%get3A_14, %get3A_15] : memref<1x128xf32, #tpu.memory_space<vmem>>, vector<1x128xf32>
    %add3A_17 = vector.broadcast %get3A_16 : vector<1x128xf32> to vector<10000x128xf32>
    %add3A_18 = arith.addf %dot_general3A_13, %add3A_17 : vector<10000x128xf32>
    %max3A = arith.constant 0.000000e+00 : f32
    %max3A_19 = vector.broadcast %max3A : f32 to vector<10000x128xf32>
    %max3A_20 = arith.maximumf %add3A_18, %max3A_19 : vector<10000x128xf32>
    %get3A_21 = arith.constant 0 : index
    %get3A_22 = arith.constant 0 : index
    %get3A_23 = vector.load %arg4[%get3A_21, %get3A_22] : memref<128x128xf32, #tpu.memory_space<vmem>>, vector<128x128xf32>
    %dot_general3A_24 = arith.constant dense<0.000000e+00> : vector<10000x128xf32>
    %dot_general3A_25 = tpu.matmul %max3A_20, %get3A_23, %dot_general3A_24 {dimension_numbers = #tpu.dot_dimension_numbers<[1], [0], [0], [1], [0, 0, 1, 1], [], []>, transpose_lhs_hint = false} : vector<10000x128xf32>, vector<128x128xf32>, vector<10000x128xf32> -> vector<10000x128xf32>
    %get3A_26 = arith.constant 0 : index
    %get3A_27 = arith.constant 0 : index
    %get3A_28 = vector.load %arg5[%get3A_26, %get3A_27] : memref<1x128xf32, #tpu.memory_space<vmem>>, vector<1x128xf32>
    %add3A_29 = vector.broadcast %get3A_28 : vector<1x128xf32> to vector<10000x128xf32>
    %add3A_30 = arith.addf %dot_general3A_25, %add3A_29 : vector<10000x128xf32>
    %reduce_sum3A = arith.constant dense<0.000000e+00> : vector<128xf32>
    %reduce_sum3A_31 = vector.multi_reduction <add>, %add3A_30, %reduce_sum3A [0] : vector<10000x128xf32> to vector<128xf32>
    %broadcast_in_dim3A = vector.shape_cast %reduce_sum3A_31 : vector<128xf32> to vector<1x128xf32>
    %div3A = arith.constant 1.000000e+04 : f32
    %div3A_32 = vector.broadcast %div3A : f32 to vector<1x128xf32>
    %div3A_33 = arith.divf %broadcast_in_dim3A, %div3A_32 : vector<1x128xf32>
    %sub3A = vector.broadcast %div3A_33 : vector<1x128xf32> to vector<10000x128xf32>
    %sub3A_34 = arith.subf %add3A_30, %sub3A : vector<10000x128xf32>
    %integer_pow3A = arith.mulf %sub3A_34, %sub3A_34 : vector<10000x128xf32>
    %reduce_sum3A_35 = arith.constant dense<0.000000e+00> : vector<128xf32>
    %reduce_sum3A_36 = vector.multi_reduction <add>, %integer_pow3A, %reduce_sum3A_35 [0] : vector<10000x128xf32> to vector<128xf32>
    %broadcast_in_dim3A_37 = vector.shape_cast %reduce_sum3A_36 : vector<128xf32> to vector<1x128xf32>
    %div3A_38 = arith.constant 1.000000e+04 : f32
    %div3A_39 = vector.broadcast %div3A_38 : f32 to vector<1x128xf32>
    %div3A_40 = arith.divf %broadcast_in_dim3A_37, %div3A_39 : vector<1x128xf32>
    %sub3A_41 = vector.broadcast %div3A_33 : vector<1x128xf32> to vector<10000x128xf32>
    %sub3A_42 = arith.subf %add3A_30, %sub3A_41 : vector<10000x128xf32>
    %add3A_43 = arith.constant 9.99999974E-6 : f32
    %add3A_44 = vector.broadcast %add3A_43 : f32 to vector<1x128xf32>
    %add3A_45 = arith.addf %div3A_40, %add3A_44 : vector<1x128xf32>
    %rsqrt3A = math.rsqrt %add3A_45 : vector<1x128xf32>
    %mul3A = vector.broadcast %rsqrt3A : vector<1x128xf32> to vector<10000x128xf32>
    %mul3A_46 = arith.mulf %sub3A_42, %mul3A : vector<10000x128xf32>
    %get3A_47 = arith.constant 0 : index
    %get3A_48 = arith.constant 0 : index
    %get3A_49 = vector.load %arg6[%get3A_47, %get3A_48] : memref<1x128xf32, #tpu.memory_space<vmem>>, vector<1x128xf32>
    %mul3A_50 = vector.broadcast %get3A_49 : vector<1x128xf32> to vector<10000x128xf32>
    %mul3A_51 = arith.mulf %mul3A_46, %mul3A_50 : vector<10000x128xf32>
    %get3A_52 = arith.constant 0 : index
    %get3A_53 = arith.constant 0 : index
    %get3A_54 = vector.load %arg7[%get3A_52, %get3A_53] : memref<1x128xf32, #tpu.memory_space<vmem>>, vector<1x128xf32>
    %add3A_55 = vector.broadcast %get3A_54 : vector<1x128xf32> to vector<10000x128xf32>
    %add3A_56 = arith.addf %mul3A_51, %add3A_55 : vector<10000x128xf32>
    %max3A_57 = arith.constant 0.000000e+00 : f32
    %max3A_58 = vector.broadcast %max3A_57 : f32 to vector<10000x128xf32>
    %max3A_59 = arith.maximumf %add3A_56, %max3A_58 : vector<10000x128xf32>
    %add3A_60 = arith.addf %get3A_1, %max3A_59 : vector<10000x128xf32>
    %mul3A_61 = arith.constant 5.000000e-01 : f32
    %mul3A_62 = vector.broadcast %mul3A_61 : f32 to vector<10000x128xf32>
    %mul3A_63 = arith.mulf %add3A_60, %mul3A_62 : vector<10000x128xf32>
    %swap3A = arith.constant 0 : index
    %swap3A_64 = arith.constant 0 : index
    %swap3A_65 = vector.load %arg10[%swap3A, %swap3A_64] : memref<10000x128xf32, #tpu.memory_space<vmem>>, vector<10000x128xf32>
    tpu.vector_store %arg10[%swap3A, %swap3A_64], %mul3A_63 {strides = array<i32>} : memref<10000x128xf32, #tpu.memory_space<vmem>>, vector<10000x128xf32>,
    %get3A_66 = arith.constant 0 : index
    %get3A_67 = arith.constant 0 : index
    %get3A_68 = vector.load %arg8[%get3A_66, %get3A_67] : memref<128x128xf32, #tpu.memory_space<vmem>>, vector<128x128xf32>
    %dot_general3A_69 = arith.constant dense<0.000000e+00> : vector<10000x128xf32>
    %dot_general3A_70 = tpu.matmul %mul3A_63, %get3A_68, %dot_general3A_69 {dimension_numbers = #tpu.dot_dimension_numbers<[1], [0], [0], [1], [0, 0, 1, 1], [], []>, transpose_lhs_hint = false} : vector<10000x128xf32>, vector<128x128xf32>, vector<10000x128xf32> -> vector<10000x128xf32>
    %swap3A_71 = arith.constant 0 : index
    %swap3A_72 = arith.constant 0 : index
    %swap3A_73 = vector.load %arg11[%swap3A_71, %swap3A_72] : memref<10000x128xf32, #tpu.memory_space<vmem>>, vector<10000x128xf32>
    tpu.vector_store %arg11[%swap3A_71, %swap3A_72], %dot_general3A_70 {strides = array<i32>} : memref<10000x128xf32, #tpu.memory_space<vmem>>, vector<10000x128xf32>,
    %get3A_74 = arith.constant 0 : index
    %get3A_75 = arith.constant 0 : index
    %get3A_76 = vector.load %arg9[%get3A_74, %get3A_75] : memref<128x128xf32, #tpu.memory_space<vmem>>, vector<128x128xf32>
    %dot_general3A_77 = arith.constant dense<0.000000e+00> : vector<10000x128xf32>
    %dot_general3A_78 = tpu.matmul %mul3A_63, %get3A_76, %dot_general3A_77 {dimension_numbers = #tpu.dot_dimension_numbers<[1], [0], [0], [1], [0, 0, 1, 1], [], []>, transpose_lhs_hint = false} : vector<10000x128xf32>, vector<128x128xf32>, vector<10000x128xf32> -> vector<10000x128xf32>
    %swap3A_79 = arith.constant 0 : index
    %swap3A_80 = arith.constant 0 : index
    %swap3A_81 = vector.load %arg12[%swap3A_79, %swap3A_80] : memref<10000x128xf32, #tpu.memory_space<vmem>>, vector<10000x128xf32>
    tpu.vector_store %arg12[%swap3A_79, %swap3A_80], %dot_general3A_78 {strides = array<i32>} : memref<10000x128xf32, #tpu.memory_space<vmem>>, vector<10000x128xf32>,
    return
  }
}

module attributes {stable_mosaic.version = 14 : i64} {
  func.func @_t_edge_body(%arg0: i32, %arg1: memref<2560x128xf32, #tpu.memory_space<vmem>>, %arg2: memref<2560x128xf32, #tpu.memory_space<vmem>>, %arg3: memref<128x128xf32, #tpu.memory_space<vmem>>, %arg4: memref<1x128xf32, #tpu.memory_space<vmem>>, %arg5: memref<128x128xf32, #tpu.memory_space<vmem>>, %arg6: memref<1x128xf32, #tpu.memory_space<vmem>>, %arg7: memref<2560x128xf32, #tpu.memory_space<vmem>>) attributes {dimension_semantics = [#tpu.dimension_semantics<arbitrary>], iteration_bounds = array<i64: 125>, scalar_prefetch = 0 : i64, scratch_operands = 0 : i64, tpu.core_type = #tpu.core_type<tc>, window_params = [{transform_indices = @transform_0, window_bounds = array<i64: 2560, 128>}, {transform_indices = @transform_1, window_bounds = array<i64: 2560, 128>}, {pipeline_mode = #tpu.pipeline_mode<synchronous>, transform_indices = @transform_2, window_bounds = array<i64: 128, 128>}, {pipeline_mode = #tpu.pipeline_mode<synchronous>, transform_indices = @transform_3, window_bounds = array<i64: 1, 128>}, {pipeline_mode = #tpu.pipeline_mode<synchronous>, transform_indices = @transform_4, window_bounds = array<i64: 128, 128>}, {pipeline_mode = #tpu.pipeline_mode<synchronous>, transform_indices = @transform_5, window_bounds = array<i64: 1, 128>}, {transform_indices = @transform_6, window_bounds = array<i64: 2560, 128>}]} {
    %get3A = arith.constant 0 : index
    %get3A_0 = arith.constant 0 : index
    %get3A_1 = vector.load %arg2[%get3A, %get3A_0] : memref<2560x128xf32, #tpu.memory_space<vmem>>, vector<2560x128xf32>
    %get3A_2 = arith.constant 0 : index
    %get3A_3 = arith.constant 0 : index
    %get3A_4 = vector.load %arg1[%get3A_2, %get3A_3] : memref<2560x128xf32, #tpu.memory_space<vmem>>, vector<2560x128xf32>
    %get3A_5 = arith.constant 0 : index
    %get3A_6 = arith.constant 0 : index
    %get3A_7 = vector.load %arg3[%get3A_5, %get3A_6] : memref<128x128xf32, #tpu.memory_space<vmem>>, vector<128x128xf32>
    %dot_general3A = arith.constant dense<0.000000e+00> : vector<2560x128xf32>
    %dot_general3A_8 = tpu.matmul %get3A_1, %get3A_7, %dot_general3A {dimension_numbers = #tpu.dot_dimension_numbers<[1], [0], [0], [1], [0, 0, 1, 1], [], []>, transpose_lhs_hint = false} : vector<2560x128xf32>, vector<128x128xf32>, vector<2560x128xf32> -> vector<2560x128xf32>
    %add3A = arith.addf %get3A_4, %dot_general3A_8 : vector<2560x128xf32>
    %get3A_9 = arith.constant 0 : index
    %get3A_10 = arith.constant 0 : index
    %get3A_11 = vector.load %arg4[%get3A_9, %get3A_10] : memref<1x128xf32, #tpu.memory_space<vmem>>, vector<1x128xf32>
    %add3A_12 = vector.broadcast %get3A_11 : vector<1x128xf32> to vector<2560x128xf32>
    %add3A_13 = arith.addf %add3A, %add3A_12 : vector<2560x128xf32>
    %max3A = arith.constant 0.000000e+00 : f32
    %max3A_14 = vector.broadcast %max3A : f32 to vector<2560x128xf32>
    %max3A_15 = arith.maximumf %add3A_13, %max3A_14 : vector<2560x128xf32>
    %get3A_16 = arith.constant 0 : index
    %get3A_17 = arith.constant 0 : index
    %get3A_18 = vector.load %arg5[%get3A_16, %get3A_17] : memref<128x128xf32, #tpu.memory_space<vmem>>, vector<128x128xf32>
    %dot_general3A_19 = arith.constant dense<0.000000e+00> : vector<2560x128xf32>
    %dot_general3A_20 = tpu.matmul %max3A_15, %get3A_18, %dot_general3A_19 {dimension_numbers = #tpu.dot_dimension_numbers<[1], [0], [0], [1], [0, 0, 1, 1], [], []>, transpose_lhs_hint = false} : vector<2560x128xf32>, vector<128x128xf32>, vector<2560x128xf32> -> vector<2560x128xf32>
    %get3A_21 = arith.constant 0 : index
    %get3A_22 = arith.constant 0 : index
    %get3A_23 = vector.load %arg6[%get3A_21, %get3A_22] : memref<1x128xf32, #tpu.memory_space<vmem>>, vector<1x128xf32>
    %add3A_24 = vector.broadcast %get3A_23 : vector<1x128xf32> to vector<2560x128xf32>
    %add3A_25 = arith.addf %dot_general3A_20, %add3A_24 : vector<2560x128xf32>
    %mul3A = arith.constant 5.000000e-01 : f32
    %mul3A_26 = vector.broadcast %mul3A : f32 to vector<2560x128xf32>
    %mul3A_27 = arith.mulf %add3A_25, %mul3A_26 : vector<2560x128xf32>
    %add3A_28 = arith.addf %get3A_1, %mul3A_27 : vector<2560x128xf32>
    %swap3A = arith.constant 0 : index
    %swap3A_29 = arith.constant 0 : index
    %swap3A_30 = vector.load %arg7[%swap3A, %swap3A_29] : memref<2560x128xf32, #tpu.memory_space<vmem>>, vector<2560x128xf32>
    tpu.vector_store %arg7[%swap3A, %swap3A_29], %add3A_28 {strides = array<i32>} : memref<2560x128xf32, #tpu.memory_space<vmem>>, vector<2560x128xf32>,
    return
  }
  func.func @transform_0(%arg0: i32) -> (i32, i32) {
    %c0_i32 = arith.constant 0 : i32
    %c0_i32_0 = arith.constant 0 : i32
    return %arg0, %c0_i32 : i32, i32
  }
  func.func @transform_1(%arg0: i32) -> (i32, i32) {
    %c0_i32 = arith.constant 0 : i32
    %c0_i32_0 = arith.constant 0 : i32
    return %arg0, %c0_i32 : i32, i32
  }
  func.func @transform_2(%arg0: i32) -> (i32, i32) {
    %c0_i32 = arith.constant 0 : i32
    %c0_i32_0 = arith.constant 0 : i32
    %c0_i32_1 = arith.constant 0 : i32
    return %c0_i32, %c0_i32_0 : i32, i32
  }
  func.func @transform_3(%arg0: i32) -> (i32, i32) {
    %c0_i32 = arith.constant 0 : i32
    %c0_i32_0 = arith.constant 0 : i32
    %c0_i32_1 = arith.constant 0 : i32
    return %c0_i32, %c0_i32_0 : i32, i32
  }
  func.func @transform_4(%arg0: i32) -> (i32, i32) {
    %c0_i32 = arith.constant 0 : i32
    %c0_i32_0 = arith.constant 0 : i32
    %c0_i32_1 = arith.constant 0 : i32
    return %c0_i32, %c0_i32_0 : i32, i32
  }
  func.func @transform_5(%arg0: i32) -> (i32, i32) {
    %c0_i32 = arith.constant 0 : i32
    %c0_i32_0 = arith.constant 0 : i32
    %c0_i32_1 = arith.constant 0 : i32
    return %c0_i32, %c0_i32_0 : i32, i32
  }
  func.func @transform_6(%arg0: i32) -> (i32, i32) {
    %c0_i32 = arith.constant 0 : i32
    %c0_i32_0 = arith.constant 0 : i32
    return %arg0, %c0_i32 : i32, i32
  }
}

module attributes {stable_mosaic.version = 14 : i64} {
  func.func @_t_q_body(%arg0: memref<10000x128xf32, #tpu.memory_space<vmem>>, %arg1: memref<128x128xf32, #tpu.memory_space<vmem>>, %arg2: memref<128x128xf32, #tpu.memory_space<vmem>>, %arg3: memref<10000x128xf32, #tpu.memory_space<vmem>>, %arg4: memref<10000x128xf32, #tpu.memory_space<vmem>>) attributes {dimension_semantics = [], scalar_prefetch = 0 : i64, scratch_operands = 0 : i64, tpu.core_type = #tpu.core_type<tc>} {
    %get3A = arith.constant 0 : index
    %get3A_0 = arith.constant 0 : index
    %get3A_1 = vector.load %arg0[%get3A, %get3A_0] : memref<10000x128xf32, #tpu.memory_space<vmem>>, vector<10000x128xf32>
    %max3A = arith.constant 0.000000e+00 : f32
    %max3A_2 = vector.broadcast %max3A : f32 to vector<10000x128xf32>
    %max3A_3 = arith.maximumf %get3A_1, %max3A_2 : vector<10000x128xf32>
    %get3A_4 = arith.constant 0 : index
    %get3A_5 = arith.constant 0 : index
    %get3A_6 = vector.load %arg1[%get3A_4, %get3A_5] : memref<128x128xf32, #tpu.memory_space<vmem>>, vector<128x128xf32>
    %dot_general3A = arith.constant dense<0.000000e+00> : vector<10000x128xf32>
    %dot_general3A_7 = tpu.matmul %max3A_3, %get3A_6, %dot_general3A {dimension_numbers = #tpu.dot_dimension_numbers<[1], [0], [0], [1], [0, 0, 1, 1], [], []>, transpose_lhs_hint = false} : vector<10000x128xf32>, vector<128x128xf32>, vector<10000x128xf32> -> vector<10000x128xf32>
    %swap3A = arith.constant 0 : index
    %swap3A_8 = arith.constant 0 : index
    %swap3A_9 = vector.load %arg3[%swap3A, %swap3A_8] : memref<10000x128xf32, #tpu.memory_space<vmem>>, vector<10000x128xf32>
    tpu.vector_store %arg3[%swap3A, %swap3A_8], %dot_general3A_7 {strides = array<i32>} : memref<10000x128xf32, #tpu.memory_space<vmem>>, vector<10000x128xf32>,
    %get3A_10 = arith.constant 0 : index
    %get3A_11 = arith.constant 0 : index
    %get3A_12 = vector.load %arg2[%get3A_10, %get3A_11] : memref<128x128xf32, #tpu.memory_space<vmem>>, vector<128x128xf32>
    %dot_general3A_13 = arith.constant dense<0.000000e+00> : vector<10000x128xf32>
    %dot_general3A_14 = tpu.matmul %max3A_3, %get3A_12, %dot_general3A_13 {dimension_numbers = #tpu.dot_dimension_numbers<[1], [0], [0], [1], [0, 0, 1, 1], [], []>, transpose_lhs_hint = false} : vector<10000x128xf32>, vector<128x128xf32>, vector<10000x128xf32> -> vector<10000x128xf32>
    %swap3A_15 = arith.constant 0 : index
    %swap3A_16 = arith.constant 0 : index
    %swap3A_17 = vector.load %arg4[%swap3A_15, %swap3A_16] : memref<10000x128xf32, #tpu.memory_space<vmem>>, vector<10000x128xf32>
    tpu.vector_store %arg4[%swap3A_15, %swap3A_16], %dot_general3A_14 {strides = array<i32>} : memref<10000x128xf32, #tpu.memory_space<vmem>>, vector<10000x128xf32>,
    return
  }
}

module attributes {stable_mosaic.version = 14 : i64} {
  func.func @_t_final_body(%arg0: i32, %arg1: memref<2560x128xf32, #tpu.memory_space<vmem>>, %arg2: memref<2560x128xf32, #tpu.memory_space<vmem>>, %arg3: memref<128x128xf32, #tpu.memory_space<vmem>>, %arg4: memref<1x128xf32, #tpu.memory_space<vmem>>, %arg5: memref<128x32xf32, #tpu.memory_space<vmem>>, %arg6: memref<1x32xf32, #tpu.memory_space<vmem>>, %arg7: memref<32x2xf32, #tpu.memory_space<vmem>>, %arg8: memref<1x2xf32, #tpu.memory_space<vmem>>, %arg9: memref<2560x2xf32, #tpu.memory_space<vmem>>) attributes {dimension_semantics = [#tpu.dimension_semantics<arbitrary>], iteration_bounds = array<i64: 125>, scalar_prefetch = 0 : i64, scratch_operands = 0 : i64, tpu.core_type = #tpu.core_type<tc>, window_params = [{transform_indices = @transform_0, window_bounds = array<i64: 2560, 128>}, {transform_indices = @transform_1, window_bounds = array<i64: 2560, 128>}, {pipeline_mode = #tpu.pipeline_mode<synchronous>, transform_indices = @transform_2, window_bounds = array<i64: 128, 128>}, {pipeline_mode = #tpu.pipeline_mode<synchronous>, transform_indices = @transform_3, window_bounds = array<i64: 1, 128>}, {pipeline_mode = #tpu.pipeline_mode<synchronous>, transform_indices = @transform_4, window_bounds = array<i64: 128, 32>}, {pipeline_mode = #tpu.pipeline_mode<synchronous>, transform_indices = @transform_5, window_bounds = array<i64: 1, 32>}, {pipeline_mode = #tpu.pipeline_mode<synchronous>, transform_indices = @transform_6, window_bounds = array<i64: 32, 2>}, {pipeline_mode = #tpu.pipeline_mode<synchronous>, transform_indices = @transform_7, window_bounds = array<i64: 1, 2>}, {transform_indices = @transform_8, window_bounds = array<i64: 2560, 2>}]} {
    %get3A = arith.constant 0 : index
    %get3A_0 = arith.constant 0 : index
    %get3A_1 = vector.load %arg1[%get3A, %get3A_0] : memref<2560x128xf32, #tpu.memory_space<vmem>>, vector<2560x128xf32>
    %get3A_2 = arith.constant 0 : index
    %get3A_3 = arith.constant 0 : index
    %get3A_4 = vector.load %arg2[%get3A_2, %get3A_3] : memref<2560x128xf32, #tpu.memory_space<vmem>>, vector<2560x128xf32>
    %get3A_5 = arith.constant 0 : index
    %get3A_6 = arith.constant 0 : index
    %get3A_7 = vector.load %arg3[%get3A_5, %get3A_6] : memref<128x128xf32, #tpu.memory_space<vmem>>, vector<128x128xf32>
    %dot_general3A = arith.constant dense<0.000000e+00> : vector<2560x128xf32>
    %dot_general3A_8 = tpu.matmul %get3A_4, %get3A_7, %dot_general3A {dimension_numbers = #tpu.dot_dimension_numbers<[1], [0], [0], [1], [0, 0, 1, 1], [], []>, transpose_lhs_hint = false} : vector<2560x128xf32>, vector<128x128xf32>, vector<2560x128xf32> -> vector<2560x128xf32>
    %add3A = arith.addf %get3A_1, %dot_general3A_8 : vector<2560x128xf32>
    %get3A_9 = arith.constant 0 : index
    %get3A_10 = arith.constant 0 : index
    %get3A_11 = vector.load %arg4[%get3A_9, %get3A_10] : memref<1x128xf32, #tpu.memory_space<vmem>>, vector<1x128xf32>
    %add3A_12 = vector.broadcast %get3A_11 : vector<1x128xf32> to vector<2560x128xf32>
    %add3A_13 = arith.addf %add3A, %add3A_12 : vector<2560x128xf32>
    %max3A = arith.constant 0.000000e+00 : f32
    %max3A_14 = vector.broadcast %max3A : f32 to vector<2560x128xf32>
    %max3A_15 = arith.maximumf %add3A_13, %max3A_14 : vector<2560x128xf32>
    %get3A_16 = arith.constant 0 : index
    %get3A_17 = arith.constant 0 : index
    %get3A_18 = vector.load %arg5[%get3A_16, %get3A_17] : memref<128x32xf32, #tpu.memory_space<vmem>>, vector<128x32xf32>
    %dot_general3A_19 = arith.constant dense<0.000000e+00> : vector<2560x32xf32>
    %dot_general3A_20 = tpu.matmul %max3A_15, %get3A_18, %dot_general3A_19 {dimension_numbers = #tpu.dot_dimension_numbers<[1], [0], [0], [1], [0, 0, 1, 1], [], []>, transpose_lhs_hint = false} : vector<2560x128xf32>, vector<128x32xf32>, vector<2560x32xf32> -> vector<2560x32xf32>
    %get3A_21 = arith.constant 0 : index
    %get3A_22 = arith.constant 0 : index
    %get3A_23 = vector.load %arg6[%get3A_21, %get3A_22] : memref<1x32xf32, #tpu.memory_space<vmem>>, vector<1x32xf32>
    %add3A_24 = vector.broadcast %get3A_23 : vector<1x32xf32> to vector<2560x32xf32>
    %add3A_25 = arith.addf %dot_general3A_20, %add3A_24 : vector<2560x32xf32>
    %max3A_26 = arith.constant 0.000000e+00 : f32
    %max3A_27 = vector.broadcast %max3A_26 : f32 to vector<2560x32xf32>
    %max3A_28 = arith.maximumf %add3A_25, %max3A_27 : vector<2560x32xf32>
    %get3A_29 = arith.constant 0 : index
    %get3A_30 = arith.constant 0 : index
    %get3A_31 = vector.load %arg7[%get3A_29, %get3A_30] : memref<32x2xf32, #tpu.memory_space<vmem>>, vector<32x2xf32>
    %dot_general3A_32 = arith.constant dense<0.000000e+00> : vector<2560x2xf32>
    %dot_general3A_33 = tpu.matmul %max3A_28, %get3A_31, %dot_general3A_32 {dimension_numbers = #tpu.dot_dimension_numbers<[1], [0], [0], [1], [0, 0, 1, 1], [], []>, transpose_lhs_hint = false} : vector<2560x32xf32>, vector<32x2xf32>, vector<2560x2xf32> -> vector<2560x2xf32>
    %get3A_34 = arith.constant 0 : index
    %get3A_35 = arith.constant 0 : index
    %get3A_36 = vector.load %arg8[%get3A_34, %get3A_35] : memref<1x2xf32, #tpu.memory_space<vmem>>, vector<1x2xf32>
    %add3A_37 = vector.broadcast %get3A_36 : vector<1x2xf32> to vector<2560x2xf32>
    %add3A_38 = arith.addf %dot_general3A_33, %add3A_37 : vector<2560x2xf32>
    %swap3A = arith.constant 0 : index
    %swap3A_39 = arith.constant 0 : index
    %swap3A_40 = vector.load %arg9[%swap3A, %swap3A_39] : memref<2560x2xf32, #tpu.memory_space<vmem>>, vector<2560x2xf32>
    tpu.vector_store %arg9[%swap3A, %swap3A_39], %add3A_38 {strides = array<i32>} : memref<2560x2xf32, #tpu.memory_space<vmem>>, vector<2560x2xf32>,
    return
  }
  func.func @transform_0(%arg0: i32) -> (i32, i32) {
    %c0_i32 = arith.constant 0 : i32
    %c0_i32_0 = arith.constant 0 : i32
    return %arg0, %c0_i32 : i32, i32
  }
  func.func @transform_1(%arg0: i32) -> (i32, i32) {
    %c0_i32 = arith.constant 0 : i32
    %c0_i32_0 = arith.constant 0 : i32
    return %arg0, %c0_i32 : i32, i32
  }
  func.func @transform_2(%arg0: i32) -> (i32, i32) {
    %c0_i32 = arith.constant 0 : i32
    %c0_i32_0 = arith.constant 0 : i32
    %c0_i32_1 = arith.constant 0 : i32
    return %c0_i32, %c0_i32_0 : i32, i32
  }
  func.func @transform_3(%arg0: i32) -> (i32, i32) {
    %c0_i32 = arith.constant 0 : i32
    %c0_i32_0 = arith.constant 0 : i32
    %c0_i32_1 = arith.constant 0 : i32
    return %c0_i32, %c0_i32_0 : i32, i32
  }
  func.func @transform_4(%arg0: i32) -> (i32, i32) {
    %c0_i32 = arith.constant 0 : i32
    %c0_i32_0 = arith.constant 0 : i32
    %c0_i32_1 = arith.constant 0 : i32
    return %c0_i32, %c0_i32_0 : i32, i32
  }
  func.func @transform_5(%arg0: i32) -> (i32, i32) {
    %c0_i32 = arith.constant 0 : i32
    %c0_i32_0 = arith.constant 0 : i32
    %c0_i32_1 = arith.constant 0 : i32
    return %c0_i32, %c0_i32_0 : i32, i32
  }
  func.func @transform_6(%arg0: i32) -> (i32, i32) {
    %c0_i32 = arith.constant 0 : i32
    %c0_i32_0 = arith.constant 0 : i32
    %c0_i32_1 = arith.constant 0 : i32
    return %c0_i32, %c0_i32_0 : i32, i32
  }
  func.func @transform_7(%arg0: i32) -> (i32, i32) {
    %c0_i32 = arith.constant 0 : i32
    %c0_i32_0 = arith.constant 0 : i32
    %c0_i32_1 = arith.constant 0 : i32
    return %c0_i32, %c0_i32_0 : i32, i32
  }
  func.func @transform_8(%arg0: i32) -> (i32, i32) {
    %c0_i32 = arith.constant 0 : i32
    %c0_i32_0 = arith.constant 0 : i32
    return %arg0, %c0_i32 : i32, i32
  }
}

</mosaic_0001>

<sc_bundles>
// kernel: kernel.15.cloned.1.call-start
scs
__scs_entry_jumppad:
0x0: {  	(pc) =	sbr.rel $0x88, $3  }
0x1: {  	(tag) =	ssettag $0x0;
	lr =	simm.s32 $0x1  }
0x2: {  	[smem:$0x3F80] =	sst lr;
	_ =	strace $0xD0000000  }
0x3: {  	_ = 	snop  }
0x4: {  	_ = 	snop  }
0x5: {  	_ = 	snop  }
0x6: {  	_ = 	snop  }
0x7: {  	_ = 	snop  }
__scs_overlays_trampoline_lowered:
0x8: {  	[smem:$0x3F8F] =	sst s0  }
0x9: {  	[smem:$0x3F90] =	sst s1  }
0xa: {  	[smem:$0x3F91] =	sst s2  }
0xb: {  	[smem:$0x3F92] =	sst s3  }
0xc: {  	[smem:$0x3F93] =	sst s4  }
0xd: {  	[smem:$0x3F94] =	sst s5  }
0xe: {  	[smem:$0x3F95] =	sst s6  }
0xf: {  	[smem:$0x3F96] =	sst s7  }
0x10: {  	[smem:$0x3F97] =	sst s8  }
0x11: {  	[smem:$0x3F98] =	sst s9;
	s0 =	simm.s32 @!p0 $0x0  }
0x12: {  	s1 =	sld [smem:$0x3F7E];
	s0 =	simm.s32 @p0 $0x1  }
0x13: {  	[smem:$0x3F99] =	sst s0;
	s0 =	simm.s32 @!p1 $0x0  }
0x14: {  	s2 =	sld [smem:$0x3F7D];
	s0 =	simm.s32 @p1 $0x1  }
0x15: {  	[smem:$0x3F9A] =	sst s0;
	s0 =	simm.s32 @!p2 $0x0  }
0x16: {  	s3 =	sld [smem:$0x3FDB];
	s0 =	simm.s32 @p2 $0x1  }
0x17: {  	s4 =	simm.s32 $0x1BF5;
	[smem:$0x3F9C] =	sst s0  }
0x18: {  	s0 =	sld [smem:$0x3F7F];
	_ =	swait.ge [sflag:s4], $0x0  }
0x19: {  	s7 =	sld [smem:$0x3F80]  }
0x1a: {  	s8 =	sadd.s32 $0xFFFFE003, lr  }
0x1b: {  	s9 =	sadd.s32 $0xFFFFFEF7, lr;
	s5 =	simm.s32 $0xFFFFFFFF;
	p2 =	slt.u32 s8, $0xFFFFF086  }
0x1c: {  	p1 =	slt.u32 s9, $0xF7A;
	s5 =	simm.s32 @!p2 $0x0  }
0x1d: {  	s5 =	simm.s32 @p1 $0x1;
	p0 =	seq.s32 s7, s2  }
0x1e: {  	s7 =	smul.u32 @!p0 $0xF7A, s2;
	p2 =	seq.s32 @!p0 s5, $0x0  }
0x1f: {  	s9 =	smul.u32 $0xF7A, s1;
	s8 =	simm.s32 @!p0 $0x1BF5;
	p2 =	por !p2, p0  }
0x20: {  	[sflag:s8] =	ssyncset.s32 @!p0 $0xFFFFF086;
	s6 =	sadd.s32 @!p0 s3, s7;
	s7 =	simm.s32 @!p0 $0x108  }
0x21: {  	s3 =	sadd.s32 s3, s9;
	s6 =	sadd.s32 @!p0 $0x88, s6;
	s7 =	simm.s32 @p2 $0x1082  }
0x22: {  	[simem:s7], [sflag:s8] =	dma.local @!p0 [hbm:s6], $0xF7A  }
0x23: {  	s9 =	sor.u32 $0xD0000000, s2;
	s6 =	simm.s32 $0x108;
	_ =	swait.ge @!p0 [sflag:s8], $0x0  }
0x24: {  	s3 =	sadd.s32 $0x88, s3;
	s6 =	simm.s32 @!p1 $0x1082;
	[sflag:s4] =	ssyncset.s32 $0xFFFFF086  }
0x25: {  	[simem:s6], [sflag:s4] =	dma.local [hbm:s3], $0xF7A  }
0x26: {  	[smem:$0x3F80] =	sst s1;
	(tag) =	ssettag s2;
	_ =	strace s9  }
0x27: {  	s1 =	sld [smem:$0x3F90]  }
0x28: {  	s2 =	sld [smem:$0x3F91]  }
0x29: {  	s4 =	sld [smem:$0x3F93]  }
0x2a: {  	p0 =	seq.s32 s5, $0x0;
	s5 =	sld [smem:$0x3F94]  }
0x2b: {  	s6 =	sld [smem:$0x3F95]  }
0x2c: {  	s7 =	sld [smem:$0x3F96]  }
0x2d: {  	s3 =	simm.s32 $0x108;
	s8 =	sld [smem:$0x3F97]  }
0x2e: {  	s3 =	simm.s32 @!p0 $0x1082;
	s9 =	sld [smem:$0x3F98]  }
0x2f: {  	lr =	sadd.s32 s0, s3;
	s0 =	sld [smem:$0x3F8F]  }
0x30: {  	s3 =	sld [smem:$0x3F92]  }
0x31: {  	[smem:$0x3F9B] =	sst s10  }
0x32: {  	s10 =	sld [smem:$0x3F99];
	_ =	sdelay $0x3  }
0x33: {  	p0 =	seq.s32 s10, $0x1;
	s10 =	sld [smem:$0x3F9B];
	_ =	sdelay $0x3  }
0x34: {  	[smem:$0x3F9B] =	sst s10  }
0x35: {  	s10 =	sld [smem:$0x3F9A];
	_ =	sdelay $0x3  }
0x36: {  	p1 =	seq.s32 s10, $0x1;
	s10 =	sld [smem:$0x3F9B];
	_ =	sdelay $0x3  }
0x37: {  	[smem:$0x3F9B] =	sst s10  }
0x38: {  	s10 =	sld [smem:$0x3F9C]  }
0x39: {  	_ = 	snop;
	(pc) =	sbr.ind lr, $3  }
0x3a: {  	_ = 	snop  }
0x3b: {  	_ = 	snop  }
0x3c: {  	p2 =	seq.s32 s10, $0x1;
	s10 =	sld [smem:$0x3F9B]  }
0x3d: {  	_ =	shalt  }
0x3e: {  	_ =	shalt  }
0x3f: {  	_ =	shalt  }
0x40: {  	_ =	shalt  }
0x41: {  	_ =	shalt  }
0x42: {  	_ =	shalt  }
0x43: {  	_ =	shalt  }
0x44: {  	_ =	shalt  }
0x45: {  	_ =	shalt  }
0x46: {  	_ =	shalt  }
0x47: {  	_ =	shalt  }
0x48: {  	_ =	shalt  }
0x49: {  	_ =	shalt  }
0x4a: {  	_ =	shalt  }
0x4b: {  	_ =	shalt  }
0x4c: {  	_ =	shalt  }
0x4d: {  	_ =	shalt  }
0x4e: {  	_ =	shalt  }
0x4f: {  	_ =	shalt  }
0x50: {  	_ =	shalt  }
0x51: {  	_ =	shalt  }
0x52: {  	_ =	shalt  }
0x53: {  	_ =	shalt  }
0x54: {  	_ =	shalt  }
0x55: {  	_ =	shalt  }
0x56: {  	_ =	shalt  }
0x57: {  	_ =	shalt  }
0x58: {  	_ =	shalt  }
0x59: {  	_ =	shalt  }
0x5a: {  	_ =	shalt  }
0x5b: {  	_ =	shalt  }
0x5c: {  	_ =	shalt  }
0x5d: {  	_ =	shalt  }
0x5e: {  	_ =	shalt  }
0x5f: {  	_ =	shalt  }
0x60: {  	_ =	shalt  }
0x61: {  	_ =	shalt  }
0x62: {  	_ =	shalt  }
0x63: {  	_ =	shalt  }
0x64: {  	_ =	shalt  }
0x65: {  	_ =	shalt  }
0x66: {  	_ =	shalt  }
0x67: {  	_ =	shalt  }
0x68: {  	_ =	shalt  }
0x69: {  	_ =	shalt  }
0x6a: {  	_ =	shalt  }
0x6b: {  	_ =	shalt  }
0x6c: {  	_ =	shalt  }
0x6d: {  	_ =	shalt  }
0x6e: {  	_ =	shalt  }
0x6f: {  	_ =	shalt  }
0x70: {  	_ =	shalt  }
0x71: {  	_ =	shalt  }
0x72: {  	_ =	shalt  }
0x73: {  	_ =	shalt  }
0x74: {  	_ =	shalt  }
0x75: {  	_ =	shalt  }
0x76: {  	_ =	shalt  }
0x77: {  	_ =	shalt  }
0x78: {  	_ =	shalt  }
0x79: {  	_ =	shalt  }
0x7a: {  	_ =	shalt  }
0x7b: {  	_ =	shalt  }
0x7c: {  	_ =	shalt  }
0x7d: {  	_ =	shalt  }
0x7e: {  	_ =	shalt  }
0x7f: {  	_ =	shalt  }
0x80: {  	_ =	shalt  }
0x81: {  	_ =	shalt  }
0x82: {  	_ =	shalt  }
0x83: {  	_ =	shalt  }
0x84: {  	_ =	shalt  }
0x85: {  	_ =	shalt  }
0x86: {  	_ =	shalt  }
0x87: {  	_ =	shalt  }
.Lfunc_end0:
.L_simem_size_0:
called_computation_lowered:
.L_overlay_start_0:
0x88: {  	s2 =	sld [smem:$0x3FD9]  }
0x89: {  	s3 =	sld [smem:$0x3FFE];
	_ =	sdelay $0x1  }
0x8a: {  	s1 =	srdreg.scid  }
0x8b: {  	s0 =	sand.u32 $0x1, s1  }
0x8c: {  	s16 =	sshll.u32 s0, $0xA;
	s2 =	sadd.s32 s3, s2  }
0x8d: {  	s2 =	sadd.s32 s2, s16  }
0x8e: {  	[smem:$0x3FA7] =	sst s2  }
0x8f: {  	_ = 	snop  }
0x90: {  	(tm) =	ssettm $0x1  }
0x91: {  	s17 =	sld [smem:$0x3FFB];
	_ =	sdelay $0x3  }
0x92: {  	_ =	strace s17  }
0x93: {  	s2 =	sld [smem:$0x3FFC];
	_ =	sdelay $0x3  }
0x94: {  	_ =	strace s2  }
0x95: {  	s2 =	sld [smem:$0x3FFD];
	_ =	sdelay $0x3  }
0x96: {  	_ =	strace s2  }
0x97: {  	_ =	strace $0x8FFFFFFF  }
0x98: {  	s18 =	sld [smem:$0x3FDB];
	_ =	sdelay $0x1  }
0x99: {  	s19 =	simm.s32 $_scs_section_size  }
0x9a: {  	s4 =	simm.s32 $_size__tile_overlayer_lowered;
	s5 =	simm.s32 $_tile_overlayer_lowered  }
0x9b: {  	s22 =	simm.s32 $0x1BFF;
	s21 =	sshll.u32 s5, $0x1;
	s2 =	sadd.s32 s19, s18  }
0x9c: {  	s6 =	simm.s32 $0x0;
	s20 =	sshll.u32 s4, $0x1;
	s4 =	sadd.s32 s21, s2  }
0x9d: {  	[timem:s6], [sflag:s22] =	dma.local [hbm:s4], s20  }
0x9e: {  	_ =	swait.ge [sflag:s22], s20  }
0x9f: {  	s3 =	ssub.s32 $0x0, s20;
	[sflag:s22] =	ssyncset.done $0x0  }
0xa0: {  	[sflag:s22] =	ssyncadd.s32 s3;
	_ =	sdelay $0x1  }
0xa1: {  	s23 =	simm.s32 $0x1B8B  }
0xa2: {  	_ =	swait.ge [sflag:s23], $0x1  }
0xa3: {  	[sflag:s23] =	ssyncset.done $0x0  }
0xa4: {  	s25 =	simm.s32 $0x1B8E;
	s24 =	sld [smem:$0x3FFE];
	[sflag:s23] =	ssyncadd.s32 $0xFFFFFFFF  }
0xa5: {  	s26 =	simm.s32 $execute0_lowered;
	[smem:$0x3FD2] =	sst s25  }
0xa6: {  	s4 =	sshll.u32 s26, $0x1;
	_ =	strace $0x80000046;
	[dreg:$0x1] =	wrdreg $0xFFFFFFFF  }
0xa7: {  	s28 =	simm.s32 $_size_execute0_lowered;
	s2 =	sadd.s32 s2, s4;
	[dreg:$0x0] =	wrdreg $0x0  }
0xa8: {  	s4 =	sshll.u32 s28, $0x1;
	[dreg:$0x2] =	wrdreg s2  }
0xa9: {  	[dreg:$0x3] =	wrdreg s4  }
0xaa: {  	[dreg:$0x4] =	wrdreg $0xC0  }
0xab: {  	_ =	task [dreg:s6], $0x5FFFF  }
0xac: {  	[dreg:$0x1] =	wrdreg $0xFFFFFFFF  }
0xad: {  	[dreg:$0x0] =	wrdreg $0x60  }
0xae: {  	[dreg:$0x2] =	wrdreg s24  }
0xaf: {  	[dreg:$0x3] =	wrdreg $0xA6000  }
0xb0: {  	[dreg:$0x4] =	wrdreg $0x9  }
0xb1: {  	_ =	task.clear_ibuf [dreg:s6], $0x5FFFF;
	_ =	strace $0x90000046  }
0xb2: {  	s29 =	simm.s32 $0x9;
	_ =	strace $0x80000048  }
0xb3: {  	_ =	swait.ge [sflag:s29], $0x1  }
0xb4: {  	[sflag:s29] =	ssyncadd.s32 $0xFFFFFFFF  }
0xb5: {  	_ =	strace $0x90000048  }
0xb6: {  	_ =	sfence  }
0xb7: {  	s30 =	sld [smem:$0x0];
	_ =	sdelay $0x2  }
0xb8: {  	s31 =	sshll.u32 s1, $0xD;
	s1 =	sshrl.u32 s1, $0x2  }
0xb9: {  	s3 =	sand.u32 $0x4000, s31;
	s1 =	sadd.s32 s1, s30  }
0xba: {  	s0 =	sor.u32 s3, s0;
	s1 =	sshll.u32 s1, $0x11  }
0xbb: {  	s0 =	sor.u32 s1, s0  }
0xbc: {  	s0 =	sadd.s32 $0x8F2B, s0  }
0xbd: {  	[sflag:s0] =	ssyncadd.remote.s32 $0x1  }
0xbe: {  	_ =	sfence.sel $0xFFFF  }
0xbf: {  	[dreg:$0x0] =	wrdreg $0xFFFFFFFF;
	(pc) =	sbr.abs _section_cstart, $3  }
0xc0: {  	[dreg:$0x1] =	wrdreg $0xFFFFFFFF  }
0xc1: {  	_ =	task.clear_ibuf [dreg:s6], $0x2FFFF;
	_ =	strace $0x9FFFFFFF  }
0xc2: {  	(tm) =	ssettm $0x7FFFFFFF  }
0xc3: {  	_ =	shalt  }
tec
execute0_lowered:
.L_overlay_start_1:
0x0: {  	(tag) =	ssettag $0x1  }
0x1: {  	s0 =	rddreg [dreg:$0x0]  }
0x2: {  	s1 =	rddreg [dreg:$0x1];
	s3 =	simm.s32 $0x0  }
0x3: {  	s2 =	srdreg.scid;
	s10 =	stileid.u32;
	s16 =	simm.s32 $0xA200  }
0x4: {  	s17 =	simm.s32 $0x5;
	s18 =	simm.s32 $0x100;
	s19 =	simm.s32 $0x5200  }
0x5: {  	s20 =	simm.s32 $0x80;
	s21 =	simm.s32 $0x180;
	s22 =	simm.s32 $0x7A00  }
0x6: {  	s23 =	simm.s32 $0x1;
	s28 =	simm.s32 $0x2;
	s29 =	simm.s32 $0x3  }
0x7: {  	s30 =	simm.s32 $0x4;
	s31 =	simm.s32 $0x6;
	[smem:$0x7FF] =	sst s3  }
0x8: {  	s2 =	sand.u32 $0x1, s2;
	s8 =	smul.u32 $0x13C00, s10;
	s4 =	sadd.s32 $0x1C600, s0  }
0x9: {  	s5 =	sadd.s32 $0x4FE600, s0;
	s7 =	smul.u32 $0x13C000, s2;
	s6 =	sshll.u32 s2, $0x4  }
0xa: {  	_ =	strace $0x80000047;
	s2 =	ssub.s32 $0x2, s2;
	s9 =	sor.u32 s10, s6  }
0xb: {  	s6 =	sadd.s32 $0x12800, s0;
	s10 =	smul.u32 $0x4F000, s10;
	s25 =	sshrl.u32 s2, $0x1  }
0xc: {  	s8 =	sadd.s32 s8, s7;
	s7 =	smul.u32 $0x2710, s9;
	s2 =	ssub.s32 s2, s25  }
0xd: {  	s25 =	simm.s32 $0x200;
	s24 =	sshrl.u32 s8, $0x3;
	s8 =	sadd.s32 $0x8A00, s0  }
0xe: {  	s26 =	sshrl.u32 s10, $0x2;
	s0 =	sadd.s32 s24, s0;
	s11 =	sadd.s32 $0x26C0, s7  }
0xf: {  	s15 =	smax.u32 s2, $0x1;
	s12 =	sshrl.u32 s11, $0x3;
	s0 =	sadd.s32 $0x43800, s0  }
0x10: {  	s9 =	sadd.s32 s26, s1;
	s13 =	sadd.s32 s6, s12;
	[dreg:$0x6] =	wrdreg s0  }
0x11: {  	s11 =	sshll.u32 s11, $0x4;
	s12 =	sadd.s32 s8, s12;
	[dreg:$0x3] =	wrdreg s13  }
0x12: {  	s10 =	sadd.s32 $0x50, s7;
	s11 =	sadd.s32 s5, s11;
	[dreg:$0x4] =	wrdreg s12  }
0x13: {  	v0 =	vimm.f32 $0.0e+00;
	s24 =	simm.s32 $0x50;
	s26 =	simm.s32 $0x2A00;
	[dreg:$0x5] =	wrdreg s11  }
.LBB2_1:
0x14: {  	[tilespmem:$0xA200] =	vst v0  }
0x15: {  	[tilespmem:$0xA210] =	vst v0  }
0x16: {  	[tilespmem:$0xA220] =	vst v0  }
0x17: {  	[tilespmem:$0xA230] =	vst v0  }
0x18: {  	[tilespmem:$0xA240] =	vst v0  }
0x19: {  	[tilespmem:$0xA250] =	vst v0  }
0x1a: {  	[tilespmem:$0xA260] =	vst v0  }
0x1b: {  	[tilespmem:$0xA270] =	vst v0  }
0x1c: {  	[tilespmem:$0xA280] =	vst v0  }
0x1d: {  	[tilespmem:$0xA290] =	vst v0  }
0x1e: {  	[tilespmem:$0xA2A0] =	vst v0  }
0x1f: {  	[tilespmem:$0xA2B0] =	vst v0  }
0x20: {  	[tilespmem:$0xA2C0] =	vst v0  }
0x21: {  	[tilespmem:$0xA2D0] =	vst v0  }
0x22: {  	[tilespmem:$0xA2E0] =	vst v0  }
0x23: {  	[tilespmem:$0xA2F0] =	vst v0  }
0x24: {  	[tilespmem:$0xA300] =	vst v0  }
0x25: {  	[tilespmem:$0xA310] =	vst v0  }
0x26: {  	[tilespmem:$0xA320] =	vst v0  }
0x27: {  	[tilespmem:$0xA330] =	vst v0  }
0x28: {  	[tilespmem:$0xA340] =	vst v0  }
0x29: {  	[tilespmem:$0xA350] =	vst v0  }
0x2a: {  	[tilespmem:$0xA360] =	vst v0  }
0x2b: {  	[tilespmem:$0xA370] =	vst v0  }
0x2c: {  	[tilespmem:$0xA380] =	vst v0  }
0x2d: {  	[tilespmem:$0xA390] =	vst v0  }
0x2e: {  	[tilespmem:$0xA3A0] =	vst v0  }
0x2f: {  	[tilespmem:$0xA3B0] =	vst v0  }
0x30: {  	[tilespmem:$0xA3C0] =	vst v0  }
0x31: {  	[tilespmem:$0xA3D0] =	vst v0  }
0x32: {  	[tilespmem:$0xA3E0] =	vst v0  }
0x33: {  	[tilespmem:$0xA3F0] =	vst v0  }
0x34: {  	[tilespmem:$0xA400] =	vst v0  }
0x35: {  	[tilespmem:$0xA410] =	vst v0  }
0x36: {  	[tilespmem:$0xA420] =	vst v0  }
0x37: {  	[tilespmem:$0xA430] =	vst v0  }
0x38: {  	[tilespmem:$0xA440] =	vst v0  }
0x39: {  	[tilespmem:$0xA450] =	vst v0  }
0x3a: {  	[tilespmem:$0xA460] =	vst v0  }
0x3b: {  	[tilespmem:$0xA470] =	vst v0  }
0x3c: {  	[tilespmem:$0xA480] =	vst v0  }
0x3d: {  	[tilespmem:$0xA490] =	vst v0  }
0x3e: {  	[tilespmem:$0xA4A0] =	vst v0  }
0x3f: {  	[tilespmem:$0xA4B0] =	vst v0  }
0x40: {  	[tilespmem:$0xA4C0] =	vst v0  }
0x41: {  	[tilespmem:$0xA4D0] =	vst v0  }
0x42: {  	[tilespmem:$0xA4E0] =	vst v0  }
0x43: {  	[tilespmem:$0xA4F0] =	vst v0  }
0x44: {  	[tilespmem:$0xA500] =	vst v0  }
0x45: {  	[tilespmem:$0xA510] =	vst v0  }
0x46: {  	[tilespmem:$0xA520] =	vst v0  }
0x47: {  	[tilespmem:$0xA530] =	vst v0  }
0x48: {  	[tilespmem:$0xA540] =	vst v0  }
0x49: {  	[tilespmem:$0xA550] =	vst v0  }
0x4a: {  	[tilespmem:$0xA560] =	vst v0  }
0x4b: {  	[tilespmem:$0xA570] =	vst v0  }
0x4c: {  	[tilespmem:$0xA580] =	vst v0  }
0x4d: {  	[tilespmem:$0xA590] =	vst v0  }
0x4e: {  	[tilespmem:$0xA5A0] =	vst v0  }
0x4f: {  	[tilespmem:$0xA5B0] =	vst v0  }
0x50: {  	[tilespmem:$0xA5C0] =	vst v0  }
0x51: {  	[tilespmem:$0xA5D0] =	vst v0  }
0x52: {  	[tilespmem:$0xA5E0] =	vst v0  }
0x53: {  	[tilespmem:$0xA5F0] =	vst v0;
	s0 =	simm.s32 $0x0  }
.LBB2_2:
0x54: {  	p0 =	sne.s32 s0, $0x4E000  }
.Ltmp0:
0x55: {  	_ = 	snop;
	(pc) =	sbr.rel @p0 .LBB2_2-.Ltmp0, $4  }
0x56: {  	_ = 	snop  }
0x57: {  	s2 =	sshra.s32 s0, $0x2  }
0x58: {  	s0 =	sadd.s32 $0x1000, s0;
	s2 =	sadd.s32 s2, s9  }
0x59: {  	[spmem:s2] =	stream.linear.scatter [tilespmem:s16], [sflag:$0x5], $0x400, $0x38;
	[tilespmem:$0x1E200] =	vst v63  }
0x5a: {  	_ =	swait.ge [sflag:s17], $0x400  }
0x5b: {  	s0 =	simm.s32 $0x4E;
	[sflag:s17] =	ssyncset.done $0x0  }
.LBB2_4:
0x5c: {  	p0 =	sne.s32 s0, $0x1;
	s0 =	sadd.s32 $0xFFFFFFFF, s0;
	[sflag:s17] =	ssyncadd.s32 $0xFFFFFC00  }
.Ltmp1:
0x5d: {  	(pc) =	sbr.rel @p0 .LBB2_4-.Ltmp1, $3  }
0x5e: {  	_ =	sdelay $0x1  }
0x5f: {  	_ =	swait.ge [sflag:s17], $0x400  }
0x60: {  	[sflag:s17] =	ssyncset.done $0x0  }
0x61: {  	[sflag:s17] =	ssyncadd.s32 $0xFFFFFC00  }
0x62: {  	s0 =	simm.s32 $0x0;
	s2 =	simm.s32 $0x0;
	[bflag:$0x0] =	sbarrier.arrive $0xFFFF  }
.LBB2_6:
0x63: {  	s11 =	smul.u32 $0xA0, s2;
	_ =	sdelay $0x1  }
0x64: {  	s12 =	sadd.s32 s7, s11  }
0x65: {  	s13 =	sshrl.u32 s12, $0x3  }
0x66: {  	s14 =	sadd.s32 s6, s13  }
0x67: {  	[tilespmem:s0], [sflag:$0x1] =	stream.linear.gather [hbm4b:s14+s0], $0x50, $0x38;
	[tilespmem:$0x1E200] =	vst v63  }
0x68: {  	s12 =	sshll.u32 s12, $0x4;
	s13 =	sadd.s32 s8, s13  }
0x69: {  	[tilespmem:s18], [sflag:$0x1] =	stream.linear.gather [hbm4b:s13+s0], $0x50, $0x38;
	[tilespmem:$0x1E200] =	vst v63  }
0x6a: {  	s11 =	sadd.s32 s11, s10;
	s12 =	sadd.s32 s5, s12  }
0x6b: {  	[tilespmem:s19], [sflag:$0x3] =	stream.linear.gather [hbm4b:s12+s0], $0x2800, $0x38;
	[tilespmem:$0x1E200] =	vst v63  }
0x6c: {  	s12 =	sshrl.u32 s11, $0x3  }
0x6d: {  	s14 =	sadd.s32 s6, s12  }
0x6e: {  	[tilespmem:s20], [sflag:$0x1] =	stream.linear.gather [hbm4b:s14+s0], $0x50, $0x38;
	[tilespmem:$0x1E200] =	vst v63  }
0x6f: {  	s11 =	sshll.u32 s11, $0x4;
	s12 =	sadd.s32 s8, s12  }
0x70: {  	[tilespmem:s21], [sflag:$0x1] =	stream.linear.gather [hbm4b:s12+s0], $0x50, $0x38;
	[tilespmem:$0x1E200] =	vst v63  }
0x71: {  	s11 =	sadd.s32 s5, s11  }
0x72: {  	[tilespmem:s22], [sflag:$0x3] =	stream.linear.gather [hbm4b:s11+s0], $0x2800, $0x38;
	[tilespmem:$0x1E200] =	vst v63  }
0x73: {  	_ =	swait.ge [sflag:s23], $0x50  }
0x74: {  	[sflag:s23] =	ssyncset.done $0x0  }
0x75: {  	[sflag:s23] =	ssyncadd.s32 $0xFFFFFFB0  }
0x76: {  	_ =	swait.ge [sflag:s23], $0x50  }
0x77: {  	[sflag:s23] =	ssyncset.done $0x0  }
0x78: {  	[sflag:s23] =	ssyncadd.s32 $0xFFFFFFB0  }
0x79: {  	[tilespmem:s25], [sflag:$0x2] =	stream.indirect.gather [hbm4b:s4+s24], $0x80, s0, s24, $0xb8;
	[tilespmem:$0x1E200] =	vst v63  }
0x7a: {  	_ =	swait.ge [sflag:s23], $0x50  }
0x7b: {  	[sflag:s23] =	ssyncset.done $0x0  }
0x7c: {  	[sflag:s23] =	ssyncadd.s32 $0xFFFFFFB0  }
0x7d: {  	_ =	swait.ge [sflag:s23], $0x50  }
0x7e: {  	[sflag:s23] =	ssyncset.done $0x0  }
0x7f: {  	[sflag:s23] =	ssyncadd.s32 $0xFFFFFFB0  }
0x80: {  	[tilespmem:s26], [sflag:$0x2] =	stream.indirect.gather [hbm4b:s4+s24], $0x80, s20, s24, $0xb8;
	[tilespmem:$0x1E200] =	vst v63  }
0x81: {  	_ =	swait.ge [sflag:s28], $0x2800  }
0x82: {  	[sflag:s28] =	ssyncset.done $0x0  }
0x83: {  	[sflag:s28] =	ssyncadd.s32 $0xFFFFD800  }
0x84: {  	_ =	swait.ge [sflag:s29], $0x2800  }
0x85: {  	[sflag:s29] =	ssyncset.done $0x0  }
0x86: {  	s11 =	simm.s32 $0x0;
	[sflag:s29] =	ssyncadd.s32 $0xFFFFD800  }
0x87: {  	v4 =	vld [tilespmem:s11+$0x5200]  }
0x88: {  	v5 =	vld [tilespmem:s11+$0x5210]  }
0x89: {  	v3 =	vld [tilespmem:s11+$0x5220]  }
0x8a: {  	v2 =	vld [tilespmem:s11+$0x5230]  }
0x8b: {  	v1 =	vld [tilespmem:s11+$0x5240]  }
0x8c: {  	v7 =	vld [tilespmem:s11+$0x200]  }
0x8d: {  	v9 =	vld [tilespmem:s11+$0x210]  }
0x8e: {  	v8 =	vld [tilespmem:s11+$0x220]  }
0x8f: {  	s12 =	simm.s32 $0x200;
	v6 =	vld [tilespmem:s11+$0x230]  }
.LBB2_7:
0x90: {  	s13 =	sshra.s32 s12, $0x2;
	p0 =	sne.s32 s12, $0x9E00;
	v10 =	vld [tilespmem:s11+$0x240]  }
0x91: {  	v7 =	vadd.f32 v4, v7;
	v4 =	vld [tilespmem:s13+$0x5200]  }
0x92: {  	v9 =	vadd.f32 v5, v9;
	v5 =	vld [tilespmem:s13+$0x5210]  }
0x93: {  	v7 =	vmax.f32 v7, $0.0e+00;
	v8 =	vadd.f32 v3, v8;
	v3 =	vld [tilespmem:s13+$0x5220]  }
0x94: {  	[tilespmem:s11+$0x200] =	vst v7;
	v7 =	vmax.f32 v9, $0.0e+00;
	v6 =	vadd.f32 v2, v6;
	v2 =	vld [tilespmem:s13+$0x5230]  }
.Ltmp2:
0x95: {  	[tilespmem:s11+$0x210] =	vst v7;
	v8 =	vmax.f32 v8, $0.0e+00;
	v10 =	vadd.f32 v1, v10;
	v1 =	vld [tilespmem:s13+$0x5240];
	(pc) =	sbr.rel @p0 .LBB2_7-.Ltmp2, $4  }
0x96: {  	v7 =	vld [tilespmem:s13+$0x200];
	[tilespmem:s11+$0x220] =	vst v8;
	v6 =	vmax.f32 v6, $0.0e+00  }
0x97: {  	v9 =	vld [tilespmem:s13+$0x210];
	[tilespmem:s11+$0x230] =	vst v6;
	v6 =	vmax.f32 v10, $0.0e+00  }
0x98: {  	v8 =	vld [tilespmem:s13+$0x220];
	[tilespmem:s11+$0x240] =	vst v6;
	s11 =	smov.u32 s13  }
0x99: {  	s12 =	sadd.s32 $0x200, s12;
	v6 =	vld [tilespmem:s11+$0x230]  }
0x9a: {  	v10 =	vld [tilespmem:s11+$0x240]  }
0x9b: {  	v4 =	vadd.f32 v4, v7  }
0x9c: {  	v5 =	vadd.f32 v5, v9  }
0x9d: {  	v4 =	vmax.f32 v4, $0.0e+00;
	v3 =	vadd.f32 v3, v8  }
0x9e: {  	[tilespmem:s11+$0x200] =	vst v4;
	v4 =	vmax.f32 v5, $0.0e+00;
	v2 =	vadd.f32 v2, v6  }
0x9f: {  	[tilespmem:s11+$0x210] =	vst v4;
	v3 =	vmax.f32 v3, $0.0e+00;
	v1 =	vadd.f32 v1, v10  }
0xa0: {  	[tilespmem:s11+$0x220] =	vst v3;
	v2 =	vmax.f32 v2, $0.0e+00  }
0xa1: {  	[tilespmem:s11+$0x230] =	vst v2;
	v1 =	vmax.f32 v1, $0.0e+00  }
0xa2: {  	[tilespmem:s11+$0x240] =	vst v1  }
0xa3: {  	[spmem:s1] =	stream.indirect.scatter.add.f32 [tilespmem:s25], [sflag:$0x4], $0x80, s18, s24, $0xb8;
	[tilespmem:$0x1E200] =	vst v63  }
0xa4: {  	_ =	swait.ge [sflag:s28], $0x2800  }
0xa5: {  	[sflag:s28] =	ssyncset.done $0x0  }
0xa6: {  	[sflag:s28] =	ssyncadd.s32 $0xFFFFD800  }
0xa7: {  	_ =	swait.ge [sflag:s29], $0x2800  }
0xa8: {  	[sflag:s29] =	ssyncset.done $0x0  }
0xa9: {  	s11 =	simm.s32 $0x0;
	[sflag:s29] =	ssyncadd.s32 $0xFFFFD800  }
0xaa: {  	v4 =	vld [tilespmem:s11+$0x7A00]  }
0xab: {  	v5 =	vld [tilespmem:s11+$0x7A10]  }
0xac: {  	v3 =	vld [tilespmem:s11+$0x7A20]  }
0xad: {  	v2 =	vld [tilespmem:s11+$0x7A30]  }
0xae: {  	v1 =	vld [tilespmem:s11+$0x7A40]  }
0xaf: {  	v7 =	vld [tilespmem:s11+$0x2A00]  }
0xb0: {  	v9 =	vld [tilespmem:s11+$0x2A10]  }
0xb1: {  	v8 =	vld [tilespmem:s11+$0x2A20]  }
0xb2: {  	s12 =	simm.s32 $0x200;
	v6 =	vld [tilespmem:s11+$0x2A30]  }
.LBB2_9:
0xb3: {  	s13 =	sshra.s32 s12, $0x2;
	p0 =	sne.s32 s12, $0x9E00;
	v10 =	vld [tilespmem:s11+$0x2A40]  }
0xb4: {  	v7 =	vadd.f32 v4, v7;
	v4 =	vld [tilespmem:s13+$0x7A00]  }
0xb5: {  	v9 =	vadd.f32 v5, v9;
	v5 =	vld [tilespmem:s13+$0x7A10]  }
0xb6: {  	v7 =	vmax.f32 v7, $0.0e+00;
	v8 =	vadd.f32 v3, v8;
	v3 =	vld [tilespmem:s13+$0x7A20]  }
0xb7: {  	[tilespmem:s11+$0x2A00] =	vst v7;
	v7 =	vmax.f32 v9, $0.0e+00;
	v6 =	vadd.f32 v2, v6;
	v2 =	vld [tilespmem:s13+$0x7A30]  }
.Ltmp3:
0xb8: {  	[tilespmem:s11+$0x2A10] =	vst v7;
	v8 =	vmax.f32 v8, $0.0e+00;
	v10 =	vadd.f32 v1, v10;
	v1 =	vld [tilespmem:s13+$0x7A40];
	(pc) =	sbr.rel @p0 .LBB2_9-.Ltmp3, $4  }
0xb9: {  	v7 =	vld [tilespmem:s13+$0x2A00];
	[tilespmem:s11+$0x2A20] =	vst v8;
	v6 =	vmax.f32 v6, $0.0e+00  }
0xba: {  	v9 =	vld [tilespmem:s13+$0x2A10];
	[tilespmem:s11+$0x2A30] =	vst v6;
	v6 =	vmax.f32 v10, $0.0e+00  }
0xbb: {  	v8 =	vld [tilespmem:s13+$0x2A20];
	[tilespmem:s11+$0x2A40] =	vst v6;
	s11 =	smov.u32 s13  }
0xbc: {  	s12 =	sadd.s32 $0x200, s12;
	v6 =	vld [tilespmem:s11+$0x2A30]  }
0xbd: {  	v10 =	vld [tilespmem:s11+$0x2A40]  }
0xbe: {  	v4 =	vadd.f32 v4, v7  }
0xbf: {  	v5 =	vadd.f32 v5, v9  }
0xc0: {  	v4 =	vmax.f32 v4, $0.0e+00;
	v3 =	vadd.f32 v3, v8  }
0xc1: {  	[tilespmem:s11+$0x2A00] =	vst v4;
	v63 =	vmax.f32 v5, $0.0e+00;
	v2 =	vadd.f32 v2, v6  }
0xc2: {  	[tilespmem:s11+$0x2A10] =	vst v63;
	v3 =	vmax.f32 v3, $0.0e+00;
	v1 =	vadd.f32 v1, v10  }
0xc3: {  	[tilespmem:s11+$0x2A20] =	vst v3;
	v2 =	vmax.f32 v2, $0.0e+00  }
0xc4: {  	[tilespmem:s11+$0x2A30] =	vst v2;
	v1 =	vmax.f32 v1, $0.0e+00  }
0xc5: {  	s2 =	sadd.s32 $0x1, s2;
	[tilespmem:s11+$0x2A40] =	vst v1  }
0xc6: {  	[spmem:s1] =	stream.indirect.scatter.add.f32 [tilespmem:s26], [sflag:$0x4], $0x80, s21, s24, $0xb8;
	[tilespmem:$0x1E200] =	vst v63  }
0xc7: {  	p0 =	sne.s32 s2, $0x3E;
	_ =	swait.ge [sflag:s30], $0x2800  }
.Ltmp4:
0xc8: {  	[sflag:s30] =	ssyncset.done $0x0;
	(pc) =	sbr.rel @p0 .LBB2_6-.Ltmp4, $4  }
0xc9: {  	[sflag:s30] =	ssyncadd.s32 $0xFFFFD800  }
0xca: {  	_ =	swait.ge [sflag:s30], $0x2800  }
0xcb: {  	[sflag:s30] =	ssyncset.done $0x0  }
0xcc: {  	[sflag:s30] =	ssyncadd.s32 $0xFFFFD800  }
0xcd: {  	s0 =	simm.s32 $0x0;
	s2 =	rddreg [dreg:$0x3]  }
0xce: {  	[tilespmem:s0], [sflag:$0x1] =	stream.linear.gather [hbm4b:s2+s0], $0x50, $0x38;
	[tilespmem:$0x1E200] =	vst v63  }
0xcf: {  	s13 =	rddreg [dreg:$0x4]  }
0xd0: {  	[tilespmem:s18], [sflag:$0x1] =	stream.linear.gather [hbm4b:s13+s0], $0x50, $0x38;
	[tilespmem:$0x1E200] =	vst v63  }
0xd1: {  	s14 =	rddreg [dreg:$0x5]  }
0xd2: {  	[tilespmem:s19], [sflag:$0x3] =	stream.linear.gather [hbm4b:s14+s0], $0x2800, $0x38;
	[tilespmem:$0x1E200] =	vst v63  }
0xd3: {  	_ =	swait.ge [sflag:s23], $0x50  }
0xd4: {  	[sflag:s23] =	ssyncset.done $0x0  }
0xd5: {  	[sflag:s23] =	ssyncadd.s32 $0xFFFFFFB0  }
0xd6: {  	_ =	swait.ge [sflag:s23], $0x50  }
0xd7: {  	[sflag:s23] =	ssyncset.done $0x0  }
0xd8: {  	[sflag:s23] =	ssyncadd.s32 $0xFFFFFFB0  }
0xd9: {  	[tilespmem:s25], [sflag:$0x2] =	stream.indirect.gather [hbm4b:s4+s24], $0x80, s0, s24, $0xb8;
	[tilespmem:$0x1E200] =	vst v63  }
0xda: {  	_ =	swait.ge [sflag:s28], $0x2800  }
0xdb: {  	[sflag:s28] =	ssyncset.done $0x0  }
0xdc: {  	[sflag:s28] =	ssyncadd.s32 $0xFFFFD800  }
0xdd: {  	_ =	swait.ge [sflag:s29], $0x2800  }
0xde: {  	[sflag:s29] =	ssyncset.done $0x0  }
0xdf: {  	s0 =	simm.s32 $0x0;
	[sflag:s29] =	ssyncadd.s32 $0xFFFFD800  }
0xe0: {  	v4 =	vld [tilespmem:s0+$0x5200]  }
0xe1: {  	v5 =	vld [tilespmem:s0+$0x5210]  }
0xe2: {  	v3 =	vld [tilespmem:s0+$0x5220]  }
0xe3: {  	v2 =	vld [tilespmem:s0+$0x5230]  }
0xe4: {  	v1 =	vld [tilespmem:s0+$0x5240]  }
0xe5: {  	v7 =	vld [tilespmem:s0+$0x200]  }
0xe6: {  	v9 =	vld [tilespmem:s0+$0x210]  }
0xe7: {  	v8 =	vld [tilespmem:s0+$0x220]  }
0xe8: {  	s2 =	simm.s32 $0x200;
	v6 =	vld [tilespmem:s0+$0x230]  }
.LBB2_12:
0xe9: {  	s11 =	sshra.s32 s2, $0x2;
	p0 =	sne.s32 s2, $0x9E00;
	v10 =	vld [tilespmem:s0+$0x240]  }
0xea: {  	v7 =	vadd.f32 v4, v7;
	v4 =	vld [tilespmem:s11+$0x5200]  }
0xeb: {  	v9 =	vadd.f32 v5, v9;
	v5 =	vld [tilespmem:s11+$0x5210]  }
0xec: {  	v7 =	vmax.f32 v7, $0.0e+00;
	v8 =	vadd.f32 v3, v8;
	v3 =	vld [tilespmem:s11+$0x5220]  }
0xed: {  	[tilespmem:s0+$0x200] =	vst v7;
	v7 =	vmax.f32 v9, $0.0e+00;
	v6 =	vadd.f32 v2, v6;
	v2 =	vld [tilespmem:s11+$0x5230]  }
.Ltmp5:
0xee: {  	[tilespmem:s0+$0x210] =	vst v7;
	v8 =	vmax.f32 v8, $0.0e+00;
	v10 =	vadd.f32 v1, v10;
	v1 =	vld [tilespmem:s11+$0x5240];
	(pc) =	sbr.rel @p0 .LBB2_12-.Ltmp5, $4  }
0xef: {  	v7 =	vld [tilespmem:s11+$0x200];
	[tilespmem:s0+$0x220] =	vst v8;
	v6 =	vmax.f32 v6, $0.0e+00  }
0xf0: {  	v9 =	vld [tilespmem:s11+$0x210];
	[tilespmem:s0+$0x230] =	vst v6;
	v6 =	vmax.f32 v10, $0.0e+00  }
0xf1: {  	v8 =	vld [tilespmem:s11+$0x220];
	[tilespmem:s0+$0x240] =	vst v6;
	s0 =	smov.u32 s11  }
0xf2: {  	s2 =	sadd.s32 $0x200, s2;
	v6 =	vld [tilespmem:s0+$0x230]  }
0xf3: {  	v10 =	vld [tilespmem:s0+$0x240]  }
0xf4: {  	v4 =	vadd.f32 v4, v7  }
0xf5: {  	v5 =	vadd.f32 v5, v9  }
0xf6: {  	v4 =	vmax.f32 v4, $0.0e+00;
	v3 =	vadd.f32 v3, v8  }
0xf7: {  	[tilespmem:s0+$0x200] =	vst v4;
	v63 =	vmax.f32 v5, $0.0e+00;
	v2 =	vadd.f32 v2, v6  }
0xf8: {  	[tilespmem:s0+$0x210] =	vst v63;
	v3 =	vmax.f32 v3, $0.0e+00;
	v1 =	vadd.f32 v1, v10  }
0xf9: {  	[tilespmem:s0+$0x220] =	vst v3;
	v2 =	vmax.f32 v2, $0.0e+00  }
0xfa: {  	[tilespmem:s0+$0x230] =	vst v2;
	v1 =	vmax.f32 v1, $0.0e+00  }
0xfb: {  	[tilespmem:s0+$0x240] =	vst v1  }
0xfc: {  	[spmem:s1] =	stream.indirect.scatter.add.f32 [tilespmem:s25], [sflag:$0x4], $0x80, s18, s24, $0xb8;
	[tilespmem:$0x1E200] =	vst v63  }
0xfd: {  	_ =	swait.ge [sflag:s30], $0x2800  }
0xfe: {  	s14 =	stileid.u32;
	[sflag:s30] =	ssyncset.done $0x0  }
0xff: {  	s2 =	sshrl.u32 s9, $0x3;
	s3 =	sadd.s32 $0x1, s3;
	[sflag:s30] =	ssyncadd.s32 $0xFFFFD800  }
0x100: {  	p0 =	sne.s32 s3, s15;
	s0 =	sshll.u32 s14, $0x6;
	[bflag:$0x0] =	sbarrier.arrive $0xFFFF  }
.Ltmp6:
0x101: {  	s0 =	sor.u32 $0x1C06, s0;
	s11 =	rddreg [dreg:$0x6];
	(pc) =	sbr.rel @p0 .LBB2_1-.Ltmp6, $4  }
0x102: {  	[hbm:s11], [sflag:s0] =	dma.local [spmem:s2], $0x2780  }
0x103: {  	_ =	swait.ge [sflag:s31], $0x2780  }
0x104: {  	[sflag:s31] =	ssyncset.done $0x0  }
0x105: {  	[sflag:s31] =	ssyncadd.s32 $0xFFFFD880  }
0x106: {  	_ =	sfence.sel $0x180000  }
0x107: {  	[bflag:$0x0] =	sbarrier.arrive $0xFFFF  }
0x108: {  	_ =	strace $0x90000047  }
0x109: {  	s0 =	stileid.u32;
	[bflag:$0x2] =	sbarrier.arrive $0xFFFF  }
0x10a: {  	p0 =	sne.s32 s0, $0x0;
	s0 =	rddreg [dreg:$0x2]  }
0x10b: {  	s0 =	sadd.s32 @!p0 $0x100000, s0  }
0x10c: {  	[sflag:s0] =	ssyncadd.tile.s32 @!p0 $0x1;
	_ =	shalt  }
.Lfunc_end2:
_tile_overlayer_lowered:
.L_overlay_start_2:
0x10d: {  	(tag) =	ssettag $0x2  }
0x10e: {  	s0 =	rddreg [dreg:$0x0];
	s2 =	stileid.u32  }
0x10f: {  	s1 =	rddreg [dreg:$0x1];
	p0 =	sne.s32 s2, $0x0  }
0x110: {  	s3 =	rddreg [dreg:$0x2];
	[bflag:$0x3] =	sbarrier.arrive $0xFFFF;
	s2 =	simm.s32 @!p0 $0x1C06  }
0x111: {  	[timem:s3], [sflag:s2] =	dma.local @!p0 [hbm:s0], s1  }
0x112: {  	s0 =	simm.s32 @!p0 $0x6  }
0x113: {  	_ =	swait.ge @!p0 [sflag:s0], s1  }
0x114: {  	s1 =	ssub.s32 @!p0 $0x0, s1;
	[sflag:s0] =	ssyncset.done @!p0 $0x0  }
0x115: {  	[sflag:s0] =	ssyncadd.s32 @!p0 s1  }
0x116: {  	[bflag:$0x3] =	sbarrier.arrive $0xFFFF  }
0x117: {  	_ =	shalt  }

// kernel: kernel.18.cloned.1.call-start
scs
__scs_entry_jumppad:
0x0: {  	(pc) =	sbr.rel $0x88, $3  }
0x1: {  	(tag) =	ssettag $0x0;
	lr =	simm.s32 $0x1  }
0x2: {  	[smem:$0x3F80] =	sst lr;
	_ =	strace $0xD0000000  }
0x3: {  	_ = 	snop  }
0x4: {  	_ = 	snop  }
0x5: {  	_ = 	snop  }
0x6: {  	_ = 	snop  }
0x7: {  	_ = 	snop  }
__scs_overlays_trampoline_lowered:
0x8: {  	[smem:$0x3F8F] =	sst s0  }
0x9: {  	[smem:$0x3F90] =	sst s1  }
0xa: {  	[smem:$0x3F91] =	sst s2  }
0xb: {  	[smem:$0x3F92] =	sst s3  }
0xc: {  	[smem:$0x3F93] =	sst s4  }
0xd: {  	[smem:$0x3F94] =	sst s5  }
0xe: {  	[smem:$0x3F95] =	sst s6  }
0xf: {  	[smem:$0x3F96] =	sst s7  }
0x10: {  	[smem:$0x3F97] =	sst s8  }
0x11: {  	[smem:$0x3F98] =	sst s9;
	s0 =	simm.s32 @!p0 $0x0  }
0x12: {  	s1 =	sld [smem:$0x3F7E];
	s0 =	simm.s32 @p0 $0x1  }
0x13: {  	[smem:$0x3F99] =	sst s0;
	s0 =	simm.s32 @!p1 $0x0  }
0x14: {  	s2 =	sld [smem:$0x3F7D];
	s0 =	simm.s32 @p1 $0x1  }
0x15: {  	[smem:$0x3F9A] =	sst s0;
	s0 =	simm.s32 @!p2 $0x0  }
0x16: {  	s3 =	sld [smem:$0x3FDB];
	s0 =	simm.s32 @p2 $0x1  }
0x17: {  	s4 =	simm.s32 $0x1BF5;
	[smem:$0x3F9C] =	sst s0  }
0x18: {  	s0 =	sld [smem:$0x3F7F];
	_ =	swait.ge [sflag:s4], $0x0  }
0x19: {  	s7 =	sld [smem:$0x3F80]  }
0x1a: {  	s8 =	sadd.s32 $0xFFFFE003, lr  }
0x1b: {  	s9 =	sadd.s32 $0xFFFFFEF7, lr;
	s5 =	simm.s32 $0xFFFFFFFF;
	p2 =	slt.u32 s8, $0xFFFFF086  }
0x1c: {  	p1 =	slt.u32 s9, $0xF7A;
	s5 =	simm.s32 @!p2 $0x0  }
0x1d: {  	s5 =	simm.s32 @p1 $0x1;
	p0 =	seq.s32 s7, s2  }
0x1e: {  	s7 =	smul.u32 @!p0 $0xF7A, s2;
	p2 =	seq.s32 @!p0 s5, $0x0  }
0x1f: {  	s9 =	smul.u32 $0xF7A, s1;
	s8 =	simm.s32 @!p0 $0x1BF5;
	p2 =	por !p2, p0  }
0x20: {  	[sflag:s8] =	ssyncset.s32 @!p0 $0xFFFFF086;
	s6 =	sadd.s32 @!p0 s3, s7;
	s7 =	simm.s32 @!p0 $0x108  }
0x21: {  	s3 =	sadd.s32 s3, s9;
	s6 =	sadd.s32 @!p0 $0x88, s6;
	s7 =	simm.s32 @p2 $0x1082  }
0x22: {  	[simem:s7], [sflag:s8] =	dma.local @!p0 [hbm:s6], $0xF7A  }
0x23: {  	s9 =	sor.u32 $0xD0000000, s2;
	s6 =	simm.s32 $0x108;
	_ =	swait.ge @!p0 [sflag:s8], $0x0  }
0x24: {  	s3 =	sadd.s32 $0x88, s3;
	s6 =	simm.s32 @!p1 $0x1082;
	[sflag:s4] =	ssyncset.s32 $0xFFFFF086  }
0x25: {  	[simem:s6], [sflag:s4] =	dma.local [hbm:s3], $0xF7A  }
0x26: {  	[smem:$0x3F80] =	sst s1;
	(tag) =	ssettag s2;
	_ =	strace s9  }
0x27: {  	s1 =	sld [smem:$0x3F90]  }
0x28: {  	s2 =	sld [smem:$0x3F91]  }
0x29: {  	s4 =	sld [smem:$0x3F93]  }
0x2a: {  	p0 =	seq.s32 s5, $0x0;
	s5 =	sld [smem:$0x3F94]  }
0x2b: {  	s6 =	sld [smem:$0x3F95]  }
0x2c: {  	s7 =	sld [smem:$0x3F96]  }
0x2d: {  	s3 =	simm.s32 $0x108;
	s8 =	sld [smem:$0x3F97]  }
0x2e: {  	s3 =	simm.s32 @!p0 $0x1082;
	s9 =	sld [smem:$0x3F98]  }
0x2f: {  	lr =	sadd.s32 s0, s3;
	s0 =	sld [smem:$0x3F8F]  }
0x30: {  	s3 =	sld [smem:$0x3F92]  }
0x31: {  	[smem:$0x3F9B] =	sst s10  }
0x32: {  	s10 =	sld [smem:$0x3F99];
	_ =	sdelay $0x3  }
0x33: {  	p0 =	seq.s32 s10, $0x1;
	s10 =	sld [smem:$0x3F9B];
	_ =	sdelay $0x3  }
0x34: {  	[smem:$0x3F9B] =	sst s10  }
0x35: {  	s10 =	sld [smem:$0x3F9A];
	_ =	sdelay $0x3  }
0x36: {  	p1 =	seq.s32 s10, $0x1;
	s10 =	sld [smem:$0x3F9B];
	_ =	sdelay $0x3  }
0x37: {  	[smem:$0x3F9B] =	sst s10  }
0x38: {  	s10 =	sld [smem:$0x3F9C]  }
0x39: {  	_ = 	snop;
	(pc) =	sbr.ind lr, $3  }
0x3a: {  	_ = 	snop  }
0x3b: {  	_ = 	snop  }
0x3c: {  	p2 =	seq.s32 s10, $0x1;
	s10 =	sld [smem:$0x3F9B]  }
0x3d: {  	_ =	shalt  }
0x3e: {  	_ =	shalt  }
0x3f: {  	_ =	shalt  }
0x40: {  	_ =	shalt  }
0x41: {  	_ =	shalt  }
0x42: {  	_ =	shalt  }
0x43: {  	_ =	shalt  }
0x44: {  	_ =	shalt  }
0x45: {  	_ =	shalt  }
0x46: {  	_ =	shalt  }
0x47: {  	_ =	shalt  }
0x48: {  	_ =	shalt  }
0x49: {  	_ =	shalt  }
0x4a: {  	_ =	shalt  }
0x4b: {  	_ =	shalt  }
0x4c: {  	_ =	shalt  }
0x4d: {  	_ =	shalt  }
0x4e: {  	_ =	shalt  }
0x4f: {  	_ =	shalt  }
0x50: {  	_ =	shalt  }
0x51: {  	_ =	shalt  }
0x52: {  	_ =	shalt  }
0x53: {  	_ =	shalt  }
0x54: {  	_ =	shalt  }
0x55: {  	_ =	shalt  }
0x56: {  	_ =	shalt  }
0x57: {  	_ =	shalt  }
0x58: {  	_ =	shalt  }
0x59: {  	_ =	shalt  }
0x5a: {  	_ =	shalt  }
0x5b: {  	_ =	shalt  }
0x5c: {  	_ =	shalt  }
0x5d: {  	_ =	shalt  }
0x5e: {  	_ =	shalt  }
0x5f: {  	_ =	shalt  }
0x60: {  	_ =	shalt  }
0x61: {  	_ =	shalt  }
0x62: {  	_ =	shalt  }
0x63: {  	_ =	shalt  }
0x64: {  	_ =	shalt  }
0x65: {  	_ =	shalt  }
0x66: {  	_ =	shalt  }
0x67: {  	_ =	shalt  }
0x68: {  	_ =	shalt  }
0x69: {  	_ =	shalt  }
0x6a: {  	_ =	shalt  }
0x6b: {  	_ =	shalt  }
0x6c: {  	_ =	shalt  }
0x6d: {  	_ =	shalt  }
0x6e: {  	_ =	shalt  }
0x6f: {  	_ =	shalt  }
0x70: {  	_ =	shalt  }
0x71: {  	_ =	shalt  }
0x72: {  	_ =	shalt  }
0x73: {  	_ =	shalt  }
0x74: {  	_ =	shalt  }
0x75: {  	_ =	shalt  }
0x76: {  	_ =	shalt  }
0x77: {  	_ =	shalt  }
0x78: {  	_ =	shalt  }
0x79: {  	_ =	shalt  }
0x7a: {  	_ =	shalt  }
0x7b: {  	_ =	shalt  }
0x7c: {  	_ =	shalt  }
0x7d: {  	_ =	shalt  }
0x7e: {  	_ =	shalt  }
0x7f: {  	_ =	shalt  }
0x80: {  	_ =	shalt  }
0x81: {  	_ =	shalt  }
0x82: {  	_ =	shalt  }
0x83: {  	_ =	shalt  }
0x84: {  	_ =	shalt  }
0x85: {  	_ =	shalt  }
0x86: {  	_ =	shalt  }
0x87: {  	_ =	shalt  }
.Lfunc_end0:
.L_simem_size_0:
called_computation.1_lowered:
.L_overlay_start_0:
0x88: {  	s2 =	sld [smem:$0x3FD9]  }
0x89: {  	s3 =	sld [smem:$0x3FFE];
	_ =	sdelay $0x1  }
0x8a: {  	s1 =	srdreg.scid  }
0x8b: {  	s0 =	sand.u32 $0x1, s1  }
0x8c: {  	s17 =	sshll.u32 s0, $0xA;
	s2 =	sadd.s32 s3, s2  }
0x8d: {  	s2 =	sadd.s32 s2, s17  }
0x8e: {  	[smem:$0x3FA7] =	sst s2  }
0x8f: {  	_ = 	snop  }
0x90: {  	s2 =	sld [smem:$0x3FD0];
	(tm) =	ssettm $0x1  }
0x91: {  	s18 =	sld [smem:$0x3FFB];
	_ =	sdelay $0x3  }
0x92: {  	_ =	strace s18  }
0x93: {  	s3 =	sld [smem:$0x3FFC];
	_ =	sdelay $0x3  }
0x94: {  	_ =	strace s3  }
0x95: {  	s3 =	sld [smem:$0x3FFD];
	_ =	sdelay $0x3  }
0x96: {  	_ =	strace s3  }
0x97: {  	_ =	strace $0x8FFFFFFF  }
0x98: {  	s19 =	sld [smem:$0x3FDB];
	_ =	sdelay $0x1  }
0x99: {  	s4 =	simm.s32 $_scs_section_size  }
0x9a: {  	s5 =	simm.s32 $_size__tile_overlayer_lowered;
	s6 =	simm.s32 $_tile_overlayer_lowered  }
0x9b: {  	s22 =	simm.s32 $0x1BFF;
	s21 =	sshll.u32 s6, $0x1;
	s3 =	sadd.s32 s4, s19  }
0x9c: {  	s7 =	simm.s32 $0x0;
	s20 =	sshll.u32 s5, $0x1;
	s5 =	sadd.s32 s21, s3  }
0x9d: {  	[timem:s7], [sflag:s22] =	dma.local [hbm:s5], s20  }
0x9e: {  	_ =	swait.ge [sflag:s22], s20  }
0x9f: {  	s4 =	ssub.s32 $0x0, s20;
	[sflag:s22] =	ssyncset.done $0x0  }
0xa0: {  	[sflag:s22] =	ssyncadd.s32 s4;
	_ =	sdelay $0x1  }
0xa1: {  	s23 =	simm.s32 $0x1B8B  }
0xa2: {  	_ =	swait.ge [sflag:s23], $0x1  }
0xa3: {  	[sflag:s23] =	ssyncset.done $0x0  }
0xa4: {  	s25 =	simm.s32 $0x1B8E;
	s24 =	sld [smem:$0x3FFE];
	[sflag:s23] =	ssyncadd.s32 $0xFFFFFFFF  }
0xa5: {  	s26 =	simm.s32 $execute0_lowered;
	[smem:$0x3FD2] =	sst s25  }
0xa6: {  	s5 =	sshll.u32 s26, $0x1;
	_ =	strace $0x80000049;
	[dreg:$0x1] =	wrdreg $0xFFFFFFFF  }
0xa7: {  	s28 =	simm.s32 $_size_execute0_lowered;
	s3 =	sadd.s32 s3, s5;
	[dreg:$0x0] =	wrdreg $0x0  }
0xa8: {  	s5 =	sshll.u32 s28, $0x1;
	[dreg:$0x2] =	wrdreg s3  }
0xa9: {  	[dreg:$0x3] =	wrdreg s5  }
0xaa: {  	[dreg:$0x4] =	wrdreg $0xC0  }
0xab: {  	_ =	task [dreg:s7], $0x5FFFF  }
0xac: {  	[dreg:$0x1] =	wrdreg $0xFFFFFFFF  }
0xad: {  	[dreg:$0x0] =	wrdreg $0x60  }
0xae: {  	[dreg:$0x2] =	wrdreg s24  }
0xaf: {  	[dreg:$0x3] =	wrdreg s2  }
0xb0: {  	[dreg:$0x4] =	wrdreg $0x9  }
0xb1: {  	_ =	task.clear_ibuf [dreg:s7], $0x5FFFF;
	_ =	strace $0x90000049  }
0xb2: {  	s29 =	simm.s32 $0x9;
	_ =	strace $0x8000004B  }
0xb3: {  	_ =	swait.ge [sflag:s29], $0x1  }
0xb4: {  	[sflag:s29] =	ssyncadd.s32 $0xFFFFFFFF  }
0xb5: {  	_ =	strace $0x9000004B  }
0xb6: {  	_ =	sfence  }
0xb7: {  	s30 =	sld [smem:$0x0];
	_ =	sdelay $0x2  }
0xb8: {  	s31 =	sshll.u32 s1, $0xD;
	s1 =	sshrl.u32 s1, $0x2  }
0xb9: {  	s3 =	sand.u32 $0x4000, s31;
	s1 =	sadd.s32 s1, s30  }
0xba: {  	s0 =	sor.u32 s3, s0;
	s1 =	sshll.u32 s1, $0x11  }
0xbb: {  	s0 =	sor.u32 s1, s0  }
0xbc: {  	s0 =	sadd.s32 $0x8F2B, s0  }
0xbd: {  	[sflag:s0] =	ssyncadd.remote.s32 $0x1  }
0xbe: {  	_ =	sfence.sel $0xFFFF  }
0xbf: {  	[dreg:$0x0] =	wrdreg $0xFFFFFFFF;
	(pc) =	sbr.abs _section_cstart, $3  }
0xc0: {  	[dreg:$0x1] =	wrdreg $0xFFFFFFFF  }
0xc1: {  	_ =	task.clear_ibuf [dreg:s7], $0x2FFFF;
	_ =	strace $0x9FFFFFFF  }
0xc2: {  	(tm) =	ssettm $0x7FFFFFFF  }
0xc3: {  	_ =	shalt  }
tec
execute0_lowered:
.L_overlay_start_1:
0x0: {  	(tag) =	ssettag $0x1  }
0x1: {  	s5 =	rddreg [dreg:$0x0]  }
0x2: {  	s6 =	rddreg [dreg:$0x1]  }
0x3: {  	s0 =	rddreg [dreg:$0x2];
	s1 =	simm.s32 $0x0  }
0x4: {  	s4 =	srdreg.scid;
	s2 =	stileid.u32;
	s13 =	simm.s32 $0xA800  }
0x5: {  	s14 =	simm.s32 $0xD000;
	s15 =	simm.s32 $0xF800;
	s16 =	simm.s32 $0x12000  }
0x6: {  	s17 =	simm.s32 $0x1;
	s18 =	simm.s32 $0x2;
	s19 =	simm.s32 $0x0  }
0x7: {  	[smem:$0x7FF] =	sst s1;
	s3 =	sadd.s32 $0x1C600, s5;
	s7 =	sand.u32 $0x1, s4  }
0x8: {  	s4 =	sadd.s32 $0x43800, s5;
	s8 =	sshll.u32 s2, $0xB;
	s12 =	smul.u32 $0x27100, s2  }
0x9: {  	s9 =	sshll.u32 s7, $0xF;
	s30 =	smul.u32 $0x271000, s7;
	s7 =	ssub.s32 $0x2, s7  }
0xa: {  	_ =	strace $0x8000004A;
	s8 =	sor.u32 s8, s9;
	s11 =	sshrl.u32 s7, $0x1  }
0xb: {  	s10 =	sadd.s32 s8, s5;
	s9 =	sadd.s32 s30, s5;
	s7 =	ssub.s32 s7, s11  }
0xc: {  	s5 =	sadd.s32 s6, s8;
	s11 =	simm.s32 $0x50;
	s6 =	sadd.s32 $0x92800, s10  }
0xd: {  	s7 =	smax.u32 s7, $0x1;
	s31 =	sadd.s32 s12, s9;
	s9 =	simm.s32 $0x3  }
0xe: {  	s10 =	simm.s32 $0x4000;
	s12 =	simm.s32 $0x8000;
	s8 =	sadd.s32 $0x9E0600, s31  }
.LBB2_1:
0xf: {  	[tilespmem:s1], [sflag:$0x3] =	stream.linear.gather [hbm4b:s5+s1], $0x3E80, $0x38;
	[tilespmem:$0x14800] =	vst v63  }
0x10: {  	_ =	swait.ge [sflag:s9], $0x3E80  }
0x11: {  	[sflag:s9] =	ssyncset.done $0x0  }
0x12: {  	[sflag:s9] =	ssyncadd.s32 $0xFFFFC180  }
0x13: {  	[tilespmem:s10], [sflag:$0x3] =	stream.linear.gather [hbm4b:s6+s1], $0x3E80, $0x38;
	[tilespmem:$0x14800] =	vst v63  }
0x14: {  	_ =	swait.ge [sflag:s9], $0x3E80  }
0x15: {  	[sflag:s9] =	ssyncset.done $0x0  }
0x16: {  	s20 =	simm.s32 $0x0;
	[sflag:s9] =	ssyncadd.s32 $0xFFFFC180  }
0x17: {  	[tilespmem:s12], [sflag:$0x1] =	stream.indirect.gather [hbm4b:s3+s11], $0x80, s20, s11, $0xb8;
	[tilespmem:$0x14800] =	vst v63  }
0x18: {  	s22 =	simm.s32 $0x80  }
0x19: {  	[tilespmem:s13], [sflag:$0x1] =	stream.indirect.gather [hbm4b:s3+s11], $0x80, s22, s11, $0xb8;
	[tilespmem:$0x14800] =	vst v63  }
0x1a: {  	s23 =	simm.s32 $0x100  }
0x1b: {  	[tilespmem:s14], [sflag:$0x1] =	stream.indirect.gather [hbm4b:s3+s11], $0x80, s23, s11, $0xb8;
	[tilespmem:$0x14800] =	vst v63  }
0x1c: {  	s24 =	simm.s32 $0x180  }
0x1d: {  	[tilespmem:s15], [sflag:$0x1] =	stream.indirect.gather [hbm4b:s3+s11], $0x80, s24, s11, $0xb8;
	[tilespmem:$0x14800] =	vst v63  }
0x1e: {  	s25 =	simm.s32 $0x200  }
0x1f: {  	[tilespmem:s16], [sflag:$0x1] =	stream.indirect.gather [hbm4b:s3+s11], $0x80, s25, s11, $0xb8;
	[tilespmem:$0x14800] =	vst v63  }
0x20: {  	_ =	swait.ge [sflag:s17], $0x2800  }
0x21: {  	[sflag:s17] =	ssyncset.done $0x0  }
0x22: {  	s26 =	simm.s32 $0x4000;
	[sflag:s17] =	ssyncadd.s32 $0xFFFFD800  }
0x23: {  	[tilespmem:s12], [sflag:$0x1] =	stream.indirect.gather.add.f32 [hbm:s4], $0x80, s26, s11, $0xb8;
	[tilespmem:$0x14800] =	vst v63  }
0x24: {  	_ =	swait.ge [sflag:s17], $0x2800  }
0x25: {  	[sflag:s17] =	ssyncset.done $0x0  }
0x26: {  	s28 =	simm.s32 $0x4080;
	[sflag:s17] =	ssyncadd.s32 $0xFFFFD800  }
0x27: {  	[tilespmem:s13], [sflag:$0x1] =	stream.indirect.gather.add.f32 [hbm:s4], $0x80, s28, s11, $0xb8;
	[tilespmem:$0x14800] =	vst v63  }
0x28: {  	_ =	swait.ge [sflag:s17], $0x2800  }
0x29: {  	[sflag:s17] =	ssyncset.done $0x0  }
0x2a: {  	s29 =	simm.s32 $0x4100;
	[sflag:s17] =	ssyncadd.s32 $0xFFFFD800  }
0x2b: {  	[tilespmem:s14], [sflag:$0x1] =	stream.indirect.gather.add.f32 [hbm:s4], $0x80, s29, s11, $0xb8;
	[tilespmem:$0x14800] =	vst v63  }
0x2c: {  	_ =	swait.ge [sflag:s17], $0x2800  }
0x2d: {  	[sflag:s17] =	ssyncset.done $0x0  }
0x2e: {  	s30 =	simm.s32 $0x4180;
	[sflag:s17] =	ssyncadd.s32 $0xFFFFD800  }
0x2f: {  	[tilespmem:s15], [sflag:$0x1] =	stream.indirect.gather.add.f32 [hbm:s4], $0x80, s30, s11, $0xb8;
	[tilespmem:$0x14800] =	vst v63  }
0x30: {  	_ =	swait.ge [sflag:s17], $0x2800  }
0x31: {  	[sflag:s17] =	ssyncset.done $0x0  }
0x32: {  	s31 =	simm.s32 $0x4200;
	[sflag:s17] =	ssyncadd.s32 $0xFFFFD800  }
0x33: {  	[tilespmem:s16], [sflag:$0x1] =	stream.indirect.gather.add.f32 [hbm:s4], $0x80, s31, s11, $0xb8;
	[tilespmem:$0x14800] =	vst v63  }
0x34: {  	_ =	swait.ge [sflag:s17], $0x2800  }
0x35: {  	[sflag:s17] =	ssyncset.done $0x0  }
0x36: {  	[sflag:s17] =	ssyncadd.s32 $0xFFFFD800  }
0x37: {  	_ =	swait.ge [sflag:s17], $0x2800  }
0x38: {  	[sflag:s17] =	ssyncset.done $0x0  }
0x39: {  	[sflag:s17] =	ssyncadd.s32 $0xFFFFD800  }
0x3a: {  	_ =	swait.ge [sflag:s17], $0x2800  }
0x3b: {  	[sflag:s17] =	ssyncset.done $0x0  }
0x3c: {  	[sflag:s17] =	ssyncadd.s32 $0xFFFFD800  }
0x3d: {  	_ =	swait.ge [sflag:s17], $0x2800  }
0x3e: {  	[sflag:s17] =	ssyncset.done $0x0  }
0x3f: {  	[sflag:s17] =	ssyncadd.s32 $0xFFFFD800  }
0x40: {  	_ =	swait.ge [sflag:s17], $0x2800  }
0x41: {  	[sflag:s17] =	ssyncset.done $0x0  }
0x42: {  	[sflag:s17] =	ssyncadd.s32 $0xFFFFD800  }
0x43: {  	[hbm4b:s8+s1] =	stream.linear.scatter [tilespmem:s12], [sflag:$0x2], $0xC800, $0x38;
	[tilespmem:$0x14800] =	vst v63  }
0x44: {  	s21 =	simm.s32 $0xA00;
	_ =	swait.ge [sflag:s18], $0xC800  }
0x45: {  	s20 =	sadd.s32 $0x1900, s8;
	s24 =	simm.s32 $0x1400;
	[sflag:s18] =	ssyncset.done $0x0  }
.LBB2_2:
0x46: {  	s23 =	sshra.s32 s21, $0x2  }
0x47: {  	[sflag:s18] =	ssyncadd.s32 $0xFFFF3800;
	s21 =	smov.u32 s24;
	s22 =	sadd.s32 $0xA00, s24  }
0x48: {  	[tilespmem:s12], [sflag:$0x1] =	stream.indirect.gather [hbm4b:s3+s11], $0x80, s23, s11, $0xb8;
	[tilespmem:$0x14800] =	vst v63  }
0x49: {  	p0 =	sne.s32 s24, $0xF000;
	s24 =	sadd.s32 $0x80, s23  }
0x4a: {  	[tilespmem:s13], [sflag:$0x1] =	stream.indirect.gather [hbm4b:s3+s11], $0x80, s24, s11, $0xb8;
	[tilespmem:$0x14800] =	vst v63  }
0x4b: {  	s24 =	sadd.s32 $0x100, s23  }
0x4c: {  	[tilespmem:s14], [sflag:$0x1] =	stream.indirect.gather [hbm4b:s3+s11], $0x80, s24, s11, $0xb8;
	[tilespmem:$0x14800] =	vst v63  }
0x4d: {  	s24 =	sadd.s32 $0x180, s23  }
0x4e: {  	[tilespmem:s15], [sflag:$0x1] =	stream.indirect.gather [hbm4b:s3+s11], $0x80, s24, s11, $0xb8;
	[tilespmem:$0x14800] =	vst v63  }
0x4f: {  	s24 =	sadd.s32 $0x200, s23  }
0x50: {  	[tilespmem:s16], [sflag:$0x1] =	stream.indirect.gather [hbm4b:s3+s11], $0x80, s24, s11, $0xb8;
	[tilespmem:$0x14800] =	vst v63  }
0x51: {  	_ =	swait.ge [sflag:s17], $0x2800  }
0x52: {  	[sflag:s17] =	ssyncset.done $0x0  }
0x53: {  	s24 =	sadd.s32 $0x4000, s23;
	[sflag:s17] =	ssyncadd.s32 $0xFFFFD800  }
0x54: {  	[tilespmem:s12], [sflag:$0x1] =	stream.indirect.gather.add.f32 [hbm:s4], $0x80, s24, s11, $0xb8;
	[tilespmem:$0x14800] =	vst v63  }
0x55: {  	_ =	swait.ge [sflag:s17], $0x2800  }
0x56: {  	[sflag:s17] =	ssyncset.done $0x0  }
0x57: {  	s24 =	sadd.s32 $0x4080, s23;
	[sflag:s17] =	ssyncadd.s32 $0xFFFFD800  }
0x58: {  	[tilespmem:s13], [sflag:$0x1] =	stream.indirect.gather.add.f32 [hbm:s4], $0x80, s24, s11, $0xb8;
	[tilespmem:$0x14800] =	vst v63  }
0x59: {  	_ =	swait.ge [sflag:s17], $0x2800  }
0x5a: {  	[sflag:s17] =	ssyncset.done $0x0  }
0x5b: {  	s24 =	sadd.s32 $0x4100, s23;
	[sflag:s17] =	ssyncadd.s32 $0xFFFFD800  }
0x5c: {  	[tilespmem:s14], [sflag:$0x1] =	stream.indirect.gather.add.f32 [hbm:s4], $0x80, s24, s11, $0xb8;
	[tilespmem:$0x14800] =	vst v63  }
0x5d: {  	_ =	swait.ge [sflag:s17], $0x2800  }
0x5e: {  	[sflag:s17] =	ssyncset.done $0x0  }
0x5f: {  	s24 =	sadd.s32 $0x4180, s23;
	[sflag:s17] =	ssyncadd.s32 $0xFFFFD800  }
0x60: {  	[tilespmem:s15], [sflag:$0x1] =	stream.indirect.gather.add.f32 [hbm:s4], $0x80, s24, s11, $0xb8;
	[tilespmem:$0x14800] =	vst v63  }
0x61: {  	_ =	swait.ge [sflag:s17], $0x2800  }
0x62: {  	[sflag:s17] =	ssyncset.done $0x0  }
0x63: {  	s23 =	sadd.s32 $0x4200, s23;
	[sflag:s17] =	ssyncadd.s32 $0xFFFFD800  }
0x64: {  	[tilespmem:s16], [sflag:$0x1] =	stream.indirect.gather.add.f32 [hbm:s4], $0x80, s23, s11, $0xb8;
	[tilespmem:$0x14800] =	vst v63  }
0x65: {  	_ =	swait.ge [sflag:s17], $0x2800  }
0x66: {  	[sflag:s17] =	ssyncset.done $0x0  }
0x67: {  	[sflag:s17] =	ssyncadd.s32 $0xFFFFD800  }
0x68: {  	_ =	swait.ge [sflag:s17], $0x2800  }
0x69: {  	[sflag:s17] =	ssyncset.done $0x0  }
0x6a: {  	[sflag:s17] =	ssyncadd.s32 $0xFFFFD800  }
0x6b: {  	_ =	swait.ge [sflag:s17], $0x2800  }
0x6c: {  	[sflag:s17] =	ssyncset.done $0x0  }
0x6d: {  	[sflag:s17] =	ssyncadd.s32 $0xFFFFD800  }
0x6e: {  	_ =	swait.ge [sflag:s17], $0x2800  }
0x6f: {  	[sflag:s17] =	ssyncset.done $0x0  }
0x70: {  	[sflag:s17] =	ssyncadd.s32 $0xFFFFD800  }
0x71: {  	_ =	swait.ge [sflag:s17], $0x2800  }
.Ltmp0:
0x72: {  	[sflag:s17] =	ssyncset.done $0x0;
	(pc) =	sbr.rel @p0 .LBB2_2-.Ltmp0, $4  }
0x73: {  	[sflag:s17] =	ssyncadd.s32 $0xFFFFD800  }
0x74: {  	[hbm4b:s20+s1] =	stream.linear.scatter [tilespmem:s12], [sflag:$0x2], $0xC800, $0x38;
	[tilespmem:$0x14800] =	vst v63  }
0x75: {  	_ =	swait.ge [sflag:s18], $0xC800  }
0x76: {  	s24 =	smov.u32 s22;
	s20 =	sadd.s32 $0x1900, s20;
	[sflag:s18] =	ssyncset.done $0x0  }
0x77: {  	s21 =	sshra.s32 s21, $0x2;
	[sflag:s18] =	ssyncadd.s32 $0xFFFF3800  }
0x78: {  	[tilespmem:s12], [sflag:$0x1] =	stream.indirect.gather [hbm4b:s3+s11], $0x80, s21, s11, $0xb8;
	[tilespmem:$0x14800] =	vst v63  }
0x79: {  	s22 =	sadd.s32 $0x80, s21  }
0x7a: {  	[tilespmem:s13], [sflag:$0x1] =	stream.indirect.gather [hbm4b:s3+s11], $0x80, s22, s11, $0xb8;
	[tilespmem:$0x14800] =	vst v63  }
0x7b: {  	s24 =	sadd.s32 $0x100, s21  }
0x7c: {  	[tilespmem:s14], [sflag:$0x1] =	stream.indirect.gather [hbm4b:s3+s11], $0x80, s24, s11, $0xb8;
	[tilespmem:$0x14800] =	vst v63  }
0x7d: {  	s25 =	sadd.s32 $0x180, s21  }
0x7e: {  	[tilespmem:s15], [sflag:$0x1] =	stream.indirect.gather [hbm4b:s3+s11], $0x80, s25, s11, $0xb8;
	[tilespmem:$0x14800] =	vst v63  }
0x7f: {  	s26 =	sadd.s32 $0x200, s21  }
0x80: {  	[tilespmem:s16], [sflag:$0x1] =	stream.indirect.gather [hbm4b:s3+s11], $0x80, s26, s11, $0xb8;
	[tilespmem:$0x14800] =	vst v63  }
0x81: {  	_ =	swait.ge [sflag:s17], $0x2800  }
0x82: {  	[sflag:s17] =	ssyncset.done $0x0  }
0x83: {  	s28 =	sadd.s32 $0x4000, s21;
	[sflag:s17] =	ssyncadd.s32 $0xFFFFD800  }
0x84: {  	[tilespmem:s12], [sflag:$0x1] =	stream.indirect.gather.add.f32 [hbm:s4], $0x80, s28, s11, $0xb8;
	[tilespmem:$0x14800] =	vst v63  }
0x85: {  	_ =	swait.ge [sflag:s17], $0x2800  }
0x86: {  	[sflag:s17] =	ssyncset.done $0x0  }
0x87: {  	s29 =	sadd.s32 $0x4080, s21;
	[sflag:s17] =	ssyncadd.s32 $0xFFFFD800  }
0x88: {  	[tilespmem:s13], [sflag:$0x1] =	stream.indirect.gather.add.f32 [hbm:s4], $0x80, s29, s11, $0xb8;
	[tilespmem:$0x14800] =	vst v63  }
0x89: {  	_ =	swait.ge [sflag:s17], $0x2800  }
0x8a: {  	[sflag:s17] =	ssyncset.done $0x0  }
0x8b: {  	s30 =	sadd.s32 $0x4100, s21;
	[sflag:s17] =	ssyncadd.s32 $0xFFFFD800  }
0x8c: {  	[tilespmem:s14], [sflag:$0x1] =	stream.indirect.gather.add.f32 [hbm:s4], $0x80, s30, s11, $0xb8;
	[tilespmem:$0x14800] =	vst v63  }
0x8d: {  	_ =	swait.ge [sflag:s17], $0x2800  }
0x8e: {  	[sflag:s17] =	ssyncset.done $0x0  }
0x8f: {  	s31 =	sadd.s32 $0x4180, s21;
	[sflag:s17] =	ssyncadd.s32 $0xFFFFD800  }
0x90: {  	[tilespmem:s15], [sflag:$0x1] =	stream.indirect.gather.add.f32 [hbm:s4], $0x80, s31, s11, $0xb8;
	[tilespmem:$0x14800] =	vst v63  }
0x91: {  	_ =	swait.ge [sflag:s17], $0x2800  }
0x92: {  	[sflag:s17] =	ssyncset.done $0x0  }
0x93: {  	s21 =	sadd.s32 $0x4200, s21;
	[sflag:s17] =	ssyncadd.s32 $0xFFFFD800  }
0x94: {  	[tilespmem:s16], [sflag:$0x1] =	stream.indirect.gather.add.f32 [hbm:s4], $0x80, s21, s11, $0xb8;
	[tilespmem:$0x14800] =	vst v63  }
0x95: {  	_ =	swait.ge [sflag:s17], $0x2800  }
0x96: {  	[sflag:s17] =	ssyncset.done $0x0  }
0x97: {  	[sflag:s17] =	ssyncadd.s32 $0xFFFFD800  }
0x98: {  	_ =	swait.ge [sflag:s17], $0x2800  }
0x99: {  	[sflag:s17] =	ssyncset.done $0x0  }
0x9a: {  	[sflag:s17] =	ssyncadd.s32 $0xFFFFD800  }
0x9b: {  	_ =	swait.ge [sflag:s17], $0x2800  }
0x9c: {  	[sflag:s17] =	ssyncset.done $0x0  }
0x9d: {  	[sflag:s17] =	ssyncadd.s32 $0xFFFFD800  }
0x9e: {  	_ =	swait.ge [sflag:s17], $0x2800  }
0x9f: {  	[sflag:s17] =	ssyncset.done $0x0  }
0xa0: {  	[sflag:s17] =	ssyncadd.s32 $0xFFFFD800  }
0xa1: {  	s19 =	sadd.s32 $0x1, s19;
	_ =	swait.ge [sflag:s17], $0x2800  }
0xa2: {  	p0 =	sne.s32 s19, s7;
	[sflag:s17] =	ssyncset.done $0x0  }
.Ltmp1:
0xa3: {  	[sflag:s17] =	ssyncadd.s32 $0xFFFFD800;
	(pc) =	sbr.rel @p0 .LBB2_1-.Ltmp1, $4  }
0xa4: {  	[hbm4b:s20+s1] =	stream.linear.scatter [tilespmem:s12], [sflag:$0x2], $0xC800, $0x38;
	[tilespmem:$0x14800] =	vst v63  }
0xa5: {  	_ =	swait.ge [sflag:s18], $0xC800  }
0xa6: {  	[sflag:s18] =	ssyncset.done $0x0  }
0xa7: {  	[sflag:s18] =	ssyncadd.s32 $0xFFFF3800  }
0xa8: {  	_ =	sfence.sel $0x180000  }
0xa9: {  	[bflag:$0x0] =	sbarrier.arrive $0xFFFF  }
0xaa: {  	p0 =	sne.s32 s2, $0x0;
	_ =	strace $0x9000004A  }
0xab: {  	s0 =	sadd.s32 @!p0 $0x100000, s0;
	[bflag:$0x2] =	sbarrier.arrive $0xFFFF  }
0xac: {  	[sflag:s0] =	ssyncadd.tile.s32 @!p0 $0x1;
	_ =	shalt  }
.Lfunc_end2:
_tile_overlayer_lowered:
.L_overlay_start_2:
0xad: {  	(tag) =	ssettag $0x2  }
0xae: {  	s0 =	rddreg [dreg:$0x0];
	s2 =	stileid.u32  }
0xaf: {  	s1 =	rddreg [dreg:$0x1];
	p0 =	sne.s32 s2, $0x0  }
0xb0: {  	s3 =	rddreg [dreg:$0x2];
	[bflag:$0x3] =	sbarrier.arrive $0xFFFF;
	s2 =	simm.s32 @!p0 $0x1C03  }
0xb1: {  	[timem:s3], [sflag:s2] =	dma.local @!p0 [hbm:s0], s1  }
0xb2: {  	s0 =	simm.s32 @!p0 $0x3  }
0xb3: {  	_ =	swait.ge @!p0 [sflag:s0], s1  }
0xb4: {  	s1 =	ssub.s32 @!p0 $0x0, s1;
	[sflag:s0] =	ssyncset.done @!p0 $0x0  }
0xb5: {  	[sflag:s0] =	ssyncadd.s32 @!p0 s1  }
0xb6: {  	[bflag:$0x3] =	sbarrier.arrive $0xFFFF  }
0xb7: {  	_ =	shalt  }

// kernel: kernel.21.cloned.1.call-start
scs
__scs_entry_jumppad:
0x0: {  	(pc) =	sbr.rel $0x88, $3  }
0x1: {  	(tag) =	ssettag $0x0;
	lr =	simm.s32 $0x1  }
0x2: {  	[smem:$0x3F80] =	sst lr;
	_ =	strace $0xD0000000  }
0x3: {  	_ = 	snop  }
0x4: {  	_ = 	snop  }
0x5: {  	_ = 	snop  }
0x6: {  	_ = 	snop  }
0x7: {  	_ = 	snop  }
__scs_overlays_trampoline_lowered:
0x8: {  	[smem:$0x3F8F] =	sst s0  }
0x9: {  	[smem:$0x3F90] =	sst s1  }
0xa: {  	[smem:$0x3F91] =	sst s2  }
0xb: {  	[smem:$0x3F92] =	sst s3  }
0xc: {  	[smem:$0x3F93] =	sst s4  }
0xd: {  	[smem:$0x3F94] =	sst s5  }
0xe: {  	[smem:$0x3F95] =	sst s6  }
0xf: {  	[smem:$0x3F96] =	sst s7  }
0x10: {  	[smem:$0x3F97] =	sst s8  }
0x11: {  	[smem:$0x3F98] =	sst s9;
	s0 =	simm.s32 @!p0 $0x0  }
0x12: {  	s1 =	sld [smem:$0x3F7E];
	s0 =	simm.s32 @p0 $0x1  }
0x13: {  	[smem:$0x3F99] =	sst s0;
	s0 =	simm.s32 @!p1 $0x0  }
0x14: {  	s2 =	sld [smem:$0x3F7D];
	s0 =	simm.s32 @p1 $0x1  }
0x15: {  	[smem:$0x3F9A] =	sst s0;
	s0 =	simm.s32 @!p2 $0x0  }
0x16: {  	s3 =	sld [smem:$0x3FDB];
	s0 =	simm.s32 @p2 $0x1  }
0x17: {  	s4 =	simm.s32 $0x1BF5;
	[smem:$0x3F9C] =	sst s0  }
0x18: {  	s0 =	sld [smem:$0x3F7F];
	_ =	swait.ge [sflag:s4], $0x0  }
0x19: {  	s7 =	sld [smem:$0x3F80]  }
0x1a: {  	s8 =	sadd.s32 $0xFFFFE003, lr  }
0x1b: {  	s9 =	sadd.s32 $0xFFFFFEF7, lr;
	s5 =	simm.s32 $0xFFFFFFFF;
	p2 =	slt.u32 s8, $0xFFFFF086  }
0x1c: {  	p1 =	slt.u32 s9, $0xF7A;
	s5 =	simm.s32 @!p2 $0x0  }
0x1d: {  	s5 =	simm.s32 @p1 $0x1;
	p0 =	seq.s32 s7, s2  }
0x1e: {  	s7 =	smul.u32 @!p0 $0xF7A, s2;
	p2 =	seq.s32 @!p0 s5, $0x0  }
0x1f: {  	s9 =	smul.u32 $0xF7A, s1;
	s8 =	simm.s32 @!p0 $0x1BF5;
	p2 =	por !p2, p0  }
0x20: {  	[sflag:s8] =	ssyncset.s32 @!p0 $0xFFFFF086;
	s6 =	sadd.s32 @!p0 s3, s7;
	s7 =	simm.s32 @!p0 $0x108  }
0x21: {  	s3 =	sadd.s32 s3, s9;
	s6 =	sadd.s32 @!p0 $0x88, s6;
	s7 =	simm.s32 @p2 $0x1082  }
0x22: {  	[simem:s7], [sflag:s8] =	dma.local @!p0 [hbm:s6], $0xF7A  }
0x23: {  	s9 =	sor.u32 $0xD0000000, s2;
	s6 =	simm.s32 $0x108;
	_ =	swait.ge @!p0 [sflag:s8], $0x0  }
0x24: {  	s3 =	sadd.s32 $0x88, s3;
	s6 =	simm.s32 @!p1 $0x1082;
	[sflag:s4] =	ssyncset.s32 $0xFFFFF086  }
0x25: {  	[simem:s6], [sflag:s4] =	dma.local [hbm:s3], $0xF7A  }
0x26: {  	[smem:$0x3F80] =	sst s1;
	(tag) =	ssettag s2;
	_ =	strace s9  }
0x27: {  	s1 =	sld [smem:$0x3F90]  }
0x28: {  	s2 =	sld [smem:$0x3F91]  }
0x29: {  	s4 =	sld [smem:$0x3F93]  }
0x2a: {  	p0 =	seq.s32 s5, $0x0;
	s5 =	sld [smem:$0x3F94]  }
0x2b: {  	s6 =	sld [smem:$0x3F95]  }
0x2c: {  	s7 =	sld [smem:$0x3F96]  }
0x2d: {  	s3 =	simm.s32 $0x108;
	s8 =	sld [smem:$0x3F97]  }
0x2e: {  	s3 =	simm.s32 @!p0 $0x1082;
	s9 =	sld [smem:$0x3F98]  }
0x2f: {  	lr =	sadd.s32 s0, s3;
	s0 =	sld [smem:$0x3F8F]  }
0x30: {  	s3 =	sld [smem:$0x3F92]  }
0x31: {  	[smem:$0x3F9B] =	sst s10  }
0x32: {  	s10 =	sld [smem:$0x3F99];
	_ =	sdelay $0x3  }
0x33: {  	p0 =	seq.s32 s10, $0x1;
	s10 =	sld [smem:$0x3F9B];
	_ =	sdelay $0x3  }
0x34: {  	[smem:$0x3F9B] =	sst s10  }
0x35: {  	s10 =	sld [smem:$0x3F9A];
	_ =	sdelay $0x3  }
0x36: {  	p1 =	seq.s32 s10, $0x1;
	s10 =	sld [smem:$0x3F9B];
	_ =	sdelay $0x3  }
0x37: {  	[smem:$0x3F9B] =	sst s10  }
0x38: {  	s10 =	sld [smem:$0x3F9C]  }
0x39: {  	_ = 	snop;
	(pc) =	sbr.ind lr, $3  }
0x3a: {  	_ = 	snop  }
0x3b: {  	_ = 	snop  }
0x3c: {  	p2 =	seq.s32 s10, $0x1;
	s10 =	sld [smem:$0x3F9B]  }
0x3d: {  	_ =	shalt  }
0x3e: {  	_ =	shalt  }
0x3f: {  	_ =	shalt  }
0x40: {  	_ =	shalt  }
0x41: {  	_ =	shalt  }
0x42: {  	_ =	shalt  }
0x43: {  	_ =	shalt  }
0x44: {  	_ =	shalt  }
0x45: {  	_ =	shalt  }
0x46: {  	_ =	shalt  }
0x47: {  	_ =	shalt  }
0x48: {  	_ =	shalt  }
0x49: {  	_ =	shalt  }
0x4a: {  	_ =	shalt  }
0x4b: {  	_ =	shalt  }
0x4c: {  	_ =	shalt  }
0x4d: {  	_ =	shalt  }
0x4e: {  	_ =	shalt  }
0x4f: {  	_ =	shalt  }
0x50: {  	_ =	shalt  }
0x51: {  	_ =	shalt  }
0x52: {  	_ =	shalt  }
0x53: {  	_ =	shalt  }
0x54: {  	_ =	shalt  }
0x55: {  	_ =	shalt  }
0x56: {  	_ =	shalt  }
0x57: {  	_ =	shalt  }
0x58: {  	_ =	shalt  }
0x59: {  	_ =	shalt  }
0x5a: {  	_ =	shalt  }
0x5b: {  	_ =	shalt  }
0x5c: {  	_ =	shalt  }
0x5d: {  	_ =	shalt  }
0x5e: {  	_ =	shalt  }
0x5f: {  	_ =	shalt  }
0x60: {  	_ =	shalt  }
0x61: {  	_ =	shalt  }
0x62: {  	_ =	shalt  }
0x63: {  	_ =	shalt  }
0x64: {  	_ =	shalt  }
0x65: {  	_ =	shalt  }
0x66: {  	_ =	shalt  }
0x67: {  	_ =	shalt  }
0x68: {  	_ =	shalt  }
0x69: {  	_ =	shalt  }
0x6a: {  	_ =	shalt  }
0x6b: {  	_ =	shalt  }
0x6c: {  	_ =	shalt  }
0x6d: {  	_ =	shalt  }
0x6e: {  	_ =	shalt  }
0x6f: {  	_ =	shalt  }
0x70: {  	_ =	shalt  }
0x71: {  	_ =	shalt  }
0x72: {  	_ =	shalt  }
0x73: {  	_ =	shalt  }
0x74: {  	_ =	shalt  }
0x75: {  	_ =	shalt  }
0x76: {  	_ =	shalt  }
0x77: {  	_ =	shalt  }
0x78: {  	_ =	shalt  }
0x79: {  	_ =	shalt  }
0x7a: {  	_ =	shalt  }
0x7b: {  	_ =	shalt  }
0x7c: {  	_ =	shalt  }
0x7d: {  	_ =	shalt  }
0x7e: {  	_ =	shalt  }
0x7f: {  	_ =	shalt  }
0x80: {  	_ =	shalt  }
0x81: {  	_ =	shalt  }
0x82: {  	_ =	shalt  }
0x83: {  	_ =	shalt  }
0x84: {  	_ =	shalt  }
0x85: {  	_ =	shalt  }
0x86: {  	_ =	shalt  }
0x87: {  	_ =	shalt  }
.Lfunc_end0:
.L_simem_size_0:
called_computation.2_lowered:
.L_overlay_start_0:
0x88: {  	s2 =	sld [smem:$0x3FD9]  }
0x89: {  	s3 =	sld [smem:$0x3FFE];
	_ =	sdelay $0x1  }
0x8a: {  	s1 =	srdreg.scid  }
0x8b: {  	s0 =	sand.u32 $0x1, s1  }
0x8c: {  	s16 =	sshll.u32 s0, $0xA;
	s2 =	sadd.s32 s3, s2  }
0x8d: {  	s2 =	sadd.s32 s2, s16  }
0x8e: {  	[smem:$0x3FA7] =	sst s2  }
0x8f: {  	_ = 	snop  }
0x90: {  	(tm) =	ssettm $0x1  }
0x91: {  	s17 =	sld [smem:$0x3FFB];
	_ =	sdelay $0x3  }
0x92: {  	_ =	strace s17  }
0x93: {  	s2 =	sld [smem:$0x3FFC];
	_ =	sdelay $0x3  }
0x94: {  	_ =	strace s2  }
0x95: {  	s2 =	sld [smem:$0x3FFD];
	_ =	sdelay $0x3  }
0x96: {  	_ =	strace s2  }
0x97: {  	_ =	strace $0x8FFFFFFF  }
0x98: {  	s18 =	sld [smem:$0x3FDB];
	_ =	sdelay $0x1  }
0x99: {  	s19 =	simm.s32 $_scs_section_size  }
0x9a: {  	s4 =	simm.s32 $_size__tile_overlayer_lowered;
	s5 =	simm.s32 $_tile_overlayer_lowered  }
0x9b: {  	s22 =	simm.s32 $0x1BFF;
	s21 =	sshll.u32 s5, $0x1;
	s2 =	sadd.s32 s19, s18  }
0x9c: {  	s6 =	simm.s32 $0x0;
	s20 =	sshll.u32 s4, $0x1;
	s4 =	sadd.s32 s21, s2  }
0x9d: {  	[timem:s6], [sflag:s22] =	dma.local [hbm:s4], s20  }
0x9e: {  	_ =	swait.ge [sflag:s22], s20  }
0x9f: {  	s3 =	ssub.s32 $0x0, s20;
	[sflag:s22] =	ssyncset.done $0x0  }
0xa0: {  	[sflag:s22] =	ssyncadd.s32 s3;
	_ =	sdelay $0x1  }
0xa1: {  	s23 =	simm.s32 $0x1B8B  }
0xa2: {  	_ =	swait.ge [sflag:s23], $0x1  }
0xa3: {  	[sflag:s23] =	ssyncset.done $0x0  }
0xa4: {  	s25 =	simm.s32 $0x1B8E;
	s24 =	sld [smem:$0x3FFE];
	[sflag:s23] =	ssyncadd.s32 $0xFFFFFFFF  }
0xa5: {  	s26 =	simm.s32 $execute0_lowered;
	[smem:$0x3FD2] =	sst s25  }
0xa6: {  	s4 =	sshll.u32 s26, $0x1;
	_ =	strace $0x8000004C;
	[dreg:$0x1] =	wrdreg $0xFFFFFFFF  }
0xa7: {  	s28 =	simm.s32 $_size_execute0_lowered;
	s2 =	sadd.s32 s2, s4;
	[dreg:$0x0] =	wrdreg $0x0  }
0xa8: {  	s4 =	sshll.u32 s28, $0x1;
	[dreg:$0x2] =	wrdreg s2  }
0xa9: {  	[dreg:$0x3] =	wrdreg s4  }
0xaa: {  	[dreg:$0x4] =	wrdreg $0xC0  }
0xab: {  	_ =	task [dreg:s6], $0x5FFFF  }
0xac: {  	[dreg:$0x1] =	wrdreg $0xFFFFFFFF  }
0xad: {  	[dreg:$0x0] =	wrdreg $0x60  }
0xae: {  	[dreg:$0x2] =	wrdreg s24  }
0xaf: {  	[dreg:$0x3] =	wrdreg $0xA6000  }
0xb0: {  	[dreg:$0x4] =	wrdreg $0x9  }
0xb1: {  	_ =	task.clear_ibuf [dreg:s6], $0x5FFFF;
	_ =	strace $0x9000004C  }
0xb2: {  	s29 =	simm.s32 $0x9;
	_ =	strace $0x8000004E  }
0xb3: {  	_ =	swait.ge [sflag:s29], $0x1  }
0xb4: {  	[sflag:s29] =	ssyncadd.s32 $0xFFFFFFFF  }
0xb5: {  	_ =	strace $0x9000004E  }
0xb6: {  	_ =	sfence  }
0xb7: {  	s30 =	sld [smem:$0x0];
	_ =	sdelay $0x2  }
0xb8: {  	s31 =	sshll.u32 s1, $0xD;
	s1 =	sshrl.u32 s1, $0x2  }
0xb9: {  	s3 =	sand.u32 $0x4000, s31;
	s1 =	sadd.s32 s1, s30  }
0xba: {  	s0 =	sor.u32 s3, s0;
	s1 =	sshll.u32 s1, $0x11  }
0xbb: {  	s0 =	sor.u32 s1, s0  }
0xbc: {  	s0 =	sadd.s32 $0x8F2B, s0  }
0xbd: {  	[sflag:s0] =	ssyncadd.remote.s32 $0x1  }
0xbe: {  	_ =	sfence.sel $0xFFFF  }
0xbf: {  	[dreg:$0x0] =	wrdreg $0xFFFFFFFF;
	(pc) =	sbr.abs _section_cstart, $3  }
0xc0: {  	[dreg:$0x1] =	wrdreg $0xFFFFFFFF  }
0xc1: {  	_ =	task.clear_ibuf [dreg:s6], $0x2FFFF;
	_ =	strace $0x9FFFFFFF  }
0xc2: {  	(tm) =	ssettm $0x7FFFFFFF  }
0xc3: {  	_ =	shalt  }
tec
execute0_lowered:
.L_overlay_start_1:
0x0: {  	(tag) =	ssettag $0x1  }
0x1: {  	s0 =	rddreg [dreg:$0x0]  }
0x2: {  	s1 =	rddreg [dreg:$0x1];
	s3 =	simm.s32 $0x0  }
0x3: {  	s2 =	srdreg.scid;
	s10 =	stileid.u32;
	s16 =	simm.s32 $0xA200  }
0x4: {  	s17 =	simm.s32 $0x5;
	s18 =	simm.s32 $0x100;
	s19 =	simm.s32 $0x5200  }
0x5: {  	s20 =	simm.s32 $0x80;
	s21 =	simm.s32 $0x180;
	s22 =	simm.s32 $0x7A00  }
0x6: {  	s23 =	simm.s32 $0x1;
	s28 =	simm.s32 $0x2;
	s29 =	simm.s32 $0x3  }
0x7: {  	s30 =	simm.s32 $0x4;
	s31 =	simm.s32 $0x6;
	[smem:$0x7FF] =	sst s3  }
0x8: {  	s2 =	sand.u32 $0x1, s2;
	s8 =	smul.u32 $0x13C00, s10;
	s4 =	sadd.s32 $0x6AA00, s0  }
0x9: {  	s5 =	sadd.s32 $0xEC2600, s0;
	s7 =	smul.u32 $0x13C000, s2;
	s6 =	sshll.u32 s2, $0x4  }
0xa: {  	_ =	strace $0x8000004D;
	s2 =	ssub.s32 $0x2, s2;
	s9 =	sor.u32 s10, s6  }
0xb: {  	s6 =	sadd.s32 $0x12800, s0;
	s10 =	smul.u32 $0x4F000, s10;
	s25 =	sshrl.u32 s2, $0x1  }
0xc: {  	s8 =	sadd.s32 s8, s7;
	s7 =	smul.u32 $0x2710, s9;
	s2 =	ssub.s32 s2, s25  }
0xd: {  	s25 =	simm.s32 $0x200;
	s24 =	sshrl.u32 s8, $0x3;
	s8 =	sadd.s32 $0x8A00, s0  }
0xe: {  	s26 =	sshrl.u32 s10, $0x2;
	s0 =	sadd.s32 s24, s0;
	s11 =	sadd.s32 $0x26C0, s7  }
0xf: {  	s15 =	smax.u32 s2, $0x1;
	s12 =	sshrl.u32 s11, $0x3;
	s0 =	sadd.s32 $0xA2800, s0  }
0x10: {  	s9 =	sadd.s32 s26, s1;
	s13 =	sadd.s32 s6, s12;
	[dreg:$0x6] =	wrdreg s0  }
0x11: {  	s11 =	sshll.u32 s11, $0x4;
	s12 =	sadd.s32 s8, s12;
	[dreg:$0x3] =	wrdreg s13  }
0x12: {  	s10 =	sadd.s32 $0x50, s7;
	s11 =	sadd.s32 s5, s11;
	[dreg:$0x4] =	wrdreg s12  }
0x13: {  	v0 =	vimm.f32 $0.0e+00;
	s24 =	simm.s32 $0x50;
	s26 =	simm.s32 $0x2A00;
	[dreg:$0x5] =	wrdreg s11  }
.LBB2_1:
0x14: {  	[tilespmem:$0xA200] =	vst v0  }
0x15: {  	[tilespmem:$0xA210] =	vst v0  }
0x16: {  	[tilespmem:$0xA220] =	vst v0  }
0x17: {  	[tilespmem:$0xA230] =	vst v0  }
0x18: {  	[tilespmem:$0xA240] =	vst v0  }
0x19: {  	[tilespmem:$0xA250] =	vst v0  }
0x1a: {  	[tilespmem:$0xA260] =	vst v0  }
0x1b: {  	[tilespmem:$0xA270] =	vst v0  }
0x1c: {  	[tilespmem:$0xA280] =	vst v0  }
0x1d: {  	[tilespmem:$0xA290] =	vst v0  }
0x1e: {  	[tilespmem:$0xA2A0] =	vst v0  }
0x1f: {  	[tilespmem:$0xA2B0] =	vst v0  }
0x20: {  	[tilespmem:$0xA2C0] =	vst v0  }
0x21: {  	[tilespmem:$0xA2D0] =	vst v0  }
0x22: {  	[tilespmem:$0xA2E0] =	vst v0  }
0x23: {  	[tilespmem:$0xA2F0] =	vst v0  }
0x24: {  	[tilespmem:$0xA300] =	vst v0  }
0x25: {  	[tilespmem:$0xA310] =	vst v0  }
0x26: {  	[tilespmem:$0xA320] =	vst v0  }
0x27: {  	[tilespmem:$0xA330] =	vst v0  }
0x28: {  	[tilespmem:$0xA340] =	vst v0  }
0x29: {  	[tilespmem:$0xA350] =	vst v0  }
0x2a: {  	[tilespmem:$0xA360] =	vst v0  }
0x2b: {  	[tilespmem:$0xA370] =	vst v0  }
0x2c: {  	[tilespmem:$0xA380] =	vst v0  }
0x2d: {  	[tilespmem:$0xA390] =	vst v0  }
0x2e: {  	[tilespmem:$0xA3A0] =	vst v0  }
0x2f: {  	[tilespmem:$0xA3B0] =	vst v0  }
0x30: {  	[tilespmem:$0xA3C0] =	vst v0  }
0x31: {  	[tilespmem:$0xA3D0] =	vst v0  }
0x32: {  	[tilespmem:$0xA3E0] =	vst v0  }
0x33: {  	[tilespmem:$0xA3F0] =	vst v0  }
0x34: {  	[tilespmem:$0xA400] =	vst v0  }
0x35: {  	[tilespmem:$0xA410] =	vst v0  }
0x36: {  	[tilespmem:$0xA420] =	vst v0  }
0x37: {  	[tilespmem:$0xA430] =	vst v0  }
0x38: {  	[tilespmem:$0xA440] =	vst v0  }
0x39: {  	[tilespmem:$0xA450] =	vst v0  }
0x3a: {  	[tilespmem:$0xA460] =	vst v0  }
0x3b: {  	[tilespmem:$0xA470] =	vst v0  }
0x3c: {  	[tilespmem:$0xA480] =	vst v0  }
0x3d: {  	[tilespmem:$0xA490] =	vst v0  }
0x3e: {  	[tilespmem:$0xA4A0] =	vst v0  }
0x3f: {  	[tilespmem:$0xA4B0] =	vst v0  }
0x40: {  	[tilespmem:$0xA4C0] =	vst v0  }
0x41: {  	[tilespmem:$0xA4D0] =	vst v0  }
0x42: {  	[tilespmem:$0xA4E0] =	vst v0  }
0x43: {  	[tilespmem:$0xA4F0] =	vst v0  }
0x44: {  	[tilespmem:$0xA500] =	vst v0  }
0x45: {  	[tilespmem:$0xA510] =	vst v0  }
0x46: {  	[tilespmem:$0xA520] =	vst v0  }
0x47: {  	[tilespmem:$0xA530] =	vst v0  }
0x48: {  	[tilespmem:$0xA540] =	vst v0  }
0x49: {  	[tilespmem:$0xA550] =	vst v0  }
0x4a: {  	[tilespmem:$0xA560] =	vst v0  }
0x4b: {  	[tilespmem:$0xA570] =	vst v0  }
0x4c: {  	[tilespmem:$0xA580] =	vst v0  }
0x4d: {  	[tilespmem:$0xA590] =	vst v0  }
0x4e: {  	[tilespmem:$0xA5A0] =	vst v0  }
0x4f: {  	[tilespmem:$0xA5B0] =	vst v0  }
0x50: {  	[tilespmem:$0xA5C0] =	vst v0  }
0x51: {  	[tilespmem:$0xA5D0] =	vst v0  }
0x52: {  	[tilespmem:$0xA5E0] =	vst v0  }
0x53: {  	[tilespmem:$0xA5F0] =	vst v0;
	s0 =	simm.s32 $0x0  }
.LBB2_2:
0x54: {  	p0 =	sne.s32 s0, $0x4E000  }
.Ltmp0:
0x55: {  	_ = 	snop;
	(pc) =	sbr.rel @p0 .LBB2_2-.Ltmp0, $4  }
0x56: {  	_ = 	snop  }
0x57: {  	s2 =	sshra.s32 s0, $0x2  }
0x58: {  	s0 =	sadd.s32 $0x1000, s0;
	s2 =	sadd.s32 s2, s9  }
0x59: {  	[spmem:s2] =	stream.linear.scatter [tilespmem:s16], [sflag:$0x5], $0x400, $0x38;
	[tilespmem:$0x1E200] =	vst v63  }
0x5a: {  	_ =	swait.ge [sflag:s17], $0x400  }
0x5b: {  	s0 =	simm.s32 $0x4E;
	[sflag:s17] =	ssyncset.done $0x0  }
.LBB2_4:
0x5c: {  	p0 =	sne.s32 s0, $0x1;
	s0 =	sadd.s32 $0xFFFFFFFF, s0;
	[sflag:s17] =	ssyncadd.s32 $0xFFFFFC00  }
.Ltmp1:
0x5d: {  	(pc) =	sbr.rel @p0 .LBB2_4-.Ltmp1, $3  }
0x5e: {  	_ =	sdelay $0x1  }
0x5f: {  	_ =	swait.ge [sflag:s17], $0x400  }
0x60: {  	[sflag:s17] =	ssyncset.done $0x0  }
0x61: {  	[sflag:s17] =	ssyncadd.s32 $0xFFFFFC00  }
0x62: {  	s0 =	simm.s32 $0x0;
	s2 =	simm.s32 $0x0;
	[bflag:$0x0] =	sbarrier.arrive $0xFFFF  }
.LBB2_6:
0x63: {  	s11 =	smul.u32 $0xA0, s2;
	_ =	sdelay $0x1  }
0x64: {  	s12 =	sadd.s32 s7, s11  }
0x65: {  	s13 =	sshrl.u32 s12, $0x3  }
0x66: {  	s14 =	sadd.s32 s6, s13  }
0x67: {  	[tilespmem:s0], [sflag:$0x1] =	stream.linear.gather [hbm4b:s14+s0], $0x50, $0x38;
	[tilespmem:$0x1E200] =	vst v63  }
0x68: {  	s12 =	sshll.u32 s12, $0x4;
	s13 =	sadd.s32 s8, s13  }
0x69: {  	[tilespmem:s18], [sflag:$0x1] =	stream.linear.gather [hbm4b:s13+s0], $0x50, $0x38;
	[tilespmem:$0x1E200] =	vst v63  }
0x6a: {  	s11 =	sadd.s32 s11, s10;
	s12 =	sadd.s32 s5, s12  }
0x6b: {  	[tilespmem:s19], [sflag:$0x3] =	stream.linear.gather [hbm4b:s12+s0], $0x2800, $0x38;
	[tilespmem:$0x1E200] =	vst v63  }
0x6c: {  	s12 =	sshrl.u32 s11, $0x3  }
0x6d: {  	s14 =	sadd.s32 s6, s12  }
0x6e: {  	[tilespmem:s20], [sflag:$0x1] =	stream.linear.gather [hbm4b:s14+s0], $0x50, $0x38;
	[tilespmem:$0x1E200] =	vst v63  }
0x6f: {  	s11 =	sshll.u32 s11, $0x4;
	s12 =	sadd.s32 s8, s12  }
0x70: {  	[tilespmem:s21], [sflag:$0x1] =	stream.linear.gather [hbm4b:s12+s0], $0x50, $0x38;
	[tilespmem:$0x1E200] =	vst v63  }
0x71: {  	s11 =	sadd.s32 s5, s11  }
0x72: {  	[tilespmem:s22], [sflag:$0x3] =	stream.linear.gather [hbm4b:s11+s0], $0x2800, $0x38;
	[tilespmem:$0x1E200] =	vst v63  }
0x73: {  	_ =	swait.ge [sflag:s23], $0x50  }
0x74: {  	[sflag:s23] =	ssyncset.done $0x0  }
0x75: {  	[sflag:s23] =	ssyncadd.s32 $0xFFFFFFB0  }
0x76: {  	_ =	swait.ge [sflag:s23], $0x50  }
0x77: {  	[sflag:s23] =	ssyncset.done $0x0  }
0x78: {  	[sflag:s23] =	ssyncadd.s32 $0xFFFFFFB0  }
0x79: {  	[tilespmem:s25], [sflag:$0x2] =	stream.indirect.gather [hbm4b:s4+s24], $0x80, s0, s24, $0xb8;
	[tilespmem:$0x1E200] =	vst v63  }
0x7a: {  	_ =	swait.ge [sflag:s23], $0x50  }
0x7b: {  	[sflag:s23] =	ssyncset.done $0x0  }
0x7c: {  	[sflag:s23] =	ssyncadd.s32 $0xFFFFFFB0  }
0x7d: {  	_ =	swait.ge [sflag:s23], $0x50  }
0x7e: {  	[sflag:s23] =	ssyncset.done $0x0  }
0x7f: {  	[sflag:s23] =	ssyncadd.s32 $0xFFFFFFB0  }
0x80: {  	[tilespmem:s26], [sflag:$0x2] =	stream.indirect.gather [hbm4b:s4+s24], $0x80, s20, s24, $0xb8;
	[tilespmem:$0x1E200] =	vst v63  }
0x81: {  	_ =	swait.ge [sflag:s28], $0x2800  }
0x82: {  	[sflag:s28] =	ssyncset.done $0x0  }
0x83: {  	[sflag:s28] =	ssyncadd.s32 $0xFFFFD800  }
0x84: {  	_ =	swait.ge [sflag:s29], $0x2800  }
0x85: {  	[sflag:s29] =	ssyncset.done $0x0  }
0x86: {  	s11 =	simm.s32 $0x0;
	[sflag:s29] =	ssyncadd.s32 $0xFFFFD800  }
0x87: {  	v4 =	vld [tilespmem:s11+$0x5200]  }
0x88: {  	v5 =	vld [tilespmem:s11+$0x5210]  }
0x89: {  	v3 =	vld [tilespmem:s11+$0x5220]  }
0x8a: {  	v2 =	vld [tilespmem:s11+$0x5230]  }
0x8b: {  	v1 =	vld [tilespmem:s11+$0x5240]  }
0x8c: {  	v7 =	vld [tilespmem:s11+$0x200]  }
0x8d: {  	v9 =	vld [tilespmem:s11+$0x210]  }
0x8e: {  	v8 =	vld [tilespmem:s11+$0x220]  }
0x8f: {  	s12 =	simm.s32 $0x200;
	v6 =	vld [tilespmem:s11+$0x230]  }
.LBB2_7:
0x90: {  	s13 =	sshra.s32 s12, $0x2;
	p0 =	sne.s32 s12, $0x9E00;
	v10 =	vld [tilespmem:s11+$0x240]  }
0x91: {  	v7 =	vadd.f32 v4, v7;
	v4 =	vld [tilespmem:s13+$0x5200]  }
0x92: {  	v9 =	vadd.f32 v5, v9;
	v5 =	vld [tilespmem:s13+$0x5210]  }
0x93: {  	v7 =	vmax.f32 v7, $0.0e+00;
	v8 =	vadd.f32 v3, v8;
	v3 =	vld [tilespmem:s13+$0x5220]  }
0x94: {  	[tilespmem:s11+$0x200] =	vst v7;
	v7 =	vmax.f32 v9, $0.0e+00;
	v6 =	vadd.f32 v2, v6;
	v2 =	vld [tilespmem:s13+$0x5230]  }
.Ltmp2:
0x95: {  	[tilespmem:s11+$0x210] =	vst v7;
	v8 =	vmax.f32 v8, $0.0e+00;
	v10 =	vadd.f32 v1, v10;
	v1 =	vld [tilespmem:s13+$0x5240];
	(pc) =	sbr.rel @p0 .LBB2_7-.Ltmp2, $4  }
0x96: {  	v7 =	vld [tilespmem:s13+$0x200];
	[tilespmem:s11+$0x220] =	vst v8;
	v6 =	vmax.f32 v6, $0.0e+00  }
0x97: {  	v9 =	vld [tilespmem:s13+$0x210];
	[tilespmem:s11+$0x230] =	vst v6;
	v6 =	vmax.f32 v10, $0.0e+00  }
0x98: {  	v8 =	vld [tilespmem:s13+$0x220];
	[tilespmem:s11+$0x240] =	vst v6;
	s11 =	smov.u32 s13  }
0x99: {  	s12 =	sadd.s32 $0x200, s12;
	v6 =	vld [tilespmem:s11+$0x230]  }
0x9a: {  	v10 =	vld [tilespmem:s11+$0x240]  }
0x9b: {  	v4 =	vadd.f32 v4, v7  }
0x9c: {  	v5 =	vadd.f32 v5, v9  }
0x9d: {  	v4 =	vmax.f32 v4, $0.0e+00;
	v3 =	vadd.f32 v3, v8  }
0x9e: {  	[tilespmem:s11+$0x200] =	vst v4;
	v4 =	vmax.f32 v5, $0.0e+00;
	v2 =	vadd.f32 v2, v6  }
0x9f: {  	[tilespmem:s11+$0x210] =	vst v4;
	v3 =	vmax.f32 v3, $0.0e+00;
	v1 =	vadd.f32 v1, v10  }
0xa0: {  	[tilespmem:s11+$0x220] =	vst v3;
	v2 =	vmax.f32 v2, $0.0e+00  }
0xa1: {  	[tilespmem:s11+$0x230] =	vst v2;
	v1 =	vmax.f32 v1, $0.0e+00  }
0xa2: {  	[tilespmem:s11+$0x240] =	vst v1  }
0xa3: {  	[spmem:s1] =	stream.indirect.scatter.add.f32 [tilespmem:s25], [sflag:$0x4], $0x80, s18, s24, $0xb8;
	[tilespmem:$0x1E200] =	vst v63  }
0xa4: {  	_ =	swait.ge [sflag:s28], $0x2800  }
0xa5: {  	[sflag:s28] =	ssyncset.done $0x0  }
0xa6: {  	[sflag:s28] =	ssyncadd.s32 $0xFFFFD800  }
0xa7: {  	_ =	swait.ge [sflag:s29], $0x2800  }
0xa8: {  	[sflag:s29] =	ssyncset.done $0x0  }
0xa9: {  	s11 =	simm.s32 $0x0;
	[sflag:s29] =	ssyncadd.s32 $0xFFFFD800  }
0xaa: {  	v4 =	vld [tilespmem:s11+$0x7A00]  }
0xab: {  	v5 =	vld [tilespmem:s11+$0x7A10]  }
0xac: {  	v3 =	vld [tilespmem:s11+$0x7A20]  }
0xad: {  	v2 =	vld [tilespmem:s11+$0x7A30]  }
0xae: {  	v1 =	vld [tilespmem:s11+$0x7A40]  }
0xaf: {  	v7 =	vld [tilespmem:s11+$0x2A00]  }
0xb0: {  	v9 =	vld [tilespmem:s11+$0x2A10]  }
0xb1: {  	v8 =	vld [tilespmem:s11+$0x2A20]  }
0xb2: {  	s12 =	simm.s32 $0x200;
	v6 =	vld [tilespmem:s11+$0x2A30]  }
.LBB2_9:
0xb3: {  	s13 =	sshra.s32 s12, $0x2;
	p0 =	sne.s32 s12, $0x9E00;
	v10 =	vld [tilespmem:s11+$0x2A40]  }
0xb4: {  	v7 =	vadd.f32 v4, v7;
	v4 =	vld [tilespmem:s13+$0x7A00]  }
0xb5: {  	v9 =	vadd.f32 v5, v9;
	v5 =	vld [tilespmem:s13+$0x7A10]  }
0xb6: {  	v7 =	vmax.f32 v7, $0.0e+00;
	v8 =	vadd.f32 v3, v8;
	v3 =	vld [tilespmem:s13+$0x7A20]  }
0xb7: {  	[tilespmem:s11+$0x2A00] =	vst v7;
	v7 =	vmax.f32 v9, $0.0e+00;
	v6 =	vadd.f32 v2, v6;
	v2 =	vld [tilespmem:s13+$0x7A30]  }
.Ltmp3:
0xb8: {  	[tilespmem:s11+$0x2A10] =	vst v7;
	v8 =	vmax.f32 v8, $0.0e+00;
	v10 =	vadd.f32 v1, v10;
	v1 =	vld [tilespmem:s13+$0x7A40];
	(pc) =	sbr.rel @p0 .LBB2_9-.Ltmp3, $4  }
0xb9: {  	v7 =	vld [tilespmem:s13+$0x2A00];
	[tilespmem:s11+$0x2A20] =	vst v8;
	v6 =	vmax.f32 v6, $0.0e+00  }
0xba: {  	v9 =	vld [tilespmem:s13+$0x2A10];
	[tilespmem:s11+$0x2A30] =	vst v6;
	v6 =	vmax.f32 v10, $0.0e+00  }
0xbb: {  	v8 =	vld [tilespmem:s13+$0x2A20];
	[tilespmem:s11+$0x2A40] =	vst v6;
	s11 =	smov.u32 s13  }
0xbc: {  	s12 =	sadd.s32 $0x200, s12;
	v6 =	vld [tilespmem:s11+$0x2A30]  }
0xbd: {  	v10 =	vld [tilespmem:s11+$0x2A40]  }
0xbe: {  	v4 =	vadd.f32 v4, v7  }
0xbf: {  	v5 =	vadd.f32 v5, v9  }
0xc0: {  	v4 =	vmax.f32 v4, $0.0e+00;
	v3 =	vadd.f32 v3, v8  }
0xc1: {  	[tilespmem:s11+$0x2A00] =	vst v4;
	v63 =	vmax.f32 v5, $0.0e+00;
	v2 =	vadd.f32 v2, v6  }
0xc2: {  	[tilespmem:s11+$0x2A10] =	vst v63;
	v3 =	vmax.f32 v3, $0.0e+00;
	v1 =	vadd.f32 v1, v10  }
0xc3: {  	[tilespmem:s11+$0x2A20] =	vst v3;
	v2 =	vmax.f32 v2, $0.0e+00  }
0xc4: {  	[tilespmem:s11+$0x2A30] =	vst v2;
	v1 =	vmax.f32 v1, $0.0e+00  }
0xc5: {  	s2 =	sadd.s32 $0x1, s2;
	[tilespmem:s11+$0x2A40] =	vst v1  }
0xc6: {  	[spmem:s1] =	stream.indirect.scatter.add.f32 [tilespmem:s26], [sflag:$0x4], $0x80, s21, s24, $0xb8;
	[tilespmem:$0x1E200] =	vst v63  }
0xc7: {  	p0 =	sne.s32 s2, $0x3E;
	_ =	swait.ge [sflag:s30], $0x2800  }
.Ltmp4:
0xc8: {  	[sflag:s30] =	ssyncset.done $0x0;
	(pc) =	sbr.rel @p0 .LBB2_6-.Ltmp4, $4  }
0xc9: {  	[sflag:s30] =	ssyncadd.s32 $0xFFFFD800  }
0xca: {  	_ =	swait.ge [sflag:s30], $0x2800  }
0xcb: {  	[sflag:s30] =	ssyncset.done $0x0  }
0xcc: {  	[sflag:s30] =	ssyncadd.s32 $0xFFFFD800  }
0xcd: {  	s0 =	simm.s32 $0x0;
	s2 =	rddreg [dreg:$0x3]  }
0xce: {  	[tilespmem:s0], [sflag:$0x1] =	stream.linear.gather [hbm4b:s2+s0], $0x50, $0x38;
	[tilespmem:$0x1E200] =	vst v63  }
0xcf: {  	s13 =	rddreg [dreg:$0x4]  }
0xd0: {  	[tilespmem:s18], [sflag:$0x1] =	stream.linear.gather [hbm4b:s13+s0], $0x50, $0x38;
	[tilespmem:$0x1E200] =	vst v63  }
0xd1: {  	s14 =	rddreg [dreg:$0x5]  }
0xd2: {  	[tilespmem:s19], [sflag:$0x3] =	stream.linear.gather [hbm4b:s14+s0], $0x2800, $0x38;
	[tilespmem:$0x1E200] =	vst v63  }
0xd3: {  	_ =	swait.ge [sflag:s23], $0x50  }
0xd4: {  	[sflag:s23] =	ssyncset.done $0x0  }
0xd5: {  	[sflag:s23] =	ssyncadd.s32 $0xFFFFFFB0  }
0xd6: {  	_ =	swait.ge [sflag:s23], $0x50  }
0xd7: {  	[sflag:s23] =	ssyncset.done $0x0  }
0xd8: {  	[sflag:s23] =	ssyncadd.s32 $0xFFFFFFB0  }
0xd9: {  	[tilespmem:s25], [sflag:$0x2] =	stream.indirect.gather [hbm4b:s4+s24], $0x80, s0, s24, $0xb8;
	[tilespmem:$0x1E200] =	vst v63  }
0xda: {  	_ =	swait.ge [sflag:s28], $0x2800  }
0xdb: {  	[sflag:s28] =	ssyncset.done $0x0  }
0xdc: {  	[sflag:s28] =	ssyncadd.s32 $0xFFFFD800  }
0xdd: {  	_ =	swait.ge [sflag:s29], $0x2800  }
0xde: {  	[sflag:s29] =	ssyncset.done $0x0  }
0xdf: {  	s0 =	simm.s32 $0x0;
	[sflag:s29] =	ssyncadd.s32 $0xFFFFD800  }
0xe0: {  	v4 =	vld [tilespmem:s0+$0x5200]  }
0xe1: {  	v5 =	vld [tilespmem:s0+$0x5210]  }
0xe2: {  	v3 =	vld [tilespmem:s0+$0x5220]  }
0xe3: {  	v2 =	vld [tilespmem:s0+$0x5230]  }
0xe4: {  	v1 =	vld [tilespmem:s0+$0x5240]  }
0xe5: {  	v7 =	vld [tilespmem:s0+$0x200]  }
0xe6: {  	v9 =	vld [tilespmem:s0+$0x210]  }
0xe7: {  	v8 =	vld [tilespmem:s0+$0x220]  }
0xe8: {  	s2 =	simm.s32 $0x200;
	v6 =	vld [tilespmem:s0+$0x230]  }
.LBB2_12:
0xe9: {  	s11 =	sshra.s32 s2, $0x2;
	p0 =	sne.s32 s2, $0x9E00;
	v10 =	vld [tilespmem:s0+$0x240]  }
0xea: {  	v7 =	vadd.f32 v4, v7;
	v4 =	vld [tilespmem:s11+$0x5200]  }
0xeb: {  	v9 =	vadd.f32 v5, v9;
	v5 =	vld [tilespmem:s11+$0x5210]  }
0xec: {  	v7 =	vmax.f32 v7, $0.0e+00;
	v8 =	vadd.f32 v3, v8;
	v3 =	vld [tilespmem:s11+$0x5220]  }
0xed: {  	[tilespmem:s0+$0x200] =	vst v7;
	v7 =	vmax.f32 v9, $0.0e+00;
	v6 =	vadd.f32 v2, v6;
	v2 =	vld [tilespmem:s11+$0x5230]  }
.Ltmp5:
0xee: {  	[tilespmem:s0+$0x210] =	vst v7;
	v8 =	vmax.f32 v8, $0.0e+00;
	v10 =	vadd.f32 v1, v10;
	v1 =	vld [tilespmem:s11+$0x5240];
	(pc) =	sbr.rel @p0 .LBB2_12-.Ltmp5, $4  }
0xef: {  	v7 =	vld [tilespmem:s11+$0x200];
	[tilespmem:s0+$0x220] =	vst v8;
	v6 =	vmax.f32 v6, $0.0e+00  }
0xf0: {  	v9 =	vld [tilespmem:s11+$0x210];
	[tilespmem:s0+$0x230] =	vst v6;
	v6 =	vmax.f32 v10, $0.0e+00  }
0xf1: {  	v8 =	vld [tilespmem:s11+$0x220];
	[tilespmem:s0+$0x240] =	vst v6;
	s0 =	smov.u32 s11  }
0xf2: {  	s2 =	sadd.s32 $0x200, s2;
	v6 =	vld [tilespmem:s0+$0x230]  }
0xf3: {  	v10 =	vld [tilespmem:s0+$0x240]  }
0xf4: {  	v4 =	vadd.f32 v4, v7  }
0xf5: {  	v5 =	vadd.f32 v5, v9  }
0xf6: {  	v4 =	vmax.f32 v4, $0.0e+00;
	v3 =	vadd.f32 v3, v8  }
0xf7: {  	[tilespmem:s0+$0x200] =	vst v4;
	v63 =	vmax.f32 v5, $0.0e+00;
	v2 =	vadd.f32 v2, v6  }
0xf8: {  	[tilespmem:s0+$0x210] =	vst v63;
	v3 =	vmax.f32 v3, $0.0e+00;
	v1 =	vadd.f32 v1, v10  }
0xf9: {  	[tilespmem:s0+$0x220] =	vst v3;
	v2 =	vmax.f32 v2, $0.0e+00  }
0xfa: {  	[tilespmem:s0+$0x230] =	vst v2;
	v1 =	vmax.f32 v1, $0.0e+00  }
0xfb: {  	[tilespmem:s0+$0x240] =	vst v1  }
0xfc: {  	[spmem:s1] =	stream.indirect.scatter.add.f32 [tilespmem:s25], [sflag:$0x4], $0x80, s18, s24, $0xb8;
	[tilespmem:$0x1E200] =	vst v63  }
0xfd: {  	_ =	swait.ge [sflag:s30], $0x2800  }
0xfe: {  	s14 =	stileid.u32;
	[sflag:s30] =	ssyncset.done $0x0  }
0xff: {  	s2 =	sshrl.u32 s9, $0x3;
	s3 =	sadd.s32 $0x1, s3;
	[sflag:s30] =	ssyncadd.s32 $0xFFFFD800  }
0x100: {  	p0 =	sne.s32 s3, s15;
	s0 =	sshll.u32 s14, $0x6;
	[bflag:$0x0] =	sbarrier.arrive $0xFFFF  }
.Ltmp6:
0x101: {  	s0 =	sor.u32 $0x1C06, s0;
	s11 =	rddreg [dreg:$0x6];
	(pc) =	sbr.rel @p0 .LBB2_1-.Ltmp6, $4  }
0x102: {  	[hbm:s11], [sflag:s0] =	dma.local [spmem:s2], $0x2780  }
0x103: {  	_ =	swait.ge [sflag:s31], $0x2780  }
0x104: {  	[sflag:s31] =	ssyncset.done $0x0  }
0x105: {  	[sflag:s31] =	ssyncadd.s32 $0xFFFFD880  }
0x106: {  	_ =	sfence.sel $0x180000  }
0x107: {  	[bflag:$0x0] =	sbarrier.arrive $0xFFFF  }
0x108: {  	_ =	strace $0x9000004D  }
0x109: {  	s0 =	stileid.u32;
	[bflag:$0x2] =	sbarrier.arrive $0xFFFF  }
0x10a: {  	p0 =	sne.s32 s0, $0x0;
	s0 =	rddreg [dreg:$0x2]  }
0x10b: {  	s0 =	sadd.s32 @!p0 $0x100000, s0  }
0x10c: {  	[sflag:s0] =	ssyncadd.tile.s32 @!p0 $0x1;
	_ =	shalt  }
.Lfunc_end2:
_tile_overlayer_lowered:
.L_overlay_start_2:
0x10d: {  	(tag) =	ssettag $0x2  }
0x10e: {  	s0 =	rddreg [dreg:$0x0];
	s2 =	stileid.u32  }
0x10f: {  	s1 =	rddreg [dreg:$0x1];
	p0 =	sne.s32 s2, $0x0  }
0x110: {  	s3 =	rddreg [dreg:$0x2];
	[bflag:$0x3] =	sbarrier.arrive $0xFFFF;
	s2 =	simm.s32 @!p0 $0x1C06  }
0x111: {  	[timem:s3], [sflag:s2] =	dma.local @!p0 [hbm:s0], s1  }
0x112: {  	s0 =	simm.s32 @!p0 $0x6  }
0x113: {  	_ =	swait.ge @!p0 [sflag:s0], s1  }
0x114: {  	s1 =	ssub.s32 @!p0 $0x0, s1;
	[sflag:s0] =	ssyncset.done @!p0 $0x0  }
0x115: {  	[sflag:s0] =	ssyncadd.s32 @!p0 s1  }
0x116: {  	[bflag:$0x3] =	sbarrier.arrive $0xFFFF  }
0x117: {  	_ =	shalt  }

// kernel: kernel.24.cloned.1.call-start
scs
__scs_entry_jumppad:
0x0: {  	(pc) =	sbr.rel $0x88, $3  }
0x1: {  	(tag) =	ssettag $0x0;
	lr =	simm.s32 $0x1  }
0x2: {  	[smem:$0x3F80] =	sst lr;
	_ =	strace $0xD0000000  }
0x3: {  	_ = 	snop  }
0x4: {  	_ = 	snop  }
0x5: {  	_ = 	snop  }
0x6: {  	_ = 	snop  }
0x7: {  	_ = 	snop  }
__scs_overlays_trampoline_lowered:
0x8: {  	[smem:$0x3F8F] =	sst s0  }
0x9: {  	[smem:$0x3F90] =	sst s1  }
0xa: {  	[smem:$0x3F91] =	sst s2  }
0xb: {  	[smem:$0x3F92] =	sst s3  }
0xc: {  	[smem:$0x3F93] =	sst s4  }
0xd: {  	[smem:$0x3F94] =	sst s5  }
0xe: {  	[smem:$0x3F95] =	sst s6  }
0xf: {  	[smem:$0x3F96] =	sst s7  }
0x10: {  	[smem:$0x3F97] =	sst s8  }
0x11: {  	[smem:$0x3F98] =	sst s9;
	s0 =	simm.s32 @!p0 $0x0  }
0x12: {  	s1 =	sld [smem:$0x3F7E];
	s0 =	simm.s32 @p0 $0x1  }
0x13: {  	[smem:$0x3F99] =	sst s0;
	s0 =	simm.s32 @!p1 $0x0  }
0x14: {  	s2 =	sld [smem:$0x3F7D];
	s0 =	simm.s32 @p1 $0x1  }
0x15: {  	[smem:$0x3F9A] =	sst s0;
	s0 =	simm.s32 @!p2 $0x0  }
0x16: {  	s3 =	sld [smem:$0x3FDB];
	s0 =	simm.s32 @p2 $0x1  }
0x17: {  	s4 =	simm.s32 $0x1BF5;
	[smem:$0x3F9C] =	sst s0  }
0x18: {  	s0 =	sld [smem:$0x3F7F];
	_ =	swait.ge [sflag:s4], $0x0  }
0x19: {  	s7 =	sld [smem:$0x3F80]  }
0x1a: {  	s8 =	sadd.s32 $0xFFFFE003, lr  }
0x1b: {  	s9 =	sadd.s32 $0xFFFFFEF7, lr;
	s5 =	simm.s32 $0xFFFFFFFF;
	p2 =	slt.u32 s8, $0xFFFFF086  }
0x1c: {  	p1 =	slt.u32 s9, $0xF7A;
	s5 =	simm.s32 @!p2 $0x0  }
0x1d: {  	s5 =	simm.s32 @p1 $0x1;
	p0 =	seq.s32 s7, s2  }
0x1e: {  	s7 =	smul.u32 @!p0 $0xF7A, s2;
	p2 =	seq.s32 @!p0 s5, $0x0  }
0x1f: {  	s9 =	smul.u32 $0xF7A, s1;
	s8 =	simm.s32 @!p0 $0x1BF5;
	p2 =	por !p2, p0  }
0x20: {  	[sflag:s8] =	ssyncset.s32 @!p0 $0xFFFFF086;
	s6 =	sadd.s32 @!p0 s3, s7;
	s7 =	simm.s32 @!p0 $0x108  }
0x21: {  	s3 =	sadd.s32 s3, s9;
	s6 =	sadd.s32 @!p0 $0x88, s6;
	s7 =	simm.s32 @p2 $0x1082  }
0x22: {  	[simem:s7], [sflag:s8] =	dma.local @!p0 [hbm:s6], $0xF7A  }
0x23: {  	s9 =	sor.u32 $0xD0000000, s2;
	s6 =	simm.s32 $0x108;
	_ =	swait.ge @!p0 [sflag:s8], $0x0  }
0x24: {  	s3 =	sadd.s32 $0x88, s3;
	s6 =	simm.s32 @!p1 $0x1082;
	[sflag:s4] =	ssyncset.s32 $0xFFFFF086  }
0x25: {  	[simem:s6], [sflag:s4] =	dma.local [hbm:s3], $0xF7A  }
0x26: {  	[smem:$0x3F80] =	sst s1;
	(tag) =	ssettag s2;
	_ =	strace s9  }
0x27: {  	s1 =	sld [smem:$0x3F90]  }
0x28: {  	s2 =	sld [smem:$0x3F91]  }
0x29: {  	s4 =	sld [smem:$0x3F93]  }
0x2a: {  	p0 =	seq.s32 s5, $0x0;
	s5 =	sld [smem:$0x3F94]  }
0x2b: {  	s6 =	sld [smem:$0x3F95]  }
0x2c: {  	s7 =	sld [smem:$0x3F96]  }
0x2d: {  	s3 =	simm.s32 $0x108;
	s8 =	sld [smem:$0x3F97]  }
0x2e: {  	s3 =	simm.s32 @!p0 $0x1082;
	s9 =	sld [smem:$0x3F98]  }
0x2f: {  	lr =	sadd.s32 s0, s3;
	s0 =	sld [smem:$0x3F8F]  }
0x30: {  	s3 =	sld [smem:$0x3F92]  }
0x31: {  	[smem:$0x3F9B] =	sst s10  }
0x32: {  	s10 =	sld [smem:$0x3F99];
	_ =	sdelay $0x3  }
0x33: {  	p0 =	seq.s32 s10, $0x1;
	s10 =	sld [smem:$0x3F9B];
	_ =	sdelay $0x3  }
0x34: {  	[smem:$0x3F9B] =	sst s10  }
0x35: {  	s10 =	sld [smem:$0x3F9A];
	_ =	sdelay $0x3  }
0x36: {  	p1 =	seq.s32 s10, $0x1;
	s10 =	sld [smem:$0x3F9B];
	_ =	sdelay $0x3  }
0x37: {  	[smem:$0x3F9B] =	sst s10  }
0x38: {  	s10 =	sld [smem:$0x3F9C]  }
0x39: {  	_ = 	snop;
	(pc) =	sbr.ind lr, $3  }
0x3a: {  	_ = 	snop  }
0x3b: {  	_ = 	snop  }
0x3c: {  	p2 =	seq.s32 s10, $0x1;
	s10 =	sld [smem:$0x3F9B]  }
0x3d: {  	_ =	shalt  }
0x3e: {  	_ =	shalt  }
0x3f: {  	_ =	shalt  }
0x40: {  	_ =	shalt  }
0x41: {  	_ =	shalt  }
0x42: {  	_ =	shalt  }
0x43: {  	_ =	shalt  }
0x44: {  	_ =	shalt  }
0x45: {  	_ =	shalt  }
0x46: {  	_ =	shalt  }
0x47: {  	_ =	shalt  }
0x48: {  	_ =	shalt  }
0x49: {  	_ =	shalt  }
0x4a: {  	_ =	shalt  }
0x4b: {  	_ =	shalt  }
0x4c: {  	_ =	shalt  }
0x4d: {  	_ =	shalt  }
0x4e: {  	_ =	shalt  }
0x4f: {  	_ =	shalt  }
0x50: {  	_ =	shalt  }
0x51: {  	_ =	shalt  }
0x52: {  	_ =	shalt  }
0x53: {  	_ =	shalt  }
0x54: {  	_ =	shalt  }
0x55: {  	_ =	shalt  }
0x56: {  	_ =	shalt  }
0x57: {  	_ =	shalt  }
0x58: {  	_ =	shalt  }
0x59: {  	_ =	shalt  }
0x5a: {  	_ =	shalt  }
0x5b: {  	_ =	shalt  }
0x5c: {  	_ =	shalt  }
0x5d: {  	_ =	shalt  }
0x5e: {  	_ =	shalt  }
0x5f: {  	_ =	shalt  }
0x60: {  	_ =	shalt  }
0x61: {  	_ =	shalt  }
0x62: {  	_ =	shalt  }
0x63: {  	_ =	shalt  }
0x64: {  	_ =	shalt  }
0x65: {  	_ =	shalt  }
0x66: {  	_ =	shalt  }
0x67: {  	_ =	shalt  }
0x68: {  	_ =	shalt  }
0x69: {  	_ =	shalt  }
0x6a: {  	_ =	shalt  }
0x6b: {  	_ =	shalt  }
0x6c: {  	_ =	shalt  }
0x6d: {  	_ =	shalt  }
0x6e: {  	_ =	shalt  }
0x6f: {  	_ =	shalt  }
0x70: {  	_ =	shalt  }
0x71: {  	_ =	shalt  }
0x72: {  	_ =	shalt  }
0x73: {  	_ =	shalt  }
0x74: {  	_ =	shalt  }
0x75: {  	_ =	shalt  }
0x76: {  	_ =	shalt  }
0x77: {  	_ =	shalt  }
0x78: {  	_ =	shalt  }
0x79: {  	_ =	shalt  }
0x7a: {  	_ =	shalt  }
0x7b: {  	_ =	shalt  }
0x7c: {  	_ =	shalt  }
0x7d: {  	_ =	shalt  }
0x7e: {  	_ =	shalt  }
0x7f: {  	_ =	shalt  }
0x80: {  	_ =	shalt  }
0x81: {  	_ =	shalt  }
0x82: {  	_ =	shalt  }
0x83: {  	_ =	shalt  }
0x84: {  	_ =	shalt  }
0x85: {  	_ =	shalt  }
0x86: {  	_ =	shalt  }
0x87: {  	_ =	shalt  }
.Lfunc_end0:
.L_simem_size_0:
called_computation.3_lowered:
.L_overlay_start_0:
0x88: {  	s2 =	sld [smem:$0x3FD9]  }
0x89: {  	s3 =	sld [smem:$0x3FFE];
	_ =	sdelay $0x1  }
0x8a: {  	s1 =	srdreg.scid  }
0x8b: {  	s0 =	sand.u32 $0x1, s1  }
0x8c: {  	s17 =	sshll.u32 s0, $0xA;
	s2 =	sadd.s32 s3, s2  }
0x8d: {  	s2 =	sadd.s32 s2, s17  }
0x8e: {  	[smem:$0x3FA7] =	sst s2  }
0x8f: {  	_ = 	snop  }
0x90: {  	s2 =	sld [smem:$0x3FD0];
	(tm) =	ssettm $0x1  }
0x91: {  	s18 =	sld [smem:$0x3FFB];
	_ =	sdelay $0x3  }
0x92: {  	_ =	strace s18  }
0x93: {  	s3 =	sld [smem:$0x3FFC];
	_ =	sdelay $0x3  }
0x94: {  	_ =	strace s3  }
0x95: {  	s3 =	sld [smem:$0x3FFD];
	_ =	sdelay $0x3  }
0x96: {  	_ =	strace s3  }
0x97: {  	_ =	strace $0x8FFFFFFF  }
0x98: {  	s19 =	sld [smem:$0x3FDB];
	_ =	sdelay $0x1  }
0x99: {  	s4 =	simm.s32 $_scs_section_size  }
0x9a: {  	s5 =	simm.s32 $_size__tile_overlayer_lowered;
	s6 =	simm.s32 $_tile_overlayer_lowered  }
0x9b: {  	s22 =	simm.s32 $0x1BFF;
	s21 =	sshll.u32 s6, $0x1;
	s3 =	sadd.s32 s4, s19  }
0x9c: {  	s7 =	simm.s32 $0x0;
	s20 =	sshll.u32 s5, $0x1;
	s5 =	sadd.s32 s21, s3  }
0x9d: {  	[timem:s7], [sflag:s22] =	dma.local [hbm:s5], s20  }
0x9e: {  	_ =	swait.ge [sflag:s22], s20  }
0x9f: {  	s4 =	ssub.s32 $0x0, s20;
	[sflag:s22] =	ssyncset.done $0x0  }
0xa0: {  	[sflag:s22] =	ssyncadd.s32 s4;
	_ =	sdelay $0x1  }
0xa1: {  	s23 =	simm.s32 $0x1B8B  }
0xa2: {  	_ =	swait.ge [sflag:s23], $0x1  }
0xa3: {  	[sflag:s23] =	ssyncset.done $0x0  }
0xa4: {  	s25 =	simm.s32 $0x1B8E;
	s24 =	sld [smem:$0x3FFE];
	[sflag:s23] =	ssyncadd.s32 $0xFFFFFFFF  }
0xa5: {  	s26 =	simm.s32 $execute0_lowered;
	[smem:$0x3FD2] =	sst s25  }
0xa6: {  	s5 =	sshll.u32 s26, $0x1;
	_ =	strace $0x8000004F;
	[dreg:$0x1] =	wrdreg $0xFFFFFFFF  }
0xa7: {  	s28 =	simm.s32 $_size_execute0_lowered;
	s3 =	sadd.s32 s3, s5;
	[dreg:$0x0] =	wrdreg $0x0  }
0xa8: {  	s5 =	sshll.u32 s28, $0x1;
	[dreg:$0x2] =	wrdreg s3  }
0xa9: {  	[dreg:$0x3] =	wrdreg s5  }
0xaa: {  	[dreg:$0x4] =	wrdreg $0xC0  }
0xab: {  	_ =	task [dreg:s7], $0x5FFFF  }
0xac: {  	[dreg:$0x1] =	wrdreg $0xFFFFFFFF  }
0xad: {  	[dreg:$0x0] =	wrdreg $0x60  }
0xae: {  	[dreg:$0x2] =	wrdreg s24  }
0xaf: {  	[dreg:$0x3] =	wrdreg s2  }
0xb0: {  	[dreg:$0x4] =	wrdreg $0x9  }
0xb1: {  	_ =	task.clear_ibuf [dreg:s7], $0x5FFFF;
	_ =	strace $0x9000004F  }
0xb2: {  	s29 =	simm.s32 $0x9;
	_ =	strace $0x80000051  }
0xb3: {  	_ =	swait.ge [sflag:s29], $0x1  }
0xb4: {  	[sflag:s29] =	ssyncadd.s32 $0xFFFFFFFF  }
0xb5: {  	_ =	strace $0x90000051  }
0xb6: {  	_ =	sfence  }
0xb7: {  	s30 =	sld [smem:$0x0];
	_ =	sdelay $0x2  }
0xb8: {  	s31 =	sshll.u32 s1, $0xD;
	s1 =	sshrl.u32 s1, $0x2  }
0xb9: {  	s3 =	sand.u32 $0x4000, s31;
	s1 =	sadd.s32 s1, s30  }
0xba: {  	s0 =	sor.u32 s3, s0;
	s1 =	sshll.u32 s1, $0x11  }
0xbb: {  	s0 =	sor.u32 s1, s0  }
0xbc: {  	s0 =	sadd.s32 $0x8F2B, s0  }
0xbd: {  	[sflag:s0] =	ssyncadd.remote.s32 $0x1  }
0xbe: {  	_ =	sfence.sel $0xFFFF  }
0xbf: {  	[dreg:$0x0] =	wrdreg $0xFFFFFFFF;
	(pc) =	sbr.abs _section_cstart, $3  }
0xc0: {  	[dreg:$0x1] =	wrdreg $0xFFFFFFFF  }
0xc1: {  	_ =	task.clear_ibuf [dreg:s7], $0x2FFFF;
	_ =	strace $0x9FFFFFFF  }
0xc2: {  	(tm) =	ssettm $0x7FFFFFFF  }
0xc3: {  	_ =	shalt  }
tec
execute0_lowered:
.L_overlay_start_1:
0x0: {  	(tag) =	ssettag $0x1  }
0x1: {  	s5 =	rddreg [dreg:$0x0]  }
0x2: {  	s6 =	rddreg [dreg:$0x1]  }
0x3: {  	s0 =	rddreg [dreg:$0x2];
	s1 =	simm.s32 $0x0  }
0x4: {  	s4 =	srdreg.scid;
	s2 =	stileid.u32;
	s13 =	simm.s32 $0xA800  }
0x5: {  	s14 =	simm.s32 $0xD000;
	s15 =	simm.s32 $0xF800;
	s16 =	simm.s32 $0x12000  }
0x6: {  	s17 =	simm.s32 $0x1;
	s18 =	simm.s32 $0x2;
	s19 =	simm.s32 $0x0  }
0x7: {  	[smem:$0x7FF] =	sst s1;
	s3 =	sadd.s32 $0x8A00, s5;
	s7 =	sand.u32 $0x1, s4  }
0x8: {  	s4 =	sadd.s32 $0x2FC00, s5;
	s8 =	sshll.u32 s2, $0xB;
	s12 =	smul.u32 $0x27100, s2  }
0x9: {  	s9 =	sshll.u32 s7, $0xF;
	s30 =	smul.u32 $0x271000, s7;
	s7 =	ssub.s32 $0x2, s7  }
0xa: {  	_ =	strace $0x80000050;
	s8 =	sor.u32 s8, s9;
	s11 =	sshrl.u32 s7, $0x1  }
0xb: {  	s10 =	sadd.s32 s8, s5;
	s9 =	sadd.s32 s30, s5;
	s7 =	ssub.s32 s7, s11  }
0xc: {  	s5 =	sadd.s32 s6, s8;
	s11 =	simm.s32 $0x50;
	s6 =	sadd.s32 $0x92800, s10  }
0xd: {  	s7 =	smax.u32 s7, $0x1;
	s31 =	sadd.s32 s12, s9;
	s9 =	simm.s32 $0x3  }
0xe: {  	s10 =	simm.s32 $0x4000;
	s12 =	simm.s32 $0x8000;
	s8 =	sadd.s32 $0xA2800, s31  }
.LBB2_1:
0xf: {  	[tilespmem:s1], [sflag:$0x3] =	stream.linear.gather [hbm4b:s5+s1], $0x3E80, $0x38;
	[tilespmem:$0x14800] =	vst v63  }
0x10: {  	_ =	swait.ge [sflag:s9], $0x3E80  }
0x11: {  	[sflag:s9] =	ssyncset.done $0x0  }
0x12: {  	[sflag:s9] =	ssyncadd.s32 $0xFFFFC180  }
0x13: {  	[tilespmem:s10], [sflag:$0x3] =	stream.linear.gather [hbm4b:s6+s1], $0x3E80, $0x38;
	[tilespmem:$0x14800] =	vst v63  }
0x14: {  	_ =	swait.ge [sflag:s9], $0x3E80  }
0x15: {  	[sflag:s9] =	ssyncset.done $0x0  }
0x16: {  	s20 =	simm.s32 $0x0;
	[sflag:s9] =	ssyncadd.s32 $0xFFFFC180  }
0x17: {  	[tilespmem:s12], [sflag:$0x1] =	stream.indirect.gather [hbm4b:s3+s11], $0x80, s20, s11, $0xb8;
	[tilespmem:$0x14800] =	vst v63  }
0x18: {  	s22 =	simm.s32 $0x80  }
0x19: {  	[tilespmem:s13], [sflag:$0x1] =	stream.indirect.gather [hbm4b:s3+s11], $0x80, s22, s11, $0xb8;
	[tilespmem:$0x14800] =	vst v63  }
0x1a: {  	s23 =	simm.s32 $0x100  }
0x1b: {  	[tilespmem:s14], [sflag:$0x1] =	stream.indirect.gather [hbm4b:s3+s11], $0x80, s23, s11, $0xb8;
	[tilespmem:$0x14800] =	vst v63  }
0x1c: {  	s24 =	simm.s32 $0x180  }
0x1d: {  	[tilespmem:s15], [sflag:$0x1] =	stream.indirect.gather [hbm4b:s3+s11], $0x80, s24, s11, $0xb8;
	[tilespmem:$0x14800] =	vst v63  }
0x1e: {  	s25 =	simm.s32 $0x200  }
0x1f: {  	[tilespmem:s16], [sflag:$0x1] =	stream.indirect.gather [hbm4b:s3+s11], $0x80, s25, s11, $0xb8;
	[tilespmem:$0x14800] =	vst v63  }
0x20: {  	_ =	swait.ge [sflag:s17], $0x2800  }
0x21: {  	[sflag:s17] =	ssyncset.done $0x0  }
0x22: {  	s26 =	simm.s32 $0x4000;
	[sflag:s17] =	ssyncadd.s32 $0xFFFFD800  }
0x23: {  	[tilespmem:s12], [sflag:$0x1] =	stream.indirect.gather.add.f32 [hbm:s4], $0x80, s26, s11, $0xb8;
	[tilespmem:$0x14800] =	vst v63  }
0x24: {  	_ =	swait.ge [sflag:s17], $0x2800  }
0x25: {  	[sflag:s17] =	ssyncset.done $0x0  }
0x26: {  	s28 =	simm.s32 $0x4080;
	[sflag:s17] =	ssyncadd.s32 $0xFFFFD800  }
0x27: {  	[tilespmem:s13], [sflag:$0x1] =	stream.indirect.gather.add.f32 [hbm:s4], $0x80, s28, s11, $0xb8;
	[tilespmem:$0x14800] =	vst v63  }
0x28: {  	_ =	swait.ge [sflag:s17], $0x2800  }
0x29: {  	[sflag:s17] =	ssyncset.done $0x0  }
0x2a: {  	s29 =	simm.s32 $0x4100;
	[sflag:s17] =	ssyncadd.s32 $0xFFFFD800  }
0x2b: {  	[tilespmem:s14], [sflag:$0x1] =	stream.indirect.gather.add.f32 [hbm:s4], $0x80, s29, s11, $0xb8;
	[tilespmem:$0x14800] =	vst v63  }
0x2c: {  	_ =	swait.ge [sflag:s17], $0x2800  }
0x2d: {  	[sflag:s17] =	ssyncset.done $0x0  }
0x2e: {  	s30 =	simm.s32 $0x4180;
	[sflag:s17] =	ssyncadd.s32 $0xFFFFD800  }
0x2f: {  	[tilespmem:s15], [sflag:$0x1] =	stream.indirect.gather.add.f32 [hbm:s4], $0x80, s30, s11, $0xb8;
	[tilespmem:$0x14800] =	vst v63  }
0x30: {  	_ =	swait.ge [sflag:s17], $0x2800  }
0x31: {  	[sflag:s17] =	ssyncset.done $0x0  }
0x32: {  	s31 =	simm.s32 $0x4200;
	[sflag:s17] =	ssyncadd.s32 $0xFFFFD800  }
0x33: {  	[tilespmem:s16], [sflag:$0x1] =	stream.indirect.gather.add.f32 [hbm:s4], $0x80, s31, s11, $0xb8;
	[tilespmem:$0x14800] =	vst v63  }
0x34: {  	_ =	swait.ge [sflag:s17], $0x2800  }
0x35: {  	[sflag:s17] =	ssyncset.done $0x0  }
0x36: {  	[sflag:s17] =	ssyncadd.s32 $0xFFFFD800  }
0x37: {  	_ =	swait.ge [sflag:s17], $0x2800  }
0x38: {  	[sflag:s17] =	ssyncset.done $0x0  }
0x39: {  	[sflag:s17] =	ssyncadd.s32 $0xFFFFD800  }
0x3a: {  	_ =	swait.ge [sflag:s17], $0x2800  }
0x3b: {  	[sflag:s17] =	ssyncset.done $0x0  }
0x3c: {  	[sflag:s17] =	ssyncadd.s32 $0xFFFFD800  }
0x3d: {  	_ =	swait.ge [sflag:s17], $0x2800  }
0x3e: {  	[sflag:s17] =	ssyncset.done $0x0  }
0x3f: {  	[sflag:s17] =	ssyncadd.s32 $0xFFFFD800  }
0x40: {  	_ =	swait.ge [sflag:s17], $0x2800  }
0x41: {  	[sflag:s17] =	ssyncset.done $0x0  }
0x42: {  	[sflag:s17] =	ssyncadd.s32 $0xFFFFD800  }
0x43: {  	[hbm4b:s8+s1] =	stream.linear.scatter [tilespmem:s12], [sflag:$0x2], $0xC800, $0x38;
	[tilespmem:$0x14800] =	vst v63  }
0x44: {  	s21 =	simm.s32 $0xA00;
	_ =	swait.ge [sflag:s18], $0xC800  }
0x45: {  	s20 =	sadd.s32 $0x1900, s8;
	s24 =	simm.s32 $0x1400;
	[sflag:s18] =	ssyncset.done $0x0  }
.LBB2_2:
0x46: {  	s23 =	sshra.s32 s21, $0x2  }
0x47: {  	[sflag:s18] =	ssyncadd.s32 $0xFFFF3800;
	s21 =	smov.u32 s24;
	s22 =	sadd.s32 $0xA00, s24  }
0x48: {  	[tilespmem:s12], [sflag:$0x1] =	stream.indirect.gather [hbm4b:s3+s11], $0x80, s23, s11, $0xb8;
	[tilespmem:$0x14800] =	vst v63  }
0x49: {  	p0 =	sne.s32 s24, $0xF000;
	s24 =	sadd.s32 $0x80, s23  }
0x4a: {  	[tilespmem:s13], [sflag:$0x1] =	stream.indirect.gather [hbm4b:s3+s11], $0x80, s24, s11, $0xb8;
	[tilespmem:$0x14800] =	vst v63  }
0x4b: {  	s24 =	sadd.s32 $0x100, s23  }
0x4c: {  	[tilespmem:s14], [sflag:$0x1] =	stream.indirect.gather [hbm4b:s3+s11], $0x80, s24, s11, $0xb8;
	[tilespmem:$0x14800] =	vst v63  }
0x4d: {  	s24 =	sadd.s32 $0x180, s23  }
0x4e: {  	[tilespmem:s15], [sflag:$0x1] =	stream.indirect.gather [hbm4b:s3+s11], $0x80, s24, s11, $0xb8;
	[tilespmem:$0x14800] =	vst v63  }
0x4f: {  	s24 =	sadd.s32 $0x200, s23  }
0x50: {  	[tilespmem:s16], [sflag:$0x1] =	stream.indirect.gather [hbm4b:s3+s11], $0x80, s24, s11, $0xb8;
	[tilespmem:$0x14800] =	vst v63  }
0x51: {  	_ =	swait.ge [sflag:s17], $0x2800  }
0x52: {  	[sflag:s17] =	ssyncset.done $0x0  }
0x53: {  	s24 =	sadd.s32 $0x4000, s23;
	[sflag:s17] =	ssyncadd.s32 $0xFFFFD800  }
0x54: {  	[tilespmem:s12], [sflag:$0x1] =	stream.indirect.gather.add.f32 [hbm:s4], $0x80, s24, s11, $0xb8;
	[tilespmem:$0x14800] =	vst v63  }
0x55: {  	_ =	swait.ge [sflag:s17], $0x2800  }
0x56: {  	[sflag:s17] =	ssyncset.done $0x0  }
0x57: {  	s24 =	sadd.s32 $0x4080, s23;
	[sflag:s17] =	ssyncadd.s32 $0xFFFFD800  }
0x58: {  	[tilespmem:s13], [sflag:$0x1] =	stream.indirect.gather.add.f32 [hbm:s4], $0x80, s24, s11, $0xb8;
	[tilespmem:$0x14800] =	vst v63  }
0x59: {  	_ =	swait.ge [sflag:s17], $0x2800  }
0x5a: {  	[sflag:s17] =	ssyncset.done $0x0  }
0x5b: {  	s24 =	sadd.s32 $0x4100, s23;
	[sflag:s17] =	ssyncadd.s32 $0xFFFFD800  }
0x5c: {  	[tilespmem:s14], [sflag:$0x1] =	stream.indirect.gather.add.f32 [hbm:s4], $0x80, s24, s11, $0xb8;
	[tilespmem:$0x14800] =	vst v63  }
0x5d: {  	_ =	swait.ge [sflag:s17], $0x2800  }
0x5e: {  	[sflag:s17] =	ssyncset.done $0x0  }
0x5f: {  	s24 =	sadd.s32 $0x4180, s23;
	[sflag:s17] =	ssyncadd.s32 $0xFFFFD800  }
0x60: {  	[tilespmem:s15], [sflag:$0x1] =	stream.indirect.gather.add.f32 [hbm:s4], $0x80, s24, s11, $0xb8;
	[tilespmem:$0x14800] =	vst v63  }
0x61: {  	_ =	swait.ge [sflag:s17], $0x2800  }
0x62: {  	[sflag:s17] =	ssyncset.done $0x0  }
0x63: {  	s23 =	sadd.s32 $0x4200, s23;
	[sflag:s17] =	ssyncadd.s32 $0xFFFFD800  }
0x64: {  	[tilespmem:s16], [sflag:$0x1] =	stream.indirect.gather.add.f32 [hbm:s4], $0x80, s23, s11, $0xb8;
	[tilespmem:$0x14800] =	vst v63  }
0x65: {  	_ =	swait.ge [sflag:s17], $0x2800  }
0x66: {  	[sflag:s17] =	ssyncset.done $0x0  }
0x67: {  	[sflag:s17] =	ssyncadd.s32 $0xFFFFD800  }
0x68: {  	_ =	swait.ge [sflag:s17], $0x2800  }
0x69: {  	[sflag:s17] =	ssyncset.done $0x0  }
0x6a: {  	[sflag:s17] =	ssyncadd.s32 $0xFFFFD800  }
0x6b: {  	_ =	swait.ge [sflag:s17], $0x2800  }
0x6c: {  	[sflag:s17] =	ssyncset.done $0x0  }
0x6d: {  	[sflag:s17] =	ssyncadd.s32 $0xFFFFD800  }
0x6e: {  	_ =	swait.ge [sflag:s17], $0x2800  }
0x6f: {  	[sflag:s17] =	ssyncset.done $0x0  }
0x70: {  	[sflag:s17] =	ssyncadd.s32 $0xFFFFD800  }
0x71: {  	_ =	swait.ge [sflag:s17], $0x2800  }
.Ltmp0:
0x72: {  	[sflag:s17] =	ssyncset.done $0x0;
	(pc) =	sbr.rel @p0 .LBB2_2-.Ltmp0, $4  }
0x73: {  	[sflag:s17] =	ssyncadd.s32 $0xFFFFD800  }
0x74: {  	[hbm4b:s20+s1] =	stream.linear.scatter [tilespmem:s12], [sflag:$0x2], $0xC800, $0x38;
	[tilespmem:$0x14800] =	vst v63  }
0x75: {  	_ =	swait.ge [sflag:s18], $0xC800  }
0x76: {  	s24 =	smov.u32 s22;
	s20 =	sadd.s32 $0x1900, s20;
	[sflag:s18] =	ssyncset.done $0x0  }
0x77: {  	s21 =	sshra.s32 s21, $0x2;
	[sflag:s18] =	ssyncadd.s32 $0xFFFF3800  }
0x78: {  	[tilespmem:s12], [sflag:$0x1] =	stream.indirect.gather [hbm4b:s3+s11], $0x80, s21, s11, $0xb8;
	[tilespmem:$0x14800] =	vst v63  }
0x79: {  	s22 =	sadd.s32 $0x80, s21  }
0x7a: {  	[tilespmem:s13], [sflag:$0x1] =	stream.indirect.gather [hbm4b:s3+s11], $0x80, s22, s11, $0xb8;
	[tilespmem:$0x14800] =	vst v63  }
0x7b: {  	s24 =	sadd.s32 $0x100, s21  }
0x7c: {  	[tilespmem:s14], [sflag:$0x1] =	stream.indirect.gather [hbm4b:s3+s11], $0x80, s24, s11, $0xb8;
	[tilespmem:$0x14800] =	vst v63  }
0x7d: {  	s25 =	sadd.s32 $0x180, s21  }
0x7e: {  	[tilespmem:s15], [sflag:$0x1] =	stream.indirect.gather [hbm4b:s3+s11], $0x80, s25, s11, $0xb8;
	[tilespmem:$0x14800] =	vst v63  }
0x7f: {  	s26 =	sadd.s32 $0x200, s21  }
0x80: {  	[tilespmem:s16], [sflag:$0x1] =	stream.indirect.gather [hbm4b:s3+s11], $0x80, s26, s11, $0xb8;
	[tilespmem:$0x14800] =	vst v63  }
0x81: {  	_ =	swait.ge [sflag:s17], $0x2800  }
0x82: {  	[sflag:s17] =	ssyncset.done $0x0  }
0x83: {  	s28 =	sadd.s32 $0x4000, s21;
	[sflag:s17] =	ssyncadd.s32 $0xFFFFD800  }
0x84: {  	[tilespmem:s12], [sflag:$0x1] =	stream.indirect.gather.add.f32 [hbm:s4], $0x80, s28, s11, $0xb8;
	[tilespmem:$0x14800] =	vst v63  }
0x85: {  	_ =	swait.ge [sflag:s17], $0x2800  }
0x86: {  	[sflag:s17] =	ssyncset.done $0x0  }
0x87: {  	s29 =	sadd.s32 $0x4080, s21;
	[sflag:s17] =	ssyncadd.s32 $0xFFFFD800  }
0x88: {  	[tilespmem:s13], [sflag:$0x1] =	stream.indirect.gather.add.f32 [hbm:s4], $0x80, s29, s11, $0xb8;
	[tilespmem:$0x14800] =	vst v63  }
0x89: {  	_ =	swait.ge [sflag:s17], $0x2800  }
0x8a: {  	[sflag:s17] =	ssyncset.done $0x0  }
0x8b: {  	s30 =	sadd.s32 $0x4100, s21;
	[sflag:s17] =	ssyncadd.s32 $0xFFFFD800  }
0x8c: {  	[tilespmem:s14], [sflag:$0x1] =	stream.indirect.gather.add.f32 [hbm:s4], $0x80, s30, s11, $0xb8;
	[tilespmem:$0x14800] =	vst v63  }
0x8d: {  	_ =	swait.ge [sflag:s17], $0x2800  }
0x8e: {  	[sflag:s17] =	ssyncset.done $0x0  }
0x8f: {  	s31 =	sadd.s32 $0x4180, s21;
	[sflag:s17] =	ssyncadd.s32 $0xFFFFD800  }
0x90: {  	[tilespmem:s15], [sflag:$0x1] =	stream.indirect.gather.add.f32 [hbm:s4], $0x80, s31, s11, $0xb8;
	[tilespmem:$0x14800] =	vst v63  }
0x91: {  	_ =	swait.ge [sflag:s17], $0x2800  }
0x92: {  	[sflag:s17] =	ssyncset.done $0x0  }
0x93: {  	s21 =	sadd.s32 $0x4200, s21;
	[sflag:s17] =	ssyncadd.s32 $0xFFFFD800  }
0x94: {  	[tilespmem:s16], [sflag:$0x1] =	stream.indirect.gather.add.f32 [hbm:s4], $0x80, s21, s11, $0xb8;
	[tilespmem:$0x14800] =	vst v63  }
0x95: {  	_ =	swait.ge [sflag:s17], $0x2800  }
0x96: {  	[sflag:s17] =	ssyncset.done $0x0  }
0x97: {  	[sflag:s17] =	ssyncadd.s32 $0xFFFFD800  }
0x98: {  	_ =	swait.ge [sflag:s17], $0x2800  }
0x99: {  	[sflag:s17] =	ssyncset.done $0x0  }
0x9a: {  	[sflag:s17] =	ssyncadd.s32 $0xFFFFD800  }
0x9b: {  	_ =	swait.ge [sflag:s17], $0x2800  }
0x9c: {  	[sflag:s17] =	ssyncset.done $0x0  }
0x9d: {  	[sflag:s17] =	ssyncadd.s32 $0xFFFFD800  }
0x9e: {  	_ =	swait.ge [sflag:s17], $0x2800  }
0x9f: {  	[sflag:s17] =	ssyncset.done $0x0  }
0xa0: {  	[sflag:s17] =	ssyncadd.s32 $0xFFFFD800  }
0xa1: {  	s19 =	sadd.s32 $0x1, s19;
	_ =	swait.ge [sflag:s17], $0x2800  }
0xa2: {  	p0 =	sne.s32 s19, s7;
	[sflag:s17] =	ssyncset.done $0x0  }
.Ltmp1:
0xa3: {  	[sflag:s17] =	ssyncadd.s32 $0xFFFFD800;
	(pc) =	sbr.rel @p0 .LBB2_1-.Ltmp1, $4  }
0xa4: {  	[hbm4b:s20+s1] =	stream.linear.scatter [tilespmem:s12], [sflag:$0x2], $0xC800, $0x38;
	[tilespmem:$0x14800] =	vst v63  }
0xa5: {  	_ =	swait.ge [sflag:s18], $0xC800  }
0xa6: {  	[sflag:s18] =	ssyncset.done $0x0  }
0xa7: {  	[sflag:s18] =	ssyncadd.s32 $0xFFFF3800  }
0xa8: {  	_ =	sfence.sel $0x180000  }
0xa9: {  	[bflag:$0x0] =	sbarrier.arrive $0xFFFF  }
0xaa: {  	p0 =	sne.s32 s2, $0x0;
	_ =	strace $0x90000050  }
0xab: {  	s0 =	sadd.s32 @!p0 $0x100000, s0;
	[bflag:$0x2] =	sbarrier.arrive $0xFFFF  }
0xac: {  	[sflag:s0] =	ssyncadd.tile.s32 @!p0 $0x1;
	_ =	shalt  }
.Lfunc_end2:
_tile_overlayer_lowered:
.L_overlay_start_2:
0xad: {  	(tag) =	ssettag $0x2  }
0xae: {  	s0 =	rddreg [dreg:$0x0];
	s2 =	stileid.u32  }
0xaf: {  	s1 =	rddreg [dreg:$0x1];
	p0 =	sne.s32 s2, $0x0  }
0xb0: {  	s3 =	rddreg [dreg:$0x2];
	[bflag:$0x3] =	sbarrier.arrive $0xFFFF;
	s2 =	simm.s32 @!p0 $0x1C03  }
0xb1: {  	[timem:s3], [sflag:s2] =	dma.local @!p0 [hbm:s0], s1  }
0xb2: {  	s0 =	simm.s32 @!p0 $0x3  }
0xb3: {  	_ =	swait.ge @!p0 [sflag:s0], s1  }
0xb4: {  	s1 =	ssub.s32 @!p0 $0x0, s1;
	[sflag:s0] =	ssyncset.done @!p0 $0x0  }
0xb5: {  	[sflag:s0] =	ssyncadd.s32 @!p0 s1  }
0xb6: {  	[bflag:$0x3] =	sbarrier.arrive $0xFFFF  }
0xb7: {  	_ =	shalt  }

// kernel: kernel.27.cloned.1.call-start
scs
__scs_entry_jumppad:
0x0: {  	(pc) =	sbr.rel $0x88, $3  }
0x1: {  	(tag) =	ssettag $0x0;
	lr =	simm.s32 $0x1  }
0x2: {  	[smem:$0x3F80] =	sst lr;
	_ =	strace $0xD0000000  }
0x3: {  	_ = 	snop  }
0x4: {  	_ = 	snop  }
0x5: {  	_ = 	snop  }
0x6: {  	_ = 	snop  }
0x7: {  	_ = 	snop  }
__scs_overlays_trampoline_lowered:
0x8: {  	[smem:$0x3F8F] =	sst s0  }
0x9: {  	[smem:$0x3F90] =	sst s1  }
0xa: {  	[smem:$0x3F91] =	sst s2  }
0xb: {  	[smem:$0x3F92] =	sst s3  }
0xc: {  	[smem:$0x3F93] =	sst s4  }
0xd: {  	[smem:$0x3F94] =	sst s5  }
0xe: {  	[smem:$0x3F95] =	sst s6  }
0xf: {  	[smem:$0x3F96] =	sst s7  }
0x10: {  	[smem:$0x3F97] =	sst s8  }
0x11: {  	[smem:$0x3F98] =	sst s9;
	s0 =	simm.s32 @!p0 $0x0  }
0x12: {  	s1 =	sld [smem:$0x3F7E];
	s0 =	simm.s32 @p0 $0x1  }
0x13: {  	[smem:$0x3F99] =	sst s0;
	s0 =	simm.s32 @!p1 $0x0  }
0x14: {  	s2 =	sld [smem:$0x3F7D];
	s0 =	simm.s32 @p1 $0x1  }
0x15: {  	[smem:$0x3F9A] =	sst s0;
	s0 =	simm.s32 @!p2 $0x0  }
0x16: {  	s3 =	sld [smem:$0x3FDB];
	s0 =	simm.s32 @p2 $0x1  }
0x17: {  	s4 =	simm.s32 $0x1BF5;
	[smem:$0x3F9C] =	sst s0  }
0x18: {  	s0 =	sld [smem:$0x3F7F];
	_ =	swait.ge [sflag:s4], $0x0  }
0x19: {  	s7 =	sld [smem:$0x3F80]  }
0x1a: {  	s8 =	sadd.s32 $0xFFFFE003, lr  }
0x1b: {  	s9 =	sadd.s32 $0xFFFFFEF7, lr;
	s5 =	simm.s32 $0xFFFFFFFF;
	p2 =	slt.u32 s8, $0xFFFFF086  }
0x1c: {  	p1 =	slt.u32 s9, $0xF7A;
	s5 =	simm.s32 @!p2 $0x0  }
0x1d: {  	s5 =	simm.s32 @p1 $0x1;
	p0 =	seq.s32 s7, s2  }
0x1e: {  	s7 =	smul.u32 @!p0 $0xF7A, s2;
	p2 =	seq.s32 @!p0 s5, $0x0  }
0x1f: {  	s9 =	smul.u32 $0xF7A, s1;
	s8 =	simm.s32 @!p0 $0x1BF5;
	p2 =	por !p2, p0  }
0x20: {  	[sflag:s8] =	ssyncset.s32 @!p0 $0xFFFFF086;
	s6 =	sadd.s32 @!p0 s3, s7;
	s7 =	simm.s32 @!p0 $0x108  }
0x21: {  	s3 =	sadd.s32 s3, s9;
	s6 =	sadd.s32 @!p0 $0x88, s6;
	s7 =	simm.s32 @p2 $0x1082  }
0x22: {  	[simem:s7], [sflag:s8] =	dma.local @!p0 [hbm:s6], $0xF7A  }
0x23: {  	s9 =	sor.u32 $0xD0000000, s2;
	s6 =	simm.s32 $0x108;
	_ =	swait.ge @!p0 [sflag:s8], $0x0  }
0x24: {  	s3 =	sadd.s32 $0x88, s3;
	s6 =	simm.s32 @!p1 $0x1082;
	[sflag:s4] =	ssyncset.s32 $0xFFFFF086  }
0x25: {  	[simem:s6], [sflag:s4] =	dma.local [hbm:s3], $0xF7A  }
0x26: {  	[smem:$0x3F80] =	sst s1;
	(tag) =	ssettag s2;
	_ =	strace s9  }
0x27: {  	s1 =	sld [smem:$0x3F90]  }
0x28: {  	s2 =	sld [smem:$0x3F91]  }
0x29: {  	s4 =	sld [smem:$0x3F93]  }
0x2a: {  	p0 =	seq.s32 s5, $0x0;
	s5 =	sld [smem:$0x3F94]  }
0x2b: {  	s6 =	sld [smem:$0x3F95]  }
0x2c: {  	s7 =	sld [smem:$0x3F96]  }
0x2d: {  	s3 =	simm.s32 $0x108;
	s8 =	sld [smem:$0x3F97]  }
0x2e: {  	s3 =	simm.s32 @!p0 $0x1082;
	s9 =	sld [smem:$0x3F98]  }
0x2f: {  	lr =	sadd.s32 s0, s3;
	s0 =	sld [smem:$0x3F8F]  }
0x30: {  	s3 =	sld [smem:$0x3F92]  }
0x31: {  	[smem:$0x3F9B] =	sst s10  }
0x32: {  	s10 =	sld [smem:$0x3F99];
	_ =	sdelay $0x3  }
0x33: {  	p0 =	seq.s32 s10, $0x1;
	s10 =	sld [smem:$0x3F9B];
	_ =	sdelay $0x3  }
0x34: {  	[smem:$0x3F9B] =	sst s10  }
0x35: {  	s10 =	sld [smem:$0x3F9A];
	_ =	sdelay $0x3  }
0x36: {  	p1 =	seq.s32 s10, $0x1;
	s10 =	sld [smem:$0x3F9B];
	_ =	sdelay $0x3  }
0x37: {  	[smem:$0x3F9B] =	sst s10  }
0x38: {  	s10 =	sld [smem:$0x3F9C]  }
0x39: {  	_ = 	snop;
	(pc) =	sbr.ind lr, $3  }
0x3a: {  	_ = 	snop  }
0x3b: {  	_ = 	snop  }
0x3c: {  	p2 =	seq.s32 s10, $0x1;
	s10 =	sld [smem:$0x3F9B]  }
0x3d: {  	_ =	shalt  }
0x3e: {  	_ =	shalt  }
0x3f: {  	_ =	shalt  }
0x40: {  	_ =	shalt  }
0x41: {  	_ =	shalt  }
0x42: {  	_ =	shalt  }
0x43: {  	_ =	shalt  }
0x44: {  	_ =	shalt  }
0x45: {  	_ =	shalt  }
0x46: {  	_ =	shalt  }
0x47: {  	_ =	shalt  }
0x48: {  	_ =	shalt  }
0x49: {  	_ =	shalt  }
0x4a: {  	_ =	shalt  }
0x4b: {  	_ =	shalt  }
0x4c: {  	_ =	shalt  }
0x4d: {  	_ =	shalt  }
0x4e: {  	_ =	shalt  }
0x4f: {  	_ =	shalt  }
0x50: {  	_ =	shalt  }
0x51: {  	_ =	shalt  }
0x52: {  	_ =	shalt  }
0x53: {  	_ =	shalt  }
0x54: {  	_ =	shalt  }
0x55: {  	_ =	shalt  }
0x56: {  	_ =	shalt  }
0x57: {  	_ =	shalt  }
0x58: {  	_ =	shalt  }
0x59: {  	_ =	shalt  }
0x5a: {  	_ =	shalt  }
0x5b: {  	_ =	shalt  }
0x5c: {  	_ =	shalt  }
0x5d: {  	_ =	shalt  }
0x5e: {  	_ =	shalt  }
0x5f: {  	_ =	shalt  }
0x60: {  	_ =	shalt  }
0x61: {  	_ =	shalt  }
0x62: {  	_ =	shalt  }
0x63: {  	_ =	shalt  }
0x64: {  	_ =	shalt  }
0x65: {  	_ =	shalt  }
0x66: {  	_ =	shalt  }
0x67: {  	_ =	shalt  }
0x68: {  	_ =	shalt  }
0x69: {  	_ =	shalt  }
0x6a: {  	_ =	shalt  }
0x6b: {  	_ =	shalt  }
0x6c: {  	_ =	shalt  }
0x6d: {  	_ =	shalt  }
0x6e: {  	_ =	shalt  }
0x6f: {  	_ =	shalt  }
0x70: {  	_ =	shalt  }
0x71: {  	_ =	shalt  }
0x72: {  	_ =	shalt  }
0x73: {  	_ =	shalt  }
0x74: {  	_ =	shalt  }
0x75: {  	_ =	shalt  }
0x76: {  	_ =	shalt  }
0x77: {  	_ =	shalt  }
0x78: {  	_ =	shalt  }
0x79: {  	_ =	shalt  }
0x7a: {  	_ =	shalt  }
0x7b: {  	_ =	shalt  }
0x7c: {  	_ =	shalt  }
0x7d: {  	_ =	shalt  }
0x7e: {  	_ =	shalt  }
0x7f: {  	_ =	shalt  }
0x80: {  	_ =	shalt  }
0x81: {  	_ =	shalt  }
0x82: {  	_ =	shalt  }
0x83: {  	_ =	shalt  }
0x84: {  	_ =	shalt  }
0x85: {  	_ =	shalt  }
0x86: {  	_ =	shalt  }
0x87: {  	_ =	shalt  }
.Lfunc_end0:
.L_simem_size_0:
called_computation.4_lowered:
.L_overlay_start_0:
0x88: {  	s2 =	sld [smem:$0x3FD9]  }
0x89: {  	s3 =	sld [smem:$0x3FFE];
	_ =	sdelay $0x1  }
0x8a: {  	s1 =	srdreg.scid  }
0x8b: {  	s0 =	sand.u32 $0x1, s1  }
0x8c: {  	s17 =	sshll.u32 s0, $0xA;
	s2 =	sadd.s32 s3, s2  }
0x8d: {  	s2 =	sadd.s32 s2, s17  }
0x8e: {  	[smem:$0x3FA7] =	sst s2  }
0x8f: {  	_ = 	snop  }
0x90: {  	s18 =	sld [smem:$0x3FD0];
	(tm) =	ssettm $0x1  }
0x91: {  	s19 =	sld [smem:$0x3FFB];
	_ =	sdelay $0x3  }
0x92: {  	_ =	strace s19  }
0x93: {  	s2 =	sld [smem:$0x3FFC];
	_ =	sdelay $0x3  }
0x94: {  	_ =	strace s2  }
0x95: {  	s2 =	sld [smem:$0x3FFD];
	_ =	sdelay $0x3  }
0x96: {  	_ =	strace s2  }
0x97: {  	_ =	strace $0x8FFFFFFF  }
0x98: {  	s20 =	sld [smem:$0x3FDB];
	_ =	sdelay $0x1  }
0x99: {  	s4 =	simm.s32 $_scs_section_size  }
0x9a: {  	s5 =	simm.s32 $_size__tile_overlayer_lowered;
	s6 =	simm.s32 $_tile_overlayer_lowered  }
0x9b: {  	s7 =	simm.s32 $0x1BFF;
	s21 =	sshll.u32 s6, $0x1;
	s4 =	sadd.s32 s4, s20  }
0x9c: {  	s22 =	simm.s32 $0x0;
	s5 =	sshll.u32 s5, $0x1;
	s6 =	sadd.s32 s21, s4  }
0x9d: {  	[timem:s22], [sflag:s7] =	dma.local [hbm:s6], s5  }
0x9e: {  	_ =	swait.ge [sflag:s7], s5  }
0x9f: {  	s5 =	ssub.s32 $0x0, s5;
	[sflag:s7] =	ssyncset.done $0x0  }
0xa0: {  	[sflag:s7] =	ssyncadd.s32 s5;
	_ =	sdelay $0x1  }
0xa1: {  	s23 =	simm.s32 $0x1B8B  }
0xa2: {  	_ =	swait.ge [sflag:s23], $0x1  }
0xa3: {  	[sflag:s23] =	ssyncset.done $0x0  }
0xa4: {  	[sflag:s23] =	ssyncadd.s32 $0xFFFFFFFF  }
0xa5: {  	s5 =	sld [smem:$0x0]  }
0xa6: {  	s6 =	sand.u32 $0xFFFFFFFE, s1  }
0xa7: {  	p0 =	sne.s32 s1, s6  }
0xa8: {  	s6 =	sshll.u32 @p0 s6, $0xE  }
0xa9: {  	s6 =	sadd.s32 @p0 $0x11B8D, s6;
	s7 =	sshll.u32 @p0 s5, $0x11  }
0xaa: {  	s6 =	sor.u32 @p0 s7, s6  }
0xab: {  	[sflag:s6] =	ssyncadd.remote.s32 @p0 $0x1;
	_ =	sdelay $0x1  }
0xac: {  	s6 =	simm.s32 @p0 $0x1B8D  }
0xad: {  	_ =	swait.eq @p0 [sflag:s6], $0x1  }
0xae: {  	[sflag:s6] =	ssyncadd.s32 @p0 $0xFFFFFFFF  }
0xaf: {  	s7 =	sshll.u32 @!p0 s1, $0xE  }
0xb0: {  	s7 =	sor.u32 @!p0 $0x4000, s7;
	s6 =	simm.s32 @!p0 $0x1B8D  }
0xb1: {  	s5 =	sshll.u32 @!p0 s5, $0x11;
	s7 =	sadd.s32 @!p0 $0x11B8D, s7;
	_ =	swait.eq @!p0 [sflag:s6], $0x1  }
0xb2: {  	s5 =	sor.u32 @!p0 s5, s7;
	[sflag:s6] =	ssyncadd.s32 @!p0 $0xFFFFFFFF  }
0xb3: {  	s25 =	simm.s32 $0x1B8E;
	s24 =	sld [smem:$0x3FFE];
	[sflag:s5] =	ssyncadd.remote.s32 @!p0 $0x1  }
0xb4: {  	s26 =	simm.s32 $execute0_lowered;
	[smem:$0x3FD2] =	sst s25  }
0xb5: {  	s6 =	sshll.u32 s26, $0x1;
	_ =	strace $0x80000052;
	[dreg:$0x1] =	wrdreg $0xFFFFFFFF  }
0xb6: {  	s28 =	simm.s32 $_size_execute0_lowered;
	s4 =	sadd.s32 s4, s6;
	[dreg:$0x0] =	wrdreg $0x0  }
0xb7: {  	s6 =	sshll.u32 s28, $0x1;
	[dreg:$0x2] =	wrdreg s4  }
0xb8: {  	[dreg:$0x3] =	wrdreg s6  }
0xb9: {  	[dreg:$0x4] =	wrdreg $0xC0  }
0xba: {  	_ =	task [dreg:s22], $0x5FFFF  }
0xbb: {  	[dreg:$0x1] =	wrdreg $0xFFFFFFFF  }
0xbc: {  	[dreg:$0x0] =	wrdreg $0x60  }
0xbd: {  	[dreg:$0x2] =	wrdreg s24  }
0xbe: {  	[dreg:$0x3] =	wrdreg s18  }
0xbf: {  	[dreg:$0x4] =	wrdreg $0xA  }
0xc0: {  	_ =	task.clear_ibuf [dreg:s22], $0x5FFFF;
	_ =	strace $0x90000052  }
0xc1: {  	s29 =	simm.s32 $0xA;
	_ =	strace $0x80000054  }
0xc2: {  	_ =	swait.ge [sflag:s29], $0x1  }
0xc3: {  	[sflag:s29] =	ssyncadd.s32 $0xFFFFFFFF  }
0xc4: {  	_ =	strace $0x90000054  }
0xc5: {  	_ =	sfence  }
0xc6: {  	s30 =	sld [smem:$0x0];
	_ =	sdelay $0x2  }
0xc7: {  	s31 =	sshll.u32 s1, $0xD;
	s1 =	sshrl.u32 s1, $0x2  }
0xc8: {  	s4 =	sand.u32 $0x4000, s31;
	s1 =	sadd.s32 s1, s30  }
0xc9: {  	s0 =	sor.u32 s4, s0;
	s1 =	sshll.u32 s1, $0x11  }
0xca: {  	s0 =	sor.u32 s1, s0  }
0xcb: {  	s0 =	sadd.s32 $0x8F2B, s0  }
0xcc: {  	[sflag:s0] =	ssyncadd.remote.s32 $0x1  }
0xcd: {  	_ =	sfence.sel $0xFFFF  }
0xce: {  	[dreg:$0x0] =	wrdreg $0xFFFFFFFF;
	(pc) =	sbr.abs _section_cstart, $3  }
0xcf: {  	[dreg:$0x1] =	wrdreg $0xFFFFFFFF  }
0xd0: {  	_ =	task.clear_ibuf [dreg:s22], $0x2FFFF;
	_ =	strace $0x9FFFFFFF  }
0xd1: {  	(tm) =	ssettm $0x7FFFFFFF  }
tec
execute0_lowered:
.L_overlay_start_1:
0x0: {  	(tag) =	ssettag $0x1  }
0x1: {  	s5 =	rddreg [dreg:$0x0]  }
0x2: {  	s6 =	rddreg [dreg:$0x1]  }
0x3: {  	s0 =	rddreg [dreg:$0x2];
	s1 =	simm.s32 $0x0  }
0x4: {  	s4 =	srdreg.scid;
	s2 =	stileid.u32;
	s13 =	simm.s32 $0xA800  }
0x5: {  	s14 =	simm.s32 $0xD000;
	s15 =	simm.s32 $0xF800;
	s16 =	simm.s32 $0x12000  }
0x6: {  	s17 =	simm.s32 $0x1;
	s18 =	simm.s32 $0x2;
	s19 =	simm.s32 $0x0  }
0x7: {  	[smem:$0x7FF] =	sst s1;
	s3 =	sadd.s32 $0x56E00, s5;
	s7 =	sand.u32 $0x1, s4  }
0x8: {  	s4 =	sadd.s32 $0x584800, s5;
	s8 =	sshll.u32 s2, $0xB;
	s12 =	smul.u32 $0x27100, s2  }
0x9: {  	s9 =	sshll.u32 s7, $0xF;
	s30 =	smul.u32 $0x271000, s7;
	s7 =	ssub.s32 $0x2, s7  }
0xa: {  	_ =	strace $0x80000053;
	s8 =	sor.u32 s8, s9;
	s11 =	sshrl.u32 s7, $0x1  }
0xb: {  	s10 =	sadd.s32 s8, s5;
	s9 =	sadd.s32 s30, s5;
	s7 =	ssub.s32 s7, s11  }
0xc: {  	s5 =	sadd.s32 s6, s8;
	s11 =	simm.s32 $0x50;
	s6 =	sadd.s32 $0x92800, s10  }
0xd: {  	s7 =	smax.u32 s7, $0x1;
	s31 =	sadd.s32 s12, s9;
	s9 =	simm.s32 $0x3  }
0xe: {  	s10 =	simm.s32 $0x4000;
	s12 =	simm.s32 $0x8000;
	s8 =	sadd.s32 $0x5ABA00, s31  }
.LBB2_1:
0xf: {  	[tilespmem:s1], [sflag:$0x3] =	stream.linear.gather [hbm4b:s5+s1], $0x3E80, $0x38;
	[tilespmem:$0x14800] =	vst v63  }
0x10: {  	_ =	swait.ge [sflag:s9], $0x3E80  }
0x11: {  	[sflag:s9] =	ssyncset.done $0x0  }
0x12: {  	[sflag:s9] =	ssyncadd.s32 $0xFFFFC180  }
0x13: {  	[tilespmem:s10], [sflag:$0x3] =	stream.linear.gather [hbm4b:s6+s1], $0x3E80, $0x38;
	[tilespmem:$0x14800] =	vst v63  }
0x14: {  	_ =	swait.ge [sflag:s9], $0x3E80  }
0x15: {  	[sflag:s9] =	ssyncset.done $0x0  }
0x16: {  	s20 =	simm.s32 $0x0;
	[sflag:s9] =	ssyncadd.s32 $0xFFFFC180  }
0x17: {  	[tilespmem:s12], [sflag:$0x1] =	stream.indirect.gather [hbm4b:s3+s11], $0x80, s20, s11, $0xb8;
	[tilespmem:$0x14800] =	vst v63  }
0x18: {  	s22 =	simm.s32 $0x80  }
0x19: {  	[tilespmem:s13], [sflag:$0x1] =	stream.indirect.gather [hbm4b:s3+s11], $0x80, s22, s11, $0xb8;
	[tilespmem:$0x14800] =	vst v63  }
0x1a: {  	s23 =	simm.s32 $0x100  }
0x1b: {  	[tilespmem:s14], [sflag:$0x1] =	stream.indirect.gather [hbm4b:s3+s11], $0x80, s23, s11, $0xb8;
	[tilespmem:$0x14800] =	vst v63  }
0x1c: {  	s24 =	simm.s32 $0x180  }
0x1d: {  	[tilespmem:s15], [sflag:$0x1] =	stream.indirect.gather [hbm4b:s3+s11], $0x80, s24, s11, $0xb8;
	[tilespmem:$0x14800] =	vst v63  }
0x1e: {  	s25 =	simm.s32 $0x200  }
0x1f: {  	[tilespmem:s16], [sflag:$0x1] =	stream.indirect.gather [hbm4b:s3+s11], $0x80, s25, s11, $0xb8;
	[tilespmem:$0x14800] =	vst v63  }
0x20: {  	_ =	swait.ge [sflag:s17], $0x2800  }
0x21: {  	[sflag:s17] =	ssyncset.done $0x0  }
0x22: {  	s26 =	simm.s32 $0x4000;
	[sflag:s17] =	ssyncadd.s32 $0xFFFFD800  }
0x23: {  	[tilespmem:s12], [sflag:$0x1] =	stream.indirect.gather.add.f32 [hbm:s4], $0x80, s26, s11, $0xb8;
	[tilespmem:$0x14800] =	vst v63  }
0x24: {  	_ =	swait.ge [sflag:s17], $0x2800  }
0x25: {  	[sflag:s17] =	ssyncset.done $0x0  }
0x26: {  	s28 =	simm.s32 $0x4080;
	[sflag:s17] =	ssyncadd.s32 $0xFFFFD800  }
0x27: {  	[tilespmem:s13], [sflag:$0x1] =	stream.indirect.gather.add.f32 [hbm:s4], $0x80, s28, s11, $0xb8;
	[tilespmem:$0x14800] =	vst v63  }
0x28: {  	_ =	swait.ge [sflag:s17], $0x2800  }
0x29: {  	[sflag:s17] =	ssyncset.done $0x0  }
0x2a: {  	s29 =	simm.s32 $0x4100;
	[sflag:s17] =	ssyncadd.s32 $0xFFFFD800  }
0x2b: {  	[tilespmem:s14], [sflag:$0x1] =	stream.indirect.gather.add.f32 [hbm:s4], $0x80, s29, s11, $0xb8;
	[tilespmem:$0x14800] =	vst v63  }
0x2c: {  	_ =	swait.ge [sflag:s17], $0x2800  }
0x2d: {  	[sflag:s17] =	ssyncset.done $0x0  }
0x2e: {  	s30 =	simm.s32 $0x4180;
	[sflag:s17] =	ssyncadd.s32 $0xFFFFD800  }
0x2f: {  	[tilespmem:s15], [sflag:$0x1] =	stream.indirect.gather.add.f32 [hbm:s4], $0x80, s30, s11, $0xb8;
	[tilespmem:$0x14800] =	vst v63  }
0x30: {  	_ =	swait.ge [sflag:s17], $0x2800  }
0x31: {  	[sflag:s17] =	ssyncset.done $0x0  }
0x32: {  	s31 =	simm.s32 $0x4200;
	[sflag:s17] =	ssyncadd.s32 $0xFFFFD800  }
0x33: {  	[tilespmem:s16], [sflag:$0x1] =	stream.indirect.gather.add.f32 [hbm:s4], $0x80, s31, s11, $0xb8;
	[tilespmem:$0x14800] =	vst v63  }
0x34: {  	_ =	swait.ge [sflag:s17], $0x2800  }
0x35: {  	[sflag:s17] =	ssyncset.done $0x0  }
0x36: {  	[sflag:s17] =	ssyncadd.s32 $0xFFFFD800  }
0x37: {  	_ =	swait.ge [sflag:s17], $0x2800  }
0x38: {  	[sflag:s17] =	ssyncset.done $0x0  }
0x39: {  	[sflag:s17] =	ssyncadd.s32 $0xFFFFD800  }
0x3a: {  	_ =	swait.ge [sflag:s17], $0x2800  }
0x3b: {  	[sflag:s17] =	ssyncset.done $0x0  }
0x3c: {  	[sflag:s17] =	ssyncadd.s32 $0xFFFFD800  }
0x3d: {  	_ =	swait.ge [sflag:s17], $0x2800  }
0x3e: {  	[sflag:s17] =	ssyncset.done $0x0  }
0x3f: {  	[sflag:s17] =	ssyncadd.s32 $0xFFFFD800  }
0x40: {  	_ =	swait.ge [sflag:s17], $0x2800  }
0x41: {  	[sflag:s17] =	ssyncset.done $0x0  }
0x42: {  	[sflag:s17] =	ssyncadd.s32 $0xFFFFD800  }
0x43: {  	[hbm4b:s8+s1] =	stream.linear.scatter [tilespmem:s12], [sflag:$0x2], $0xC800, $0x38;
	[tilespmem:$0x14800] =	vst v63  }
0x44: {  	s21 =	simm.s32 $0xA00;
	_ =	swait.ge [sflag:s18], $0xC800  }
0x45: {  	s20 =	sadd.s32 $0x1900, s8;
	s24 =	simm.s32 $0x1400;
	[sflag:s18] =	ssyncset.done $0x0  }
.LBB2_2:
0x46: {  	s23 =	sshra.s32 s21, $0x2  }
0x47: {  	[sflag:s18] =	ssyncadd.s32 $0xFFFF3800;
	s21 =	smov.u32 s24;
	s22 =	sadd.s32 $0xA00, s24  }
0x48: {  	[tilespmem:s12], [sflag:$0x1] =	stream.indirect.gather [hbm4b:s3+s11], $0x80, s23, s11, $0xb8;
	[tilespmem:$0x14800] =	vst v63  }
0x49: {  	p0 =	sne.s32 s24, $0xF000;
	s24 =	sadd.s32 $0x80, s23  }
0x4a: {  	[tilespmem:s13], [sflag:$0x1] =	stream.indirect.gather [hbm4b:s3+s11], $0x80, s24, s11, $0xb8;
	[tilespmem:$0x14800] =	vst v63  }
0x4b: {  	s24 =	sadd.s32 $0x100, s23  }
0x4c: {  	[tilespmem:s14], [sflag:$0x1] =	stream.indirect.gather [hbm4b:s3+s11], $0x80, s24, s11, $0xb8;
	[tilespmem:$0x14800] =	vst v63  }
0x4d: {  	s24 =	sadd.s32 $0x180, s23  }
0x4e: {  	[tilespmem:s15], [sflag:$0x1] =	stream.indirect.gather [hbm4b:s3+s11], $0x80, s24, s11, $0xb8;
	[tilespmem:$0x14800] =	vst v63  }
0x4f: {  	s24 =	sadd.s32 $0x200, s23  }
0x50: {  	[tilespmem:s16], [sflag:$0x1] =	stream.indirect.gather [hbm4b:s3+s11], $0x80, s24, s11, $0xb8;
	[tilespmem:$0x14800] =	vst v63  }
0x51: {  	_ =	swait.ge [sflag:s17], $0x2800  }
0x52: {  	[sflag:s17] =	ssyncset.done $0x0  }
0x53: {  	s24 =	sadd.s32 $0x4000, s23;
	[sflag:s17] =	ssyncadd.s32 $0xFFFFD800  }
0x54: {  	[tilespmem:s12], [sflag:$0x1] =	stream.indirect.gather.add.f32 [hbm:s4], $0x80, s24, s11, $0xb8;
	[tilespmem:$0x14800] =	vst v63  }
0x55: {  	_ =	swait.ge [sflag:s17], $0x2800  }
0x56: {  	[sflag:s17] =	ssyncset.done $0x0  }
0x57: {  	s24 =	sadd.s32 $0x4080, s23;
	[sflag:s17] =	ssyncadd.s32 $0xFFFFD800  }
0x58: {  	[tilespmem:s13], [sflag:$0x1] =	stream.indirect.gather.add.f32 [hbm:s4], $0x80, s24, s11, $0xb8;
	[tilespmem:$0x14800] =	vst v63  }
0x59: {  	_ =	swait.ge [sflag:s17], $0x2800  }
0x5a: {  	[sflag:s17] =	ssyncset.done $0x0  }
0x5b: {  	s24 =	sadd.s32 $0x4100, s23;
	[sflag:s17] =	ssyncadd.s32 $0xFFFFD800  }
0x5c: {  	[tilespmem:s14], [sflag:$0x1] =	stream.indirect.gather.add.f32 [hbm:s4], $0x80, s24, s11, $0xb8;
	[tilespmem:$0x14800] =	vst v63  }
0x5d: {  	_ =	swait.ge [sflag:s17], $0x2800  }
0x5e: {  	[sflag:s17] =	ssyncset.done $0x0  }
0x5f: {  	s24 =	sadd.s32 $0x4180, s23;
	[sflag:s17] =	ssyncadd.s32 $0xFFFFD800  }
0x60: {  	[tilespmem:s15], [sflag:$0x1] =	stream.indirect.gather.add.f32 [hbm:s4], $0x80, s24, s11, $0xb8;
	[tilespmem:$0x14800] =	vst v63  }
0x61: {  	_ =	swait.ge [sflag:s17], $0x2800  }
0x62: {  	[sflag:s17] =	ssyncset.done $0x0  }
0x63: {  	s23 =	sadd.s32 $0x4200, s23;
	[sflag:s17] =	ssyncadd.s32 $0xFFFFD800  }
0x64: {  	[tilespmem:s16], [sflag:$0x1] =	stream.indirect.gather.add.f32 [hbm:s4], $0x80, s23, s11, $0xb8;
	[tilespmem:$0x14800] =	vst v63  }
0x65: {  	_ =	swait.ge [sflag:s17], $0x2800  }
0x66: {  	[sflag:s17] =	ssyncset.done $0x0  }
0x67: {  	[sflag:s17] =	ssyncadd.s32 $0xFFFFD800  }
0x68: {  	_ =	swait.ge [sflag:s17], $0x2800  }
0x69: {  	[sflag:s17] =	ssyncset.done $0x0  }
0x6a: {  	[sflag:s17] =	ssyncadd.s32 $0xFFFFD800  }
0x6b: {  	_ =	swait.ge [sflag:s17], $0x2800  }
0x6c: {  	[sflag:s17] =	ssyncset.done $0x0  }
0x6d: {  	[sflag:s17] =	ssyncadd.s32 $0xFFFFD800  }
0x6e: {  	_ =	swait.ge [sflag:s17], $0x2800  }
0x6f: {  	[sflag:s17] =	ssyncset.done $0x0  }
0x70: {  	[sflag:s17] =	ssyncadd.s32 $0xFFFFD800  }
0x71: {  	_ =	swait.ge [sflag:s17], $0x2800  }
.Ltmp0:
0x72: {  	[sflag:s17] =	ssyncset.done $0x0;
	(pc) =	sbr.rel @p0 .LBB2_2-.Ltmp0, $4  }
0x73: {  	[sflag:s17] =	ssyncadd.s32 $0xFFFFD800  }
0x74: {  	[hbm4b:s20+s1] =	stream.linear.scatter [tilespmem:s12], [sflag:$0x2], $0xC800, $0x38;
	[tilespmem:$0x14800] =	vst v63  }
0x75: {  	_ =	swait.ge [sflag:s18], $0xC800  }
0x76: {  	s24 =	smov.u32 s22;
	s20 =	sadd.s32 $0x1900, s20;
	[sflag:s18] =	ssyncset.done $0x0  }
0x77: {  	s21 =	sshra.s32 s21, $0x2;
	[sflag:s18] =	ssyncadd.s32 $0xFFFF3800  }
0x78: {  	[tilespmem:s12], [sflag:$0x1] =	stream.indirect.gather [hbm4b:s3+s11], $0x80, s21, s11, $0xb8;
	[tilespmem:$0x14800] =	vst v63  }
0x79: {  	s22 =	sadd.s32 $0x80, s21  }
0x7a: {  	[tilespmem:s13], [sflag:$0x1] =	stream.indirect.gather [hbm4b:s3+s11], $0x80, s22, s11, $0xb8;
	[tilespmem:$0x14800] =	vst v63  }
0x7b: {  	s24 =	sadd.s32 $0x100, s21  }
0x7c: {  	[tilespmem:s14], [sflag:$0x1] =	stream.indirect.gather [hbm4b:s3+s11], $0x80, s24, s11, $0xb8;
	[tilespmem:$0x14800] =	vst v63  }
0x7d: {  	s25 =	sadd.s32 $0x180, s21  }
0x7e: {  	[tilespmem:s15], [sflag:$0x1] =	stream.indirect.gather [hbm4b:s3+s11], $0x80, s25, s11, $0xb8;
	[tilespmem:$0x14800] =	vst v63  }
0x7f: {  	s26 =	sadd.s32 $0x200, s21  }
0x80: {  	[tilespmem:s16], [sflag:$0x1] =	stream.indirect.gather [hbm4b:s3+s11], $0x80, s26, s11, $0xb8;
	[tilespmem:$0x14800] =	vst v63  }
0x81: {  	_ =	swait.ge [sflag:s17], $0x2800  }
0x82: {  	[sflag:s17] =	ssyncset.done $0x0  }
0x83: {  	s28 =	sadd.s32 $0x4000, s21;
	[sflag:s17] =	ssyncadd.s32 $0xFFFFD800  }
0x84: {  	[tilespmem:s12], [sflag:$0x1] =	stream.indirect.gather.add.f32 [hbm:s4], $0x80, s28, s11, $0xb8;
	[tilespmem:$0x14800] =	vst v63  }
0x85: {  	_ =	swait.ge [sflag:s17], $0x2800  }
0x86: {  	[sflag:s17] =	ssyncset.done $0x0  }
0x87: {  	s29 =	sadd.s32 $0x4080, s21;
	[sflag:s17] =	ssyncadd.s32 $0xFFFFD800  }
0x88: {  	[tilespmem:s13], [sflag:$0x1] =	stream.indirect.gather.add.f32 [hbm:s4], $0x80, s29, s11, $0xb8;
	[tilespmem:$0x14800] =	vst v63  }
0x89: {  	_ =	swait.ge [sflag:s17], $0x2800  }
0x8a: {  	[sflag:s17] =	ssyncset.done $0x0  }
0x8b: {  	s30 =	sadd.s32 $0x4100, s21;
	[sflag:s17] =	ssyncadd.s32 $0xFFFFD800  }
0x8c: {  	[tilespmem:s14], [sflag:$0x1] =	stream.indirect.gather.add.f32 [hbm:s4], $0x80, s30, s11, $0xb8;
	[tilespmem:$0x14800] =	vst v63  }
0x8d: {  	_ =	swait.ge [sflag:s17], $0x2800  }
0x8e: {  	[sflag:s17] =	ssyncset.done $0x0  }
0x8f: {  	s31 =	sadd.s32 $0x4180, s21;
	[sflag:s17] =	ssyncadd.s32 $0xFFFFD800  }
0x90: {  	[tilespmem:s15], [sflag:$0x1] =	stream.indirect.gather.add.f32 [hbm:s4], $0x80, s31, s11, $0xb8;
	[tilespmem:$0x14800] =	vst v63  }
0x91: {  	_ =	swait.ge [sflag:s17], $0x2800  }
0x92: {  	[sflag:s17] =	ssyncset.done $0x0  }
0x93: {  	s21 =	sadd.s32 $0x4200, s21;
	[sflag:s17] =	ssyncadd.s32 $0xFFFFD800  }
0x94: {  	[tilespmem:s16], [sflag:$0x1] =	stream.indirect.gather.add.f32 [hbm:s4], $0x80, s21, s11, $0xb8;
	[tilespmem:$0x14800] =	vst v63  }
0x95: {  	_ =	swait.ge [sflag:s17], $0x2800  }
0x96: {  	[sflag:s17] =	ssyncset.done $0x0  }
0x97: {  	[sflag:s17] =	ssyncadd.s32 $0xFFFFD800  }
0x98: {  	_ =	swait.ge [sflag:s17], $0x2800  }
0x99: {  	[sflag:s17] =	ssyncset.done $0x0  }
0x9a: {  	[sflag:s17] =	ssyncadd.s32 $0xFFFFD800  }
0x9b: {  	_ =	swait.ge [sflag:s17], $0x2800  }
0x9c: {  	[sflag:s17] =	ssyncset.done $0x0  }
0x9d: {  	[sflag:s17] =	ssyncadd.s32 $0xFFFFD800  }
0x9e: {  	_ =	swait.ge [sflag:s17], $0x2800  }
0x9f: {  	[sflag:s17] =	ssyncset.done $0x0  }
0xa0: {  	[sflag:s17] =	ssyncadd.s32 $0xFFFFD800  }
0xa1: {  	s19 =	sadd.s32 $0x1, s19;
	_ =	swait.ge [sflag:s17], $0x2800  }
0xa2: {  	p0 =	sne.s32 s19, s7;
	[sflag:s17] =	ssyncset.done $0x0  }
.Ltmp1:
0xa3: {  	[sflag:s17] =	ssyncadd.s32 $0xFFFFD800;
	(pc) =	sbr.rel @p0 .LBB2_1-.Ltmp1, $4  }
0xa4: {  	[hbm4b:s20+s1] =	stream.linear.scatter [tilespmem:s12], [sflag:$0x2], $0xC800, $0x38;
	[tilespmem:$0x14800] =	vst v63  }
0xa5: {  	_ =	swait.ge [sflag:s18], $0xC800  }
0xa6: {  	[sflag:s18] =	ssyncset.done $0x0  }
0xa7: {  	[sflag:s18] =	ssyncadd.s32 $0xFFFF3800  }
0xa8: {  	_ =	sfence.sel $0x180000  }
0xa9: {  	[bflag:$0x0] =	sbarrier.arrive $0xFFFF  }
0xaa: {  	p0 =	sne.s32 s2, $0x0;
	_ =	strace $0x90000053  }
0xab: {  	s0 =	sadd.s32 @!p0 $0x100000, s0;
	[bflag:$0x2] =	sbarrier.arrive $0xFFFF  }
0xac: {  	[sflag:s0] =	ssyncadd.tile.s32 @!p0 $0x1;
	_ =	shalt  }
.Lfunc_end2:
_tile_overlayer_lowered:
.L_overlay_start_2:
0xad: {  	(tag) =	ssettag $0x2  }
0xae: {  	s0 =	rddreg [dreg:$0x0];
	s2 =	stileid.u32  }
0xaf: {  	s1 =	rddreg [dreg:$0x1];
	p0 =	sne.s32 s2, $0x0  }
0xb0: {  	s3 =	rddreg [dreg:$0x2];
	[bflag:$0x3] =	sbarrier.arrive $0xFFFF;
	s2 =	simm.s32 @!p0 $0x1C03  }
0xb1: {  	[timem:s3], [sflag:s2] =	dma.local @!p0 [hbm:s0], s1  }
0xb2: {  	s0 =	simm.s32 @!p0 $0x3  }
0xb3: {  	_ =	swait.ge @!p0 [sflag:s0], s1  }
0xb4: {  	s1 =	ssub.s32 @!p0 $0x0, s1;
	[sflag:s0] =	ssyncset.done @!p0 $0x0  }
0xb5: {  	[sflag:s0] =	ssyncadd.s32 @!p0 s1  }
0xb6: {  	[bflag:$0x3] =	sbarrier.arrive $0xFFFF  }
0xb7: {  	_ =	shalt  }

</sc_bundles>
